<compile_context>
chip_gen: v7x
topology: tpu7x:2x2x1
jax: 0.10.2.dev20260603
libtpu: 0.0.44.dev20260713+nightly
codegen_flags: <defaults>
</compile_context>

<pallas_src>
import jax
import jax.numpy as jnp
from jax import lax
from jax.experimental import pallas as pl
from jax.experimental.pallas import tpu as pltpu
from jax.experimental.pallas import tpu_sc as plsc

N = 10000
E = 160000
D = 128
DE = 16
NSUB = 16
EPS = E // NSUB
CHUNK = 80
NCHUNK = EPS // CHUNK

_F32 = jnp.float32


def _prep_body(xp, xe, ea0, ea1, wx0, wx1, we0, we1, b0, b1,
               y0, y1, e0, e1):
    y0[...] = jnp.dot(xp[...], wx0[...], preferred_element_type=_F32)
    y1[...] = jnp.dot(xe[...], wx1[...], preferred_element_type=_F32)
    e0[...] = jnp.dot(ea0[...], we0[...], preferred_element_type=_F32) + b0[...]
    e1[...] = jnp.dot(ea1[...], we1[...], preferred_element_type=_F32) + b1[...]


_PREP_GRID = 25
_NB = N // _PREP_GRID
_EB = E // _PREP_GRID

_prep = pl.pallas_call(
    _prep_body,
    grid=(_PREP_GRID,),
    in_specs=[
        pl.BlockSpec((_NB, D), lambda i: (i, 0)),
        pl.BlockSpec((_NB, D), lambda i: (i, 0)),
        pl.BlockSpec((_EB, DE), lambda i: (i, 0)),
        pl.BlockSpec((_EB, DE), lambda i: (i, 0)),
        pl.BlockSpec((D, D), lambda i: (0, 0)),
        pl.BlockSpec((D, D), lambda i: (0, 0)),
        pl.BlockSpec((DE, D), lambda i: (0, 0)),
        pl.BlockSpec((DE, D), lambda i: (0, 0)),
        pl.BlockSpec((1, D), lambda i: (0, 0)),
        pl.BlockSpec((1, D), lambda i: (0, 0)),
    ],
    out_specs=[
        pl.BlockSpec((_NB, D), lambda i: (i, 0)),
        pl.BlockSpec((_NB, D), lambda i: (i, 0)),
        pl.BlockSpec((_EB, D), lambda i: (i, 0)),
        pl.BlockSpec((_EB, D), lambda i: (i, 0)),
    ],
    out_shape=[
        jax.ShapeDtypeStruct((N, D), _F32),
        jax.ShapeDtypeStruct((N, D), _F32),
        jax.ShapeDtypeStruct((E, D), _F32),
        jax.ShapeDtypeStruct((E, D), _F32),
    ],
)


def _sc_body(y0, e0, s0, d0, y1, e1, s1, d1, iota, ones,
             sum0, cnt0, sum1, cnt1,
             acc, iv_s, iv_d, rows_v, emb_v,
             iv_s2, iv_d2, rows_v2, emb_v2, sem, sem2, sg, sg2):
    cid = lax.axis_index("core")
    sid = lax.axis_index("subcore")
    base = pl.multiple_of(sid * 624, 8)
    zero16 = jnp.zeros((16,), _F32)

    def zero_acc():
        @pl.loop(0, CHUNK)
        def _(r):
            for c in range(8):
                rows_v[r, pl.ds(c * 16, 16)] = zero16

        for off in range(0, 640, CHUNK):
            pltpu.sync_copy(iota.at[pl.ds(base + off, CHUNK)], iv_s)
            pltpu.sync_copy(rows_v, acc.at[iv_s])

    def flush(out):
        for off in range(0, 640, CHUNK):
            pltpu.sync_copy(iota.at[pl.ds(base + off, CHUNK)], iv_s)
            pltpu.sync_copy(acc.at[iv_s], rows_v)
            pltpu.sync_copy(rows_v, out.at[pl.ds(base + off, CHUNK)])

    def msg_pass(tbl, emb, srcf, dstf):
        ebase = sid * EPS
        sets = ((iv_s, iv_d, rows_v, emb_v, sem, sg),
                (iv_s2, iv_d2, rows_v2, emb_v2, sem2, sg2))

        def eoff_of(j):
            return pl.multiple_of(ebase + j * CHUNK, 8)

        def start_loads(j, s):
            ivs, ivd, rv, ev, sl, _ = s
            eoff = eoff_of(j)
            pltpu.async_copy(srcf.at[pl.ds(eoff, CHUNK)], ivs, sl)
            pltpu.async_copy(dstf.at[pl.ds(eoff, CHUNK)], ivd, sl)
            pltpu.async_copy(emb.at[pl.ds(eoff, CHUNK)], ev, sl)

        def drain_loads(j, s):
            ivs, ivd, rv, ev, sl, _ = s
            eoff = eoff_of(j)
            pltpu.make_async_copy(srcf.at[pl.ds(eoff, CHUNK)], ivs, sl).wait()
            pltpu.make_async_copy(dstf.at[pl.ds(eoff, CHUNK)], ivd, sl).wait()
            pltpu.make_async_copy(emb.at[pl.ds(eoff, CHUNK)], ev, sl).wait()

        def gather_start(s):
            ivs, _, rv, _, _, sgx = s
            pltpu.async_copy(tbl.at[ivs], rv, sgx)

        def finish(s):
            ivs, ivd, rv, ev, _, sgx = s
            pltpu.make_async_copy(tbl.at[ivs], rv, sgx).wait()

            @pl.loop(0, CHUNK)
            def _(r):
                for c in range(8):
                    slc = pl.ds(c * 16, 16)
                    rv[r, slc] = jnp.maximum(rv[r, slc] + ev[r, slc], 0.0)

            pltpu.sync_copy(rv, acc.at[ivd], add=True)

        a, b = sets
        start_loads(0, a)
        drain_loads(0, a)
        gather_start(a)
        start_loads(1, b)

        @pl.loop(0, NCHUNK // 2)
        def _(p):
            j0 = p * 2
            drain_loads(j0 + 1, b)
            gather_start(b)
            finish(a)
            start_loads(j0 + 2, a)
            drain_loads(j0 + 2, a)
            gather_start(a)
            finish(b)

            @pl.when(j0 + 3 < NCHUNK)
            def _():
                start_loads(j0 + 3, b)

        finish(a)

    def cnt_pass(dstf):
        ebase = sid * EPS
        pltpu.sync_copy(ones, emb_v)

        def eoff_of(j):
            return pl.multiple_of(ebase + j * CHUNK, 8)

        pltpu.async_copy(dstf.at[pl.ds(eoff_of(0), CHUNK)], iv_d, sem)

        @pl.loop(0, NCHUNK // 2)
        def _(p):
            j0 = p * 2
            pltpu.async_copy(dstf.at[pl.ds(eoff_of(j0 + 1), CHUNK)],
                             iv_d2, sem2)
            pltpu.make_async_copy(dstf.at[pl.ds(eoff_of(j0), CHUNK)],
                                  iv_d, sem).wait()
            pltpu.sync_copy(emb_v, acc.at[iv_d], add=True)
            pltpu.async_copy(dstf.at[pl.ds(eoff_of(j0 + 2), CHUNK)],
                             iv_d, sem)
            pltpu.make_async_copy(dstf.at[pl.ds(eoff_of(j0 + 1), CHUNK)],
                                  iv_d2, sem2).wait()
            pltpu.sync_copy(emb_v, acc.at[iv_d2], add=True)

        pltpu.make_async_copy(dstf.at[pl.ds(eoff_of(NCHUNK - 1), CHUNK)],
                              iv_d, sem).wait()
        pltpu.sync_copy(emb_v, acc.at[iv_d], add=True)

    zero_acc()
    plsc.subcore_barrier()

    @pl.when(cid == 0)
    def _():
        msg_pass(y0, e0, s0, d0)

    @pl.when(cid == 1)
    def _():
        msg_pass(y1, e1, s1, d1)

    plsc.subcore_barrier()

    @pl.when(cid == 0)
    def _():
        flush(sum0)

    @pl.when(cid == 1)
    def _():
        flush(sum1)

    plsc.subcore_barrier()
    zero_acc()
    plsc.subcore_barrier()

    @pl.when(cid == 0)
    def _():
        cnt_pass(d0)

    @pl.when(cid == 1)
    def _():
        cnt_pass(d1)

    plsc.subcore_barrier()

    @pl.when(cid == 0)
    def _():
        flush(cnt0)

    @pl.when(cid == 1)
    def _():
        flush(cnt1)


_sc_agg = pl.kernel(
    _sc_body,
    out_type=[
        jax.ShapeDtypeStruct((N, D), _F32),
        jax.ShapeDtypeStruct((N, D), _F32),
        jax.ShapeDtypeStruct((N, D), _F32),
        jax.ShapeDtypeStruct((N, D), _F32),
    ],
    mesh=plsc.VectorSubcoreMesh(core_axis_name="core",
                                subcore_axis_name="subcore"),
    scratch_types=[
        pltpu.VMEM_SHARED((N, D), _F32),
        pltpu.VMEM((CHUNK,), jnp.int32),
        pltpu.VMEM((CHUNK,), jnp.int32),
        pltpu.VMEM((CHUNK, D), _F32),
        pltpu.VMEM((CHUNK, D), _F32),
        pltpu.VMEM((CHUNK,), jnp.int32),
        pltpu.VMEM((CHUNK,), jnp.int32),
        pltpu.VMEM((CHUNK, D), _F32),
        pltpu.VMEM((CHUNK, D), _F32),
        pltpu.SemaphoreType.DMA,
        pltpu.SemaphoreType.DMA,
        pltpu.SemaphoreType.DMA,
        pltpu.SemaphoreType.DMA,
    ],
)


def _final_body(xp, sp, cp, wrp, wcp, xe, se, ce, wre, wce, op, oe):
    def head(x, s, c, wr, wc, o):
        agg = s[...] / jnp.maximum(c[...], 1.0)
        out = jnp.dot(x[...], wr[...], preferred_element_type=_F32) + agg
        o[...] = jnp.dot(jnp.maximum(out, 0.0), wc[...],
                         preferred_element_type=_F32)

    head(xp, sp, cp, wrp, wcp, op)
    head(xe, se, ce, wre, wce, oe)


_FIN_GRID = 10
_FB = N // _FIN_GRID

_final = pl.pallas_call(
    _final_body,
    grid=(_FIN_GRID,),
    in_specs=[
        pl.BlockSpec((_FB, D), lambda i: (i, 0)),
        pl.BlockSpec((_FB, D), lambda i: (i, 0)),
        pl.BlockSpec((_FB, D), lambda i: (i, 0)),
        pl.BlockSpec((D, D), lambda i: (0, 0)),
        pl.BlockSpec((D, D), lambda i: (0, 0)),
        pl.BlockSpec((_FB, D), lambda i: (i, 0)),
        pl.BlockSpec((_FB, D), lambda i: (i, 0)),
        pl.BlockSpec((_FB, D), lambda i: (i, 0)),
        pl.BlockSpec((D, D), lambda i: (0, 0)),
        pl.BlockSpec((D, D), lambda i: (0, 0)),
    ],
    out_specs=[
        pl.BlockSpec((_FB, D), lambda i: (i, 0)),
        pl.BlockSpec((_FB, D), lambda i: (i, 0)),
    ],
    out_shape=[
        jax.ShapeDtypeStruct((N, D), _F32),
        jax.ShapeDtypeStruct((N, D), _F32),
    ],
)


def kernel(x_position, x_equity, edge_index_pe, edge_index_ep,
           edge_attr_pe, edge_attr_ep, W_msg_pe, b_msg_pe, W_msg_ep,
           b_msg_ep, W_root_pos, W_root_eq, W_clf_pos, W_clf_ast):
    wx_pe, we_pe = W_msg_pe[:D], W_msg_pe[D:]
    wx_ep, we_ep = W_msg_ep[:D], W_msg_ep[D:]

    y_pe, y_ep, emb_pe, emb_ep = _prep(
        x_position, x_equity, edge_attr_pe, edge_attr_ep,
        wx_pe, wx_ep, we_pe, we_ep,
        b_msg_pe.reshape(1, D), b_msg_ep.reshape(1, D))

    iota = jnp.arange(N, dtype=jnp.int32)
    ones = jnp.ones((CHUNK, D), _F32)

    sum0, cnt0, sum1, cnt1 = _sc_agg(
        y_pe, emb_pe, edge_index_pe[0], edge_index_pe[1],
        y_ep, emb_ep, edge_index_ep[0], edge_index_ep[1],
        iota, ones)

    wc_pos = jnp.pad(W_clf_pos, ((0, 0), (0, D - W_clf_pos.shape[1])))
    wc_ast = jnp.pad(W_clf_ast, ((0, 0), (0, D - W_clf_ast.shape[1])))

    p_pos, p_eq = _final(x_position, sum1, cnt1, W_root_pos, wc_pos,
                         x_equity, sum0, cnt0, W_root_eq, wc_ast)

    nc = W_clf_pos.shape[1]
    return jnp.concatenate([p_pos[:, :nc], p_eq[:, :nc]], axis=0)

# --- scband reference (transcript-rebuilt; emitter-appended) ---
"""Pipeline reference for scband-actor-65987877536384 (READ-ONLY COPY).

The authoritative reference and input builder live on the scoring server;
editing this copy changes nothing except your own understanding.
"""

import jax, jax.numpy as jnp
import numpy as np

N_POS = 10000
N_EQ = 10000
E = 160000
D = 128
DE = 16
NC = 2

def setup_inputs(seed: int = 0) -> dict:
    key = jax.random.key(seed)
    ks = jax.random.split(key, 16)
    s = 1.0 / np.sqrt(D + DE)
    inp = {
        'x_position': jax.random.normal(ks[0], (N_POS, D), dtype=jnp.float32),
        'x_equity': jax.random.normal(ks[1], (N_EQ, D), dtype=jnp.float32),
        'edge_index_pe': jax.random.randint(ks[2], (2, E), 0, 10000, dtype=jnp.int64) if jax.config.jax_enable_x64 else jax.random.randint(ks[2], (2, E), 0, 10000).astype(jnp.int32),
        'edge_index_ep': jax.random.randint(ks[3], (2, E), 0, 10000).astype(jnp.int32),
        'edge_attr_pe': jax.random.normal(ks[4], (E, DE), dtype=jnp.float32),
        'edge_attr_ep': jax.random.normal(ks[5], (E, DE), dtype=jnp.float32),
        'W_msg_pe': jax.random.normal(ks[6], (D + DE, D), dtype=jnp.float32) * s,
        'b_msg_pe': jnp.zeros((D,), dtype=jnp.float32),
        'W_msg_ep': jax.random.normal(ks[7], (D + DE, D), dtype=jnp.float32) * s,
        'b_msg_ep': jnp.zeros((D,), dtype=jnp.float32),
        'W_root_pos': jax.random.normal(ks[8], (D, D), dtype=jnp.float32) * (1.0 / np.sqrt(D)),
        'W_root_eq': jax.random.normal(ks[9], (D, D), dtype=jnp.float32) * (1.0 / np.sqrt(D)),
        'W_clf_pos': jax.random.normal(ks[10], (D, NC), dtype=jnp.float32) * (1.0 / np.sqrt(D)),
        'W_clf_ast': jax.random.normal(ks[11], (D, NC), dtype=jnp.float32) * (1.0 / np.sqrt(D)),
    }
    inp['edge_index_pe'] = inp['edge_index_pe'].astype(jnp.int32)
    return inp


def _sage_conv(x_src, edge_index, edge_attr, W_msg, b_msg, n_dst):
    # message: relu(Linear(concat(x_j, edge_attr))) ; aggregate: mean over incoming edges
    src = edge_index[0]
    dst = edge_index[1]
    x_j = jnp.take(x_src, src, axis=0)
    msg = jax.nn.relu(jnp.concatenate([x_j, edge_attr], axis=1) @ W_msg + b_msg)
    summed = jax.ops.segment_sum(msg, dst, num_segments=n_dst)
    cnt = jax.ops.segment_sum(jnp.ones((msg.shape[0], 1), dtype=msg.dtype), dst, num_segments=n_dst)
    return summed / jnp.clip(cnt, 1.0)


def reference(x_position, x_equity, edge_index_pe, edge_index_ep, edge_attr_pe, edge_attr_ep,
              W_msg_pe, b_msg_pe, W_msg_ep, b_msg_ep, W_root_pos, W_root_eq, W_clf_pos, W_clf_ast):
    # hetero SAGE layer with aggr='sum' across edge types per dst node type
    agg_eq = _sage_conv(x_position, edge_index_pe, edge_attr_pe, W_msg_pe, b_msg_pe, N_EQ)
    agg_pos = _sage_conv(x_equity, edge_index_ep, edge_attr_ep, W_msg_ep, b_msg_ep, N_POS)
    out_pos = x_position @ W_root_pos + agg_pos
    out_eq = x_equity @ W_root_eq + agg_eq
    # memory classifier heads on 'position' and 'equity' node embeddings
    pos_logits = jax.nn.relu(out_pos) @ W_clf_pos
    ast_logits = jax.nn.relu(out_eq) @ W_clf_ast
    return jnp.concatenate([pos_logits, ast_logits], axis=0)

if __name__ == "__main__":
    import jax
    _d = setup_inputs()
    print(jax.jit(kernel)(*tuple(_d.values())))

</pallas_src>

<mosaic_0001>
#map = affine_map<(d0, d1) -> (0, 0)>
#map1 = affine_map<(d0, d1) -> (0)>
module attributes {stable_mosaic.version = 14 : i64} {
  func.func @_sc_body(%arg0: i32, %arg1: i32, %arg2: memref<10000x128xf32, #tpu.memory_space<hbm>>, %arg3: memref<160000x128xf32, #tpu.memory_space<hbm>>, %arg4: memref<160000xi32, #tpu.memory_space<hbm>>, %arg5: memref<160000xi32, #tpu.memory_space<hbm>>, %arg6: memref<10000x128xf32, #tpu.memory_space<hbm>>, %arg7: memref<160000x128xf32, #tpu.memory_space<hbm>>, %arg8: memref<160000xi32, #tpu.memory_space<hbm>>, %arg9: memref<160000xi32, #tpu.memory_space<hbm>>, %arg10: memref<10000xi32, #tpu.memory_space<hbm>>, %arg11: memref<80x128xf32, #tpu.memory_space<hbm>>, %arg12: memref<10000x128xf32, #tpu.memory_space<hbm>>, %arg13: memref<10000x128xf32, #tpu.memory_space<hbm>>, %arg14: memref<10000x128xf32, #tpu.memory_space<hbm>>, %arg15: memref<10000x128xf32, #tpu.memory_space<hbm>>, %arg16: memref<10000x128xf32, #tpu.memory_space<vmem_shared>>, %arg17: memref<80xi32, #tpu.memory_space<vmem>>, %arg18: memref<80xi32, #tpu.memory_space<vmem>>, %arg19: memref<80x128xf32, #tpu.memory_space<vmem>>, %arg20: memref<80x128xf32, #tpu.memory_space<vmem>>, %arg21: memref<80xi32, #tpu.memory_space<vmem>>, %arg22: memref<80xi32, #tpu.memory_space<vmem>>, %arg23: memref<80x128xf32, #tpu.memory_space<vmem>>, %arg24: memref<80x128xf32, #tpu.memory_space<vmem>>, %arg25: memref<!tpu.dma_semaphore, #tpu.memory_space<semaphore_mem>>, %arg26: memref<!tpu.dma_semaphore, #tpu.memory_space<semaphore_mem>>, %arg27: memref<!tpu.dma_semaphore, #tpu.memory_space<semaphore_mem>>, %arg28: memref<!tpu.dma_semaphore, #tpu.memory_space<semaphore_mem>>) attributes {dimension_semantics = [#tpu.dimension_semantics<core_parallel>, #tpu.dimension_semantics<subcore_parallel>], iteration_bounds = array<i64: 2, 16>, scalar_prefetch = 0 : i64, scratch_operands = 13 : i64, tpu.core_type = #tpu.core_type<sc_vector_subcore>, window_params = [{transform_indices = #map}, {transform_indices = #map}, {transform_indices = #map1}, {transform_indices = #map1}, {transform_indices = #map}, {transform_indices = #map}, {transform_indices = #map1}, {transform_indices = #map1}, {transform_indices = #map1}, {transform_indices = #map}, {transform_indices = #map}, {transform_indices = #map}, {transform_indices = #map}, {transform_indices = #map}]} {
    %mul3A = arith.constant 624 : i32
    %mul3A_0 = arith.muli %arg1, %mul3A : i32
    %multiple_of3A = tpu.assume_multiple %mul3A_0, 8 : i32
    %broadcast_in_dim3A = arith.constant 0.000000e+00 : f32
    %broadcast_in_dim3A_1 = vector.broadcast %broadcast_in_dim3A : f32 to vector<16xf32>
    %scan3A = arith.constant 0 : i32
    %scan3A_2 = arith.constant 80 : i32
    %scan3A_3 = arith.addi %scan3A, %scan3A_2 : i32
    %scan3A_4 = arith.constant 1 : i32
    scf.for %scan3A_83 = %scan3A to %scan3A_3 step %scan3A_4  : i32 {
      %mul3A_84 = arith.constant 1 : i32
      %mul3A_85 = arith.muli %scan3A_83, %mul3A_84 : i32
      %add3A_86 = arith.constant 0 : i32
      %add3A_87 = arith.addi %add3A_86, %mul3A_85 : i32
      %swap3A = arith.index_cast %add3A_87 : i32 to index
      %swap3A_88 = arith.constant 0 : index
      %swap3A_89 = tpu.vector_load %arg19[%swap3A, %swap3A_88] {strides = array<i32>} : memref<80x128xf32, #tpu.memory_space<vmem>>, vector<1x16xf32>,
      %swap3A_90 = vector.shape_cast %swap3A_89 : vector<1x16xf32> to vector<16xf32>
      %swap3A_91 = vector.shape_cast %broadcast_in_dim3A_1 : vector<16xf32> to vector<1x16xf32>
      tpu.vector_store %arg19[%swap3A, %swap3A_88], %swap3A_91 {strides = array<i32>} : memref<80x128xf32, #tpu.memory_space<vmem>>, vector<1x16xf32>,
      %swap3A_92 = arith.index_cast %add3A_87 : i32 to index
      %swap3A_93 = arith.constant 16 : index
      %swap3A_94 = tpu.vector_load %arg19[%swap3A_92, %swap3A_93] {strides = array<i32>} : memref<80x128xf32, #tpu.memory_space<vmem>>, vector<1x16xf32>,
      %swap3A_95 = vector.shape_cast %swap3A_94 : vector<1x16xf32> to vector<16xf32>
      %swap3A_96 = vector.shape_cast %broadcast_in_dim3A_1 : vector<16xf32> to vector<1x16xf32>
      tpu.vector_store %arg19[%swap3A_92, %swap3A_93], %swap3A_96 {strides = array<i32>} : memref<80x128xf32, #tpu.memory_space<vmem>>, vector<1x16xf32>,
      %swap3A_97 = arith.index_cast %add3A_87 : i32 to index
      %swap3A_98 = arith.constant 32 : index
      %swap3A_99 = tpu.vector_load %arg19[%swap3A_97, %swap3A_98] {strides = array<i32>} : memref<80x128xf32, #tpu.memory_space<vmem>>, vector<1x16xf32>,
      %swap3A_100 = vector.shape_cast %swap3A_99 : vector<1x16xf32> to vector<16xf32>
      %swap3A_101 = vector.shape_cast %broadcast_in_dim3A_1 : vector<16xf32> to vector<1x16xf32>
      tpu.vector_store %arg19[%swap3A_97, %swap3A_98], %swap3A_101 {strides = array<i32>} : memref<80x128xf32, #tpu.memory_space<vmem>>, vector<1x16xf32>,
      %swap3A_102 = arith.index_cast %add3A_87 : i32 to index
      %swap3A_103 = arith.constant 48 : index
      %swap3A_104 = tpu.vector_load %arg19[%swap3A_102, %swap3A_103] {strides = array<i32>} : memref<80x128xf32, #tpu.memory_space<vmem>>, vector<1x16xf32>,
      %swap3A_105 = vector.shape_cast %swap3A_104 : vector<1x16xf32> to vector<16xf32>
      %swap3A_106 = vector.shape_cast %broadcast_in_dim3A_1 : vector<16xf32> to vector<1x16xf32>
      tpu.vector_store %arg19[%swap3A_102, %swap3A_103], %swap3A_106 {strides = array<i32>} : memref<80x128xf32, #tpu.memory_space<vmem>>, vector<1x16xf32>,
      %swap3A_107 = arith.index_cast %add3A_87 : i32 to index
      %swap3A_108 = arith.constant 64 : index
      %swap3A_109 = tpu.vector_load %arg19[%swap3A_107, %swap3A_108] {strides = array<i32>} : memref<80x128xf32, #tpu.memory_space<vmem>>, vector<1x16xf32>,
      %swap3A_110 = vector.shape_cast %swap3A_109 : vector<1x16xf32> to vector<16xf32>
      %swap3A_111 = vector.shape_cast %broadcast_in_dim3A_1 : vector<16xf32> to vector<1x16xf32>
      tpu.vector_store %arg19[%swap3A_107, %swap3A_108], %swap3A_111 {strides = array<i32>} : memref<80x128xf32, #tpu.memory_space<vmem>>, vector<1x16xf32>,
      %swap3A_112 = arith.index_cast %add3A_87 : i32 to index
      %swap3A_113 = arith.constant 80 : index
      %swap3A_114 = tpu.vector_load %arg19[%swap3A_112, %swap3A_113] {strides = array<i32>} : memref<80x128xf32, #tpu.memory_space<vmem>>, vector<1x16xf32>,
      %swap3A_115 = vector.shape_cast %swap3A_114 : vector<1x16xf32> to vector<16xf32>
      %swap3A_116 = vector.shape_cast %broadcast_in_dim3A_1 : vector<16xf32> to vector<1x16xf32>
      tpu.vector_store %arg19[%swap3A_112, %swap3A_113], %swap3A_116 {strides = array<i32>} : memref<80x128xf32, #tpu.memory_space<vmem>>, vector<1x16xf32>,
      %swap3A_117 = arith.index_cast %add3A_87 : i32 to index
      %swap3A_118 = arith.constant 96 : index
      %swap3A_119 = tpu.vector_load %arg19[%swap3A_117, %swap3A_118] {strides = array<i32>} : memref<80x128xf32, #tpu.memory_space<vmem>>, vector<1x16xf32>,
      %swap3A_120 = vector.shape_cast %swap3A_119 : vector<1x16xf32> to vector<16xf32>
      %swap3A_121 = vector.shape_cast %broadcast_in_dim3A_1 : vector<16xf32> to vector<1x16xf32>
      tpu.vector_store %arg19[%swap3A_117, %swap3A_118], %swap3A_121 {strides = array<i32>} : memref<80x128xf32, #tpu.memory_space<vmem>>, vector<1x16xf32>,
      %swap3A_122 = arith.index_cast %add3A_87 : i32 to index
      %swap3A_123 = arith.constant 112 : index
      %swap3A_124 = tpu.vector_load %arg19[%swap3A_122, %swap3A_123] {strides = array<i32>} : memref<80x128xf32, #tpu.memory_space<vmem>>, vector<1x16xf32>,
      %swap3A_125 = vector.shape_cast %swap3A_124 : vector<1x16xf32> to vector<16xf32>
      %swap3A_126 = vector.shape_cast %broadcast_in_dim3A_1 : vector<16xf32> to vector<1x16xf32>
      tpu.vector_store %arg19[%swap3A_122, %swap3A_123], %swap3A_126 {strides = array<i32>} : memref<80x128xf32, #tpu.memory_space<vmem>>, vector<1x16xf32>,
    }
    %scan3A_5 = arith.constant 80 : i32
    %add3A = arith.constant 0 : i32
    %add3A_6 = arith.addi %multiple_of3A, %add3A : i32
    "tpu.region"() ({
      %run_scoped3A = tpu.sem_alloc : memref<!tpu.dma_semaphore, #tpu.memory_space<semaphore_mem>>
      %dma_start3A = tpu.memref_slice %arg10[%add3A_6] : memref<10000xi32, #tpu.memory_space<hbm>> -> memref<80xi32, #tpu.memory_space<hbm>>
      %dma_start3A_83 = tpu.memref_slice %arg10[%add3A_6] : memref<10000xi32, #tpu.memory_space<hbm>> -> memref<80xi32, #tpu.memory_space<hbm>>
      tpu.enqueue_dma source(%dma_start3A_83 : memref<80xi32, #tpu.memory_space<hbm>>) target(%arg17 : memref<80xi32, #tpu.memory_space<vmem>>) target_semaphore(%run_scoped3A : memref<!tpu.dma_semaphore, #tpu.memory_space<semaphore_mem>>)
      %dma_wait3A = tpu.memref_slice %arg10[%add3A_6] : memref<10000xi32, #tpu.memory_space<hbm>> -> memref<80xi32, #tpu.memory_space<hbm>>
      %dma_wait3A_84 = tpu.memref_slice %arg10[%add3A_6] : memref<10000xi32, #tpu.memory_space<hbm>> -> memref<80xi32, #tpu.memory_space<hbm>>
      tpu.wait_dma2 semaphore(%run_scoped3A : memref<!tpu.dma_semaphore, #tpu.memory_space<semaphore_mem>>) src(%dma_wait3A_84 : memref<80xi32, #tpu.memory_space<hbm>>) dst(%arg17 : memref<80xi32, #tpu.memory_space<vmem>>)
      tpu.yield
    }) : () -> ()
    "tpu.region"() ({
      %run_scoped3A = tpu.sem_alloc : memref<!tpu.dma_semaphore, #tpu.memory_space<semaphore_mem>>
      %dma_start3A = arith.constant 0 : i32
      %dma_start3A_83 = arith.constant 0 : i32
      %dma_start3A_84 = tpu.memref_slice %arg16[%dma_start3A, %dma_start3A_83] : memref<10000x128xf32, #tpu.memory_space<vmem_shared>> -> memref<10000x128xf32, #tpu.memory_space<vmem_shared>>
      tpu.enqueue_indirect_dma source(%arg19 : memref<80x128xf32, #tpu.memory_space<vmem>>) target(%dma_start3A_84 : memref<10000x128xf32, #tpu.memory_space<vmem_shared>>) offsets(%arg17 : memref<80xi32, #tpu.memory_space<vmem>>) semaphore(%run_scoped3A : memref<!tpu.dma_semaphore, #tpu.memory_space<semaphore_mem>>)
      %dma_wait3A = arith.constant 0 : i32
      %dma_wait3A_85 = arith.constant 0 : i32
      %dma_wait3A_86 = tpu.memref_slice %arg16[%dma_wait3A, %dma_wait3A_85] : memref<10000x128xf32, #tpu.memory_space<vmem_shared>> -> memref<10000x128xf32, #tpu.memory_space<vmem_shared>>
      tpu.wait_indirect_dma semaphore(%run_scoped3A : memref<!tpu.dma_semaphore, #tpu.memory_space<semaphore_mem>>) src(%arg19 : memref<80x128xf32, #tpu.memory_space<vmem>>) dst(%dma_wait3A_86 : memref<10000x128xf32, #tpu.memory_space<vmem_shared>>)
      tpu.yield
    }) : () -> ()
    %add3A_7 = arith.constant 80 : i32
    %add3A_8 = arith.addi %multiple_of3A, %add3A_7 : i32
    "tpu.region"() ({
      %run_scoped3A = tpu.sem_alloc : memref<!tpu.dma_semaphore, #tpu.memory_space<semaphore_mem>>
      %dma_start3A = tpu.memref_slice %arg10[%add3A_8] : memref<10000xi32, #tpu.memory_space<hbm>> -> memref<80xi32, #tpu.memory_space<hbm>>
      %dma_start3A_83 = tpu.memref_slice %arg10[%add3A_8] : memref<10000xi32, #tpu.memory_space<hbm>> -> memref<80xi32, #tpu.memory_space<hbm>>
      tpu.enqueue_dma source(%dma_start3A_83 : memref<80xi32, #tpu.memory_space<hbm>>) target(%arg17 : memref<80xi32, #tpu.memory_space<vmem>>) target_semaphore(%run_scoped3A : memref<!tpu.dma_semaphore, #tpu.memory_space<semaphore_mem>>)
      %dma_wait3A = tpu.memref_slice %arg10[%add3A_8] : memref<10000xi32, #tpu.memory_space<hbm>> -> memref<80xi32, #tpu.memory_space<hbm>>
      %dma_wait3A_84 = tpu.memref_slice %arg10[%add3A_8] : memref<10000xi32, #tpu.memory_space<hbm>> -> memref<80xi32, #tpu.memory_space<hbm>>
      tpu.wait_dma2 semaphore(%run_scoped3A : memref<!tpu.dma_semaphore, #tpu.memory_space<semaphore_mem>>) src(%dma_wait3A_84 : memref<80xi32, #tpu.memory_space<hbm>>) dst(%arg17 : memref<80xi32, #tpu.memory_space<vmem>>)
      tpu.yield
    }) : () -> ()
    "tpu.region"() ({
      %run_scoped3A = tpu.sem_alloc : memref<!tpu.dma_semaphore, #tpu.memory_space<semaphore_mem>>
      %dma_start3A = arith.constant 0 : i32
      %dma_start3A_83 = arith.constant 0 : i32
      %dma_start3A_84 = tpu.memref_slice %arg16[%dma_start3A, %dma_start3A_83] : memref<10000x128xf32, #tpu.memory_space<vmem_shared>> -> memref<10000x128xf32, #tpu.memory_space<vmem_shared>>
      tpu.enqueue_indirect_dma source(%arg19 : memref<80x128xf32, #tpu.memory_space<vmem>>) target(%dma_start3A_84 : memref<10000x128xf32, #tpu.memory_space<vmem_shared>>) offsets(%arg17 : memref<80xi32, #tpu.memory_space<vmem>>) semaphore(%run_scoped3A : memref<!tpu.dma_semaphore, #tpu.memory_space<semaphore_mem>>)
      %dma_wait3A = arith.constant 0 : i32
      %dma_wait3A_85 = arith.constant 0 : i32
      %dma_wait3A_86 = tpu.memref_slice %arg16[%dma_wait3A, %dma_wait3A_85] : memref<10000x128xf32, #tpu.memory_space<vmem_shared>> -> memref<10000x128xf32, #tpu.memory_space<vmem_shared>>
      tpu.wait_indirect_dma semaphore(%run_scoped3A : memref<!tpu.dma_semaphore, #tpu.memory_space<semaphore_mem>>) src(%arg19 : memref<80x128xf32, #tpu.memory_space<vmem>>) dst(%dma_wait3A_86 : memref<10000x128xf32, #tpu.memory_space<vmem_shared>>)
      tpu.yield
    }) : () -> ()
    %add3A_9 = arith.constant 160 : i32
    %add3A_10 = arith.addi %multiple_of3A, %add3A_9 : i32
    "tpu.region"() ({
      %run_scoped3A = tpu.sem_alloc : memref<!tpu.dma_semaphore, #tpu.memory_space<semaphore_mem>>
      %dma_start3A = tpu.memref_slice %arg10[%add3A_10] : memref<10000xi32, #tpu.memory_space<hbm>> -> memref<80xi32, #tpu.memory_space<hbm>>
      %dma_start3A_83 = tpu.memref_slice %arg10[%add3A_10] : memref<10000xi32, #tpu.memory_space<hbm>> -> memref<80xi32, #tpu.memory_space<hbm>>
      tpu.enqueue_dma source(%dma_start3A_83 : memref<80xi32, #tpu.memory_space<hbm>>) target(%arg17 : memref<80xi32, #tpu.memory_space<vmem>>) target_semaphore(%run_scoped3A : memref<!tpu.dma_semaphore, #tpu.memory_space<semaphore_mem>>)
      %dma_wait3A = tpu.memref_slice %arg10[%add3A_10] : memref<10000xi32, #tpu.memory_space<hbm>> -> memref<80xi32, #tpu.memory_space<hbm>>
      %dma_wait3A_84 = tpu.memref_slice %arg10[%add3A_10] : memref<10000xi32, #tpu.memory_space<hbm>> -> memref<80xi32, #tpu.memory_space<hbm>>
      tpu.wait_dma2 semaphore(%run_scoped3A : memref<!tpu.dma_semaphore, #tpu.memory_space<semaphore_mem>>) src(%dma_wait3A_84 : memref<80xi32, #tpu.memory_space<hbm>>) dst(%arg17 : memref<80xi32, #tpu.memory_space<vmem>>)
      tpu.yield
    }) : () -> ()
    "tpu.region"() ({
      %run_scoped3A = tpu.sem_alloc : memref<!tpu.dma_semaphore, #tpu.memory_space<semaphore_mem>>
      %dma_start3A = arith.constant 0 : i32
      %dma_start3A_83 = arith.constant 0 : i32
      %dma_start3A_84 = tpu.memref_slice %arg16[%dma_start3A, %dma_start3A_83] : memref<10000x128xf32, #tpu.memory_space<vmem_shared>> -> memref<10000x128xf32, #tpu.memory_space<vmem_shared>>
      tpu.enqueue_indirect_dma source(%arg19 : memref<80x128xf32, #tpu.memory_space<vmem>>) target(%dma_start3A_84 : memref<10000x128xf32, #tpu.memory_space<vmem_shared>>) offsets(%arg17 : memref<80xi32, #tpu.memory_space<vmem>>) semaphore(%run_scoped3A : memref<!tpu.dma_semaphore, #tpu.memory_space<semaphore_mem>>)
      %dma_wait3A = arith.constant 0 : i32
      %dma_wait3A_85 = arith.constant 0 : i32
      %dma_wait3A_86 = tpu.memref_slice %arg16[%dma_wait3A, %dma_wait3A_85] : memref<10000x128xf32, #tpu.memory_space<vmem_shared>> -> memref<10000x128xf32, #tpu.memory_space<vmem_shared>>
      tpu.wait_indirect_dma semaphore(%run_scoped3A : memref<!tpu.dma_semaphore, #tpu.memory_space<semaphore_mem>>) src(%arg19 : memref<80x128xf32, #tpu.memory_space<vmem>>) dst(%dma_wait3A_86 : memref<10000x128xf32, #tpu.memory_space<vmem_shared>>)
      tpu.yield
    }) : () -> ()
    %add3A_11 = arith.constant 240 : i32
    %add3A_12 = arith.addi %multiple_of3A, %add3A_11 : i32
    "tpu.region"() ({
      %run_scoped3A = tpu.sem_alloc : memref<!tpu.dma_semaphore, #tpu.memory_space<semaphore_mem>>
      %dma_start3A = tpu.memref_slice %arg10[%add3A_12] : memref<10000xi32, #tpu.memory_space<hbm>> -> memref<80xi32, #tpu.memory_space<hbm>>
      %dma_start3A_83 = tpu.memref_slice %arg10[%add3A_12] : memref<10000xi32, #tpu.memory_space<hbm>> -> memref<80xi32, #tpu.memory_space<hbm>>
      tpu.enqueue_dma source(%dma_start3A_83 : memref<80xi32, #tpu.memory_space<hbm>>) target(%arg17 : memref<80xi32, #tpu.memory_space<vmem>>) target_semaphore(%run_scoped3A : memref<!tpu.dma_semaphore, #tpu.memory_space<semaphore_mem>>)
      %dma_wait3A = tpu.memref_slice %arg10[%add3A_12] : memref<10000xi32, #tpu.memory_space<hbm>> -> memref<80xi32, #tpu.memory_space<hbm>>
      %dma_wait3A_84 = tpu.memref_slice %arg10[%add3A_12] : memref<10000xi32, #tpu.memory_space<hbm>> -> memref<80xi32, #tpu.memory_space<hbm>>
      tpu.wait_dma2 semaphore(%run_scoped3A : memref<!tpu.dma_semaphore, #tpu.memory_space<semaphore_mem>>) src(%dma_wait3A_84 : memref<80xi32, #tpu.memory_space<hbm>>) dst(%arg17 : memref<80xi32, #tpu.memory_space<vmem>>)
      tpu.yield
    }) : () -> ()
    "tpu.region"() ({
      %run_scoped3A = tpu.sem_alloc : memref<!tpu.dma_semaphore, #tpu.memory_space<semaphore_mem>>
      %dma_start3A = arith.constant 0 : i32
      %dma_start3A_83 = arith.constant 0 : i32
      %dma_start3A_84 = tpu.memref_slice %arg16[%dma_start3A, %dma_start3A_83] : memref<10000x128xf32, #tpu.memory_space<vmem_shared>> -> memref<10000x128xf32, #tpu.memory_space<vmem_shared>>
      tpu.enqueue_indirect_dma source(%arg19 : memref<80x128xf32, #tpu.memory_space<vmem>>) target(%dma_start3A_84 : memref<10000x128xf32, #tpu.memory_space<vmem_shared>>) offsets(%arg17 : memref<80xi32, #tpu.memory_space<vmem>>) semaphore(%run_scoped3A : memref<!tpu.dma_semaphore, #tpu.memory_space<semaphore_mem>>)
      %dma_wait3A = arith.constant 0 : i32
      %dma_wait3A_85 = arith.constant 0 : i32
      %dma_wait3A_86 = tpu.memref_slice %arg16[%dma_wait3A, %dma_wait3A_85] : memref<10000x128xf32, #tpu.memory_space<vmem_shared>> -> memref<10000x128xf32, #tpu.memory_space<vmem_shared>>
      tpu.wait_indirect_dma semaphore(%run_scoped3A : memref<!tpu.dma_semaphore, #tpu.memory_space<semaphore_mem>>) src(%arg19 : memref<80x128xf32, #tpu.memory_space<vmem>>) dst(%dma_wait3A_86 : memref<10000x128xf32, #tpu.memory_space<vmem_shared>>)
      tpu.yield
    }) : () -> ()
    %add3A_13 = arith.constant 320 : i32
    %add3A_14 = arith.addi %multiple_of3A, %add3A_13 : i32
    "tpu.region"() ({
      %run_scoped3A = tpu.sem_alloc : memref<!tpu.dma_semaphore, #tpu.memory_space<semaphore_mem>>
      %dma_start3A = tpu.memref_slice %arg10[%add3A_14] : memref<10000xi32, #tpu.memory_space<hbm>> -> memref<80xi32, #tpu.memory_space<hbm>>
      %dma_start3A_83 = tpu.memref_slice %arg10[%add3A_14] : memref<10000xi32, #tpu.memory_space<hbm>> -> memref<80xi32, #tpu.memory_space<hbm>>
      tpu.enqueue_dma source(%dma_start3A_83 : memref<80xi32, #tpu.memory_space<hbm>>) target(%arg17 : memref<80xi32, #tpu.memory_space<vmem>>) target_semaphore(%run_scoped3A : memref<!tpu.dma_semaphore, #tpu.memory_space<semaphore_mem>>)
      %dma_wait3A = tpu.memref_slice %arg10[%add3A_14] : memref<10000xi32, #tpu.memory_space<hbm>> -> memref<80xi32, #tpu.memory_space<hbm>>
      %dma_wait3A_84 = tpu.memref_slice %arg10[%add3A_14] : memref<10000xi32, #tpu.memory_space<hbm>> -> memref<80xi32, #tpu.memory_space<hbm>>
      tpu.wait_dma2 semaphore(%run_scoped3A : memref<!tpu.dma_semaphore, #tpu.memory_space<semaphore_mem>>) src(%dma_wait3A_84 : memref<80xi32, #tpu.memory_space<hbm>>) dst(%arg17 : memref<80xi32, #tpu.memory_space<vmem>>)
      tpu.yield
    }) : () -> ()
    "tpu.region"() ({
      %run_scoped3A = tpu.sem_alloc : memref<!tpu.dma_semaphore, #tpu.memory_space<semaphore_mem>>
      %dma_start3A = arith.constant 0 : i32
      %dma_start3A_83 = arith.constant 0 : i32
      %dma_start3A_84 = tpu.memref_slice %arg16[%dma_start3A, %dma_start3A_83] : memref<10000x128xf32, #tpu.memory_space<vmem_shared>> -> memref<10000x128xf32, #tpu.memory_space<vmem_shared>>
      tpu.enqueue_indirect_dma source(%arg19 : memref<80x128xf32, #tpu.memory_space<vmem>>) target(%dma_start3A_84 : memref<10000x128xf32, #tpu.memory_space<vmem_shared>>) offsets(%arg17 : memref<80xi32, #tpu.memory_space<vmem>>) semaphore(%run_scoped3A : memref<!tpu.dma_semaphore, #tpu.memory_space<semaphore_mem>>)
      %dma_wait3A = arith.constant 0 : i32
      %dma_wait3A_85 = arith.constant 0 : i32
      %dma_wait3A_86 = tpu.memref_slice %arg16[%dma_wait3A, %dma_wait3A_85] : memref<10000x128xf32, #tpu.memory_space<vmem_shared>> -> memref<10000x128xf32, #tpu.memory_space<vmem_shared>>
      tpu.wait_indirect_dma semaphore(%run_scoped3A : memref<!tpu.dma_semaphore, #tpu.memory_space<semaphore_mem>>) src(%arg19 : memref<80x128xf32, #tpu.memory_space<vmem>>) dst(%dma_wait3A_86 : memref<10000x128xf32, #tpu.memory_space<vmem_shared>>)
      tpu.yield
    }) : () -> ()
    %add3A_15 = arith.constant 400 : i32
    %add3A_16 = arith.addi %multiple_of3A, %add3A_15 : i32
    "tpu.region"() ({
      %run_scoped3A = tpu.sem_alloc : memref<!tpu.dma_semaphore, #tpu.memory_space<semaphore_mem>>
      %dma_start3A = tpu.memref_slice %arg10[%add3A_16] : memref<10000xi32, #tpu.memory_space<hbm>> -> memref<80xi32, #tpu.memory_space<hbm>>
      %dma_start3A_83 = tpu.memref_slice %arg10[%add3A_16] : memref<10000xi32, #tpu.memory_space<hbm>> -> memref<80xi32, #tpu.memory_space<hbm>>
      tpu.enqueue_dma source(%dma_start3A_83 : memref<80xi32, #tpu.memory_space<hbm>>) target(%arg17 : memref<80xi32, #tpu.memory_space<vmem>>) target_semaphore(%run_scoped3A : memref<!tpu.dma_semaphore, #tpu.memory_space<semaphore_mem>>)
      %dma_wait3A = tpu.memref_slice %arg10[%add3A_16] : memref<10000xi32, #tpu.memory_space<hbm>> -> memref<80xi32, #tpu.memory_space<hbm>>
      %dma_wait3A_84 = tpu.memref_slice %arg10[%add3A_16] : memref<10000xi32, #tpu.memory_space<hbm>> -> memref<80xi32, #tpu.memory_space<hbm>>
      tpu.wait_dma2 semaphore(%run_scoped3A : memref<!tpu.dma_semaphore, #tpu.memory_space<semaphore_mem>>) src(%dma_wait3A_84 : memref<80xi32, #tpu.memory_space<hbm>>) dst(%arg17 : memref<80xi32, #tpu.memory_space<vmem>>)
      tpu.yield
    }) : () -> ()
    "tpu.region"() ({
      %run_scoped3A = tpu.sem_alloc : memref<!tpu.dma_semaphore, #tpu.memory_space<semaphore_mem>>
      %dma_start3A = arith.constant 0 : i32
      %dma_start3A_83 = arith.constant 0 : i32
      %dma_start3A_84 = tpu.memref_slice %arg16[%dma_start3A, %dma_start3A_83] : memref<10000x128xf32, #tpu.memory_space<vmem_shared>> -> memref<10000x128xf32, #tpu.memory_space<vmem_shared>>
      tpu.enqueue_indirect_dma source(%arg19 : memref<80x128xf32, #tpu.memory_space<vmem>>) target(%dma_start3A_84 : memref<10000x128xf32, #tpu.memory_space<vmem_shared>>) offsets(%arg17 : memref<80xi32, #tpu.memory_space<vmem>>) semaphore(%run_scoped3A : memref<!tpu.dma_semaphore, #tpu.memory_space<semaphore_mem>>)
      %dma_wait3A = arith.constant 0 : i32
      %dma_wait3A_85 = arith.constant 0 : i32
      %dma_wait3A_86 = tpu.memref_slice %arg16[%dma_wait3A, %dma_wait3A_85] : memref<10000x128xf32, #tpu.memory_space<vmem_shared>> -> memref<10000x128xf32, #tpu.memory_space<vmem_shared>>
      tpu.wait_indirect_dma semaphore(%run_scoped3A : memref<!tpu.dma_semaphore, #tpu.memory_space<semaphore_mem>>) src(%arg19 : memref<80x128xf32, #tpu.memory_space<vmem>>) dst(%dma_wait3A_86 : memref<10000x128xf32, #tpu.memory_space<vmem_shared>>)
      tpu.yield
    }) : () -> ()
    %add3A_17 = arith.constant 480 : i32
    %add3A_18 = arith.addi %multiple_of3A, %add3A_17 : i32
    "tpu.region"() ({
      %run_scoped3A = tpu.sem_alloc : memref<!tpu.dma_semaphore, #tpu.memory_space<semaphore_mem>>
      %dma_start3A = tpu.memref_slice %arg10[%add3A_18] : memref<10000xi32, #tpu.memory_space<hbm>> -> memref<80xi32, #tpu.memory_space<hbm>>
      %dma_start3A_83 = tpu.memref_slice %arg10[%add3A_18] : memref<10000xi32, #tpu.memory_space<hbm>> -> memref<80xi32, #tpu.memory_space<hbm>>
      tpu.enqueue_dma source(%dma_start3A_83 : memref<80xi32, #tpu.memory_space<hbm>>) target(%arg17 : memref<80xi32, #tpu.memory_space<vmem>>) target_semaphore(%run_scoped3A : memref<!tpu.dma_semaphore, #tpu.memory_space<semaphore_mem>>)
      %dma_wait3A = tpu.memref_slice %arg10[%add3A_18] : memref<10000xi32, #tpu.memory_space<hbm>> -> memref<80xi32, #tpu.memory_space<hbm>>
      %dma_wait3A_84 = tpu.memref_slice %arg10[%add3A_18] : memref<10000xi32, #tpu.memory_space<hbm>> -> memref<80xi32, #tpu.memory_space<hbm>>
      tpu.wait_dma2 semaphore(%run_scoped3A : memref<!tpu.dma_semaphore, #tpu.memory_space<semaphore_mem>>) src(%dma_wait3A_84 : memref<80xi32, #tpu.memory_space<hbm>>) dst(%arg17 : memref<80xi32, #tpu.memory_space<vmem>>)
      tpu.yield
    }) : () -> ()
    "tpu.region"() ({
      %run_scoped3A = tpu.sem_alloc : memref<!tpu.dma_semaphore, #tpu.memory_space<semaphore_mem>>
      %dma_start3A = arith.constant 0 : i32
      %dma_start3A_83 = arith.constant 0 : i32
      %dma_start3A_84 = tpu.memref_slice %arg16[%dma_start3A, %dma_start3A_83] : memref<10000x128xf32, #tpu.memory_space<vmem_shared>> -> memref<10000x128xf32, #tpu.memory_space<vmem_shared>>
      tpu.enqueue_indirect_dma source(%arg19 : memref<80x128xf32, #tpu.memory_space<vmem>>) target(%dma_start3A_84 : memref<10000x128xf32, #tpu.memory_space<vmem_shared>>) offsets(%arg17 : memref<80xi32, #tpu.memory_space<vmem>>) semaphore(%run_scoped3A : memref<!tpu.dma_semaphore, #tpu.memory_space<semaphore_mem>>)
      %dma_wait3A = arith.constant 0 : i32
      %dma_wait3A_85 = arith.constant 0 : i32
      %dma_wait3A_86 = tpu.memref_slice %arg16[%dma_wait3A, %dma_wait3A_85] : memref<10000x128xf32, #tpu.memory_space<vmem_shared>> -> memref<10000x128xf32, #tpu.memory_space<vmem_shared>>
      tpu.wait_indirect_dma semaphore(%run_scoped3A : memref<!tpu.dma_semaphore, #tpu.memory_space<semaphore_mem>>) src(%arg19 : memref<80x128xf32, #tpu.memory_space<vmem>>) dst(%dma_wait3A_86 : memref<10000x128xf32, #tpu.memory_space<vmem_shared>>)
      tpu.yield
    }) : () -> ()
    %add3A_19 = arith.constant 560 : i32
    %add3A_20 = arith.addi %multiple_of3A, %add3A_19 : i32
    "tpu.region"() ({
      %run_scoped3A = tpu.sem_alloc : memref<!tpu.dma_semaphore, #tpu.memory_space<semaphore_mem>>
      %dma_start3A = tpu.memref_slice %arg10[%add3A_20] : memref<10000xi32, #tpu.memory_space<hbm>> -> memref<80xi32, #tpu.memory_space<hbm>>
      %dma_start3A_83 = tpu.memref_slice %arg10[%add3A_20] : memref<10000xi32, #tpu.memory_space<hbm>> -> memref<80xi32, #tpu.memory_space<hbm>>
      tpu.enqueue_dma source(%dma_start3A_83 : memref<80xi32, #tpu.memory_space<hbm>>) target(%arg17 : memref<80xi32, #tpu.memory_space<vmem>>) target_semaphore(%run_scoped3A : memref<!tpu.dma_semaphore, #tpu.memory_space<semaphore_mem>>)
      %dma_wait3A = tpu.memref_slice %arg10[%add3A_20] : memref<10000xi32, #tpu.memory_space<hbm>> -> memref<80xi32, #tpu.memory_space<hbm>>
      %dma_wait3A_84 = tpu.memref_slice %arg10[%add3A_20] : memref<10000xi32, #tpu.memory_space<hbm>> -> memref<80xi32, #tpu.memory_space<hbm>>
      tpu.wait_dma2 semaphore(%run_scoped3A : memref<!tpu.dma_semaphore, #tpu.memory_space<semaphore_mem>>) src(%dma_wait3A_84 : memref<80xi32, #tpu.memory_space<hbm>>) dst(%arg17 : memref<80xi32, #tpu.memory_space<vmem>>)
      tpu.yield
    }) : () -> ()
    "tpu.region"() ({
      %run_scoped3A = tpu.sem_alloc : memref<!tpu.dma_semaphore, #tpu.memory_space<semaphore_mem>>
      %dma_start3A = arith.constant 0 : i32
      %dma_start3A_83 = arith.constant 0 : i32
      %dma_start3A_84 = tpu.memref_slice %arg16[%dma_start3A, %dma_start3A_83] : memref<10000x128xf32, #tpu.memory_space<vmem_shared>> -> memref<10000x128xf32, #tpu.memory_space<vmem_shared>>
      tpu.enqueue_indirect_dma source(%arg19 : memref<80x128xf32, #tpu.memory_space<vmem>>) target(%dma_start3A_84 : memref<10000x128xf32, #tpu.memory_space<vmem_shared>>) offsets(%arg17 : memref<80xi32, #tpu.memory_space<vmem>>) semaphore(%run_scoped3A : memref<!tpu.dma_semaphore, #tpu.memory_space<semaphore_mem>>)
      %dma_wait3A = arith.constant 0 : i32
      %dma_wait3A_85 = arith.constant 0 : i32
      %dma_wait3A_86 = tpu.memref_slice %arg16[%dma_wait3A, %dma_wait3A_85] : memref<10000x128xf32, #tpu.memory_space<vmem_shared>> -> memref<10000x128xf32, #tpu.memory_space<vmem_shared>>
      tpu.wait_indirect_dma semaphore(%run_scoped3A : memref<!tpu.dma_semaphore, #tpu.memory_space<semaphore_mem>>) src(%arg19 : memref<80x128xf32, #tpu.memory_space<vmem>>) dst(%dma_wait3A_86 : memref<10000x128xf32, #tpu.memory_space<vmem_shared>>)
      tpu.yield
    }) : () -> ()
    %barrier3A = arith.constant 0 : index
    tpu.barrier barrier_id(%barrier3A)
    %eq3A = arith.constant 0 : i32
    %eq3A_21 = arith.cmpi eq, %arg0, %eq3A : i32
    %convert_element_type3A = arith.extui %eq3A_21 : i1 to i32
    %cond3A = arith.constant 0 : i32
    %cond3A_22 = arith.cmpi ne, %convert_element_type3A, %cond3A : i32
    scf.if %cond3A_22 {
      %mul3A_83 = arith.constant 10000 : i32
      %mul3A_84 = arith.muli %arg1, %mul3A_83 : i32
      %add3A_85 = arith.constant 0 : i32
      %add3A_86 = arith.addi %mul3A_84, %add3A_85 : i32
      %multiple_of3A_87 = tpu.assume_multiple %add3A_86, 8 : i32
      %dma_start3A = tpu.memref_slice %arg4[%multiple_of3A_87] : memref<160000xi32, #tpu.memory_space<hbm>> -> memref<80xi32, #tpu.memory_space<hbm>>
      %dma_start3A_88 = tpu.memref_slice %arg4[%multiple_of3A_87] : memref<160000xi32, #tpu.memory_space<hbm>> -> memref<80xi32, #tpu.memory_space<hbm>>
      tpu.enqueue_dma source(%dma_start3A_88 : memref<80xi32, #tpu.memory_space<hbm>>) target(%arg17 : memref<80xi32, #tpu.memory_space<vmem>>) target_semaphore(%arg25 : memref<!tpu.dma_semaphore, #tpu.memory_space<semaphore_mem>>)
      %dma_start3A_89 = tpu.memref_slice %arg5[%multiple_of3A_87] : memref<160000xi32, #tpu.memory_space<hbm>> -> memref<80xi32, #tpu.memory_space<hbm>>
      %dma_start3A_90 = tpu.memref_slice %arg5[%multiple_of3A_87] : memref<160000xi32, #tpu.memory_space<hbm>> -> memref<80xi32, #tpu.memory_space<hbm>>
      tpu.enqueue_dma source(%dma_start3A_90 : memref<80xi32, #tpu.memory_space<hbm>>) target(%arg18 : memref<80xi32, #tpu.memory_space<vmem>>) target_semaphore(%arg25 : memref<!tpu.dma_semaphore, #tpu.memory_space<semaphore_mem>>)
      %dma_start3A_91 = arith.constant 0 : i32
      %dma_start3A_92 = tpu.memref_slice %arg3[%multiple_of3A_87, %dma_start3A_91] : memref<160000x128xf32, #tpu.memory_space<hbm>> -> memref<80x128xf32, #tpu.memory_space<hbm>>
      %dma_start3A_93 = arith.constant 0 : i32
      %dma_start3A_94 = tpu.memref_slice %arg3[%multiple_of3A_87, %dma_start3A_93] : memref<160000x128xf32, #tpu.memory_space<hbm>> -> memref<80x128xf32, #tpu.memory_space<hbm>>
      tpu.enqueue_dma source(%dma_start3A_94 : memref<80x128xf32, #tpu.memory_space<hbm>>) target(%arg20 : memref<80x128xf32, #tpu.memory_space<vmem>>) target_semaphore(%arg25 : memref<!tpu.dma_semaphore, #tpu.memory_space<semaphore_mem>>)
      %add3A_95 = arith.constant 0 : i32
      %add3A_96 = arith.addi %mul3A_84, %add3A_95 : i32
      %multiple_of3A_97 = tpu.assume_multiple %add3A_96, 8 : i32
      %dma_wait3A = tpu.memref_slice %arg4[%multiple_of3A_97] : memref<160000xi32, #tpu.memory_space<hbm>> -> memref<80xi32, #tpu.memory_space<hbm>>
      %dma_wait3A_98 = tpu.memref_slice %arg4[%multiple_of3A_97] : memref<160000xi32, #tpu.memory_space<hbm>> -> memref<80xi32, #tpu.memory_space<hbm>>
      tpu.wait_dma2 semaphore(%arg25 : memref<!tpu.dma_semaphore, #tpu.memory_space<semaphore_mem>>) src(%dma_wait3A_98 : memref<80xi32, #tpu.memory_space<hbm>>) dst(%arg17 : memref<80xi32, #tpu.memory_space<vmem>>)
      %dma_wait3A_99 = tpu.memref_slice %arg5[%multiple_of3A_97] : memref<160000xi32, #tpu.memory_space<hbm>> -> memref<80xi32, #tpu.memory_space<hbm>>
      %dma_wait3A_100 = tpu.memref_slice %arg5[%multiple_of3A_97] : memref<160000xi32, #tpu.memory_space<hbm>> -> memref<80xi32, #tpu.memory_space<hbm>>
      tpu.wait_dma2 semaphore(%arg25 : memref<!tpu.dma_semaphore, #tpu.memory_space<semaphore_mem>>) src(%dma_wait3A_100 : memref<80xi32, #tpu.memory_space<hbm>>) dst(%arg18 : memref<80xi32, #tpu.memory_space<vmem>>)
      %dma_wait3A_101 = arith.constant 0 : i32
      %dma_wait3A_102 = tpu.memref_slice %arg3[%multiple_of3A_97, %dma_wait3A_101] : memref<160000x128xf32, #tpu.memory_space<hbm>> -> memref<80x128xf32, #tpu.memory_space<hbm>>
      %dma_wait3A_103 = arith.constant 0 : i32
      %dma_wait3A_104 = tpu.memref_slice %arg3[%multiple_of3A_97, %dma_wait3A_103] : memref<160000x128xf32, #tpu.memory_space<hbm>> -> memref<80x128xf32, #tpu.memory_space<hbm>>
      tpu.wait_dma2 semaphore(%arg25 : memref<!tpu.dma_semaphore, #tpu.memory_space<semaphore_mem>>) src(%dma_wait3A_104 : memref<80x128xf32, #tpu.memory_space<hbm>>) dst(%arg20 : memref<80x128xf32, #tpu.memory_space<vmem>>)
      %dma_start3A_105 = arith.constant 0 : i32
      %dma_start3A_106 = arith.constant 0 : i32
      %dma_start3A_107 = tpu.memref_slice %arg2[%dma_start3A_105, %dma_start3A_106] : memref<10000x128xf32, #tpu.memory_space<hbm>> -> memref<10000x128xf32, #tpu.memory_space<hbm>>
      tpu.enqueue_indirect_dma source(%dma_start3A_107 : memref<10000x128xf32, #tpu.memory_space<hbm>>) target(%arg19 : memref<80x128xf32, #tpu.memory_space<vmem>>) offsets(%arg17 : memref<80xi32, #tpu.memory_space<vmem>>) semaphore(%arg27 : memref<!tpu.dma_semaphore, #tpu.memory_space<semaphore_mem>>)
      %add3A_108 = arith.constant 80 : i32
      %add3A_109 = arith.addi %mul3A_84, %add3A_108 : i32
      %multiple_of3A_110 = tpu.assume_multiple %add3A_109, 8 : i32
      %dma_start3A_111 = tpu.memref_slice %arg4[%multiple_of3A_110] : memref<160000xi32, #tpu.memory_space<hbm>> -> memref<80xi32, #tpu.memory_space<hbm>>
      %dma_start3A_112 = tpu.memref_slice %arg4[%multiple_of3A_110] : memref<160000xi32, #tpu.memory_space<hbm>> -> memref<80xi32, #tpu.memory_space<hbm>>
      tpu.enqueue_dma source(%dma_start3A_112 : memref<80xi32, #tpu.memory_space<hbm>>) target(%arg21 : memref<80xi32, #tpu.memory_space<vmem>>) target_semaphore(%arg26 : memref<!tpu.dma_semaphore, #tpu.memory_space<semaphore_mem>>)
      %dma_start3A_113 = tpu.memref_slice %arg5[%multiple_of3A_110] : memref<160000xi32, #tpu.memory_space<hbm>> -> memref<80xi32, #tpu.memory_space<hbm>>
      %dma_start3A_114 = tpu.memref_slice %arg5[%multiple_of3A_110] : memref<160000xi32, #tpu.memory_space<hbm>> -> memref<80xi32, #tpu.memory_space<hbm>>
      tpu.enqueue_dma source(%dma_start3A_114 : memref<80xi32, #tpu.memory_space<hbm>>) target(%arg22 : memref<80xi32, #tpu.memory_space<vmem>>) target_semaphore(%arg26 : memref<!tpu.dma_semaphore, #tpu.memory_space<semaphore_mem>>)
      %dma_start3A_115 = arith.constant 0 : i32
      %dma_start3A_116 = tpu.memref_slice %arg3[%multiple_of3A_110, %dma_start3A_115] : memref<160000x128xf32, #tpu.memory_space<hbm>> -> memref<80x128xf32, #tpu.memory_space<hbm>>
      %dma_start3A_117 = arith.constant 0 : i32
      %dma_start3A_118 = tpu.memref_slice %arg3[%multiple_of3A_110, %dma_start3A_117] : memref<160000x128xf32, #tpu.memory_space<hbm>> -> memref<80x128xf32, #tpu.memory_space<hbm>>
      tpu.enqueue_dma source(%dma_start3A_118 : memref<80x128xf32, #tpu.memory_space<hbm>>) target(%arg24 : memref<80x128xf32, #tpu.memory_space<vmem>>) target_semaphore(%arg26 : memref<!tpu.dma_semaphore, #tpu.memory_space<semaphore_mem>>)
      %scan3A_119 = arith.constant 0 : i32
      %scan3A_120 = arith.constant 62 : i32
      %scan3A_121 = arith.addi %scan3A_119, %scan3A_120 : i32
      %scan3A_122 = arith.constant 1 : i32
      scf.for %scan3A_132 = %scan3A_119 to %scan3A_121 step %scan3A_122  : i32 {
        %mul3A_133 = arith.constant 1 : i32
        %mul3A_134 = arith.muli %scan3A_132, %mul3A_133 : i32
        %add3A_135 = arith.constant 0 : i32
        %add3A_136 = arith.addi %add3A_135, %mul3A_134 : i32
        %mul3A_137 = arith.constant 2 : i32
        %mul3A_138 = arith.muli %add3A_136, %mul3A_137 : i32
        %add3A_139 = arith.constant 1 : i32
        %add3A_140 = arith.addi %mul3A_138, %add3A_139 : i32
        %mul3A_141 = arith.constant 80 : i32
        %mul3A_142 = arith.muli %add3A_140, %mul3A_141 : i32
        %add3A_143 = arith.addi %mul3A_84, %mul3A_142 : i32
        %multiple_of3A_144 = tpu.assume_multiple %add3A_143, 8 : i32
        %dma_wait3A_145 = tpu.memref_slice %arg4[%multiple_of3A_144] : memref<160000xi32, #tpu.memory_space<hbm>> -> memref<80xi32, #tpu.memory_space<hbm>>
        %dma_wait3A_146 = tpu.memref_slice %arg4[%multiple_of3A_144] : memref<160000xi32, #tpu.memory_space<hbm>> -> memref<80xi32, #tpu.memory_space<hbm>>
        tpu.wait_dma2 semaphore(%arg26 : memref<!tpu.dma_semaphore, #tpu.memory_space<semaphore_mem>>) src(%dma_wait3A_146 : memref<80xi32, #tpu.memory_space<hbm>>) dst(%arg21 : memref<80xi32, #tpu.memory_space<vmem>>)
        %dma_wait3A_147 = tpu.memref_slice %arg5[%multiple_of3A_144] : memref<160000xi32, #tpu.memory_space<hbm>> -> memref<80xi32, #tpu.memory_space<hbm>>
        %dma_wait3A_148 = tpu.memref_slice %arg5[%multiple_of3A_144] : memref<160000xi32, #tpu.memory_space<hbm>> -> memref<80xi32, #tpu.memory_space<hbm>>
        tpu.wait_dma2 semaphore(%arg26 : memref<!tpu.dma_semaphore, #tpu.memory_space<semaphore_mem>>) src(%dma_wait3A_148 : memref<80xi32, #tpu.memory_space<hbm>>) dst(%arg22 : memref<80xi32, #tpu.memory_space<vmem>>)
        %dma_wait3A_149 = arith.constant 0 : i32
        %dma_wait3A_150 = tpu.memref_slice %arg3[%multiple_of3A_144, %dma_wait3A_149] : memref<160000x128xf32, #tpu.memory_space<hbm>> -> memref<80x128xf32, #tpu.memory_space<hbm>>
        %dma_wait3A_151 = arith.constant 0 : i32
        %dma_wait3A_152 = tpu.memref_slice %arg3[%multiple_of3A_144, %dma_wait3A_151] : memref<160000x128xf32, #tpu.memory_space<hbm>> -> memref<80x128xf32, #tpu.memory_space<hbm>>
        tpu.wait_dma2 semaphore(%arg26 : memref<!tpu.dma_semaphore, #tpu.memory_space<semaphore_mem>>) src(%dma_wait3A_152 : memref<80x128xf32, #tpu.memory_space<hbm>>) dst(%arg24 : memref<80x128xf32, #tpu.memory_space<vmem>>)
        %dma_start3A_153 = arith.constant 0 : i32
        %dma_start3A_154 = arith.constant 0 : i32
        %dma_start3A_155 = tpu.memref_slice %arg2[%dma_start3A_153, %dma_start3A_154] : memref<10000x128xf32, #tpu.memory_space<hbm>> -> memref<10000x128xf32, #tpu.memory_space<hbm>>
        tpu.enqueue_indirect_dma source(%dma_start3A_155 : memref<10000x128xf32, #tpu.memory_space<hbm>>) target(%arg23 : memref<80x128xf32, #tpu.memory_space<vmem>>) offsets(%arg21 : memref<80xi32, #tpu.memory_space<vmem>>) semaphore(%arg28 : memref<!tpu.dma_semaphore, #tpu.memory_space<semaphore_mem>>)
        %dma_wait3A_156 = arith.constant 0 : i32
        %dma_wait3A_157 = arith.constant 0 : i32
        %dma_wait3A_158 = tpu.memref_slice %arg2[%dma_wait3A_156, %dma_wait3A_157] : memref<10000x128xf32, #tpu.memory_space<hbm>> -> memref<10000x128xf32, #tpu.memory_space<hbm>>
        tpu.wait_indirect_dma semaphore(%arg27 : memref<!tpu.dma_semaphore, #tpu.memory_space<semaphore_mem>>) src(%dma_wait3A_158 : memref<10000x128xf32, #tpu.memory_space<hbm>>) dst(%arg19 : memref<80x128xf32, #tpu.memory_space<vmem>>)
        %scan3A_159 = arith.constant 0 : i32
        %scan3A_160 = arith.constant 80 : i32
        %scan3A_161 = arith.addi %scan3A_159, %scan3A_160 : i32
        %scan3A_162 = arith.constant 1 : i32
        scf.for %scan3A_209 = %scan3A_159 to %scan3A_161 step %scan3A_162  : i32 {
          %mul3A_210 = arith.constant 1 : i32
          %mul3A_211 = arith.muli %scan3A_209, %mul3A_210 : i32
          %add3A_212 = arith.constant 0 : i32
          %add3A_213 = arith.addi %add3A_212, %mul3A_211 : i32
          %get3A = arith.index_cast %add3A_213 : i32 to index
          %get3A_214 = arith.constant 0 : index
          %get3A_215 = tpu.vector_load %arg19[%get3A, %get3A_214] {strides = array<i32>} : memref<80x128xf32, #tpu.memory_space<vmem>>, vector<1x16xf32>,
          %get3A_216 = vector.shape_cast %get3A_215 : vector<1x16xf32> to vector<16xf32>
          %get3A_217 = arith.index_cast %add3A_213 : i32 to index
          %get3A_218 = arith.constant 0 : index
          %get3A_219 = tpu.vector_load %arg20[%get3A_217, %get3A_218] {strides = array<i32>} : memref<80x128xf32, #tpu.memory_space<vmem>>, vector<1x16xf32>,
          %get3A_220 = vector.shape_cast %get3A_219 : vector<1x16xf32> to vector<16xf32>
          %add3A_221 = arith.addf %get3A_216, %get3A_220 : vector<16xf32>
          %max3A = arith.constant 0.000000e+00 : f32
          %max3A_222 = vector.broadcast %max3A : f32 to vector<16xf32>
          %max3A_223 = arith.maximumf %add3A_221, %max3A_222 : vector<16xf32>
          %swap3A = arith.index_cast %add3A_213 : i32 to index
          %swap3A_224 = arith.constant 0 : index
          %swap3A_225 = tpu.vector_load %arg19[%swap3A, %swap3A_224] {strides = array<i32>} : memref<80x128xf32, #tpu.memory_space<vmem>>, vector<1x16xf32>,
          %swap3A_226 = vector.shape_cast %swap3A_225 : vector<1x16xf32> to vector<16xf32>
          %swap3A_227 = vector.shape_cast %max3A_223 : vector<16xf32> to vector<1x16xf32>
          tpu.vector_store %arg19[%swap3A, %swap3A_224], %swap3A_227 {strides = array<i32>} : memref<80x128xf32, #tpu.memory_space<vmem>>, vector<1x16xf32>,
          %get3A_228 = arith.index_cast %add3A_213 : i32 to index
          %get3A_229 = arith.constant 16 : index
          %get3A_230 = tpu.vector_load %arg19[%get3A_228, %get3A_229] {strides = array<i32>} : memref<80x128xf32, #tpu.memory_space<vmem>>, vector<1x16xf32>,
          %get3A_231 = vector.shape_cast %get3A_230 : vector<1x16xf32> to vector<16xf32>
          %get3A_232 = arith.index_cast %add3A_213 : i32 to index
          %get3A_233 = arith.constant 16 : index
          %get3A_234 = tpu.vector_load %arg20[%get3A_232, %get3A_233] {strides = array<i32>} : memref<80x128xf32, #tpu.memory_space<vmem>>, vector<1x16xf32>,
          %get3A_235 = vector.shape_cast %get3A_234 : vector<1x16xf32> to vector<16xf32>
          %add3A_236 = arith.addf %get3A_231, %get3A_235 : vector<16xf32>
          %max3A_237 = arith.constant 0.000000e+00 : f32
          %max3A_238 = vector.broadcast %max3A_237 : f32 to vector<16xf32>
          %max3A_239 = arith.maximumf %add3A_236, %max3A_238 : vector<16xf32>
          %swap3A_240 = arith.index_cast %add3A_213 : i32 to index
          %swap3A_241 = arith.constant 16 : index
          %swap3A_242 = tpu.vector_load %arg19[%swap3A_240, %swap3A_241] {strides = array<i32>} : memref<80x128xf32, #tpu.memory_space<vmem>>, vector<1x16xf32>,
          %swap3A_243 = vector.shape_cast %swap3A_242 : vector<1x16xf32> to vector<16xf32>
          %swap3A_244 = vector.shape_cast %max3A_239 : vector<16xf32> to vector<1x16xf32>
          tpu.vector_store %arg19[%swap3A_240, %swap3A_241], %swap3A_244 {strides = array<i32>} : memref<80x128xf32, #tpu.memory_space<vmem>>, vector<1x16xf32>,
          %get3A_245 = arith.index_cast %add3A_213 : i32 to index
          %get3A_246 = arith.constant 32 : index
          %get3A_247 = tpu.vector_load %arg19[%get3A_245, %get3A_246] {strides = array<i32>} : memref<80x128xf32, #tpu.memory_space<vmem>>, vector<1x16xf32>,
          %get3A_248 = vector.shape_cast %get3A_247 : vector<1x16xf32> to vector<16xf32>
          %get3A_249 = arith.index_cast %add3A_213 : i32 to index
          %get3A_250 = arith.constant 32 : index
          %get3A_251 = tpu.vector_load %arg20[%get3A_249, %get3A_250] {strides = array<i32>} : memref<80x128xf32, #tpu.memory_space<vmem>>, vector<1x16xf32>,
          %get3A_252 = vector.shape_cast %get3A_251 : vector<1x16xf32> to vector<16xf32>
          %add3A_253 = arith.addf %get3A_248, %get3A_252 : vector<16xf32>
          %max3A_254 = arith.constant 0.000000e+00 : f32
          %max3A_255 = vector.broadcast %max3A_254 : f32 to vector<16xf32>
          %max3A_256 = arith.maximumf %add3A_253, %max3A_255 : vector<16xf32>
          %swap3A_257 = arith.index_cast %add3A_213 : i32 to index
          %swap3A_258 = arith.constant 32 : index
          %swap3A_259 = tpu.vector_load %arg19[%swap3A_257, %swap3A_258] {strides = array<i32>} : memref<80x128xf32, #tpu.memory_space<vmem>>, vector<1x16xf32>,
          %swap3A_260 = vector.shape_cast %swap3A_259 : vector<1x16xf32> to vector<16xf32>
          %swap3A_261 = vector.shape_cast %max3A_256 : vector<16xf32> to vector<1x16xf32>
          tpu.vector_store %arg19[%swap3A_257, %swap3A_258], %swap3A_261 {strides = array<i32>} : memref<80x128xf32, #tpu.memory_space<vmem>>, vector<1x16xf32>,
          %get3A_262 = arith.index_cast %add3A_213 : i32 to index
          %get3A_263 = arith.constant 48 : index
          %get3A_264 = tpu.vector_load %arg19[%get3A_262, %get3A_263] {strides = array<i32>} : memref<80x128xf32, #tpu.memory_space<vmem>>, vector<1x16xf32>,
          %get3A_265 = vector.shape_cast %get3A_264 : vector<1x16xf32> to vector<16xf32>
          %get3A_266 = arith.index_cast %add3A_213 : i32 to index
          %get3A_267 = arith.constant 48 : index
          %get3A_268 = tpu.vector_load %arg20[%get3A_266, %get3A_267] {strides = array<i32>} : memref<80x128xf32, #tpu.memory_space<vmem>>, vector<1x16xf32>,
          %get3A_269 = vector.shape_cast %get3A_268 : vector<1x16xf32> to vector<16xf32>
          %add3A_270 = arith.addf %get3A_265, %get3A_269 : vector<16xf32>
          %max3A_271 = arith.constant 0.000000e+00 : f32
          %max3A_272 = vector.broadcast %max3A_271 : f32 to vector<16xf32>
          %max3A_273 = arith.maximumf %add3A_270, %max3A_272 : vector<16xf32>
          %swap3A_274 = arith.index_cast %add3A_213 : i32 to index
          %swap3A_275 = arith.constant 48 : index
          %swap3A_276 = tpu.vector_load %arg19[%swap3A_274, %swap3A_275] {strides = array<i32>} : memref<80x128xf32, #tpu.memory_space<vmem>>, vector<1x16xf32>,
          %swap3A_277 = vector.shape_cast %swap3A_276 : vector<1x16xf32> to vector<16xf32>
          %swap3A_278 = vector.shape_cast %max3A_273 : vector<16xf32> to vector<1x16xf32>
          tpu.vector_store %arg19[%swap3A_274, %swap3A_275], %swap3A_278 {strides = array<i32>} : memref<80x128xf32, #tpu.memory_space<vmem>>, vector<1x16xf32>,
          %get3A_279 = arith.index_cast %add3A_213 : i32 to index
          %get3A_280 = arith.constant 64 : index
          %get3A_281 = tpu.vector_load %arg19[%get3A_279, %get3A_280] {strides = array<i32>} : memref<80x128xf32, #tpu.memory_space<vmem>>, vector<1x16xf32>,
          %get3A_282 = vector.shape_cast %get3A_281 : vector<1x16xf32> to vector<16xf32>
          %get3A_283 = arith.index_cast %add3A_213 : i32 to index
          %get3A_284 = arith.constant 64 : index
          %get3A_285 = tpu.vector_load %arg20[%get3A_283, %get3A_284] {strides = array<i32>} : memref<80x128xf32, #tpu.memory_space<vmem>>, vector<1x16xf32>,
          %get3A_286 = vector.shape_cast %get3A_285 : vector<1x16xf32> to vector<16xf32>
          %add3A_287 = arith.addf %get3A_282, %get3A_286 : vector<16xf32>
          %max3A_288 = arith.constant 0.000000e+00 : f32
          %max3A_289 = vector.broadcast %max3A_288 : f32 to vector<16xf32>
          %max3A_290 = arith.maximumf %add3A_287, %max3A_289 : vector<16xf32>
          %swap3A_291 = arith.index_cast %add3A_213 : i32 to index
          %swap3A_292 = arith.constant 64 : index
          %swap3A_293 = tpu.vector_load %arg19[%swap3A_291, %swap3A_292] {strides = array<i32>} : memref<80x128xf32, #tpu.memory_space<vmem>>, vector<1x16xf32>,
          %swap3A_294 = vector.shape_cast %swap3A_293 : vector<1x16xf32> to vector<16xf32>
          %swap3A_295 = vector.shape_cast %max3A_290 : vector<16xf32> to vector<1x16xf32>
          tpu.vector_store %arg19[%swap3A_291, %swap3A_292], %swap3A_295 {strides = array<i32>} : memref<80x128xf32, #tpu.memory_space<vmem>>, vector<1x16xf32>,
          %get3A_296 = arith.index_cast %add3A_213 : i32 to index
          %get3A_297 = arith.constant 80 : index
          %get3A_298 = tpu.vector_load %arg19[%get3A_296, %get3A_297] {strides = array<i32>} : memref<80x128xf32, #tpu.memory_space<vmem>>, vector<1x16xf32>,
          %get3A_299 = vector.shape_cast %get3A_298 : vector<1x16xf32> to vector<16xf32>
          %get3A_300 = arith.index_cast %add3A_213 : i32 to index
          %get3A_301 = arith.constant 80 : index
          %get3A_302 = tpu.vector_load %arg20[%get3A_300, %get3A_301] {strides = array<i32>} : memref<80x128xf32, #tpu.memory_space<vmem>>, vector<1x16xf32>,
          %get3A_303 = vector.shape_cast %get3A_302 : vector<1x16xf32> to vector<16xf32>
          %add3A_304 = arith.addf %get3A_299, %get3A_303 : vector<16xf32>
          %max3A_305 = arith.constant 0.000000e+00 : f32
          %max3A_306 = vector.broadcast %max3A_305 : f32 to vector<16xf32>
          %max3A_307 = arith.maximumf %add3A_304, %max3A_306 : vector<16xf32>
          %swap3A_308 = arith.index_cast %add3A_213 : i32 to index
          %swap3A_309 = arith.constant 80 : index
          %swap3A_310 = tpu.vector_load %arg19[%swap3A_308, %swap3A_309] {strides = array<i32>} : memref<80x128xf32, #tpu.memory_space<vmem>>, vector<1x16xf32>,
          %swap3A_311 = vector.shape_cast %swap3A_310 : vector<1x16xf32> to vector<16xf32>
          %swap3A_312 = vector.shape_cast %max3A_307 : vector<16xf32> to vector<1x16xf32>
          tpu.vector_store %arg19[%swap3A_308, %swap3A_309], %swap3A_312 {strides = array<i32>} : memref<80x128xf32, #tpu.memory_space<vmem>>, vector<1x16xf32>,
          %get3A_313 = arith.index_cast %add3A_213 : i32 to index
          %get3A_314 = arith.constant 96 : index
          %get3A_315 = tpu.vector_load %arg19[%get3A_313, %get3A_314] {strides = array<i32>} : memref<80x128xf32, #tpu.memory_space<vmem>>, vector<1x16xf32>,
          %get3A_316 = vector.shape_cast %get3A_315 : vector<1x16xf32> to vector<16xf32>
          %get3A_317 = arith.index_cast %add3A_213 : i32 to index
          %get3A_318 = arith.constant 96 : index
          %get3A_319 = tpu.vector_load %arg20[%get3A_317, %get3A_318] {strides = array<i32>} : memref<80x128xf32, #tpu.memory_space<vmem>>, vector<1x16xf32>,
          %get3A_320 = vector.shape_cast %get3A_319 : vector<1x16xf32> to vector<16xf32>
          %add3A_321 = arith.addf %get3A_316, %get3A_320 : vector<16xf32>
          %max3A_322 = arith.constant 0.000000e+00 : f32
          %max3A_323 = vector.broadcast %max3A_322 : f32 to vector<16xf32>
          %max3A_324 = arith.maximumf %add3A_321, %max3A_323 : vector<16xf32>
          %swap3A_325 = arith.index_cast %add3A_213 : i32 to index
          %swap3A_326 = arith.constant 96 : index
          %swap3A_327 = tpu.vector_load %arg19[%swap3A_325, %swap3A_326] {strides = array<i32>} : memref<80x128xf32, #tpu.memory_space<vmem>>, vector<1x16xf32>,
          %swap3A_328 = vector.shape_cast %swap3A_327 : vector<1x16xf32> to vector<16xf32>
          %swap3A_329 = vector.shape_cast %max3A_324 : vector<16xf32> to vector<1x16xf32>
          tpu.vector_store %arg19[%swap3A_325, %swap3A_326], %swap3A_329 {strides = array<i32>} : memref<80x128xf32, #tpu.memory_space<vmem>>, vector<1x16xf32>,
          %get3A_330 = arith.index_cast %add3A_213 : i32 to index
          %get3A_331 = arith.constant 112 : index
          %get3A_332 = tpu.vector_load %arg19[%get3A_330, %get3A_331] {strides = array<i32>} : memref<80x128xf32, #tpu.memory_space<vmem>>, vector<1x16xf32>,
          %get3A_333 = vector.shape_cast %get3A_332 : vector<1x16xf32> to vector<16xf32>
          %get3A_334 = arith.index_cast %add3A_213 : i32 to index
          %get3A_335 = arith.constant 112 : index
          %get3A_336 = tpu.vector_load %arg20[%get3A_334, %get3A_335] {strides = array<i32>} : memref<80x128xf32, #tpu.memory_space<vmem>>, vector<1x16xf32>,
          %get3A_337 = vector.shape_cast %get3A_336 : vector<1x16xf32> to vector<16xf32>
          %add3A_338 = arith.addf %get3A_333, %get3A_337 : vector<16xf32>
          %max3A_339 = arith.constant 0.000000e+00 : f32
          %max3A_340 = vector.broadcast %max3A_339 : f32 to vector<16xf32>
          %max3A_341 = arith.maximumf %add3A_338, %max3A_340 : vector<16xf32>
          %swap3A_342 = arith.index_cast %add3A_213 : i32 to index
          %swap3A_343 = arith.constant 112 : index
          %swap3A_344 = tpu.vector_load %arg19[%swap3A_342, %swap3A_343] {strides = array<i32>} : memref<80x128xf32, #tpu.memory_space<vmem>>, vector<1x16xf32>,
          %swap3A_345 = vector.shape_cast %swap3A_344 : vector<1x16xf32> to vector<16xf32>
          %swap3A_346 = vector.shape_cast %max3A_341 : vector<16xf32> to vector<1x16xf32>
          tpu.vector_store %arg19[%swap3A_342, %swap3A_343], %swap3A_346 {strides = array<i32>} : memref<80x128xf32, #tpu.memory_space<vmem>>, vector<1x16xf32>,
        }
        %scan3A_163 = arith.constant 80 : i32
        "tpu.region"() ({
          %run_scoped3A = tpu.sem_alloc : memref<!tpu.dma_semaphore, #tpu.memory_space<semaphore_mem>>
          %dma_start3A_209 = arith.constant 0 : i32
          %dma_start3A_210 = arith.constant 0 : i32
          %dma_start3A_211 = tpu.memref_slice %arg16[%dma_start3A_209, %dma_start3A_210] : memref<10000x128xf32, #tpu.memory_space<vmem_shared>> -> memref<10000x128xf32, #tpu.memory_space<vmem_shared>>
          tpu.enqueue_indirect_dma source(%arg19 : memref<80x128xf32, #tpu.memory_space<vmem>>) target(%dma_start3A_211 : memref<10000x128xf32, #tpu.memory_space<vmem_shared>>) offsets(%arg18 : memref<80xi32, #tpu.memory_space<vmem>>) semaphore(%run_scoped3A : memref<!tpu.dma_semaphore, #tpu.memory_space<semaphore_mem>>) {add = true}
          %dma_wait3A_212 = arith.constant 0 : i32
          %dma_wait3A_213 = arith.constant 0 : i32
          %dma_wait3A_214 = tpu.memref_slice %arg16[%dma_wait3A_212, %dma_wait3A_213] : memref<10000x128xf32, #tpu.memory_space<vmem_shared>> -> memref<10000x128xf32, #tpu.memory_space<vmem_shared>>
          tpu.wait_indirect_dma semaphore(%run_scoped3A : memref<!tpu.dma_semaphore, #tpu.memory_space<semaphore_mem>>) src(%arg19 : memref<80x128xf32, #tpu.memory_space<vmem>>) dst(%dma_wait3A_214 : memref<10000x128xf32, #tpu.memory_space<vmem_shared>>)
          tpu.yield
        }) : () -> ()
        %add3A_164 = arith.constant 2 : i32
        %add3A_165 = arith.addi %mul3A_138, %add3A_164 : i32
        %mul3A_166 = arith.constant 80 : i32
        %mul3A_167 = arith.muli %add3A_165, %mul3A_166 : i32
        %add3A_168 = arith.addi %mul3A_84, %mul3A_167 : i32
        %multiple_of3A_169 = tpu.assume_multiple %add3A_168, 8 : i32
        %dma_start3A_170 = tpu.memref_slice %arg4[%multiple_of3A_169] : memref<160000xi32, #tpu.memory_space<hbm>> -> memref<80xi32, #tpu.memory_space<hbm>>
        %dma_start3A_171 = tpu.memref_slice %arg4[%multiple_of3A_169] : memref<160000xi32, #tpu.memory_space<hbm>> -> memref<80xi32, #tpu.memory_space<hbm>>
        tpu.enqueue_dma source(%dma_start3A_171 : memref<80xi32, #tpu.memory_space<hbm>>) target(%arg17 : memref<80xi32, #tpu.memory_space<vmem>>) target_semaphore(%arg25 : memref<!tpu.dma_semaphore, #tpu.memory_space<semaphore_mem>>)
        %dma_start3A_172 = tpu.memref_slice %arg5[%multiple_of3A_169] : memref<160000xi32, #tpu.memory_space<hbm>> -> memref<80xi32, #tpu.memory_space<hbm>>
        %dma_start3A_173 = tpu.memref_slice %arg5[%multiple_of3A_169] : memref<160000xi32, #tpu.memory_space<hbm>> -> memref<80xi32, #tpu.memory_space<hbm>>
        tpu.enqueue_dma source(%dma_start3A_173 : memref<80xi32, #tpu.memory_space<hbm>>) target(%arg18 : memref<80xi32, #tpu.memory_space<vmem>>) target_semaphore(%arg25 : memref<!tpu.dma_semaphore, #tpu.memory_space<semaphore_mem>>)
        %dma_start3A_174 = arith.constant 0 : i32
        %dma_start3A_175 = tpu.memref_slice %arg3[%multiple_of3A_169, %dma_start3A_174] : memref<160000x128xf32, #tpu.memory_space<hbm>> -> memref<80x128xf32, #tpu.memory_space<hbm>>
        %dma_start3A_176 = arith.constant 0 : i32
        %dma_start3A_177 = tpu.memref_slice %arg3[%multiple_of3A_169, %dma_start3A_176] : memref<160000x128xf32, #tpu.memory_space<hbm>> -> memref<80x128xf32, #tpu.memory_space<hbm>>
        tpu.enqueue_dma source(%dma_start3A_177 : memref<80x128xf32, #tpu.memory_space<hbm>>) target(%arg20 : memref<80x128xf32, #tpu.memory_space<vmem>>) target_semaphore(%arg25 : memref<!tpu.dma_semaphore, #tpu.memory_space<semaphore_mem>>)
        %add3A_178 = arith.constant 2 : i32
        %add3A_179 = arith.addi %mul3A_138, %add3A_178 : i32
        %mul3A_180 = arith.constant 80 : i32
        %mul3A_181 = arith.muli %add3A_179, %mul3A_180 : i32
        %add3A_182 = arith.addi %mul3A_84, %mul3A_181 : i32
        %multiple_of3A_183 = tpu.assume_multiple %add3A_182, 8 : i32
        %dma_wait3A_184 = tpu.memref_slice %arg4[%multiple_of3A_183] : memref<160000xi32, #tpu.memory_space<hbm>> -> memref<80xi32, #tpu.memory_space<hbm>>
        %dma_wait3A_185 = tpu.memref_slice %arg4[%multiple_of3A_183] : memref<160000xi32, #tpu.memory_space<hbm>> -> memref<80xi32, #tpu.memory_space<hbm>>
        tpu.wait_dma2 semaphore(%arg25 : memref<!tpu.dma_semaphore, #tpu.memory_space<semaphore_mem>>) src(%dma_wait3A_185 : memref<80xi32, #tpu.memory_space<hbm>>) dst(%arg17 : memref<80xi32, #tpu.memory_space<vmem>>)
        %dma_wait3A_186 = tpu.memref_slice %arg5[%multiple_of3A_183] : memref<160000xi32, #tpu.memory_space<hbm>> -> memref<80xi32, #tpu.memory_space<hbm>>
        %dma_wait3A_187 = tpu.memref_slice %arg5[%multiple_of3A_183] : memref<160000xi32, #tpu.memory_space<hbm>> -> memref<80xi32, #tpu.memory_space<hbm>>
        tpu.wait_dma2 semaphore(%arg25 : memref<!tpu.dma_semaphore, #tpu.memory_space<semaphore_mem>>) src(%dma_wait3A_187 : memref<80xi32, #tpu.memory_space<hbm>>) dst(%arg18 : memref<80xi32, #tpu.memory_space<vmem>>)
        %dma_wait3A_188 = arith.constant 0 : i32
        %dma_wait3A_189 = tpu.memref_slice %arg3[%multiple_of3A_183, %dma_wait3A_188] : memref<160000x128xf32, #tpu.memory_space<hbm>> -> memref<80x128xf32, #tpu.memory_space<hbm>>
        %dma_wait3A_190 = arith.constant 0 : i32
        %dma_wait3A_191 = tpu.memref_slice %arg3[%multiple_of3A_183, %dma_wait3A_190] : memref<160000x128xf32, #tpu.memory_space<hbm>> -> memref<80x128xf32, #tpu.memory_space<hbm>>
        tpu.wait_dma2 semaphore(%arg25 : memref<!tpu.dma_semaphore, #tpu.memory_space<semaphore_mem>>) src(%dma_wait3A_191 : memref<80x128xf32, #tpu.memory_space<hbm>>) dst(%arg20 : memref<80x128xf32, #tpu.memory_space<vmem>>)
        %dma_start3A_192 = arith.constant 0 : i32
        %dma_start3A_193 = arith.constant 0 : i32
        %dma_start3A_194 = tpu.memref_slice %arg2[%dma_start3A_192, %dma_start3A_193] : memref<10000x128xf32, #tpu.memory_space<hbm>> -> memref<10000x128xf32, #tpu.memory_space<hbm>>
        tpu.enqueue_indirect_dma source(%dma_start3A_194 : memref<10000x128xf32, #tpu.memory_space<hbm>>) target(%arg19 : memref<80x128xf32, #tpu.memory_space<vmem>>) offsets(%arg17 : memref<80xi32, #tpu.memory_space<vmem>>) semaphore(%arg27 : memref<!tpu.dma_semaphore, #tpu.memory_space<semaphore_mem>>)
        %dma_wait3A_195 = arith.constant 0 : i32
        %dma_wait3A_196 = arith.constant 0 : i32
        %dma_wait3A_197 = tpu.memref_slice %arg2[%dma_wait3A_195, %dma_wait3A_196] : memref<10000x128xf32, #tpu.memory_space<hbm>> -> memref<10000x128xf32, #tpu.memory_space<hbm>>
        tpu.wait_indirect_dma semaphore(%arg28 : memref<!tpu.dma_semaphore, #tpu.memory_space<semaphore_mem>>) src(%dma_wait3A_197 : memref<10000x128xf32, #tpu.memory_space<hbm>>) dst(%arg23 : memref<80x128xf32, #tpu.memory_space<vmem>>)
        %scan3A_198 = arith.constant 0 : i32
        %scan3A_199 = arith.constant 80 : i32
        %scan3A_200 = arith.addi %scan3A_198, %scan3A_199 : i32
        %scan3A_201 = arith.constant 1 : i32
        scf.for %scan3A_209 = %scan3A_198 to %scan3A_200 step %scan3A_201  : i32 {
          %mul3A_210 = arith.constant 1 : i32
          %mul3A_211 = arith.muli %scan3A_209, %mul3A_210 : i32
          %add3A_212 = arith.constant 0 : i32
          %add3A_213 = arith.addi %add3A_212, %mul3A_211 : i32
          %get3A = arith.index_cast %add3A_213 : i32 to index
          %get3A_214 = arith.constant 0 : index
          %get3A_215 = tpu.vector_load %arg23[%get3A, %get3A_214] {strides = array<i32>} : memref<80x128xf32, #tpu.memory_space<vmem>>, vector<1x16xf32>,
          %get3A_216 = vector.shape_cast %get3A_215 : vector<1x16xf32> to vector<16xf32>
          %get3A_217 = arith.index_cast %add3A_213 : i32 to index
          %get3A_218 = arith.constant 0 : index
          %get3A_219 = tpu.vector_load %arg24[%get3A_217, %get3A_218] {strides = array<i32>} : memref<80x128xf32, #tpu.memory_space<vmem>>, vector<1x16xf32>,
          %get3A_220 = vector.shape_cast %get3A_219 : vector<1x16xf32> to vector<16xf32>
          %add3A_221 = arith.addf %get3A_216, %get3A_220 : vector<16xf32>
          %max3A = arith.constant 0.000000e+00 : f32
          %max3A_222 = vector.broadcast %max3A : f32 to vector<16xf32>
          %max3A_223 = arith.maximumf %add3A_221, %max3A_222 : vector<16xf32>
          %swap3A = arith.index_cast %add3A_213 : i32 to index
          %swap3A_224 = arith.constant 0 : index
          %swap3A_225 = tpu.vector_load %arg23[%swap3A, %swap3A_224] {strides = array<i32>} : memref<80x128xf32, #tpu.memory_space<vmem>>, vector<1x16xf32>,
          %swap3A_226 = vector.shape_cast %swap3A_225 : vector<1x16xf32> to vector<16xf32>
          %swap3A_227 = vector.shape_cast %max3A_223 : vector<16xf32> to vector<1x16xf32>
          tpu.vector_store %arg23[%swap3A, %swap3A_224], %swap3A_227 {strides = array<i32>} : memref<80x128xf32, #tpu.memory_space<vmem>>, vector<1x16xf32>,
          %get3A_228 = arith.index_cast %add3A_213 : i32 to index
          %get3A_229 = arith.constant 16 : index
          %get3A_230 = tpu.vector_load %arg23[%get3A_228, %get3A_229] {strides = array<i32>} : memref<80x128xf32, #tpu.memory_space<vmem>>, vector<1x16xf32>,
          %get3A_231 = vector.shape_cast %get3A_230 : vector<1x16xf32> to vector<16xf32>
          %get3A_232 = arith.index_cast %add3A_213 : i32 to index
          %get3A_233 = arith.constant 16 : index
          %get3A_234 = tpu.vector_load %arg24[%get3A_232, %get3A_233] {strides = array<i32>} : memref<80x128xf32, #tpu.memory_space<vmem>>, vector<1x16xf32>,
          %get3A_235 = vector.shape_cast %get3A_234 : vector<1x16xf32> to vector<16xf32>
          %add3A_236 = arith.addf %get3A_231, %get3A_235 : vector<16xf32>
          %max3A_237 = arith.constant 0.000000e+00 : f32
          %max3A_238 = vector.broadcast %max3A_237 : f32 to vector<16xf32>
          %max3A_239 = arith.maximumf %add3A_236, %max3A_238 : vector<16xf32>
          %swap3A_240 = arith.index_cast %add3A_213 : i32 to index
          %swap3A_241 = arith.constant 16 : index
          %swap3A_242 = tpu.vector_load %arg23[%swap3A_240, %swap3A_241] {strides = array<i32>} : memref<80x128xf32, #tpu.memory_space<vmem>>, vector<1x16xf32>,
          %swap3A_243 = vector.shape_cast %swap3A_242 : vector<1x16xf32> to vector<16xf32>
          %swap3A_244 = vector.shape_cast %max3A_239 : vector<16xf32> to vector<1x16xf32>
          tpu.vector_store %arg23[%swap3A_240, %swap3A_241], %swap3A_244 {strides = array<i32>} : memref<80x128xf32, #tpu.memory_space<vmem>>, vector<1x16xf32>,
          %get3A_245 = arith.index_cast %add3A_213 : i32 to index
          %get3A_246 = arith.constant 32 : index
          %get3A_247 = tpu.vector_load %arg23[%get3A_245, %get3A_246] {strides = array<i32>} : memref<80x128xf32, #tpu.memory_space<vmem>>, vector<1x16xf32>,
          %get3A_248 = vector.shape_cast %get3A_247 : vector<1x16xf32> to vector<16xf32>
          %get3A_249 = arith.index_cast %add3A_213 : i32 to index
          %get3A_250 = arith.constant 32 : index
          %get3A_251 = tpu.vector_load %arg24[%get3A_249, %get3A_250] {strides = array<i32>} : memref<80x128xf32, #tpu.memory_space<vmem>>, vector<1x16xf32>,
          %get3A_252 = vector.shape_cast %get3A_251 : vector<1x16xf32> to vector<16xf32>
          %add3A_253 = arith.addf %get3A_248, %get3A_252 : vector<16xf32>
          %max3A_254 = arith.constant 0.000000e+00 : f32
          %max3A_255 = vector.broadcast %max3A_254 : f32 to vector<16xf32>
          %max3A_256 = arith.maximumf %add3A_253, %max3A_255 : vector<16xf32>
          %swap3A_257 = arith.index_cast %add3A_213 : i32 to index
          %swap3A_258 = arith.constant 32 : index
          %swap3A_259 = tpu.vector_load %arg23[%swap3A_257, %swap3A_258] {strides = array<i32>} : memref<80x128xf32, #tpu.memory_space<vmem>>, vector<1x16xf32>,
          %swap3A_260 = vector.shape_cast %swap3A_259 : vector<1x16xf32> to vector<16xf32>
          %swap3A_261 = vector.shape_cast %max3A_256 : vector<16xf32> to vector<1x16xf32>
          tpu.vector_store %arg23[%swap3A_257, %swap3A_258], %swap3A_261 {strides = array<i32>} : memref<80x128xf32, #tpu.memory_space<vmem>>, vector<1x16xf32>,
          %get3A_262 = arith.index_cast %add3A_213 : i32 to index
          %get3A_263 = arith.constant 48 : index
          %get3A_264 = tpu.vector_load %arg23[%get3A_262, %get3A_263] {strides = array<i32>} : memref<80x128xf32, #tpu.memory_space<vmem>>, vector<1x16xf32>,
          %get3A_265 = vector.shape_cast %get3A_264 : vector<1x16xf32> to vector<16xf32>
          %get3A_266 = arith.index_cast %add3A_213 : i32 to index
          %get3A_267 = arith.constant 48 : index
          %get3A_268 = tpu.vector_load %arg24[%get3A_266, %get3A_267] {strides = array<i32>} : memref<80x128xf32, #tpu.memory_space<vmem>>, vector<1x16xf32>,
          %get3A_269 = vector.shape_cast %get3A_268 : vector<1x16xf32> to vector<16xf32>
          %add3A_270 = arith.addf %get3A_265, %get3A_269 : vector<16xf32>
          %max3A_271 = arith.constant 0.000000e+00 : f32
          %max3A_272 = vector.broadcast %max3A_271 : f32 to vector<16xf32>
          %max3A_273 = arith.maximumf %add3A_270, %max3A_272 : vector<16xf32>
          %swap3A_274 = arith.index_cast %add3A_213 : i32 to index
          %swap3A_275 = arith.constant 48 : index
          %swap3A_276 = tpu.vector_load %arg23[%swap3A_274, %swap3A_275] {strides = array<i32>} : memref<80x128xf32, #tpu.memory_space<vmem>>, vector<1x16xf32>,
          %swap3A_277 = vector.shape_cast %swap3A_276 : vector<1x16xf32> to vector<16xf32>
          %swap3A_278 = vector.shape_cast %max3A_273 : vector<16xf32> to vector<1x16xf32>
          tpu.vector_store %arg23[%swap3A_274, %swap3A_275], %swap3A_278 {strides = array<i32>} : memref<80x128xf32, #tpu.memory_space<vmem>>, vector<1x16xf32>,
          %get3A_279 = arith.index_cast %add3A_213 : i32 to index
          %get3A_280 = arith.constant 64 : index
          %get3A_281 = tpu.vector_load %arg23[%get3A_279, %get3A_280] {strides = array<i32>} : memref<80x128xf32, #tpu.memory_space<vmem>>, vector<1x16xf32>,
          %get3A_282 = vector.shape_cast %get3A_281 : vector<1x16xf32> to vector<16xf32>
          %get3A_283 = arith.index_cast %add3A_213 : i32 to index
          %get3A_284 = arith.constant 64 : index
          %get3A_285 = tpu.vector_load %arg24[%get3A_283, %get3A_284] {strides = array<i32>} : memref<80x128xf32, #tpu.memory_space<vmem>>, vector<1x16xf32>,
          %get3A_286 = vector.shape_cast %get3A_285 : vector<1x16xf32> to vector<16xf32>
          %add3A_287 = arith.addf %get3A_282, %get3A_286 : vector<16xf32>
          %max3A_288 = arith.constant 0.000000e+00 : f32
          %max3A_289 = vector.broadcast %max3A_288 : f32 to vector<16xf32>
          %max3A_290 = arith.maximumf %add3A_287, %max3A_289 : vector<16xf32>
          %swap3A_291 = arith.index_cast %add3A_213 : i32 to index
          %swap3A_292 = arith.constant 64 : index
          %swap3A_293 = tpu.vector_load %arg23[%swap3A_291, %swap3A_292] {strides = array<i32>} : memref<80x128xf32, #tpu.memory_space<vmem>>, vector<1x16xf32>,
          %swap3A_294 = vector.shape_cast %swap3A_293 : vector<1x16xf32> to vector<16xf32>
          %swap3A_295 = vector.shape_cast %max3A_290 : vector<16xf32> to vector<1x16xf32>
          tpu.vector_store %arg23[%swap3A_291, %swap3A_292], %swap3A_295 {strides = array<i32>} : memref<80x128xf32, #tpu.memory_space<vmem>>, vector<1x16xf32>,
          %get3A_296 = arith.index_cast %add3A_213 : i32 to index
          %get3A_297 = arith.constant 80 : index
          %get3A_298 = tpu.vector_load %arg23[%get3A_296, %get3A_297] {strides = array<i32>} : memref<80x128xf32, #tpu.memory_space<vmem>>, vector<1x16xf32>,
          %get3A_299 = vector.shape_cast %get3A_298 : vector<1x16xf32> to vector<16xf32>
          %get3A_300 = arith.index_cast %add3A_213 : i32 to index
          %get3A_301 = arith.constant 80 : index
          %get3A_302 = tpu.vector_load %arg24[%get3A_300, %get3A_301] {strides = array<i32>} : memref<80x128xf32, #tpu.memory_space<vmem>>, vector<1x16xf32>,
          %get3A_303 = vector.shape_cast %get3A_302 : vector<1x16xf32> to vector<16xf32>
          %add3A_304 = arith.addf %get3A_299, %get3A_303 : vector<16xf32>
          %max3A_305 = arith.constant 0.000000e+00 : f32
          %max3A_306 = vector.broadcast %max3A_305 : f32 to vector<16xf32>
          %max3A_307 = arith.maximumf %add3A_304, %max3A_306 : vector<16xf32>
          %swap3A_308 = arith.index_cast %add3A_213 : i32 to index
          %swap3A_309 = arith.constant 80 : index
          %swap3A_310 = tpu.vector_load %arg23[%swap3A_308, %swap3A_309] {strides = array<i32>} : memref<80x128xf32, #tpu.memory_space<vmem>>, vector<1x16xf32>,
          %swap3A_311 = vector.shape_cast %swap3A_310 : vector<1x16xf32> to vector<16xf32>
          %swap3A_312 = vector.shape_cast %max3A_307 : vector<16xf32> to vector<1x16xf32>
          tpu.vector_store %arg23[%swap3A_308, %swap3A_309], %swap3A_312 {strides = array<i32>} : memref<80x128xf32, #tpu.memory_space<vmem>>, vector<1x16xf32>,
          %get3A_313 = arith.index_cast %add3A_213 : i32 to index
          %get3A_314 = arith.constant 96 : index
          %get3A_315 = tpu.vector_load %arg23[%get3A_313, %get3A_314] {strides = array<i32>} : memref<80x128xf32, #tpu.memory_space<vmem>>, vector<1x16xf32>,
          %get3A_316 = vector.shape_cast %get3A_315 : vector<1x16xf32> to vector<16xf32>
          %get3A_317 = arith.index_cast %add3A_213 : i32 to index
          %get3A_318 = arith.constant 96 : index
          %get3A_319 = tpu.vector_load %arg24[%get3A_317, %get3A_318] {strides = array<i32>} : memref<80x128xf32, #tpu.memory_space<vmem>>, vector<1x16xf32>,
          %get3A_320 = vector.shape_cast %get3A_319 : vector<1x16xf32> to vector<16xf32>
          %add3A_321 = arith.addf %get3A_316, %get3A_320 : vector<16xf32>
          %max3A_322 = arith.constant 0.000000e+00 : f32
          %max3A_323 = vector.broadcast %max3A_322 : f32 to vector<16xf32>
          %max3A_324 = arith.maximumf %add3A_321, %max3A_323 : vector<16xf32>
          %swap3A_325 = arith.index_cast %add3A_213 : i32 to index
          %swap3A_326 = arith.constant 96 : index
          %swap3A_327 = tpu.vector_load %arg23[%swap3A_325, %swap3A_326] {strides = array<i32>} : memref<80x128xf32, #tpu.memory_space<vmem>>, vector<1x16xf32>,
          %swap3A_328 = vector.shape_cast %swap3A_327 : vector<1x16xf32> to vector<16xf32>
          %swap3A_329 = vector.shape_cast %max3A_324 : vector<16xf32> to vector<1x16xf32>
          tpu.vector_store %arg23[%swap3A_325, %swap3A_326], %swap3A_329 {strides = array<i32>} : memref<80x128xf32, #tpu.memory_space<vmem>>, vector<1x16xf32>,
          %get3A_330 = arith.index_cast %add3A_213 : i32 to index
          %get3A_331 = arith.constant 112 : index
          %get3A_332 = tpu.vector_load %arg23[%get3A_330, %get3A_331] {strides = array<i32>} : memref<80x128xf32, #tpu.memory_space<vmem>>, vector<1x16xf32>,
          %get3A_333 = vector.shape_cast %get3A_332 : vector<1x16xf32> to vector<16xf32>
          %get3A_334 = arith.index_cast %add3A_213 : i32 to index
          %get3A_335 = arith.constant 112 : index
          %get3A_336 = tpu.vector_load %arg24[%get3A_334, %get3A_335] {strides = array<i32>} : memref<80x128xf32, #tpu.memory_space<vmem>>, vector<1x16xf32>,
          %get3A_337 = vector.shape_cast %get3A_336 : vector<1x16xf32> to vector<16xf32>
          %add3A_338 = arith.addf %get3A_333, %get3A_337 : vector<16xf32>
          %max3A_339 = arith.constant 0.000000e+00 : f32
          %max3A_340 = vector.broadcast %max3A_339 : f32 to vector<16xf32>
          %max3A_341 = arith.maximumf %add3A_338, %max3A_340 : vector<16xf32>
          %swap3A_342 = arith.index_cast %add3A_213 : i32 to index
          %swap3A_343 = arith.constant 112 : index
          %swap3A_344 = tpu.vector_load %arg23[%swap3A_342, %swap3A_343] {strides = array<i32>} : memref<80x128xf32, #tpu.memory_space<vmem>>, vector<1x16xf32>,
          %swap3A_345 = vector.shape_cast %swap3A_344 : vector<1x16xf32> to vector<16xf32>
          %swap3A_346 = vector.shape_cast %max3A_341 : vector<16xf32> to vector<1x16xf32>
          tpu.vector_store %arg23[%swap3A_342, %swap3A_343], %swap3A_346 {strides = array<i32>} : memref<80x128xf32, #tpu.memory_space<vmem>>, vector<1x16xf32>,
        }
        %scan3A_202 = arith.constant 80 : i32
        "tpu.region"() ({
          %run_scoped3A = tpu.sem_alloc : memref<!tpu.dma_semaphore, #tpu.memory_space<semaphore_mem>>
          %dma_start3A_209 = arith.constant 0 : i32
          %dma_start3A_210 = arith.constant 0 : i32
          %dma_start3A_211 = tpu.memref_slice %arg16[%dma_start3A_209, %dma_start3A_210] : memref<10000x128xf32, #tpu.memory_space<vmem_shared>> -> memref<10000x128xf32, #tpu.memory_space<vmem_shared>>
          tpu.enqueue_indirect_dma source(%arg23 : memref<80x128xf32, #tpu.memory_space<vmem>>) target(%dma_start3A_211 : memref<10000x128xf32, #tpu.memory_space<vmem_shared>>) offsets(%arg22 : memref<80xi32, #tpu.memory_space<vmem>>) semaphore(%run_scoped3A : memref<!tpu.dma_semaphore, #tpu.memory_space<semaphore_mem>>) {add = true}
          %dma_wait3A_212 = arith.constant 0 : i32
          %dma_wait3A_213 = arith.constant 0 : i32
          %dma_wait3A_214 = tpu.memref_slice %arg16[%dma_wait3A_212, %dma_wait3A_213] : memref<10000x128xf32, #tpu.memory_space<vmem_shared>> -> memref<10000x128xf32, #tpu.memory_space<vmem_shared>>
          tpu.wait_indirect_dma semaphore(%run_scoped3A : memref<!tpu.dma_semaphore, #tpu.memory_space<semaphore_mem>>) src(%arg23 : memref<80x128xf32, #tpu.memory_space<vmem>>) dst(%dma_wait3A_214 : memref<10000x128xf32, #tpu.memory_space<vmem_shared>>)
          tpu.yield
        }) : () -> ()
        %add3A_203 = arith.constant 3 : i32
        %add3A_204 = arith.addi %mul3A_138, %add3A_203 : i32
        %lt3A = arith.constant 125 : i32
        %lt3A_205 = arith.cmpi slt, %add3A_204, %lt3A : i32
        %convert_element_type3A_206 = arith.extui %lt3A_205 : i1 to i32
        %cond3A_207 = arith.constant 0 : i32
        %cond3A_208 = arith.cmpi ne, %convert_element_type3A_206, %cond3A_207 : i32
        scf.if %cond3A_208 {
          %add3A_209 = arith.constant 3 : i32
          %add3A_210 = arith.addi %mul3A_138, %add3A_209 : i32
          %mul3A_211 = arith.constant 80 : i32
          %mul3A_212 = arith.muli %add3A_210, %mul3A_211 : i32
          %add3A_213 = arith.addi %mul3A_84, %mul3A_212 : i32
          %multiple_of3A_214 = tpu.assume_multiple %add3A_213, 8 : i32
          %dma_start3A_215 = tpu.memref_slice %arg4[%multiple_of3A_214] : memref<160000xi32, #tpu.memory_space<hbm>> -> memref<80xi32, #tpu.memory_space<hbm>>
          %dma_start3A_216 = tpu.memref_slice %arg4[%multiple_of3A_214] : memref<160000xi32, #tpu.memory_space<hbm>> -> memref<80xi32, #tpu.memory_space<hbm>>
          tpu.enqueue_dma source(%dma_start3A_216 : memref<80xi32, #tpu.memory_space<hbm>>) target(%arg21 : memref<80xi32, #tpu.memory_space<vmem>>) target_semaphore(%arg26 : memref<!tpu.dma_semaphore, #tpu.memory_space<semaphore_mem>>)
          %dma_start3A_217 = tpu.memref_slice %arg5[%multiple_of3A_214] : memref<160000xi32, #tpu.memory_space<hbm>> -> memref<80xi32, #tpu.memory_space<hbm>>
          %dma_start3A_218 = tpu.memref_slice %arg5[%multiple_of3A_214] : memref<160000xi32, #tpu.memory_space<hbm>> -> memref<80xi32, #tpu.memory_space<hbm>>
          tpu.enqueue_dma source(%dma_start3A_218 : memref<80xi32, #tpu.memory_space<hbm>>) target(%arg22 : memref<80xi32, #tpu.memory_space<vmem>>) target_semaphore(%arg26 : memref<!tpu.dma_semaphore, #tpu.memory_space<semaphore_mem>>)
          %dma_start3A_219 = arith.constant 0 : i32
          %dma_start3A_220 = tpu.memref_slice %arg3[%multiple_of3A_214, %dma_start3A_219] : memref<160000x128xf32, #tpu.memory_space<hbm>> -> memref<80x128xf32, #tpu.memory_space<hbm>>
          %dma_start3A_221 = arith.constant 0 : i32
          %dma_start3A_222 = tpu.memref_slice %arg3[%multiple_of3A_214, %dma_start3A_221] : memref<160000x128xf32, #tpu.memory_space<hbm>> -> memref<80x128xf32, #tpu.memory_space<hbm>>
          tpu.enqueue_dma source(%dma_start3A_222 : memref<80x128xf32, #tpu.memory_space<hbm>>) target(%arg24 : memref<80x128xf32, #tpu.memory_space<vmem>>) target_semaphore(%arg26 : memref<!tpu.dma_semaphore, #tpu.memory_space<semaphore_mem>>)
        } else {
        }
      }
      %scan3A_123 = arith.constant 62 : i32
      %dma_wait3A_124 = arith.constant 0 : i32
      %dma_wait3A_125 = arith.constant 0 : i32
      %dma_wait3A_126 = tpu.memref_slice %arg2[%dma_wait3A_124, %dma_wait3A_125] : memref<10000x128xf32, #tpu.memory_space<hbm>> -> memref<10000x128xf32, #tpu.memory_space<hbm>>
      tpu.wait_indirect_dma semaphore(%arg27 : memref<!tpu.dma_semaphore, #tpu.memory_space<semaphore_mem>>) src(%dma_wait3A_126 : memref<10000x128xf32, #tpu.memory_space<hbm>>) dst(%arg19 : memref<80x128xf32, #tpu.memory_space<vmem>>)
      %scan3A_127 = arith.constant 0 : i32
      %scan3A_128 = arith.constant 80 : i32
      %scan3A_129 = arith.addi %scan3A_127, %scan3A_128 : i32
      %scan3A_130 = arith.constant 1 : i32
      scf.for %scan3A_132 = %scan3A_127 to %scan3A_129 step %scan3A_130  : i32 {
        %mul3A_133 = arith.constant 1 : i32
        %mul3A_134 = arith.muli %scan3A_132, %mul3A_133 : i32
        %add3A_135 = arith.constant 0 : i32
        %add3A_136 = arith.addi %add3A_135, %mul3A_134 : i32
        %get3A = arith.index_cast %add3A_136 : i32 to index
        %get3A_137 = arith.constant 0 : index
        %get3A_138 = tpu.vector_load %arg19[%get3A, %get3A_137] {strides = array<i32>} : memref<80x128xf32, #tpu.memory_space<vmem>>, vector<1x16xf32>,
        %get3A_139 = vector.shape_cast %get3A_138 : vector<1x16xf32> to vector<16xf32>
        %get3A_140 = arith.index_cast %add3A_136 : i32 to index
        %get3A_141 = arith.constant 0 : index
        %get3A_142 = tpu.vector_load %arg20[%get3A_140, %get3A_141] {strides = array<i32>} : memref<80x128xf32, #tpu.memory_space<vmem>>, vector<1x16xf32>,
        %get3A_143 = vector.shape_cast %get3A_142 : vector<1x16xf32> to vector<16xf32>
        %add3A_144 = arith.addf %get3A_139, %get3A_143 : vector<16xf32>
        %max3A = arith.constant 0.000000e+00 : f32
        %max3A_145 = vector.broadcast %max3A : f32 to vector<16xf32>
        %max3A_146 = arith.maximumf %add3A_144, %max3A_145 : vector<16xf32>
        %swap3A = arith.index_cast %add3A_136 : i32 to index
        %swap3A_147 = arith.constant 0 : index
        %swap3A_148 = tpu.vector_load %arg19[%swap3A, %swap3A_147] {strides = array<i32>} : memref<80x128xf32, #tpu.memory_space<vmem>>, vector<1x16xf32>,
        %swap3A_149 = vector.shape_cast %swap3A_148 : vector<1x16xf32> to vector<16xf32>
        %swap3A_150 = vector.shape_cast %max3A_146 : vector<16xf32> to vector<1x16xf32>
        tpu.vector_store %arg19[%swap3A, %swap3A_147], %swap3A_150 {strides = array<i32>} : memref<80x128xf32, #tpu.memory_space<vmem>>, vector<1x16xf32>,
        %get3A_151 = arith.index_cast %add3A_136 : i32 to index
        %get3A_152 = arith.constant 16 : index
        %get3A_153 = tpu.vector_load %arg19[%get3A_151, %get3A_152] {strides = array<i32>} : memref<80x128xf32, #tpu.memory_space<vmem>>, vector<1x16xf32>,
        %get3A_154 = vector.shape_cast %get3A_153 : vector<1x16xf32> to vector<16xf32>
        %get3A_155 = arith.index_cast %add3A_136 : i32 to index
        %get3A_156 = arith.constant 16 : index
        %get3A_157 = tpu.vector_load %arg20[%get3A_155, %get3A_156] {strides = array<i32>} : memref<80x128xf32, #tpu.memory_space<vmem>>, vector<1x16xf32>,
        %get3A_158 = vector.shape_cast %get3A_157 : vector<1x16xf32> to vector<16xf32>
        %add3A_159 = arith.addf %get3A_154, %get3A_158 : vector<16xf32>
        %max3A_160 = arith.constant 0.000000e+00 : f32
        %max3A_161 = vector.broadcast %max3A_160 : f32 to vector<16xf32>
        %max3A_162 = arith.maximumf %add3A_159, %max3A_161 : vector<16xf32>
        %swap3A_163 = arith.index_cast %add3A_136 : i32 to index
        %swap3A_164 = arith.constant 16 : index
        %swap3A_165 = tpu.vector_load %arg19[%swap3A_163, %swap3A_164] {strides = array<i32>} : memref<80x128xf32, #tpu.memory_space<vmem>>, vector<1x16xf32>,
        %swap3A_166 = vector.shape_cast %swap3A_165 : vector<1x16xf32> to vector<16xf32>
        %swap3A_167 = vector.shape_cast %max3A_162 : vector<16xf32> to vector<1x16xf32>
        tpu.vector_store %arg19[%swap3A_163, %swap3A_164], %swap3A_167 {strides = array<i32>} : memref<80x128xf32, #tpu.memory_space<vmem>>, vector<1x16xf32>,
        %get3A_168 = arith.index_cast %add3A_136 : i32 to index
        %get3A_169 = arith.constant 32 : index
        %get3A_170 = tpu.vector_load %arg19[%get3A_168, %get3A_169] {strides = array<i32>} : memref<80x128xf32, #tpu.memory_space<vmem>>, vector<1x16xf32>,
        %get3A_171 = vector.shape_cast %get3A_170 : vector<1x16xf32> to vector<16xf32>
        %get3A_172 = arith.index_cast %add3A_136 : i32 to index
        %get3A_173 = arith.constant 32 : index
        %get3A_174 = tpu.vector_load %arg20[%get3A_172, %get3A_173] {strides = array<i32>} : memref<80x128xf32, #tpu.memory_space<vmem>>, vector<1x16xf32>,
        %get3A_175 = vector.shape_cast %get3A_174 : vector<1x16xf32> to vector<16xf32>
        %add3A_176 = arith.addf %get3A_171, %get3A_175 : vector<16xf32>
        %max3A_177 = arith.constant 0.000000e+00 : f32
        %max3A_178 = vector.broadcast %max3A_177 : f32 to vector<16xf32>
        %max3A_179 = arith.maximumf %add3A_176, %max3A_178 : vector<16xf32>
        %swap3A_180 = arith.index_cast %add3A_136 : i32 to index
        %swap3A_181 = arith.constant 32 : index
        %swap3A_182 = tpu.vector_load %arg19[%swap3A_180, %swap3A_181] {strides = array<i32>} : memref<80x128xf32, #tpu.memory_space<vmem>>, vector<1x16xf32>,
        %swap3A_183 = vector.shape_cast %swap3A_182 : vector<1x16xf32> to vector<16xf32>
        %swap3A_184 = vector.shape_cast %max3A_179 : vector<16xf32> to vector<1x16xf32>
        tpu.vector_store %arg19[%swap3A_180, %swap3A_181], %swap3A_184 {strides = array<i32>} : memref<80x128xf32, #tpu.memory_space<vmem>>, vector<1x16xf32>,
        %get3A_185 = arith.index_cast %add3A_136 : i32 to index
        %get3A_186 = arith.constant 48 : index
        %get3A_187 = tpu.vector_load %arg19[%get3A_185, %get3A_186] {strides = array<i32>} : memref<80x128xf32, #tpu.memory_space<vmem>>, vector<1x16xf32>,
        %get3A_188 = vector.shape_cast %get3A_187 : vector<1x16xf32> to vector<16xf32>
        %get3A_189 = arith.index_cast %add3A_136 : i32 to index
        %get3A_190 = arith.constant 48 : index
        %get3A_191 = tpu.vector_load %arg20[%get3A_189, %get3A_190] {strides = array<i32>} : memref<80x128xf32, #tpu.memory_space<vmem>>, vector<1x16xf32>,
        %get3A_192 = vector.shape_cast %get3A_191 : vector<1x16xf32> to vector<16xf32>
        %add3A_193 = arith.addf %get3A_188, %get3A_192 : vector<16xf32>
        %max3A_194 = arith.constant 0.000000e+00 : f32
        %max3A_195 = vector.broadcast %max3A_194 : f32 to vector<16xf32>
        %max3A_196 = arith.maximumf %add3A_193, %max3A_195 : vector<16xf32>
        %swap3A_197 = arith.index_cast %add3A_136 : i32 to index
        %swap3A_198 = arith.constant 48 : index
        %swap3A_199 = tpu.vector_load %arg19[%swap3A_197, %swap3A_198] {strides = array<i32>} : memref<80x128xf32, #tpu.memory_space<vmem>>, vector<1x16xf32>,
        %swap3A_200 = vector.shape_cast %swap3A_199 : vector<1x16xf32> to vector<16xf32>
        %swap3A_201 = vector.shape_cast %max3A_196 : vector<16xf32> to vector<1x16xf32>
        tpu.vector_store %arg19[%swap3A_197, %swap3A_198], %swap3A_201 {strides = array<i32>} : memref<80x128xf32, #tpu.memory_space<vmem>>, vector<1x16xf32>,
        %get3A_202 = arith.index_cast %add3A_136 : i32 to index
        %get3A_203 = arith.constant 64 : index
        %get3A_204 = tpu.vector_load %arg19[%get3A_202, %get3A_203] {strides = array<i32>} : memref<80x128xf32, #tpu.memory_space<vmem>>, vector<1x16xf32>,
        %get3A_205 = vector.shape_cast %get3A_204 : vector<1x16xf32> to vector<16xf32>
        %get3A_206 = arith.index_cast %add3A_136 : i32 to index
        %get3A_207 = arith.constant 64 : index
        %get3A_208 = tpu.vector_load %arg20[%get3A_206, %get3A_207] {strides = array<i32>} : memref<80x128xf32, #tpu.memory_space<vmem>>, vector<1x16xf32>,
        %get3A_209 = vector.shape_cast %get3A_208 : vector<1x16xf32> to vector<16xf32>
        %add3A_210 = arith.addf %get3A_205, %get3A_209 : vector<16xf32>
        %max3A_211 = arith.constant 0.000000e+00 : f32
        %max3A_212 = vector.broadcast %max3A_211 : f32 to vector<16xf32>
        %max3A_213 = arith.maximumf %add3A_210, %max3A_212 : vector<16xf32>
        %swap3A_214 = arith.index_cast %add3A_136 : i32 to index
        %swap3A_215 = arith.constant 64 : index
        %swap3A_216 = tpu.vector_load %arg19[%swap3A_214, %swap3A_215] {strides = array<i32>} : memref<80x128xf32, #tpu.memory_space<vmem>>, vector<1x16xf32>,
        %swap3A_217 = vector.shape_cast %swap3A_216 : vector<1x16xf32> to vector<16xf32>
        %swap3A_218 = vector.shape_cast %max3A_213 : vector<16xf32> to vector<1x16xf32>
        tpu.vector_store %arg19[%swap3A_214, %swap3A_215], %swap3A_218 {strides = array<i32>} : memref<80x128xf32, #tpu.memory_space<vmem>>, vector<1x16xf32>,
        %get3A_219 = arith.index_cast %add3A_136 : i32 to index
        %get3A_220 = arith.constant 80 : index
        %get3A_221 = tpu.vector_load %arg19[%get3A_219, %get3A_220] {strides = array<i32>} : memref<80x128xf32, #tpu.memory_space<vmem>>, vector<1x16xf32>,
        %get3A_222 = vector.shape_cast %get3A_221 : vector<1x16xf32> to vector<16xf32>
        %get3A_223 = arith.index_cast %add3A_136 : i32 to index
        %get3A_224 = arith.constant 80 : index
        %get3A_225 = tpu.vector_load %arg20[%get3A_223, %get3A_224] {strides = array<i32>} : memref<80x128xf32, #tpu.memory_space<vmem>>, vector<1x16xf32>,
        %get3A_226 = vector.shape_cast %get3A_225 : vector<1x16xf32> to vector<16xf32>
        %add3A_227 = arith.addf %get3A_222, %get3A_226 : vector<16xf32>
        %max3A_228 = arith.constant 0.000000e+00 : f32
        %max3A_229 = vector.broadcast %max3A_228 : f32 to vector<16xf32>
        %max3A_230 = arith.maximumf %add3A_227, %max3A_229 : vector<16xf32>
        %swap3A_231 = arith.index_cast %add3A_136 : i32 to index
        %swap3A_232 = arith.constant 80 : index
        %swap3A_233 = tpu.vector_load %arg19[%swap3A_231, %swap3A_232] {strides = array<i32>} : memref<80x128xf32, #tpu.memory_space<vmem>>, vector<1x16xf32>,
        %swap3A_234 = vector.shape_cast %swap3A_233 : vector<1x16xf32> to vector<16xf32>
        %swap3A_235 = vector.shape_cast %max3A_230 : vector<16xf32> to vector<1x16xf32>
        tpu.vector_store %arg19[%swap3A_231, %swap3A_232], %swap3A_235 {strides = array<i32>} : memref<80x128xf32, #tpu.memory_space<vmem>>, vector<1x16xf32>,
        %get3A_236 = arith.index_cast %add3A_136 : i32 to index
        %get3A_237 = arith.constant 96 : index
        %get3A_238 = tpu.vector_load %arg19[%get3A_236, %get3A_237] {strides = array<i32>} : memref<80x128xf32, #tpu.memory_space<vmem>>, vector<1x16xf32>,
        %get3A_239 = vector.shape_cast %get3A_238 : vector<1x16xf32> to vector<16xf32>
        %get3A_240 = arith.index_cast %add3A_136 : i32 to index
        %get3A_241 = arith.constant 96 : index
        %get3A_242 = tpu.vector_load %arg20[%get3A_240, %get3A_241] {strides = array<i32>} : memref<80x128xf32, #tpu.memory_space<vmem>>, vector<1x16xf32>,
        %get3A_243 = vector.shape_cast %get3A_242 : vector<1x16xf32> to vector<16xf32>
        %add3A_244 = arith.addf %get3A_239, %get3A_243 : vector<16xf32>
        %max3A_245 = arith.constant 0.000000e+00 : f32
        %max3A_246 = vector.broadcast %max3A_245 : f32 to vector<16xf32>
        %max3A_247 = arith.maximumf %add3A_244, %max3A_246 : vector<16xf32>
        %swap3A_248 = arith.index_cast %add3A_136 : i32 to index
        %swap3A_249 = arith.constant 96 : index
        %swap3A_250 = tpu.vector_load %arg19[%swap3A_248, %swap3A_249] {strides = array<i32>} : memref<80x128xf32, #tpu.memory_space<vmem>>, vector<1x16xf32>,
        %swap3A_251 = vector.shape_cast %swap3A_250 : vector<1x16xf32> to vector<16xf32>
        %swap3A_252 = vector.shape_cast %max3A_247 : vector<16xf32> to vector<1x16xf32>
        tpu.vector_store %arg19[%swap3A_248, %swap3A_249], %swap3A_252 {strides = array<i32>} : memref<80x128xf32, #tpu.memory_space<vmem>>, vector<1x16xf32>,
        %get3A_253 = arith.index_cast %add3A_136 : i32 to index
        %get3A_254 = arith.constant 112 : index
        %get3A_255 = tpu.vector_load %arg19[%get3A_253, %get3A_254] {strides = array<i32>} : memref<80x128xf32, #tpu.memory_space<vmem>>, vector<1x16xf32>,
        %get3A_256 = vector.shape_cast %get3A_255 : vector<1x16xf32> to vector<16xf32>
        %get3A_257 = arith.index_cast %add3A_136 : i32 to index
        %get3A_258 = arith.constant 112 : index
        %get3A_259 = tpu.vector_load %arg20[%get3A_257, %get3A_258] {strides = array<i32>} : memref<80x128xf32, #tpu.memory_space<vmem>>, vector<1x16xf32>,
        %get3A_260 = vector.shape_cast %get3A_259 : vector<1x16xf32> to vector<16xf32>
        %add3A_261 = arith.addf %get3A_256, %get3A_260 : vector<16xf32>
        %max3A_262 = arith.constant 0.000000e+00 : f32
        %max3A_263 = vector.broadcast %max3A_262 : f32 to vector<16xf32>
        %max3A_264 = arith.maximumf %add3A_261, %max3A_263 : vector<16xf32>
        %swap3A_265 = arith.index_cast %add3A_136 : i32 to index
        %swap3A_266 = arith.constant 112 : index
        %swap3A_267 = tpu.vector_load %arg19[%swap3A_265, %swap3A_266] {strides = array<i32>} : memref<80x128xf32, #tpu.memory_space<vmem>>, vector<1x16xf32>,
        %swap3A_268 = vector.shape_cast %swap3A_267 : vector<1x16xf32> to vector<16xf32>
        %swap3A_269 = vector.shape_cast %max3A_264 : vector<16xf32> to vector<1x16xf32>
        tpu.vector_store %arg19[%swap3A_265, %swap3A_266], %swap3A_269 {strides = array<i32>} : memref<80x128xf32, #tpu.memory_space<vmem>>, vector<1x16xf32>,
      }
      %scan3A_131 = arith.constant 80 : i32
      "tpu.region"() ({
        %run_scoped3A = tpu.sem_alloc : memref<!tpu.dma_semaphore, #tpu.memory_space<semaphore_mem>>
        %dma_start3A_132 = arith.constant 0 : i32
        %dma_start3A_133 = arith.constant 0 : i32
        %dma_start3A_134 = tpu.memref_slice %arg16[%dma_start3A_132, %dma_start3A_133] : memref<10000x128xf32, #tpu.memory_space<vmem_shared>> -> memref<10000x128xf32, #tpu.memory_space<vmem_shared>>
        tpu.enqueue_indirect_dma source(%arg19 : memref<80x128xf32, #tpu.memory_space<vmem>>) target(%dma_start3A_134 : memref<10000x128xf32, #tpu.memory_space<vmem_shared>>) offsets(%arg18 : memref<80xi32, #tpu.memory_space<vmem>>) semaphore(%run_scoped3A : memref<!tpu.dma_semaphore, #tpu.memory_space<semaphore_mem>>) {add = true}
        %dma_wait3A_135 = arith.constant 0 : i32
        %dma_wait3A_136 = arith.constant 0 : i32
        %dma_wait3A_137 = tpu.memref_slice %arg16[%dma_wait3A_135, %dma_wait3A_136] : memref<10000x128xf32, #tpu.memory_space<vmem_shared>> -> memref<10000x128xf32, #tpu.memory_space<vmem_shared>>
        tpu.wait_indirect_dma semaphore(%run_scoped3A : memref<!tpu.dma_semaphore, #tpu.memory_space<semaphore_mem>>) src(%arg19 : memref<80x128xf32, #tpu.memory_space<vmem>>) dst(%dma_wait3A_137 : memref<10000x128xf32, #tpu.memory_space<vmem_shared>>)
        tpu.yield
      }) : () -> ()
    } else {
    }
    %eq3A_23 = arith.constant 1 : i32
    %eq3A_24 = arith.cmpi eq, %arg0, %eq3A_23 : i32
    %convert_element_type3A_25 = arith.extui %eq3A_24 : i1 to i32
    %cond3A_26 = arith.constant 0 : i32
    %cond3A_27 = arith.cmpi ne, %convert_element_type3A_25, %cond3A_26 : i32
    scf.if %cond3A_27 {
      %mul3A_83 = arith.constant 10000 : i32
      %mul3A_84 = arith.muli %arg1, %mul3A_83 : i32
      %add3A_85 = arith.constant 0 : i32
      %add3A_86 = arith.addi %mul3A_84, %add3A_85 : i32
      %multiple_of3A_87 = tpu.assume_multiple %add3A_86, 8 : i32
      %dma_start3A = tpu.memref_slice %arg8[%multiple_of3A_87] : memref<160000xi32, #tpu.memory_space<hbm>> -> memref<80xi32, #tpu.memory_space<hbm>>
      %dma_start3A_88 = tpu.memref_slice %arg8[%multiple_of3A_87] : memref<160000xi32, #tpu.memory_space<hbm>> -> memref<80xi32, #tpu.memory_space<hbm>>
      tpu.enqueue_dma source(%dma_start3A_88 : memref<80xi32, #tpu.memory_space<hbm>>) target(%arg17 : memref<80xi32, #tpu.memory_space<vmem>>) target_semaphore(%arg25 : memref<!tpu.dma_semaphore, #tpu.memory_space<semaphore_mem>>)
      %dma_start3A_89 = tpu.memref_slice %arg9[%multiple_of3A_87] : memref<160000xi32, #tpu.memory_space<hbm>> -> memref<80xi32, #tpu.memory_space<hbm>>
      %dma_start3A_90 = tpu.memref_slice %arg9[%multiple_of3A_87] : memref<160000xi32, #tpu.memory_space<hbm>> -> memref<80xi32, #tpu.memory_space<hbm>>
      tpu.enqueue_dma source(%dma_start3A_90 : memref<80xi32, #tpu.memory_space<hbm>>) target(%arg18 : memref<80xi32, #tpu.memory_space<vmem>>) target_semaphore(%arg25 : memref<!tpu.dma_semaphore, #tpu.memory_space<semaphore_mem>>)
      %dma_start3A_91 = arith.constant 0 : i32
      %dma_start3A_92 = tpu.memref_slice %arg7[%multiple_of3A_87, %dma_start3A_91] : memref<160000x128xf32, #tpu.memory_space<hbm>> -> memref<80x128xf32, #tpu.memory_space<hbm>>
      %dma_start3A_93 = arith.constant 0 : i32
      %dma_start3A_94 = tpu.memref_slice %arg7[%multiple_of3A_87, %dma_start3A_93] : memref<160000x128xf32, #tpu.memory_space<hbm>> -> memref<80x128xf32, #tpu.memory_space<hbm>>
      tpu.enqueue_dma source(%dma_start3A_94 : memref<80x128xf32, #tpu.memory_space<hbm>>) target(%arg20 : memref<80x128xf32, #tpu.memory_space<vmem>>) target_semaphore(%arg25 : memref<!tpu.dma_semaphore, #tpu.memory_space<semaphore_mem>>)
      %add3A_95 = arith.constant 0 : i32
      %add3A_96 = arith.addi %mul3A_84, %add3A_95 : i32
      %multiple_of3A_97 = tpu.assume_multiple %add3A_96, 8 : i32
      %dma_wait3A = tpu.memref_slice %arg8[%multiple_of3A_97] : memref<160000xi32, #tpu.memory_space<hbm>> -> memref<80xi32, #tpu.memory_space<hbm>>
      %dma_wait3A_98 = tpu.memref_slice %arg8[%multiple_of3A_97] : memref<160000xi32, #tpu.memory_space<hbm>> -> memref<80xi32, #tpu.memory_space<hbm>>
      tpu.wait_dma2 semaphore(%arg25 : memref<!tpu.dma_semaphore, #tpu.memory_space<semaphore_mem>>) src(%dma_wait3A_98 : memref<80xi32, #tpu.memory_space<hbm>>) dst(%arg17 : memref<80xi32, #tpu.memory_space<vmem>>)
      %dma_wait3A_99 = tpu.memref_slice %arg9[%multiple_of3A_97] : memref<160000xi32, #tpu.memory_space<hbm>> -> memref<80xi32, #tpu.memory_space<hbm>>
      %dma_wait3A_100 = tpu.memref_slice %arg9[%multiple_of3A_97] : memref<160000xi32, #tpu.memory_space<hbm>> -> memref<80xi32, #tpu.memory_space<hbm>>
      tpu.wait_dma2 semaphore(%arg25 : memref<!tpu.dma_semaphore, #tpu.memory_space<semaphore_mem>>) src(%dma_wait3A_100 : memref<80xi32, #tpu.memory_space<hbm>>) dst(%arg18 : memref<80xi32, #tpu.memory_space<vmem>>)
      %dma_wait3A_101 = arith.constant 0 : i32
      %dma_wait3A_102 = tpu.memref_slice %arg7[%multiple_of3A_97, %dma_wait3A_101] : memref<160000x128xf32, #tpu.memory_space<hbm>> -> memref<80x128xf32, #tpu.memory_space<hbm>>
      %dma_wait3A_103 = arith.constant 0 : i32
      %dma_wait3A_104 = tpu.memref_slice %arg7[%multiple_of3A_97, %dma_wait3A_103] : memref<160000x128xf32, #tpu.memory_space<hbm>> -> memref<80x128xf32, #tpu.memory_space<hbm>>
      tpu.wait_dma2 semaphore(%arg25 : memref<!tpu.dma_semaphore, #tpu.memory_space<semaphore_mem>>) src(%dma_wait3A_104 : memref<80x128xf32, #tpu.memory_space<hbm>>) dst(%arg20 : memref<80x128xf32, #tpu.memory_space<vmem>>)
      %dma_start3A_105 = arith.constant 0 : i32
      %dma_start3A_106 = arith.constant 0 : i32
      %dma_start3A_107 = tpu.memref_slice %arg6[%dma_start3A_105, %dma_start3A_106] : memref<10000x128xf32, #tpu.memory_space<hbm>> -> memref<10000x128xf32, #tpu.memory_space<hbm>>
      tpu.enqueue_indirect_dma source(%dma_start3A_107 : memref<10000x128xf32, #tpu.memory_space<hbm>>) target(%arg19 : memref<80x128xf32, #tpu.memory_space<vmem>>) offsets(%arg17 : memref<80xi32, #tpu.memory_space<vmem>>) semaphore(%arg27 : memref<!tpu.dma_semaphore, #tpu.memory_space<semaphore_mem>>)
      %add3A_108 = arith.constant 80 : i32
      %add3A_109 = arith.addi %mul3A_84, %add3A_108 : i32
      %multiple_of3A_110 = tpu.assume_multiple %add3A_109, 8 : i32
      %dma_start3A_111 = tpu.memref_slice %arg8[%multiple_of3A_110] : memref<160000xi32, #tpu.memory_space<hbm>> -> memref<80xi32, #tpu.memory_space<hbm>>
      %dma_start3A_112 = tpu.memref_slice %arg8[%multiple_of3A_110] : memref<160000xi32, #tpu.memory_space<hbm>> -> memref<80xi32, #tpu.memory_space<hbm>>
      tpu.enqueue_dma source(%dma_start3A_112 : memref<80xi32, #tpu.memory_space<hbm>>) target(%arg21 : memref<80xi32, #tpu.memory_space<vmem>>) target_semaphore(%arg26 : memref<!tpu.dma_semaphore, #tpu.memory_space<semaphore_mem>>)
      %dma_start3A_113 = tpu.memref_slice %arg9[%multiple_of3A_110] : memref<160000xi32, #tpu.memory_space<hbm>> -> memref<80xi32, #tpu.memory_space<hbm>>
      %dma_start3A_114 = tpu.memref_slice %arg9[%multiple_of3A_110] : memref<160000xi32, #tpu.memory_space<hbm>> -> memref<80xi32, #tpu.memory_space<hbm>>
      tpu.enqueue_dma source(%dma_start3A_114 : memref<80xi32, #tpu.memory_space<hbm>>) target(%arg22 : memref<80xi32, #tpu.memory_space<vmem>>) target_semaphore(%arg26 : memref<!tpu.dma_semaphore, #tpu.memory_space<semaphore_mem>>)
      %dma_start3A_115 = arith.constant 0 : i32
      %dma_start3A_116 = tpu.memref_slice %arg7[%multiple_of3A_110, %dma_start3A_115] : memref<160000x128xf32, #tpu.memory_space<hbm>> -> memref<80x128xf32, #tpu.memory_space<hbm>>
      %dma_start3A_117 = arith.constant 0 : i32
      %dma_start3A_118 = tpu.memref_slice %arg7[%multiple_of3A_110, %dma_start3A_117] : memref<160000x128xf32, #tpu.memory_space<hbm>> -> memref<80x128xf32, #tpu.memory_space<hbm>>
      tpu.enqueue_dma source(%dma_start3A_118 : memref<80x128xf32, #tpu.memory_space<hbm>>) target(%arg24 : memref<80x128xf32, #tpu.memory_space<vmem>>) target_semaphore(%arg26 : memref<!tpu.dma_semaphore, #tpu.memory_space<semaphore_mem>>)
      %scan3A_119 = arith.constant 0 : i32
      %scan3A_120 = arith.constant 62 : i32
      %scan3A_121 = arith.addi %scan3A_119, %scan3A_120 : i32
      %scan3A_122 = arith.constant 1 : i32
      scf.for %scan3A_132 = %scan3A_119 to %scan3A_121 step %scan3A_122  : i32 {
        %mul3A_133 = arith.constant 1 : i32
        %mul3A_134 = arith.muli %scan3A_132, %mul3A_133 : i32
        %add3A_135 = arith.constant 0 : i32
        %add3A_136 = arith.addi %add3A_135, %mul3A_134 : i32
        %mul3A_137 = arith.constant 2 : i32
        %mul3A_138 = arith.muli %add3A_136, %mul3A_137 : i32
        %add3A_139 = arith.constant 1 : i32
        %add3A_140 = arith.addi %mul3A_138, %add3A_139 : i32
        %mul3A_141 = arith.constant 80 : i32
        %mul3A_142 = arith.muli %add3A_140, %mul3A_141 : i32
        %add3A_143 = arith.addi %mul3A_84, %mul3A_142 : i32
        %multiple_of3A_144 = tpu.assume_multiple %add3A_143, 8 : i32
        %dma_wait3A_145 = tpu.memref_slice %arg8[%multiple_of3A_144] : memref<160000xi32, #tpu.memory_space<hbm>> -> memref<80xi32, #tpu.memory_space<hbm>>
        %dma_wait3A_146 = tpu.memref_slice %arg8[%multiple_of3A_144] : memref<160000xi32, #tpu.memory_space<hbm>> -> memref<80xi32, #tpu.memory_space<hbm>>
        tpu.wait_dma2 semaphore(%arg26 : memref<!tpu.dma_semaphore, #tpu.memory_space<semaphore_mem>>) src(%dma_wait3A_146 : memref<80xi32, #tpu.memory_space<hbm>>) dst(%arg21 : memref<80xi32, #tpu.memory_space<vmem>>)
        %dma_wait3A_147 = tpu.memref_slice %arg9[%multiple_of3A_144] : memref<160000xi32, #tpu.memory_space<hbm>> -> memref<80xi32, #tpu.memory_space<hbm>>
        %dma_wait3A_148 = tpu.memref_slice %arg9[%multiple_of3A_144] : memref<160000xi32, #tpu.memory_space<hbm>> -> memref<80xi32, #tpu.memory_space<hbm>>
        tpu.wait_dma2 semaphore(%arg26 : memref<!tpu.dma_semaphore, #tpu.memory_space<semaphore_mem>>) src(%dma_wait3A_148 : memref<80xi32, #tpu.memory_space<hbm>>) dst(%arg22 : memref<80xi32, #tpu.memory_space<vmem>>)
        %dma_wait3A_149 = arith.constant 0 : i32
        %dma_wait3A_150 = tpu.memref_slice %arg7[%multiple_of3A_144, %dma_wait3A_149] : memref<160000x128xf32, #tpu.memory_space<hbm>> -> memref<80x128xf32, #tpu.memory_space<hbm>>
        %dma_wait3A_151 = arith.constant 0 : i32
        %dma_wait3A_152 = tpu.memref_slice %arg7[%multiple_of3A_144, %dma_wait3A_151] : memref<160000x128xf32, #tpu.memory_space<hbm>> -> memref<80x128xf32, #tpu.memory_space<hbm>>
        tpu.wait_dma2 semaphore(%arg26 : memref<!tpu.dma_semaphore, #tpu.memory_space<semaphore_mem>>) src(%dma_wait3A_152 : memref<80x128xf32, #tpu.memory_space<hbm>>) dst(%arg24 : memref<80x128xf32, #tpu.memory_space<vmem>>)
        %dma_start3A_153 = arith.constant 0 : i32
        %dma_start3A_154 = arith.constant 0 : i32
        %dma_start3A_155 = tpu.memref_slice %arg6[%dma_start3A_153, %dma_start3A_154] : memref<10000x128xf32, #tpu.memory_space<hbm>> -> memref<10000x128xf32, #tpu.memory_space<hbm>>
        tpu.enqueue_indirect_dma source(%dma_start3A_155 : memref<10000x128xf32, #tpu.memory_space<hbm>>) target(%arg23 : memref<80x128xf32, #tpu.memory_space<vmem>>) offsets(%arg21 : memref<80xi32, #tpu.memory_space<vmem>>) semaphore(%arg28 : memref<!tpu.dma_semaphore, #tpu.memory_space<semaphore_mem>>)
        %dma_wait3A_156 = arith.constant 0 : i32
        %dma_wait3A_157 = arith.constant 0 : i32
        %dma_wait3A_158 = tpu.memref_slice %arg6[%dma_wait3A_156, %dma_wait3A_157] : memref<10000x128xf32, #tpu.memory_space<hbm>> -> memref<10000x128xf32, #tpu.memory_space<hbm>>
        tpu.wait_indirect_dma semaphore(%arg27 : memref<!tpu.dma_semaphore, #tpu.memory_space<semaphore_mem>>) src(%dma_wait3A_158 : memref<10000x128xf32, #tpu.memory_space<hbm>>) dst(%arg19 : memref<80x128xf32, #tpu.memory_space<vmem>>)
        %scan3A_159 = arith.constant 0 : i32
        %scan3A_160 = arith.constant 80 : i32
        %scan3A_161 = arith.addi %scan3A_159, %scan3A_160 : i32
        %scan3A_162 = arith.constant 1 : i32
        scf.for %scan3A_209 = %scan3A_159 to %scan3A_161 step %scan3A_162  : i32 {
          %mul3A_210 = arith.constant 1 : i32
          %mul3A_211 = arith.muli %scan3A_209, %mul3A_210 : i32
          %add3A_212 = arith.constant 0 : i32
          %add3A_213 = arith.addi %add3A_212, %mul3A_211 : i32
          %get3A = arith.index_cast %add3A_213 : i32 to index
          %get3A_214 = arith.constant 0 : index
          %get3A_215 = tpu.vector_load %arg19[%get3A, %get3A_214] {strides = array<i32>} : memref<80x128xf32, #tpu.memory_space<vmem>>, vector<1x16xf32>,
          %get3A_216 = vector.shape_cast %get3A_215 : vector<1x16xf32> to vector<16xf32>
          %get3A_217 = arith.index_cast %add3A_213 : i32 to index
          %get3A_218 = arith.constant 0 : index
          %get3A_219 = tpu.vector_load %arg20[%get3A_217, %get3A_218] {strides = array<i32>} : memref<80x128xf32, #tpu.memory_space<vmem>>, vector<1x16xf32>,
          %get3A_220 = vector.shape_cast %get3A_219 : vector<1x16xf32> to vector<16xf32>
          %add3A_221 = arith.addf %get3A_216, %get3A_220 : vector<16xf32>
          %max3A = arith.constant 0.000000e+00 : f32
          %max3A_222 = vector.broadcast %max3A : f32 to vector<16xf32>
          %max3A_223 = arith.maximumf %add3A_221, %max3A_222 : vector<16xf32>
          %swap3A = arith.index_cast %add3A_213 : i32 to index
          %swap3A_224 = arith.constant 0 : index
          %swap3A_225 = tpu.vector_load %arg19[%swap3A, %swap3A_224] {strides = array<i32>} : memref<80x128xf32, #tpu.memory_space<vmem>>, vector<1x16xf32>,
          %swap3A_226 = vector.shape_cast %swap3A_225 : vector<1x16xf32> to vector<16xf32>
          %swap3A_227 = vector.shape_cast %max3A_223 : vector<16xf32> to vector<1x16xf32>
          tpu.vector_store %arg19[%swap3A, %swap3A_224], %swap3A_227 {strides = array<i32>} : memref<80x128xf32, #tpu.memory_space<vmem>>, vector<1x16xf32>,
          %get3A_228 = arith.index_cast %add3A_213 : i32 to index
          %get3A_229 = arith.constant 16 : index
          %get3A_230 = tpu.vector_load %arg19[%get3A_228, %get3A_229] {strides = array<i32>} : memref<80x128xf32, #tpu.memory_space<vmem>>, vector<1x16xf32>,
          %get3A_231 = vector.shape_cast %get3A_230 : vector<1x16xf32> to vector<16xf32>
          %get3A_232 = arith.index_cast %add3A_213 : i32 to index
          %get3A_233 = arith.constant 16 : index
          %get3A_234 = tpu.vector_load %arg20[%get3A_232, %get3A_233] {strides = array<i32>} : memref<80x128xf32, #tpu.memory_space<vmem>>, vector<1x16xf32>,
          %get3A_235 = vector.shape_cast %get3A_234 : vector<1x16xf32> to vector<16xf32>
          %add3A_236 = arith.addf %get3A_231, %get3A_235 : vector<16xf32>
          %max3A_237 = arith.constant 0.000000e+00 : f32
          %max3A_238 = vector.broadcast %max3A_237 : f32 to vector<16xf32>
          %max3A_239 = arith.maximumf %add3A_236, %max3A_238 : vector<16xf32>
          %swap3A_240 = arith.index_cast %add3A_213 : i32 to index
          %swap3A_241 = arith.constant 16 : index
          %swap3A_242 = tpu.vector_load %arg19[%swap3A_240, %swap3A_241] {strides = array<i32>} : memref<80x128xf32, #tpu.memory_space<vmem>>, vector<1x16xf32>,
          %swap3A_243 = vector.shape_cast %swap3A_242 : vector<1x16xf32> to vector<16xf32>
          %swap3A_244 = vector.shape_cast %max3A_239 : vector<16xf32> to vector<1x16xf32>
          tpu.vector_store %arg19[%swap3A_240, %swap3A_241], %swap3A_244 {strides = array<i32>} : memref<80x128xf32, #tpu.memory_space<vmem>>, vector<1x16xf32>,
          %get3A_245 = arith.index_cast %add3A_213 : i32 to index
          %get3A_246 = arith.constant 32 : index
          %get3A_247 = tpu.vector_load %arg19[%get3A_245, %get3A_246] {strides = array<i32>} : memref<80x128xf32, #tpu.memory_space<vmem>>, vector<1x16xf32>,
          %get3A_248 = vector.shape_cast %get3A_247 : vector<1x16xf32> to vector<16xf32>
          %get3A_249 = arith.index_cast %add3A_213 : i32 to index
          %get3A_250 = arith.constant 32 : index
          %get3A_251 = tpu.vector_load %arg20[%get3A_249, %get3A_250] {strides = array<i32>} : memref<80x128xf32, #tpu.memory_space<vmem>>, vector<1x16xf32>,
          %get3A_252 = vector.shape_cast %get3A_251 : vector<1x16xf32> to vector<16xf32>
          %add3A_253 = arith.addf %get3A_248, %get3A_252 : vector<16xf32>
          %max3A_254 = arith.constant 0.000000e+00 : f32
          %max3A_255 = vector.broadcast %max3A_254 : f32 to vector<16xf32>
          %max3A_256 = arith.maximumf %add3A_253, %max3A_255 : vector<16xf32>
          %swap3A_257 = arith.index_cast %add3A_213 : i32 to index
          %swap3A_258 = arith.constant 32 : index
          %swap3A_259 = tpu.vector_load %arg19[%swap3A_257, %swap3A_258] {strides = array<i32>} : memref<80x128xf32, #tpu.memory_space<vmem>>, vector<1x16xf32>,
          %swap3A_260 = vector.shape_cast %swap3A_259 : vector<1x16xf32> to vector<16xf32>
          %swap3A_261 = vector.shape_cast %max3A_256 : vector<16xf32> to vector<1x16xf32>
          tpu.vector_store %arg19[%swap3A_257, %swap3A_258], %swap3A_261 {strides = array<i32>} : memref<80x128xf32, #tpu.memory_space<vmem>>, vector<1x16xf32>,
          %get3A_262 = arith.index_cast %add3A_213 : i32 to index
          %get3A_263 = arith.constant 48 : index
          %get3A_264 = tpu.vector_load %arg19[%get3A_262, %get3A_263] {strides = array<i32>} : memref<80x128xf32, #tpu.memory_space<vmem>>, vector<1x16xf32>,
          %get3A_265 = vector.shape_cast %get3A_264 : vector<1x16xf32> to vector<16xf32>
          %get3A_266 = arith.index_cast %add3A_213 : i32 to index
          %get3A_267 = arith.constant 48 : index
          %get3A_268 = tpu.vector_load %arg20[%get3A_266, %get3A_267] {strides = array<i32>} : memref<80x128xf32, #tpu.memory_space<vmem>>, vector<1x16xf32>,
          %get3A_269 = vector.shape_cast %get3A_268 : vector<1x16xf32> to vector<16xf32>
          %add3A_270 = arith.addf %get3A_265, %get3A_269 : vector<16xf32>
          %max3A_271 = arith.constant 0.000000e+00 : f32
          %max3A_272 = vector.broadcast %max3A_271 : f32 to vector<16xf32>
          %max3A_273 = arith.maximumf %add3A_270, %max3A_272 : vector<16xf32>
          %swap3A_274 = arith.index_cast %add3A_213 : i32 to index
          %swap3A_275 = arith.constant 48 : index
          %swap3A_276 = tpu.vector_load %arg19[%swap3A_274, %swap3A_275] {strides = array<i32>} : memref<80x128xf32, #tpu.memory_space<vmem>>, vector<1x16xf32>,
          %swap3A_277 = vector.shape_cast %swap3A_276 : vector<1x16xf32> to vector<16xf32>
          %swap3A_278 = vector.shape_cast %max3A_273 : vector<16xf32> to vector<1x16xf32>
          tpu.vector_store %arg19[%swap3A_274, %swap3A_275], %swap3A_278 {strides = array<i32>} : memref<80x128xf32, #tpu.memory_space<vmem>>, vector<1x16xf32>,
          %get3A_279 = arith.index_cast %add3A_213 : i32 to index
          %get3A_280 = arith.constant 64 : index
          %get3A_281 = tpu.vector_load %arg19[%get3A_279, %get3A_280] {strides = array<i32>} : memref<80x128xf32, #tpu.memory_space<vmem>>, vector<1x16xf32>,
          %get3A_282 = vector.shape_cast %get3A_281 : vector<1x16xf32> to vector<16xf32>
          %get3A_283 = arith.index_cast %add3A_213 : i32 to index
          %get3A_284 = arith.constant 64 : index
          %get3A_285 = tpu.vector_load %arg20[%get3A_283, %get3A_284] {strides = array<i32>} : memref<80x128xf32, #tpu.memory_space<vmem>>, vector<1x16xf32>,
          %get3A_286 = vector.shape_cast %get3A_285 : vector<1x16xf32> to vector<16xf32>
          %add3A_287 = arith.addf %get3A_282, %get3A_286 : vector<16xf32>
          %max3A_288 = arith.constant 0.000000e+00 : f32
          %max3A_289 = vector.broadcast %max3A_288 : f32 to vector<16xf32>
          %max3A_290 = arith.maximumf %add3A_287, %max3A_289 : vector<16xf32>
          %swap3A_291 = arith.index_cast %add3A_213 : i32 to index
          %swap3A_292 = arith.constant 64 : index
          %swap3A_293 = tpu.vector_load %arg19[%swap3A_291, %swap3A_292] {strides = array<i32>} : memref<80x128xf32, #tpu.memory_space<vmem>>, vector<1x16xf32>,
          %swap3A_294 = vector.shape_cast %swap3A_293 : vector<1x16xf32> to vector<16xf32>
          %swap3A_295 = vector.shape_cast %max3A_290 : vector<16xf32> to vector<1x16xf32>
          tpu.vector_store %arg19[%swap3A_291, %swap3A_292], %swap3A_295 {strides = array<i32>} : memref<80x128xf32, #tpu.memory_space<vmem>>, vector<1x16xf32>,
          %get3A_296 = arith.index_cast %add3A_213 : i32 to index
          %get3A_297 = arith.constant 80 : index
          %get3A_298 = tpu.vector_load %arg19[%get3A_296, %get3A_297] {strides = array<i32>} : memref<80x128xf32, #tpu.memory_space<vmem>>, vector<1x16xf32>,
          %get3A_299 = vector.shape_cast %get3A_298 : vector<1x16xf32> to vector<16xf32>
          %get3A_300 = arith.index_cast %add3A_213 : i32 to index
          %get3A_301 = arith.constant 80 : index
          %get3A_302 = tpu.vector_load %arg20[%get3A_300, %get3A_301] {strides = array<i32>} : memref<80x128xf32, #tpu.memory_space<vmem>>, vector<1x16xf32>,
          %get3A_303 = vector.shape_cast %get3A_302 : vector<1x16xf32> to vector<16xf32>
          %add3A_304 = arith.addf %get3A_299, %get3A_303 : vector<16xf32>
          %max3A_305 = arith.constant 0.000000e+00 : f32
          %max3A_306 = vector.broadcast %max3A_305 : f32 to vector<16xf32>
          %max3A_307 = arith.maximumf %add3A_304, %max3A_306 : vector<16xf32>
          %swap3A_308 = arith.index_cast %add3A_213 : i32 to index
          %swap3A_309 = arith.constant 80 : index
          %swap3A_310 = tpu.vector_load %arg19[%swap3A_308, %swap3A_309] {strides = array<i32>} : memref<80x128xf32, #tpu.memory_space<vmem>>, vector<1x16xf32>,
          %swap3A_311 = vector.shape_cast %swap3A_310 : vector<1x16xf32> to vector<16xf32>
          %swap3A_312 = vector.shape_cast %max3A_307 : vector<16xf32> to vector<1x16xf32>
          tpu.vector_store %arg19[%swap3A_308, %swap3A_309], %swap3A_312 {strides = array<i32>} : memref<80x128xf32, #tpu.memory_space<vmem>>, vector<1x16xf32>,
          %get3A_313 = arith.index_cast %add3A_213 : i32 to index
          %get3A_314 = arith.constant 96 : index
          %get3A_315 = tpu.vector_load %arg19[%get3A_313, %get3A_314] {strides = array<i32>} : memref<80x128xf32, #tpu.memory_space<vmem>>, vector<1x16xf32>,
          %get3A_316 = vector.shape_cast %get3A_315 : vector<1x16xf32> to vector<16xf32>
          %get3A_317 = arith.index_cast %add3A_213 : i32 to index
          %get3A_318 = arith.constant 96 : index
          %get3A_319 = tpu.vector_load %arg20[%get3A_317, %get3A_318] {strides = array<i32>} : memref<80x128xf32, #tpu.memory_space<vmem>>, vector<1x16xf32>,
          %get3A_320 = vector.shape_cast %get3A_319 : vector<1x16xf32> to vector<16xf32>
          %add3A_321 = arith.addf %get3A_316, %get3A_320 : vector<16xf32>
          %max3A_322 = arith.constant 0.000000e+00 : f32
          %max3A_323 = vector.broadcast %max3A_322 : f32 to vector<16xf32>
          %max3A_324 = arith.maximumf %add3A_321, %max3A_323 : vector<16xf32>
          %swap3A_325 = arith.index_cast %add3A_213 : i32 to index
          %swap3A_326 = arith.constant 96 : index
          %swap3A_327 = tpu.vector_load %arg19[%swap3A_325, %swap3A_326] {strides = array<i32>} : memref<80x128xf32, #tpu.memory_space<vmem>>, vector<1x16xf32>,
          %swap3A_328 = vector.shape_cast %swap3A_327 : vector<1x16xf32> to vector<16xf32>
          %swap3A_329 = vector.shape_cast %max3A_324 : vector<16xf32> to vector<1x16xf32>
          tpu.vector_store %arg19[%swap3A_325, %swap3A_326], %swap3A_329 {strides = array<i32>} : memref<80x128xf32, #tpu.memory_space<vmem>>, vector<1x16xf32>,
          %get3A_330 = arith.index_cast %add3A_213 : i32 to index
          %get3A_331 = arith.constant 112 : index
          %get3A_332 = tpu.vector_load %arg19[%get3A_330, %get3A_331] {strides = array<i32>} : memref<80x128xf32, #tpu.memory_space<vmem>>, vector<1x16xf32>,
          %get3A_333 = vector.shape_cast %get3A_332 : vector<1x16xf32> to vector<16xf32>
          %get3A_334 = arith.index_cast %add3A_213 : i32 to index
          %get3A_335 = arith.constant 112 : index
          %get3A_336 = tpu.vector_load %arg20[%get3A_334, %get3A_335] {strides = array<i32>} : memref<80x128xf32, #tpu.memory_space<vmem>>, vector<1x16xf32>,
          %get3A_337 = vector.shape_cast %get3A_336 : vector<1x16xf32> to vector<16xf32>
          %add3A_338 = arith.addf %get3A_333, %get3A_337 : vector<16xf32>
          %max3A_339 = arith.constant 0.000000e+00 : f32
          %max3A_340 = vector.broadcast %max3A_339 : f32 to vector<16xf32>
          %max3A_341 = arith.maximumf %add3A_338, %max3A_340 : vector<16xf32>
          %swap3A_342 = arith.index_cast %add3A_213 : i32 to index
          %swap3A_343 = arith.constant 112 : index
          %swap3A_344 = tpu.vector_load %arg19[%swap3A_342, %swap3A_343] {strides = array<i32>} : memref<80x128xf32, #tpu.memory_space<vmem>>, vector<1x16xf32>,
          %swap3A_345 = vector.shape_cast %swap3A_344 : vector<1x16xf32> to vector<16xf32>
          %swap3A_346 = vector.shape_cast %max3A_341 : vector<16xf32> to vector<1x16xf32>
          tpu.vector_store %arg19[%swap3A_342, %swap3A_343], %swap3A_346 {strides = array<i32>} : memref<80x128xf32, #tpu.memory_space<vmem>>, vector<1x16xf32>,
        }
        %scan3A_163 = arith.constant 80 : i32
        "tpu.region"() ({
          %run_scoped3A = tpu.sem_alloc : memref<!tpu.dma_semaphore, #tpu.memory_space<semaphore_mem>>
          %dma_start3A_209 = arith.constant 0 : i32
          %dma_start3A_210 = arith.constant 0 : i32
          %dma_start3A_211 = tpu.memref_slice %arg16[%dma_start3A_209, %dma_start3A_210] : memref<10000x128xf32, #tpu.memory_space<vmem_shared>> -> memref<10000x128xf32, #tpu.memory_space<vmem_shared>>
          tpu.enqueue_indirect_dma source(%arg19 : memref<80x128xf32, #tpu.memory_space<vmem>>) target(%dma_start3A_211 : memref<10000x128xf32, #tpu.memory_space<vmem_shared>>) offsets(%arg18 : memref<80xi32, #tpu.memory_space<vmem>>) semaphore(%run_scoped3A : memref<!tpu.dma_semaphore, #tpu.memory_space<semaphore_mem>>) {add = true}
          %dma_wait3A_212 = arith.constant 0 : i32
          %dma_wait3A_213 = arith.constant 0 : i32
          %dma_wait3A_214 = tpu.memref_slice %arg16[%dma_wait3A_212, %dma_wait3A_213] : memref<10000x128xf32, #tpu.memory_space<vmem_shared>> -> memref<10000x128xf32, #tpu.memory_space<vmem_shared>>
          tpu.wait_indirect_dma semaphore(%run_scoped3A : memref<!tpu.dma_semaphore, #tpu.memory_space<semaphore_mem>>) src(%arg19 : memref<80x128xf32, #tpu.memory_space<vmem>>) dst(%dma_wait3A_214 : memref<10000x128xf32, #tpu.memory_space<vmem_shared>>)
          tpu.yield
        }) : () -> ()
        %add3A_164 = arith.constant 2 : i32
        %add3A_165 = arith.addi %mul3A_138, %add3A_164 : i32
        %mul3A_166 = arith.constant 80 : i32
        %mul3A_167 = arith.muli %add3A_165, %mul3A_166 : i32
        %add3A_168 = arith.addi %mul3A_84, %mul3A_167 : i32
        %multiple_of3A_169 = tpu.assume_multiple %add3A_168, 8 : i32
        %dma_start3A_170 = tpu.memref_slice %arg8[%multiple_of3A_169] : memref<160000xi32, #tpu.memory_space<hbm>> -> memref<80xi32, #tpu.memory_space<hbm>>
        %dma_start3A_171 = tpu.memref_slice %arg8[%multiple_of3A_169] : memref<160000xi32, #tpu.memory_space<hbm>> -> memref<80xi32, #tpu.memory_space<hbm>>
        tpu.enqueue_dma source(%dma_start3A_171 : memref<80xi32, #tpu.memory_space<hbm>>) target(%arg17 : memref<80xi32, #tpu.memory_space<vmem>>) target_semaphore(%arg25 : memref<!tpu.dma_semaphore, #tpu.memory_space<semaphore_mem>>)
        %dma_start3A_172 = tpu.memref_slice %arg9[%multiple_of3A_169] : memref<160000xi32, #tpu.memory_space<hbm>> -> memref<80xi32, #tpu.memory_space<hbm>>
        %dma_start3A_173 = tpu.memref_slice %arg9[%multiple_of3A_169] : memref<160000xi32, #tpu.memory_space<hbm>> -> memref<80xi32, #tpu.memory_space<hbm>>
        tpu.enqueue_dma source(%dma_start3A_173 : memref<80xi32, #tpu.memory_space<hbm>>) target(%arg18 : memref<80xi32, #tpu.memory_space<vmem>>) target_semaphore(%arg25 : memref<!tpu.dma_semaphore, #tpu.memory_space<semaphore_mem>>)
        %dma_start3A_174 = arith.constant 0 : i32
        %dma_start3A_175 = tpu.memref_slice %arg7[%multiple_of3A_169, %dma_start3A_174] : memref<160000x128xf32, #tpu.memory_space<hbm>> -> memref<80x128xf32, #tpu.memory_space<hbm>>
        %dma_start3A_176 = arith.constant 0 : i32
        %dma_start3A_177 = tpu.memref_slice %arg7[%multiple_of3A_169, %dma_start3A_176] : memref<160000x128xf32, #tpu.memory_space<hbm>> -> memref<80x128xf32, #tpu.memory_space<hbm>>
        tpu.enqueue_dma source(%dma_start3A_177 : memref<80x128xf32, #tpu.memory_space<hbm>>) target(%arg20 : memref<80x128xf32, #tpu.memory_space<vmem>>) target_semaphore(%arg25 : memref<!tpu.dma_semaphore, #tpu.memory_space<semaphore_mem>>)
        %add3A_178 = arith.constant 2 : i32
        %add3A_179 = arith.addi %mul3A_138, %add3A_178 : i32
        %mul3A_180 = arith.constant 80 : i32
        %mul3A_181 = arith.muli %add3A_179, %mul3A_180 : i32
        %add3A_182 = arith.addi %mul3A_84, %mul3A_181 : i32
        %multiple_of3A_183 = tpu.assume_multiple %add3A_182, 8 : i32
        %dma_wait3A_184 = tpu.memref_slice %arg8[%multiple_of3A_183] : memref<160000xi32, #tpu.memory_space<hbm>> -> memref<80xi32, #tpu.memory_space<hbm>>
        %dma_wait3A_185 = tpu.memref_slice %arg8[%multiple_of3A_183] : memref<160000xi32, #tpu.memory_space<hbm>> -> memref<80xi32, #tpu.memory_space<hbm>>
        tpu.wait_dma2 semaphore(%arg25 : memref<!tpu.dma_semaphore, #tpu.memory_space<semaphore_mem>>) src(%dma_wait3A_185 : memref<80xi32, #tpu.memory_space<hbm>>) dst(%arg17 : memref<80xi32, #tpu.memory_space<vmem>>)
        %dma_wait3A_186 = tpu.memref_slice %arg9[%multiple_of3A_183] : memref<160000xi32, #tpu.memory_space<hbm>> -> memref<80xi32, #tpu.memory_space<hbm>>
        %dma_wait3A_187 = tpu.memref_slice %arg9[%multiple_of3A_183] : memref<160000xi32, #tpu.memory_space<hbm>> -> memref<80xi32, #tpu.memory_space<hbm>>
        tpu.wait_dma2 semaphore(%arg25 : memref<!tpu.dma_semaphore, #tpu.memory_space<semaphore_mem>>) src(%dma_wait3A_187 : memref<80xi32, #tpu.memory_space<hbm>>) dst(%arg18 : memref<80xi32, #tpu.memory_space<vmem>>)
        %dma_wait3A_188 = arith.constant 0 : i32
        %dma_wait3A_189 = tpu.memref_slice %arg7[%multiple_of3A_183, %dma_wait3A_188] : memref<160000x128xf32, #tpu.memory_space<hbm>> -> memref<80x128xf32, #tpu.memory_space<hbm>>
        %dma_wait3A_190 = arith.constant 0 : i32
        %dma_wait3A_191 = tpu.memref_slice %arg7[%multiple_of3A_183, %dma_wait3A_190] : memref<160000x128xf32, #tpu.memory_space<hbm>> -> memref<80x128xf32, #tpu.memory_space<hbm>>
        tpu.wait_dma2 semaphore(%arg25 : memref<!tpu.dma_semaphore, #tpu.memory_space<semaphore_mem>>) src(%dma_wait3A_191 : memref<80x128xf32, #tpu.memory_space<hbm>>) dst(%arg20 : memref<80x128xf32, #tpu.memory_space<vmem>>)
        %dma_start3A_192 = arith.constant 0 : i32
        %dma_start3A_193 = arith.constant 0 : i32
        %dma_start3A_194 = tpu.memref_slice %arg6[%dma_start3A_192, %dma_start3A_193] : memref<10000x128xf32, #tpu.memory_space<hbm>> -> memref<10000x128xf32, #tpu.memory_space<hbm>>
        tpu.enqueue_indirect_dma source(%dma_start3A_194 : memref<10000x128xf32, #tpu.memory_space<hbm>>) target(%arg19 : memref<80x128xf32, #tpu.memory_space<vmem>>) offsets(%arg17 : memref<80xi32, #tpu.memory_space<vmem>>) semaphore(%arg27 : memref<!tpu.dma_semaphore, #tpu.memory_space<semaphore_mem>>)
        %dma_wait3A_195 = arith.constant 0 : i32
        %dma_wait3A_196 = arith.constant 0 : i32
        %dma_wait3A_197 = tpu.memref_slice %arg6[%dma_wait3A_195, %dma_wait3A_196] : memref<10000x128xf32, #tpu.memory_space<hbm>> -> memref<10000x128xf32, #tpu.memory_space<hbm>>
        tpu.wait_indirect_dma semaphore(%arg28 : memref<!tpu.dma_semaphore, #tpu.memory_space<semaphore_mem>>) src(%dma_wait3A_197 : memref<10000x128xf32, #tpu.memory_space<hbm>>) dst(%arg23 : memref<80x128xf32, #tpu.memory_space<vmem>>)
        %scan3A_198 = arith.constant 0 : i32
        %scan3A_199 = arith.constant 80 : i32
        %scan3A_200 = arith.addi %scan3A_198, %scan3A_199 : i32
        %scan3A_201 = arith.constant 1 : i32
        scf.for %scan3A_209 = %scan3A_198 to %scan3A_200 step %scan3A_201  : i32 {
          %mul3A_210 = arith.constant 1 : i32
          %mul3A_211 = arith.muli %scan3A_209, %mul3A_210 : i32
          %add3A_212 = arith.constant 0 : i32
          %add3A_213 = arith.addi %add3A_212, %mul3A_211 : i32
          %get3A = arith.index_cast %add3A_213 : i32 to index
          %get3A_214 = arith.constant 0 : index
          %get3A_215 = tpu.vector_load %arg23[%get3A, %get3A_214] {strides = array<i32>} : memref<80x128xf32, #tpu.memory_space<vmem>>, vector<1x16xf32>,
          %get3A_216 = vector.shape_cast %get3A_215 : vector<1x16xf32> to vector<16xf32>
          %get3A_217 = arith.index_cast %add3A_213 : i32 to index
          %get3A_218 = arith.constant 0 : index
          %get3A_219 = tpu.vector_load %arg24[%get3A_217, %get3A_218] {strides = array<i32>} : memref<80x128xf32, #tpu.memory_space<vmem>>, vector<1x16xf32>,
          %get3A_220 = vector.shape_cast %get3A_219 : vector<1x16xf32> to vector<16xf32>
          %add3A_221 = arith.addf %get3A_216, %get3A_220 : vector<16xf32>
          %max3A = arith.constant 0.000000e+00 : f32
          %max3A_222 = vector.broadcast %max3A : f32 to vector<16xf32>
          %max3A_223 = arith.maximumf %add3A_221, %max3A_222 : vector<16xf32>
          %swap3A = arith.index_cast %add3A_213 : i32 to index
          %swap3A_224 = arith.constant 0 : index
          %swap3A_225 = tpu.vector_load %arg23[%swap3A, %swap3A_224] {strides = array<i32>} : memref<80x128xf32, #tpu.memory_space<vmem>>, vector<1x16xf32>,
          %swap3A_226 = vector.shape_cast %swap3A_225 : vector<1x16xf32> to vector<16xf32>
          %swap3A_227 = vector.shape_cast %max3A_223 : vector<16xf32> to vector<1x16xf32>
          tpu.vector_store %arg23[%swap3A, %swap3A_224], %swap3A_227 {strides = array<i32>} : memref<80x128xf32, #tpu.memory_space<vmem>>, vector<1x16xf32>,
          %get3A_228 = arith.index_cast %add3A_213 : i32 to index
          %get3A_229 = arith.constant 16 : index
          %get3A_230 = tpu.vector_load %arg23[%get3A_228, %get3A_229] {strides = array<i32>} : memref<80x128xf32, #tpu.memory_space<vmem>>, vector<1x16xf32>,
          %get3A_231 = vector.shape_cast %get3A_230 : vector<1x16xf32> to vector<16xf32>
          %get3A_232 = arith.index_cast %add3A_213 : i32 to index
          %get3A_233 = arith.constant 16 : index
          %get3A_234 = tpu.vector_load %arg24[%get3A_232, %get3A_233] {strides = array<i32>} : memref<80x128xf32, #tpu.memory_space<vmem>>, vector<1x16xf32>,
          %get3A_235 = vector.shape_cast %get3A_234 : vector<1x16xf32> to vector<16xf32>
          %add3A_236 = arith.addf %get3A_231, %get3A_235 : vector<16xf32>
          %max3A_237 = arith.constant 0.000000e+00 : f32
          %max3A_238 = vector.broadcast %max3A_237 : f32 to vector<16xf32>
          %max3A_239 = arith.maximumf %add3A_236, %max3A_238 : vector<16xf32>
          %swap3A_240 = arith.index_cast %add3A_213 : i32 to index
          %swap3A_241 = arith.constant 16 : index
          %swap3A_242 = tpu.vector_load %arg23[%swap3A_240, %swap3A_241] {strides = array<i32>} : memref<80x128xf32, #tpu.memory_space<vmem>>, vector<1x16xf32>,
          %swap3A_243 = vector.shape_cast %swap3A_242 : vector<1x16xf32> to vector<16xf32>
          %swap3A_244 = vector.shape_cast %max3A_239 : vector<16xf32> to vector<1x16xf32>
          tpu.vector_store %arg23[%swap3A_240, %swap3A_241], %swap3A_244 {strides = array<i32>} : memref<80x128xf32, #tpu.memory_space<vmem>>, vector<1x16xf32>,
          %get3A_245 = arith.index_cast %add3A_213 : i32 to index
          %get3A_246 = arith.constant 32 : index
          %get3A_247 = tpu.vector_load %arg23[%get3A_245, %get3A_246] {strides = array<i32>} : memref<80x128xf32, #tpu.memory_space<vmem>>, vector<1x16xf32>,
          %get3A_248 = vector.shape_cast %get3A_247 : vector<1x16xf32> to vector<16xf32>
          %get3A_249 = arith.index_cast %add3A_213 : i32 to index
          %get3A_250 = arith.constant 32 : index
          %get3A_251 = tpu.vector_load %arg24[%get3A_249, %get3A_250] {strides = array<i32>} : memref<80x128xf32, #tpu.memory_space<vmem>>, vector<1x16xf32>,
          %get3A_252 = vector.shape_cast %get3A_251 : vector<1x16xf32> to vector<16xf32>
          %add3A_253 = arith.addf %get3A_248, %get3A_252 : vector<16xf32>
          %max3A_254 = arith.constant 0.000000e+00 : f32
          %max3A_255 = vector.broadcast %max3A_254 : f32 to vector<16xf32>
          %max3A_256 = arith.maximumf %add3A_253, %max3A_255 : vector<16xf32>
          %swap3A_257 = arith.index_cast %add3A_213 : i32 to index
          %swap3A_258 = arith.constant 32 : index
          %swap3A_259 = tpu.vector_load %arg23[%swap3A_257, %swap3A_258] {strides = array<i32>} : memref<80x128xf32, #tpu.memory_space<vmem>>, vector<1x16xf32>,
          %swap3A_260 = vector.shape_cast %swap3A_259 : vector<1x16xf32> to vector<16xf32>
          %swap3A_261 = vector.shape_cast %max3A_256 : vector<16xf32> to vector<1x16xf32>
          tpu.vector_store %arg23[%swap3A_257, %swap3A_258], %swap3A_261 {strides = array<i32>} : memref<80x128xf32, #tpu.memory_space<vmem>>, vector<1x16xf32>,
          %get3A_262 = arith.index_cast %add3A_213 : i32 to index
          %get3A_263 = arith.constant 48 : index
          %get3A_264 = tpu.vector_load %arg23[%get3A_262, %get3A_263] {strides = array<i32>} : memref<80x128xf32, #tpu.memory_space<vmem>>, vector<1x16xf32>,
          %get3A_265 = vector.shape_cast %get3A_264 : vector<1x16xf32> to vector<16xf32>
          %get3A_266 = arith.index_cast %add3A_213 : i32 to index
          %get3A_267 = arith.constant 48 : index
          %get3A_268 = tpu.vector_load %arg24[%get3A_266, %get3A_267] {strides = array<i32>} : memref<80x128xf32, #tpu.memory_space<vmem>>, vector<1x16xf32>,
          %get3A_269 = vector.shape_cast %get3A_268 : vector<1x16xf32> to vector<16xf32>
          %add3A_270 = arith.addf %get3A_265, %get3A_269 : vector<16xf32>
          %max3A_271 = arith.constant 0.000000e+00 : f32
          %max3A_272 = vector.broadcast %max3A_271 : f32 to vector<16xf32>
          %max3A_273 = arith.maximumf %add3A_270, %max3A_272 : vector<16xf32>
          %swap3A_274 = arith.index_cast %add3A_213 : i32 to index
          %swap3A_275 = arith.constant 48 : index
          %swap3A_276 = tpu.vector_load %arg23[%swap3A_274, %swap3A_275] {strides = array<i32>} : memref<80x128xf32, #tpu.memory_space<vmem>>, vector<1x16xf32>,
          %swap3A_277 = vector.shape_cast %swap3A_276 : vector<1x16xf32> to vector<16xf32>
          %swap3A_278 = vector.shape_cast %max3A_273 : vector<16xf32> to vector<1x16xf32>
          tpu.vector_store %arg23[%swap3A_274, %swap3A_275], %swap3A_278 {strides = array<i32>} : memref<80x128xf32, #tpu.memory_space<vmem>>, vector<1x16xf32>,
          %get3A_279 = arith.index_cast %add3A_213 : i32 to index
          %get3A_280 = arith.constant 64 : index
          %get3A_281 = tpu.vector_load %arg23[%get3A_279, %get3A_280] {strides = array<i32>} : memref<80x128xf32, #tpu.memory_space<vmem>>, vector<1x16xf32>,
          %get3A_282 = vector.shape_cast %get3A_281 : vector<1x16xf32> to vector<16xf32>
          %get3A_283 = arith.index_cast %add3A_213 : i32 to index
          %get3A_284 = arith.constant 64 : index
          %get3A_285 = tpu.vector_load %arg24[%get3A_283, %get3A_284] {strides = array<i32>} : memref<80x128xf32, #tpu.memory_space<vmem>>, vector<1x16xf32>,
          %get3A_286 = vector.shape_cast %get3A_285 : vector<1x16xf32> to vector<16xf32>
          %add3A_287 = arith.addf %get3A_282, %get3A_286 : vector<16xf32>
          %max3A_288 = arith.constant 0.000000e+00 : f32
          %max3A_289 = vector.broadcast %max3A_288 : f32 to vector<16xf32>
          %max3A_290 = arith.maximumf %add3A_287, %max3A_289 : vector<16xf32>
          %swap3A_291 = arith.index_cast %add3A_213 : i32 to index
          %swap3A_292 = arith.constant 64 : index
          %swap3A_293 = tpu.vector_load %arg23[%swap3A_291, %swap3A_292] {strides = array<i32>} : memref<80x128xf32, #tpu.memory_space<vmem>>, vector<1x16xf32>,
          %swap3A_294 = vector.shape_cast %swap3A_293 : vector<1x16xf32> to vector<16xf32>
          %swap3A_295 = vector.shape_cast %max3A_290 : vector<16xf32> to vector<1x16xf32>
          tpu.vector_store %arg23[%swap3A_291, %swap3A_292], %swap3A_295 {strides = array<i32>} : memref<80x128xf32, #tpu.memory_space<vmem>>, vector<1x16xf32>,
          %get3A_296 = arith.index_cast %add3A_213 : i32 to index
          %get3A_297 = arith.constant 80 : index
          %get3A_298 = tpu.vector_load %arg23[%get3A_296, %get3A_297] {strides = array<i32>} : memref<80x128xf32, #tpu.memory_space<vmem>>, vector<1x16xf32>,
          %get3A_299 = vector.shape_cast %get3A_298 : vector<1x16xf32> to vector<16xf32>
          %get3A_300 = arith.index_cast %add3A_213 : i32 to index
          %get3A_301 = arith.constant 80 : index
          %get3A_302 = tpu.vector_load %arg24[%get3A_300, %get3A_301] {strides = array<i32>} : memref<80x128xf32, #tpu.memory_space<vmem>>, vector<1x16xf32>,
          %get3A_303 = vector.shape_cast %get3A_302 : vector<1x16xf32> to vector<16xf32>
          %add3A_304 = arith.addf %get3A_299, %get3A_303 : vector<16xf32>
          %max3A_305 = arith.constant 0.000000e+00 : f32
          %max3A_306 = vector.broadcast %max3A_305 : f32 to vector<16xf32>
          %max3A_307 = arith.maximumf %add3A_304, %max3A_306 : vector<16xf32>
          %swap3A_308 = arith.index_cast %add3A_213 : i32 to index
          %swap3A_309 = arith.constant 80 : index
          %swap3A_310 = tpu.vector_load %arg23[%swap3A_308, %swap3A_309] {strides = array<i32>} : memref<80x128xf32, #tpu.memory_space<vmem>>, vector<1x16xf32>,
          %swap3A_311 = vector.shape_cast %swap3A_310 : vector<1x16xf32> to vector<16xf32>
          %swap3A_312 = vector.shape_cast %max3A_307 : vector<16xf32> to vector<1x16xf32>
          tpu.vector_store %arg23[%swap3A_308, %swap3A_309], %swap3A_312 {strides = array<i32>} : memref<80x128xf32, #tpu.memory_space<vmem>>, vector<1x16xf32>,
          %get3A_313 = arith.index_cast %add3A_213 : i32 to index
          %get3A_314 = arith.constant 96 : index
          %get3A_315 = tpu.vector_load %arg23[%get3A_313, %get3A_314] {strides = array<i32>} : memref<80x128xf32, #tpu.memory_space<vmem>>, vector<1x16xf32>,
          %get3A_316 = vector.shape_cast %get3A_315 : vector<1x16xf32> to vector<16xf32>
          %get3A_317 = arith.index_cast %add3A_213 : i32 to index
          %get3A_318 = arith.constant 96 : index
          %get3A_319 = tpu.vector_load %arg24[%get3A_317, %get3A_318] {strides = array<i32>} : memref<80x128xf32, #tpu.memory_space<vmem>>, vector<1x16xf32>,
          %get3A_320 = vector.shape_cast %get3A_319 : vector<1x16xf32> to vector<16xf32>
          %add3A_321 = arith.addf %get3A_316, %get3A_320 : vector<16xf32>
          %max3A_322 = arith.constant 0.000000e+00 : f32
          %max3A_323 = vector.broadcast %max3A_322 : f32 to vector<16xf32>
          %max3A_324 = arith.maximumf %add3A_321, %max3A_323 : vector<16xf32>
          %swap3A_325 = arith.index_cast %add3A_213 : i32 to index
          %swap3A_326 = arith.constant 96 : index
          %swap3A_327 = tpu.vector_load %arg23[%swap3A_325, %swap3A_326] {strides = array<i32>} : memref<80x128xf32, #tpu.memory_space<vmem>>, vector<1x16xf32>,
          %swap3A_328 = vector.shape_cast %swap3A_327 : vector<1x16xf32> to vector<16xf32>
          %swap3A_329 = vector.shape_cast %max3A_324 : vector<16xf32> to vector<1x16xf32>
          tpu.vector_store %arg23[%swap3A_325, %swap3A_326], %swap3A_329 {strides = array<i32>} : memref<80x128xf32, #tpu.memory_space<vmem>>, vector<1x16xf32>,
          %get3A_330 = arith.index_cast %add3A_213 : i32 to index
          %get3A_331 = arith.constant 112 : index
          %get3A_332 = tpu.vector_load %arg23[%get3A_330, %get3A_331] {strides = array<i32>} : memref<80x128xf32, #tpu.memory_space<vmem>>, vector<1x16xf32>,
          %get3A_333 = vector.shape_cast %get3A_332 : vector<1x16xf32> to vector<16xf32>
          %get3A_334 = arith.index_cast %add3A_213 : i32 to index
          %get3A_335 = arith.constant 112 : index
          %get3A_336 = tpu.vector_load %arg24[%get3A_334, %get3A_335] {strides = array<i32>} : memref<80x128xf32, #tpu.memory_space<vmem>>, vector<1x16xf32>,
          %get3A_337 = vector.shape_cast %get3A_336 : vector<1x16xf32> to vector<16xf32>
          %add3A_338 = arith.addf %get3A_333, %get3A_337 : vector<16xf32>
          %max3A_339 = arith.constant 0.000000e+00 : f32
          %max3A_340 = vector.broadcast %max3A_339 : f32 to vector<16xf32>
          %max3A_341 = arith.maximumf %add3A_338, %max3A_340 : vector<16xf32>
          %swap3A_342 = arith.index_cast %add3A_213 : i32 to index
          %swap3A_343 = arith.constant 112 : index
          %swap3A_344 = tpu.vector_load %arg23[%swap3A_342, %swap3A_343] {strides = array<i32>} : memref<80x128xf32, #tpu.memory_space<vmem>>, vector<1x16xf32>,
          %swap3A_345 = vector.shape_cast %swap3A_344 : vector<1x16xf32> to vector<16xf32>
          %swap3A_346 = vector.shape_cast %max3A_341 : vector<16xf32> to vector<1x16xf32>
          tpu.vector_store %arg23[%swap3A_342, %swap3A_343], %swap3A_346 {strides = array<i32>} : memref<80x128xf32, #tpu.memory_space<vmem>>, vector<1x16xf32>,
        }
        %scan3A_202 = arith.constant 80 : i32
        "tpu.region"() ({
          %run_scoped3A = tpu.sem_alloc : memref<!tpu.dma_semaphore, #tpu.memory_space<semaphore_mem>>
          %dma_start3A_209 = arith.constant 0 : i32
          %dma_start3A_210 = arith.constant 0 : i32
          %dma_start3A_211 = tpu.memref_slice %arg16[%dma_start3A_209, %dma_start3A_210] : memref<10000x128xf32, #tpu.memory_space<vmem_shared>> -> memref<10000x128xf32, #tpu.memory_space<vmem_shared>>
          tpu.enqueue_indirect_dma source(%arg23 : memref<80x128xf32, #tpu.memory_space<vmem>>) target(%dma_start3A_211 : memref<10000x128xf32, #tpu.memory_space<vmem_shared>>) offsets(%arg22 : memref<80xi32, #tpu.memory_space<vmem>>) semaphore(%run_scoped3A : memref<!tpu.dma_semaphore, #tpu.memory_space<semaphore_mem>>) {add = true}
          %dma_wait3A_212 = arith.constant 0 : i32
          %dma_wait3A_213 = arith.constant 0 : i32
          %dma_wait3A_214 = tpu.memref_slice %arg16[%dma_wait3A_212, %dma_wait3A_213] : memref<10000x128xf32, #tpu.memory_space<vmem_shared>> -> memref<10000x128xf32, #tpu.memory_space<vmem_shared>>
          tpu.wait_indirect_dma semaphore(%run_scoped3A : memref<!tpu.dma_semaphore, #tpu.memory_space<semaphore_mem>>) src(%arg23 : memref<80x128xf32, #tpu.memory_space<vmem>>) dst(%dma_wait3A_214 : memref<10000x128xf32, #tpu.memory_space<vmem_shared>>)
          tpu.yield
        }) : () -> ()
        %add3A_203 = arith.constant 3 : i32
        %add3A_204 = arith.addi %mul3A_138, %add3A_203 : i32
        %lt3A = arith.constant 125 : i32
        %lt3A_205 = arith.cmpi slt, %add3A_204, %lt3A : i32
        %convert_element_type3A_206 = arith.extui %lt3A_205 : i1 to i32
        %cond3A_207 = arith.constant 0 : i32
        %cond3A_208 = arith.cmpi ne, %convert_element_type3A_206, %cond3A_207 : i32
        scf.if %cond3A_208 {
          %add3A_209 = arith.constant 3 : i32
          %add3A_210 = arith.addi %mul3A_138, %add3A_209 : i32
          %mul3A_211 = arith.constant 80 : i32
          %mul3A_212 = arith.muli %add3A_210, %mul3A_211 : i32
          %add3A_213 = arith.addi %mul3A_84, %mul3A_212 : i32
          %multiple_of3A_214 = tpu.assume_multiple %add3A_213, 8 : i32
          %dma_start3A_215 = tpu.memref_slice %arg8[%multiple_of3A_214] : memref<160000xi32, #tpu.memory_space<hbm>> -> memref<80xi32, #tpu.memory_space<hbm>>
          %dma_start3A_216 = tpu.memref_slice %arg8[%multiple_of3A_214] : memref<160000xi32, #tpu.memory_space<hbm>> -> memref<80xi32, #tpu.memory_space<hbm>>
          tpu.enqueue_dma source(%dma_start3A_216 : memref<80xi32, #tpu.memory_space<hbm>>) target(%arg21 : memref<80xi32, #tpu.memory_space<vmem>>) target_semaphore(%arg26 : memref<!tpu.dma_semaphore, #tpu.memory_space<semaphore_mem>>)
          %dma_start3A_217 = tpu.memref_slice %arg9[%multiple_of3A_214] : memref<160000xi32, #tpu.memory_space<hbm>> -> memref<80xi32, #tpu.memory_space<hbm>>
          %dma_start3A_218 = tpu.memref_slice %arg9[%multiple_of3A_214] : memref<160000xi32, #tpu.memory_space<hbm>> -> memref<80xi32, #tpu.memory_space<hbm>>
          tpu.enqueue_dma source(%dma_start3A_218 : memref<80xi32, #tpu.memory_space<hbm>>) target(%arg22 : memref<80xi32, #tpu.memory_space<vmem>>) target_semaphore(%arg26 : memref<!tpu.dma_semaphore, #tpu.memory_space<semaphore_mem>>)
          %dma_start3A_219 = arith.constant 0 : i32
          %dma_start3A_220 = tpu.memref_slice %arg7[%multiple_of3A_214, %dma_start3A_219] : memref<160000x128xf32, #tpu.memory_space<hbm>> -> memref<80x128xf32, #tpu.memory_space<hbm>>
          %dma_start3A_221 = arith.constant 0 : i32
          %dma_start3A_222 = tpu.memref_slice %arg7[%multiple_of3A_214, %dma_start3A_221] : memref<160000x128xf32, #tpu.memory_space<hbm>> -> memref<80x128xf32, #tpu.memory_space<hbm>>
          tpu.enqueue_dma source(%dma_start3A_222 : memref<80x128xf32, #tpu.memory_space<hbm>>) target(%arg24 : memref<80x128xf32, #tpu.memory_space<vmem>>) target_semaphore(%arg26 : memref<!tpu.dma_semaphore, #tpu.memory_space<semaphore_mem>>)
        } else {
        }
      }
      %scan3A_123 = arith.constant 62 : i32
      %dma_wait3A_124 = arith.constant 0 : i32
      %dma_wait3A_125 = arith.constant 0 : i32
      %dma_wait3A_126 = tpu.memref_slice %arg6[%dma_wait3A_124, %dma_wait3A_125] : memref<10000x128xf32, #tpu.memory_space<hbm>> -> memref<10000x128xf32, #tpu.memory_space<hbm>>
      tpu.wait_indirect_dma semaphore(%arg27 : memref<!tpu.dma_semaphore, #tpu.memory_space<semaphore_mem>>) src(%dma_wait3A_126 : memref<10000x128xf32, #tpu.memory_space<hbm>>) dst(%arg19 : memref<80x128xf32, #tpu.memory_space<vmem>>)
      %scan3A_127 = arith.constant 0 : i32
      %scan3A_128 = arith.constant 80 : i32
      %scan3A_129 = arith.addi %scan3A_127, %scan3A_128 : i32
      %scan3A_130 = arith.constant 1 : i32
      scf.for %scan3A_132 = %scan3A_127 to %scan3A_129 step %scan3A_130  : i32 {
        %mul3A_133 = arith.constant 1 : i32
        %mul3A_134 = arith.muli %scan3A_132, %mul3A_133 : i32
        %add3A_135 = arith.constant 0 : i32
        %add3A_136 = arith.addi %add3A_135, %mul3A_134 : i32
        %get3A = arith.index_cast %add3A_136 : i32 to index
        %get3A_137 = arith.constant 0 : index
        %get3A_138 = tpu.vector_load %arg19[%get3A, %get3A_137] {strides = array<i32>} : memref<80x128xf32, #tpu.memory_space<vmem>>, vector<1x16xf32>,
        %get3A_139 = vector.shape_cast %get3A_138 : vector<1x16xf32> to vector<16xf32>
        %get3A_140 = arith.index_cast %add3A_136 : i32 to index
        %get3A_141 = arith.constant 0 : index
        %get3A_142 = tpu.vector_load %arg20[%get3A_140, %get3A_141] {strides = array<i32>} : memref<80x128xf32, #tpu.memory_space<vmem>>, vector<1x16xf32>,
        %get3A_143 = vector.shape_cast %get3A_142 : vector<1x16xf32> to vector<16xf32>
        %add3A_144 = arith.addf %get3A_139, %get3A_143 : vector<16xf32>
        %max3A = arith.constant 0.000000e+00 : f32
        %max3A_145 = vector.broadcast %max3A : f32 to vector<16xf32>
        %max3A_146 = arith.maximumf %add3A_144, %max3A_145 : vector<16xf32>
        %swap3A = arith.index_cast %add3A_136 : i32 to index
        %swap3A_147 = arith.constant 0 : index
        %swap3A_148 = tpu.vector_load %arg19[%swap3A, %swap3A_147] {strides = array<i32>} : memref<80x128xf32, #tpu.memory_space<vmem>>, vector<1x16xf32>,
        %swap3A_149 = vector.shape_cast %swap3A_148 : vector<1x16xf32> to vector<16xf32>
        %swap3A_150 = vector.shape_cast %max3A_146 : vector<16xf32> to vector<1x16xf32>
        tpu.vector_store %arg19[%swap3A, %swap3A_147], %swap3A_150 {strides = array<i32>} : memref<80x128xf32, #tpu.memory_space<vmem>>, vector<1x16xf32>,
        %get3A_151 = arith.index_cast %add3A_136 : i32 to index
        %get3A_152 = arith.constant 16 : index
        %get3A_153 = tpu.vector_load %arg19[%get3A_151, %get3A_152] {strides = array<i32>} : memref<80x128xf32, #tpu.memory_space<vmem>>, vector<1x16xf32>,
        %get3A_154 = vector.shape_cast %get3A_153 : vector<1x16xf32> to vector<16xf32>
        %get3A_155 = arith.index_cast %add3A_136 : i32 to index
        %get3A_156 = arith.constant 16 : index
        %get3A_157 = tpu.vector_load %arg20[%get3A_155, %get3A_156] {strides = array<i32>} : memref<80x128xf32, #tpu.memory_space<vmem>>, vector<1x16xf32>,
        %get3A_158 = vector.shape_cast %get3A_157 : vector<1x16xf32> to vector<16xf32>
        %add3A_159 = arith.addf %get3A_154, %get3A_158 : vector<16xf32>
        %max3A_160 = arith.constant 0.000000e+00 : f32
        %max3A_161 = vector.broadcast %max3A_160 : f32 to vector<16xf32>
        %max3A_162 = arith.maximumf %add3A_159, %max3A_161 : vector<16xf32>
        %swap3A_163 = arith.index_cast %add3A_136 : i32 to index
        %swap3A_164 = arith.constant 16 : index
        %swap3A_165 = tpu.vector_load %arg19[%swap3A_163, %swap3A_164] {strides = array<i32>} : memref<80x128xf32, #tpu.memory_space<vmem>>, vector<1x16xf32>,
        %swap3A_166 = vector.shape_cast %swap3A_165 : vector<1x16xf32> to vector<16xf32>
        %swap3A_167 = vector.shape_cast %max3A_162 : vector<16xf32> to vector<1x16xf32>
        tpu.vector_store %arg19[%swap3A_163, %swap3A_164], %swap3A_167 {strides = array<i32>} : memref<80x128xf32, #tpu.memory_space<vmem>>, vector<1x16xf32>,
        %get3A_168 = arith.index_cast %add3A_136 : i32 to index
        %get3A_169 = arith.constant 32 : index
        %get3A_170 = tpu.vector_load %arg19[%get3A_168, %get3A_169] {strides = array<i32>} : memref<80x128xf32, #tpu.memory_space<vmem>>, vector<1x16xf32>,
        %get3A_171 = vector.shape_cast %get3A_170 : vector<1x16xf32> to vector<16xf32>
        %get3A_172 = arith.index_cast %add3A_136 : i32 to index
        %get3A_173 = arith.constant 32 : index
        %get3A_174 = tpu.vector_load %arg20[%get3A_172, %get3A_173] {strides = array<i32>} : memref<80x128xf32, #tpu.memory_space<vmem>>, vector<1x16xf32>,
        %get3A_175 = vector.shape_cast %get3A_174 : vector<1x16xf32> to vector<16xf32>
        %add3A_176 = arith.addf %get3A_171, %get3A_175 : vector<16xf32>
        %max3A_177 = arith.constant 0.000000e+00 : f32
        %max3A_178 = vector.broadcast %max3A_177 : f32 to vector<16xf32>
        %max3A_179 = arith.maximumf %add3A_176, %max3A_178 : vector<16xf32>
        %swap3A_180 = arith.index_cast %add3A_136 : i32 to index
        %swap3A_181 = arith.constant 32 : index
        %swap3A_182 = tpu.vector_load %arg19[%swap3A_180, %swap3A_181] {strides = array<i32>} : memref<80x128xf32, #tpu.memory_space<vmem>>, vector<1x16xf32>,
        %swap3A_183 = vector.shape_cast %swap3A_182 : vector<1x16xf32> to vector<16xf32>
        %swap3A_184 = vector.shape_cast %max3A_179 : vector<16xf32> to vector<1x16xf32>
        tpu.vector_store %arg19[%swap3A_180, %swap3A_181], %swap3A_184 {strides = array<i32>} : memref<80x128xf32, #tpu.memory_space<vmem>>, vector<1x16xf32>,
        %get3A_185 = arith.index_cast %add3A_136 : i32 to index
        %get3A_186 = arith.constant 48 : index
        %get3A_187 = tpu.vector_load %arg19[%get3A_185, %get3A_186] {strides = array<i32>} : memref<80x128xf32, #tpu.memory_space<vmem>>, vector<1x16xf32>,
        %get3A_188 = vector.shape_cast %get3A_187 : vector<1x16xf32> to vector<16xf32>
        %get3A_189 = arith.index_cast %add3A_136 : i32 to index
        %get3A_190 = arith.constant 48 : index
        %get3A_191 = tpu.vector_load %arg20[%get3A_189, %get3A_190] {strides = array<i32>} : memref<80x128xf32, #tpu.memory_space<vmem>>, vector<1x16xf32>,
        %get3A_192 = vector.shape_cast %get3A_191 : vector<1x16xf32> to vector<16xf32>
        %add3A_193 = arith.addf %get3A_188, %get3A_192 : vector<16xf32>
        %max3A_194 = arith.constant 0.000000e+00 : f32
        %max3A_195 = vector.broadcast %max3A_194 : f32 to vector<16xf32>
        %max3A_196 = arith.maximumf %add3A_193, %max3A_195 : vector<16xf32>
        %swap3A_197 = arith.index_cast %add3A_136 : i32 to index
        %swap3A_198 = arith.constant 48 : index
        %swap3A_199 = tpu.vector_load %arg19[%swap3A_197, %swap3A_198] {strides = array<i32>} : memref<80x128xf32, #tpu.memory_space<vmem>>, vector<1x16xf32>,
        %swap3A_200 = vector.shape_cast %swap3A_199 : vector<1x16xf32> to vector<16xf32>
        %swap3A_201 = vector.shape_cast %max3A_196 : vector<16xf32> to vector<1x16xf32>
        tpu.vector_store %arg19[%swap3A_197, %swap3A_198], %swap3A_201 {strides = array<i32>} : memref<80x128xf32, #tpu.memory_space<vmem>>, vector<1x16xf32>,
        %get3A_202 = arith.index_cast %add3A_136 : i32 to index
        %get3A_203 = arith.constant 64 : index
        %get3A_204 = tpu.vector_load %arg19[%get3A_202, %get3A_203] {strides = array<i32>} : memref<80x128xf32, #tpu.memory_space<vmem>>, vector<1x16xf32>,
        %get3A_205 = vector.shape_cast %get3A_204 : vector<1x16xf32> to vector<16xf32>
        %get3A_206 = arith.index_cast %add3A_136 : i32 to index
        %get3A_207 = arith.constant 64 : index
        %get3A_208 = tpu.vector_load %arg20[%get3A_206, %get3A_207] {strides = array<i32>} : memref<80x128xf32, #tpu.memory_space<vmem>>, vector<1x16xf32>,
        %get3A_209 = vector.shape_cast %get3A_208 : vector<1x16xf32> to vector<16xf32>
        %add3A_210 = arith.addf %get3A_205, %get3A_209 : vector<16xf32>
        %max3A_211 = arith.constant 0.000000e+00 : f32
        %max3A_212 = vector.broadcast %max3A_211 : f32 to vector<16xf32>
        %max3A_213 = arith.maximumf %add3A_210, %max3A_212 : vector<16xf32>
        %swap3A_214 = arith.index_cast %add3A_136 : i32 to index
        %swap3A_215 = arith.constant 64 : index
        %swap3A_216 = tpu.vector_load %arg19[%swap3A_214, %swap3A_215] {strides = array<i32>} : memref<80x128xf32, #tpu.memory_space<vmem>>, vector<1x16xf32>,
        %swap3A_217 = vector.shape_cast %swap3A_216 : vector<1x16xf32> to vector<16xf32>
        %swap3A_218 = vector.shape_cast %max3A_213 : vector<16xf32> to vector<1x16xf32>
        tpu.vector_store %arg19[%swap3A_214, %swap3A_215], %swap3A_218 {strides = array<i32>} : memref<80x128xf32, #tpu.memory_space<vmem>>, vector<1x16xf32>,
        %get3A_219 = arith.index_cast %add3A_136 : i32 to index
        %get3A_220 = arith.constant 80 : index
        %get3A_221 = tpu.vector_load %arg19[%get3A_219, %get3A_220] {strides = array<i32>} : memref<80x128xf32, #tpu.memory_space<vmem>>, vector<1x16xf32>,
        %get3A_222 = vector.shape_cast %get3A_221 : vector<1x16xf32> to vector<16xf32>
        %get3A_223 = arith.index_cast %add3A_136 : i32 to index
        %get3A_224 = arith.constant 80 : index
        %get3A_225 = tpu.vector_load %arg20[%get3A_223, %get3A_224] {strides = array<i32>} : memref<80x128xf32, #tpu.memory_space<vmem>>, vector<1x16xf32>,
        %get3A_226 = vector.shape_cast %get3A_225 : vector<1x16xf32> to vector<16xf32>
        %add3A_227 = arith.addf %get3A_222, %get3A_226 : vector<16xf32>
        %max3A_228 = arith.constant 0.000000e+00 : f32
        %max3A_229 = vector.broadcast %max3A_228 : f32 to vector<16xf32>
        %max3A_230 = arith.maximumf %add3A_227, %max3A_229 : vector<16xf32>
        %swap3A_231 = arith.index_cast %add3A_136 : i32 to index
        %swap3A_232 = arith.constant 80 : index
        %swap3A_233 = tpu.vector_load %arg19[%swap3A_231, %swap3A_232] {strides = array<i32>} : memref<80x128xf32, #tpu.memory_space<vmem>>, vector<1x16xf32>,
        %swap3A_234 = vector.shape_cast %swap3A_233 : vector<1x16xf32> to vector<16xf32>
        %swap3A_235 = vector.shape_cast %max3A_230 : vector<16xf32> to vector<1x16xf32>
        tpu.vector_store %arg19[%swap3A_231, %swap3A_232], %swap3A_235 {strides = array<i32>} : memref<80x128xf32, #tpu.memory_space<vmem>>, vector<1x16xf32>,
        %get3A_236 = arith.index_cast %add3A_136 : i32 to index
        %get3A_237 = arith.constant 96 : index
        %get3A_238 = tpu.vector_load %arg19[%get3A_236, %get3A_237] {strides = array<i32>} : memref<80x128xf32, #tpu.memory_space<vmem>>, vector<1x16xf32>,
        %get3A_239 = vector.shape_cast %get3A_238 : vector<1x16xf32> to vector<16xf32>
        %get3A_240 = arith.index_cast %add3A_136 : i32 to index
        %get3A_241 = arith.constant 96 : index
        %get3A_242 = tpu.vector_load %arg20[%get3A_240, %get3A_241] {strides = array<i32>} : memref<80x128xf32, #tpu.memory_space<vmem>>, vector<1x16xf32>,
        %get3A_243 = vector.shape_cast %get3A_242 : vector<1x16xf32> to vector<16xf32>
        %add3A_244 = arith.addf %get3A_239, %get3A_243 : vector<16xf32>
        %max3A_245 = arith.constant 0.000000e+00 : f32
        %max3A_246 = vector.broadcast %max3A_245 : f32 to vector<16xf32>
        %max3A_247 = arith.maximumf %add3A_244, %max3A_246 : vector<16xf32>
        %swap3A_248 = arith.index_cast %add3A_136 : i32 to index
        %swap3A_249 = arith.constant 96 : index
        %swap3A_250 = tpu.vector_load %arg19[%swap3A_248, %swap3A_249] {strides = array<i32>} : memref<80x128xf32, #tpu.memory_space<vmem>>, vector<1x16xf32>,
        %swap3A_251 = vector.shape_cast %swap3A_250 : vector<1x16xf32> to vector<16xf32>
        %swap3A_252 = vector.shape_cast %max3A_247 : vector<16xf32> to vector<1x16xf32>
        tpu.vector_store %arg19[%swap3A_248, %swap3A_249], %swap3A_252 {strides = array<i32>} : memref<80x128xf32, #tpu.memory_space<vmem>>, vector<1x16xf32>,
        %get3A_253 = arith.index_cast %add3A_136 : i32 to index
        %get3A_254 = arith.constant 112 : index
        %get3A_255 = tpu.vector_load %arg19[%get3A_253, %get3A_254] {strides = array<i32>} : memref<80x128xf32, #tpu.memory_space<vmem>>, vector<1x16xf32>,
        %get3A_256 = vector.shape_cast %get3A_255 : vector<1x16xf32> to vector<16xf32>
        %get3A_257 = arith.index_cast %add3A_136 : i32 to index
        %get3A_258 = arith.constant 112 : index
        %get3A_259 = tpu.vector_load %arg20[%get3A_257, %get3A_258] {strides = array<i32>} : memref<80x128xf32, #tpu.memory_space<vmem>>, vector<1x16xf32>,
        %get3A_260 = vector.shape_cast %get3A_259 : vector<1x16xf32> to vector<16xf32>
        %add3A_261 = arith.addf %get3A_256, %get3A_260 : vector<16xf32>
        %max3A_262 = arith.constant 0.000000e+00 : f32
        %max3A_263 = vector.broadcast %max3A_262 : f32 to vector<16xf32>
        %max3A_264 = arith.maximumf %add3A_261, %max3A_263 : vector<16xf32>
        %swap3A_265 = arith.index_cast %add3A_136 : i32 to index
        %swap3A_266 = arith.constant 112 : index
        %swap3A_267 = tpu.vector_load %arg19[%swap3A_265, %swap3A_266] {strides = array<i32>} : memref<80x128xf32, #tpu.memory_space<vmem>>, vector<1x16xf32>,
        %swap3A_268 = vector.shape_cast %swap3A_267 : vector<1x16xf32> to vector<16xf32>
        %swap3A_269 = vector.shape_cast %max3A_264 : vector<16xf32> to vector<1x16xf32>
        tpu.vector_store %arg19[%swap3A_265, %swap3A_266], %swap3A_269 {strides = array<i32>} : memref<80x128xf32, #tpu.memory_space<vmem>>, vector<1x16xf32>,
      }
      %scan3A_131 = arith.constant 80 : i32
      "tpu.region"() ({
        %run_scoped3A = tpu.sem_alloc : memref<!tpu.dma_semaphore, #tpu.memory_space<semaphore_mem>>
        %dma_start3A_132 = arith.constant 0 : i32
        %dma_start3A_133 = arith.constant 0 : i32
        %dma_start3A_134 = tpu.memref_slice %arg16[%dma_start3A_132, %dma_start3A_133] : memref<10000x128xf32, #tpu.memory_space<vmem_shared>> -> memref<10000x128xf32, #tpu.memory_space<vmem_shared>>
        tpu.enqueue_indirect_dma source(%arg19 : memref<80x128xf32, #tpu.memory_space<vmem>>) target(%dma_start3A_134 : memref<10000x128xf32, #tpu.memory_space<vmem_shared>>) offsets(%arg18 : memref<80xi32, #tpu.memory_space<vmem>>) semaphore(%run_scoped3A : memref<!tpu.dma_semaphore, #tpu.memory_space<semaphore_mem>>) {add = true}
        %dma_wait3A_135 = arith.constant 0 : i32
        %dma_wait3A_136 = arith.constant 0 : i32
        %dma_wait3A_137 = tpu.memref_slice %arg16[%dma_wait3A_135, %dma_wait3A_136] : memref<10000x128xf32, #tpu.memory_space<vmem_shared>> -> memref<10000x128xf32, #tpu.memory_space<vmem_shared>>
        tpu.wait_indirect_dma semaphore(%run_scoped3A : memref<!tpu.dma_semaphore, #tpu.memory_space<semaphore_mem>>) src(%arg19 : memref<80x128xf32, #tpu.memory_space<vmem>>) dst(%dma_wait3A_137 : memref<10000x128xf32, #tpu.memory_space<vmem_shared>>)
        tpu.yield
      }) : () -> ()
    } else {
    }
    %barrier3A_28 = arith.constant 0 : index
    tpu.barrier barrier_id(%barrier3A_28)
    %eq3A_29 = arith.constant 0 : i32
    %eq3A_30 = arith.cmpi eq, %arg0, %eq3A_29 : i32
    %convert_element_type3A_31 = arith.extui %eq3A_30 : i1 to i32
    %cond3A_32 = arith.constant 0 : i32
    %cond3A_33 = arith.cmpi ne, %convert_element_type3A_31, %cond3A_32 : i32
    scf.if %cond3A_33 {
      %add3A_83 = arith.constant 0 : i32
      %add3A_84 = arith.addi %multiple_of3A, %add3A_83 : i32
      "tpu.region"() ({
        %run_scoped3A = tpu.sem_alloc : memref<!tpu.dma_semaphore, #tpu.memory_space<semaphore_mem>>
        %dma_start3A = tpu.memref_slice %arg10[%add3A_84] : memref<10000xi32, #tpu.memory_space<hbm>> -> memref<80xi32, #tpu.memory_space<hbm>>
        %dma_start3A_115 = tpu.memref_slice %arg10[%add3A_84] : memref<10000xi32, #tpu.memory_space<hbm>> -> memref<80xi32, #tpu.memory_space<hbm>>
        tpu.enqueue_dma source(%dma_start3A_115 : memref<80xi32, #tpu.memory_space<hbm>>) target(%arg17 : memref<80xi32, #tpu.memory_space<vmem>>) target_semaphore(%run_scoped3A : memref<!tpu.dma_semaphore, #tpu.memory_space<semaphore_mem>>)
        %dma_wait3A = tpu.memref_slice %arg10[%add3A_84] : memref<10000xi32, #tpu.memory_space<hbm>> -> memref<80xi32, #tpu.memory_space<hbm>>
        %dma_wait3A_116 = tpu.memref_slice %arg10[%add3A_84] : memref<10000xi32, #tpu.memory_space<hbm>> -> memref<80xi32, #tpu.memory_space<hbm>>
        tpu.wait_dma2 semaphore(%run_scoped3A : memref<!tpu.dma_semaphore, #tpu.memory_space<semaphore_mem>>) src(%dma_wait3A_116 : memref<80xi32, #tpu.memory_space<hbm>>) dst(%arg17 : memref<80xi32, #tpu.memory_space<vmem>>)
        tpu.yield
      }) : () -> ()
      "tpu.region"() ({
        %run_scoped3A = tpu.sem_alloc : memref<!tpu.dma_semaphore, #tpu.memory_space<semaphore_mem>>
        %dma_start3A = arith.constant 0 : i32
        %dma_start3A_115 = arith.constant 0 : i32
        %dma_start3A_116 = tpu.memref_slice %arg16[%dma_start3A, %dma_start3A_115] : memref<10000x128xf32, #tpu.memory_space<vmem_shared>> -> memref<10000x128xf32, #tpu.memory_space<vmem_shared>>
        tpu.enqueue_indirect_dma source(%dma_start3A_116 : memref<10000x128xf32, #tpu.memory_space<vmem_shared>>) target(%arg19 : memref<80x128xf32, #tpu.memory_space<vmem>>) offsets(%arg17 : memref<80xi32, #tpu.memory_space<vmem>>) semaphore(%run_scoped3A : memref<!tpu.dma_semaphore, #tpu.memory_space<semaphore_mem>>)
        %dma_wait3A = arith.constant 0 : i32
        %dma_wait3A_117 = arith.constant 0 : i32
        %dma_wait3A_118 = tpu.memref_slice %arg16[%dma_wait3A, %dma_wait3A_117] : memref<10000x128xf32, #tpu.memory_space<vmem_shared>> -> memref<10000x128xf32, #tpu.memory_space<vmem_shared>>
        tpu.wait_indirect_dma semaphore(%run_scoped3A : memref<!tpu.dma_semaphore, #tpu.memory_space<semaphore_mem>>) src(%dma_wait3A_118 : memref<10000x128xf32, #tpu.memory_space<vmem_shared>>) dst(%arg19 : memref<80x128xf32, #tpu.memory_space<vmem>>)
        tpu.yield
      }) : () -> ()
      %add3A_85 = arith.constant 0 : i32
      %add3A_86 = arith.addi %multiple_of3A, %add3A_85 : i32
      "tpu.region"() ({
        %run_scoped3A = tpu.sem_alloc : memref<!tpu.dma_semaphore, #tpu.memory_space<semaphore_mem>>
        %dma_start3A = arith.constant 0 : i32
        %dma_start3A_115 = tpu.memref_slice %arg12[%add3A_86, %dma_start3A] : memref<10000x128xf32, #tpu.memory_space<hbm>> -> memref<80x128xf32, #tpu.memory_space<hbm>>
        %dma_start3A_116 = arith.constant 0 : i32
        %dma_start3A_117 = tpu.memref_slice %arg12[%add3A_86, %dma_start3A_116] : memref<10000x128xf32, #tpu.memory_space<hbm>> -> memref<80x128xf32, #tpu.memory_space<hbm>>
        tpu.enqueue_dma source(%arg19 : memref<80x128xf32, #tpu.memory_space<vmem>>) target(%dma_start3A_117 : memref<80x128xf32, #tpu.memory_space<hbm>>) target_semaphore(%run_scoped3A : memref<!tpu.dma_semaphore, #tpu.memory_space<semaphore_mem>>)
        %dma_wait3A = arith.constant 0 : i32
        %dma_wait3A_118 = tpu.memref_slice %arg12[%add3A_86, %dma_wait3A] : memref<10000x128xf32, #tpu.memory_space<hbm>> -> memref<80x128xf32, #tpu.memory_space<hbm>>
        %dma_wait3A_119 = arith.constant 0 : i32
        %dma_wait3A_120 = tpu.memref_slice %arg12[%add3A_86, %dma_wait3A_119] : memref<10000x128xf32, #tpu.memory_space<hbm>> -> memref<80x128xf32, #tpu.memory_space<hbm>>
        tpu.wait_dma2 semaphore(%run_scoped3A : memref<!tpu.dma_semaphore, #tpu.memory_space<semaphore_mem>>) src(%arg19 : memref<80x128xf32, #tpu.memory_space<vmem>>) dst(%dma_wait3A_120 : memref<80x128xf32, #tpu.memory_space<hbm>>)
        tpu.yield
      }) : () -> ()
      %add3A_87 = arith.constant 80 : i32
      %add3A_88 = arith.addi %multiple_of3A, %add3A_87 : i32
      "tpu.region"() ({
        %run_scoped3A = tpu.sem_alloc : memref<!tpu.dma_semaphore, #tpu.memory_space<semaphore_mem>>
        %dma_start3A = tpu.memref_slice %arg10[%add3A_88] : memref<10000xi32, #tpu.memory_space<hbm>> -> memref<80xi32, #tpu.memory_space<hbm>>
        %dma_start3A_115 = tpu.memref_slice %arg10[%add3A_88] : memref<10000xi32, #tpu.memory_space<hbm>> -> memref<80xi32, #tpu.memory_space<hbm>>
        tpu.enqueue_dma source(%dma_start3A_115 : memref<80xi32, #tpu.memory_space<hbm>>) target(%arg17 : memref<80xi32, #tpu.memory_space<vmem>>) target_semaphore(%run_scoped3A : memref<!tpu.dma_semaphore, #tpu.memory_space<semaphore_mem>>)
        %dma_wait3A = tpu.memref_slice %arg10[%add3A_88] : memref<10000xi32, #tpu.memory_space<hbm>> -> memref<80xi32, #tpu.memory_space<hbm>>
        %dma_wait3A_116 = tpu.memref_slice %arg10[%add3A_88] : memref<10000xi32, #tpu.memory_space<hbm>> -> memref<80xi32, #tpu.memory_space<hbm>>
        tpu.wait_dma2 semaphore(%run_scoped3A : memref<!tpu.dma_semaphore, #tpu.memory_space<semaphore_mem>>) src(%dma_wait3A_116 : memref<80xi32, #tpu.memory_space<hbm>>) dst(%arg17 : memref<80xi32, #tpu.memory_space<vmem>>)
        tpu.yield
      }) : () -> ()
      "tpu.region"() ({
        %run_scoped3A = tpu.sem_alloc : memref<!tpu.dma_semaphore, #tpu.memory_space<semaphore_mem>>
        %dma_start3A = arith.constant 0 : i32
        %dma_start3A_115 = arith.constant 0 : i32
        %dma_start3A_116 = tpu.memref_slice %arg16[%dma_start3A, %dma_start3A_115] : memref<10000x128xf32, #tpu.memory_space<vmem_shared>> -> memref<10000x128xf32, #tpu.memory_space<vmem_shared>>
        tpu.enqueue_indirect_dma source(%dma_start3A_116 : memref<10000x128xf32, #tpu.memory_space<vmem_shared>>) target(%arg19 : memref<80x128xf32, #tpu.memory_space<vmem>>) offsets(%arg17 : memref<80xi32, #tpu.memory_space<vmem>>) semaphore(%run_scoped3A : memref<!tpu.dma_semaphore, #tpu.memory_space<semaphore_mem>>)
        %dma_wait3A = arith.constant 0 : i32
        %dma_wait3A_117 = arith.constant 0 : i32
        %dma_wait3A_118 = tpu.memref_slice %arg16[%dma_wait3A, %dma_wait3A_117] : memref<10000x128xf32, #tpu.memory_space<vmem_shared>> -> memref<10000x128xf32, #tpu.memory_space<vmem_shared>>
        tpu.wait_indirect_dma semaphore(%run_scoped3A : memref<!tpu.dma_semaphore, #tpu.memory_space<semaphore_mem>>) src(%dma_wait3A_118 : memref<10000x128xf32, #tpu.memory_space<vmem_shared>>) dst(%arg19 : memref<80x128xf32, #tpu.memory_space<vmem>>)
        tpu.yield
      }) : () -> ()
      %add3A_89 = arith.constant 80 : i32
      %add3A_90 = arith.addi %multiple_of3A, %add3A_89 : i32
      "tpu.region"() ({
        %run_scoped3A = tpu.sem_alloc : memref<!tpu.dma_semaphore, #tpu.memory_space<semaphore_mem>>
        %dma_start3A = arith.constant 0 : i32
        %dma_start3A_115 = tpu.memref_slice %arg12[%add3A_90, %dma_start3A] : memref<10000x128xf32, #tpu.memory_space<hbm>> -> memref<80x128xf32, #tpu.memory_space<hbm>>
        %dma_start3A_116 = arith.constant 0 : i32
        %dma_start3A_117 = tpu.memref_slice %arg12[%add3A_90, %dma_start3A_116] : memref<10000x128xf32, #tpu.memory_space<hbm>> -> memref<80x128xf32, #tpu.memory_space<hbm>>
        tpu.enqueue_dma source(%arg19 : memref<80x128xf32, #tpu.memory_space<vmem>>) target(%dma_start3A_117 : memref<80x128xf32, #tpu.memory_space<hbm>>) target_semaphore(%run_scoped3A : memref<!tpu.dma_semaphore, #tpu.memory_space<semaphore_mem>>)
        %dma_wait3A = arith.constant 0 : i32
        %dma_wait3A_118 = tpu.memref_slice %arg12[%add3A_90, %dma_wait3A] : memref<10000x128xf32, #tpu.memory_space<hbm>> -> memref<80x128xf32, #tpu.memory_space<hbm>>
        %dma_wait3A_119 = arith.constant 0 : i32
        %dma_wait3A_120 = tpu.memref_slice %arg12[%add3A_90, %dma_wait3A_119] : memref<10000x128xf32, #tpu.memory_space<hbm>> -> memref<80x128xf32, #tpu.memory_space<hbm>>
        tpu.wait_dma2 semaphore(%run_scoped3A : memref<!tpu.dma_semaphore, #tpu.memory_space<semaphore_mem>>) src(%arg19 : memref<80x128xf32, #tpu.memory_space<vmem>>) dst(%dma_wait3A_120 : memref<80x128xf32, #tpu.memory_space<hbm>>)
        tpu.yield
      }) : () -> ()
      %add3A_91 = arith.constant 160 : i32
      %add3A_92 = arith.addi %multiple_of3A, %add3A_91 : i32
      "tpu.region"() ({
        %run_scoped3A = tpu.sem_alloc : memref<!tpu.dma_semaphore, #tpu.memory_space<semaphore_mem>>
        %dma_start3A = tpu.memref_slice %arg10[%add3A_92] : memref<10000xi32, #tpu.memory_space<hbm>> -> memref<80xi32, #tpu.memory_space<hbm>>
        %dma_start3A_115 = tpu.memref_slice %arg10[%add3A_92] : memref<10000xi32, #tpu.memory_space<hbm>> -> memref<80xi32, #tpu.memory_space<hbm>>
        tpu.enqueue_dma source(%dma_start3A_115 : memref<80xi32, #tpu.memory_space<hbm>>) target(%arg17 : memref<80xi32, #tpu.memory_space<vmem>>) target_semaphore(%run_scoped3A : memref<!tpu.dma_semaphore, #tpu.memory_space<semaphore_mem>>)
        %dma_wait3A = tpu.memref_slice %arg10[%add3A_92] : memref<10000xi32, #tpu.memory_space<hbm>> -> memref<80xi32, #tpu.memory_space<hbm>>
        %dma_wait3A_116 = tpu.memref_slice %arg10[%add3A_92] : memref<10000xi32, #tpu.memory_space<hbm>> -> memref<80xi32, #tpu.memory_space<hbm>>
        tpu.wait_dma2 semaphore(%run_scoped3A : memref<!tpu.dma_semaphore, #tpu.memory_space<semaphore_mem>>) src(%dma_wait3A_116 : memref<80xi32, #tpu.memory_space<hbm>>) dst(%arg17 : memref<80xi32, #tpu.memory_space<vmem>>)
        tpu.yield
      }) : () -> ()
      "tpu.region"() ({
        %run_scoped3A = tpu.sem_alloc : memref<!tpu.dma_semaphore, #tpu.memory_space<semaphore_mem>>
        %dma_start3A = arith.constant 0 : i32
        %dma_start3A_115 = arith.constant 0 : i32
        %dma_start3A_116 = tpu.memref_slice %arg16[%dma_start3A, %dma_start3A_115] : memref<10000x128xf32, #tpu.memory_space<vmem_shared>> -> memref<10000x128xf32, #tpu.memory_space<vmem_shared>>
        tpu.enqueue_indirect_dma source(%dma_start3A_116 : memref<10000x128xf32, #tpu.memory_space<vmem_shared>>) target(%arg19 : memref<80x128xf32, #tpu.memory_space<vmem>>) offsets(%arg17 : memref<80xi32, #tpu.memory_space<vmem>>) semaphore(%run_scoped3A : memref<!tpu.dma_semaphore, #tpu.memory_space<semaphore_mem>>)
        %dma_wait3A = arith.constant 0 : i32
        %dma_wait3A_117 = arith.constant 0 : i32
        %dma_wait3A_118 = tpu.memref_slice %arg16[%dma_wait3A, %dma_wait3A_117] : memref<10000x128xf32, #tpu.memory_space<vmem_shared>> -> memref<10000x128xf32, #tpu.memory_space<vmem_shared>>
        tpu.wait_indirect_dma semaphore(%run_scoped3A : memref<!tpu.dma_semaphore, #tpu.memory_space<semaphore_mem>>) src(%dma_wait3A_118 : memref<10000x128xf32, #tpu.memory_space<vmem_shared>>) dst(%arg19 : memref<80x128xf32, #tpu.memory_space<vmem>>)
        tpu.yield
      }) : () -> ()
      %add3A_93 = arith.constant 160 : i32
      %add3A_94 = arith.addi %multiple_of3A, %add3A_93 : i32
      "tpu.region"() ({
        %run_scoped3A = tpu.sem_alloc : memref<!tpu.dma_semaphore, #tpu.memory_space<semaphore_mem>>
        %dma_start3A = arith.constant 0 : i32
        %dma_start3A_115 = tpu.memref_slice %arg12[%add3A_94, %dma_start3A] : memref<10000x128xf32, #tpu.memory_space<hbm>> -> memref<80x128xf32, #tpu.memory_space<hbm>>
        %dma_start3A_116 = arith.constant 0 : i32
        %dma_start3A_117 = tpu.memref_slice %arg12[%add3A_94, %dma_start3A_116] : memref<10000x128xf32, #tpu.memory_space<hbm>> -> memref<80x128xf32, #tpu.memory_space<hbm>>
        tpu.enqueue_dma source(%arg19 : memref<80x128xf32, #tpu.memory_space<vmem>>) target(%dma_start3A_117 : memref<80x128xf32, #tpu.memory_space<hbm>>) target_semaphore(%run_scoped3A : memref<!tpu.dma_semaphore, #tpu.memory_space<semaphore_mem>>)
        %dma_wait3A = arith.constant 0 : i32
        %dma_wait3A_118 = tpu.memref_slice %arg12[%add3A_94, %dma_wait3A] : memref<10000x128xf32, #tpu.memory_space<hbm>> -> memref<80x128xf32, #tpu.memory_space<hbm>>
        %dma_wait3A_119 = arith.constant 0 : i32
        %dma_wait3A_120 = tpu.memref_slice %arg12[%add3A_94, %dma_wait3A_119] : memref<10000x128xf32, #tpu.memory_space<hbm>> -> memref<80x128xf32, #tpu.memory_space<hbm>>
        tpu.wait_dma2 semaphore(%run_scoped3A : memref<!tpu.dma_semaphore, #tpu.memory_space<semaphore_mem>>) src(%arg19 : memref<80x128xf32, #tpu.memory_space<vmem>>) dst(%dma_wait3A_120 : memref<80x128xf32, #tpu.memory_space<hbm>>)
        tpu.yield
      }) : () -> ()
      %add3A_95 = arith.constant 240 : i32
      %add3A_96 = arith.addi %multiple_of3A, %add3A_95 : i32
      "tpu.region"() ({
        %run_scoped3A = tpu.sem_alloc : memref<!tpu.dma_semaphore, #tpu.memory_space<semaphore_mem>>
        %dma_start3A = tpu.memref_slice %arg10[%add3A_96] : memref<10000xi32, #tpu.memory_space<hbm>> -> memref<80xi32, #tpu.memory_space<hbm>>
        %dma_start3A_115 = tpu.memref_slice %arg10[%add3A_96] : memref<10000xi32, #tpu.memory_space<hbm>> -> memref<80xi32, #tpu.memory_space<hbm>>
        tpu.enqueue_dma source(%dma_start3A_115 : memref<80xi32, #tpu.memory_space<hbm>>) target(%arg17 : memref<80xi32, #tpu.memory_space<vmem>>) target_semaphore(%run_scoped3A : memref<!tpu.dma_semaphore, #tpu.memory_space<semaphore_mem>>)
        %dma_wait3A = tpu.memref_slice %arg10[%add3A_96] : memref<10000xi32, #tpu.memory_space<hbm>> -> memref<80xi32, #tpu.memory_space<hbm>>
        %dma_wait3A_116 = tpu.memref_slice %arg10[%add3A_96] : memref<10000xi32, #tpu.memory_space<hbm>> -> memref<80xi32, #tpu.memory_space<hbm>>
        tpu.wait_dma2 semaphore(%run_scoped3A : memref<!tpu.dma_semaphore, #tpu.memory_space<semaphore_mem>>) src(%dma_wait3A_116 : memref<80xi32, #tpu.memory_space<hbm>>) dst(%arg17 : memref<80xi32, #tpu.memory_space<vmem>>)
        tpu.yield
      }) : () -> ()
      "tpu.region"() ({
        %run_scoped3A = tpu.sem_alloc : memref<!tpu.dma_semaphore, #tpu.memory_space<semaphore_mem>>
        %dma_start3A = arith.constant 0 : i32
        %dma_start3A_115 = arith.constant 0 : i32
        %dma_start3A_116 = tpu.memref_slice %arg16[%dma_start3A, %dma_start3A_115] : memref<10000x128xf32, #tpu.memory_space<vmem_shared>> -> memref<10000x128xf32, #tpu.memory_space<vmem_shared>>
        tpu.enqueue_indirect_dma source(%dma_start3A_116 : memref<10000x128xf32, #tpu.memory_space<vmem_shared>>) target(%arg19 : memref<80x128xf32, #tpu.memory_space<vmem>>) offsets(%arg17 : memref<80xi32, #tpu.memory_space<vmem>>) semaphore(%run_scoped3A : memref<!tpu.dma_semaphore, #tpu.memory_space<semaphore_mem>>)
        %dma_wait3A = arith.constant 0 : i32
        %dma_wait3A_117 = arith.constant 0 : i32
        %dma_wait3A_118 = tpu.memref_slice %arg16[%dma_wait3A, %dma_wait3A_117] : memref<10000x128xf32, #tpu.memory_space<vmem_shared>> -> memref<10000x128xf32, #tpu.memory_space<vmem_shared>>
        tpu.wait_indirect_dma semaphore(%run_scoped3A : memref<!tpu.dma_semaphore, #tpu.memory_space<semaphore_mem>>) src(%dma_wait3A_118 : memref<10000x128xf32, #tpu.memory_space<vmem_shared>>) dst(%arg19 : memref<80x128xf32, #tpu.memory_space<vmem>>)
        tpu.yield
      }) : () -> ()
      %add3A_97 = arith.constant 240 : i32
      %add3A_98 = arith.addi %multiple_of3A, %add3A_97 : i32
      "tpu.region"() ({
        %run_scoped3A = tpu.sem_alloc : memref<!tpu.dma_semaphore, #tpu.memory_space<semaphore_mem>>
        %dma_start3A = arith.constant 0 : i32
        %dma_start3A_115 = tpu.memref_slice %arg12[%add3A_98, %dma_start3A] : memref<10000x128xf32, #tpu.memory_space<hbm>> -> memref<80x128xf32, #tpu.memory_space<hbm>>
        %dma_start3A_116 = arith.constant 0 : i32
        %dma_start3A_117 = tpu.memref_slice %arg12[%add3A_98, %dma_start3A_116] : memref<10000x128xf32, #tpu.memory_space<hbm>> -> memref<80x128xf32, #tpu.memory_space<hbm>>
        tpu.enqueue_dma source(%arg19 : memref<80x128xf32, #tpu.memory_space<vmem>>) target(%dma_start3A_117 : memref<80x128xf32, #tpu.memory_space<hbm>>) target_semaphore(%run_scoped3A : memref<!tpu.dma_semaphore, #tpu.memory_space<semaphore_mem>>)
        %dma_wait3A = arith.constant 0 : i32
        %dma_wait3A_118 = tpu.memref_slice %arg12[%add3A_98, %dma_wait3A] : memref<10000x128xf32, #tpu.memory_space<hbm>> -> memref<80x128xf32, #tpu.memory_space<hbm>>
        %dma_wait3A_119 = arith.constant 0 : i32
        %dma_wait3A_120 = tpu.memref_slice %arg12[%add3A_98, %dma_wait3A_119] : memref<10000x128xf32, #tpu.memory_space<hbm>> -> memref<80x128xf32, #tpu.memory_space<hbm>>
        tpu.wait_dma2 semaphore(%run_scoped3A : memref<!tpu.dma_semaphore, #tpu.memory_space<semaphore_mem>>) src(%arg19 : memref<80x128xf32, #tpu.memory_space<vmem>>) dst(%dma_wait3A_120 : memref<80x128xf32, #tpu.memory_space<hbm>>)
        tpu.yield
      }) : () -> ()
      %add3A_99 = arith.constant 320 : i32
      %add3A_100 = arith.addi %multiple_of3A, %add3A_99 : i32
      "tpu.region"() ({
        %run_scoped3A = tpu.sem_alloc : memref<!tpu.dma_semaphore, #tpu.memory_space<semaphore_mem>>
        %dma_start3A = tpu.memref_slice %arg10[%add3A_100] : memref<10000xi32, #tpu.memory_space<hbm>> -> memref<80xi32, #tpu.memory_space<hbm>>
        %dma_start3A_115 = tpu.memref_slice %arg10[%add3A_100] : memref<10000xi32, #tpu.memory_space<hbm>> -> memref<80xi32, #tpu.memory_space<hbm>>
        tpu.enqueue_dma source(%dma_start3A_115 : memref<80xi32, #tpu.memory_space<hbm>>) target(%arg17 : memref<80xi32, #tpu.memory_space<vmem>>) target_semaphore(%run_scoped3A : memref<!tpu.dma_semaphore, #tpu.memory_space<semaphore_mem>>)
        %dma_wait3A = tpu.memref_slice %arg10[%add3A_100] : memref<10000xi32, #tpu.memory_space<hbm>> -> memref<80xi32, #tpu.memory_space<hbm>>
        %dma_wait3A_116 = tpu.memref_slice %arg10[%add3A_100] : memref<10000xi32, #tpu.memory_space<hbm>> -> memref<80xi32, #tpu.memory_space<hbm>>
        tpu.wait_dma2 semaphore(%run_scoped3A : memref<!tpu.dma_semaphore, #tpu.memory_space<semaphore_mem>>) src(%dma_wait3A_116 : memref<80xi32, #tpu.memory_space<hbm>>) dst(%arg17 : memref<80xi32, #tpu.memory_space<vmem>>)
        tpu.yield
      }) : () -> ()
      "tpu.region"() ({
        %run_scoped3A = tpu.sem_alloc : memref<!tpu.dma_semaphore, #tpu.memory_space<semaphore_mem>>
        %dma_start3A = arith.constant 0 : i32
        %dma_start3A_115 = arith.constant 0 : i32
        %dma_start3A_116 = tpu.memref_slice %arg16[%dma_start3A, %dma_start3A_115] : memref<10000x128xf32, #tpu.memory_space<vmem_shared>> -> memref<10000x128xf32, #tpu.memory_space<vmem_shared>>
        tpu.enqueue_indirect_dma source(%dma_start3A_116 : memref<10000x128xf32, #tpu.memory_space<vmem_shared>>) target(%arg19 : memref<80x128xf32, #tpu.memory_space<vmem>>) offsets(%arg17 : memref<80xi32, #tpu.memory_space<vmem>>) semaphore(%run_scoped3A : memref<!tpu.dma_semaphore, #tpu.memory_space<semaphore_mem>>)
        %dma_wait3A = arith.constant 0 : i32
        %dma_wait3A_117 = arith.constant 0 : i32
        %dma_wait3A_118 = tpu.memref_slice %arg16[%dma_wait3A, %dma_wait3A_117] : memref<10000x128xf32, #tpu.memory_space<vmem_shared>> -> memref<10000x128xf32, #tpu.memory_space<vmem_shared>>
        tpu.wait_indirect_dma semaphore(%run_scoped3A : memref<!tpu.dma_semaphore, #tpu.memory_space<semaphore_mem>>) src(%dma_wait3A_118 : memref<10000x128xf32, #tpu.memory_space<vmem_shared>>) dst(%arg19 : memref<80x128xf32, #tpu.memory_space<vmem>>)
        tpu.yield
      }) : () -> ()
      %add3A_101 = arith.constant 320 : i32
      %add3A_102 = arith.addi %multiple_of3A, %add3A_101 : i32
      "tpu.region"() ({
        %run_scoped3A = tpu.sem_alloc : memref<!tpu.dma_semaphore, #tpu.memory_space<semaphore_mem>>
        %dma_start3A = arith.constant 0 : i32
        %dma_start3A_115 = tpu.memref_slice %arg12[%add3A_102, %dma_start3A] : memref<10000x128xf32, #tpu.memory_space<hbm>> -> memref<80x128xf32, #tpu.memory_space<hbm>>
        %dma_start3A_116 = arith.constant 0 : i32
        %dma_start3A_117 = tpu.memref_slice %arg12[%add3A_102, %dma_start3A_116] : memref<10000x128xf32, #tpu.memory_space<hbm>> -> memref<80x128xf32, #tpu.memory_space<hbm>>
        tpu.enqueue_dma source(%arg19 : memref<80x128xf32, #tpu.memory_space<vmem>>) target(%dma_start3A_117 : memref<80x128xf32, #tpu.memory_space<hbm>>) target_semaphore(%run_scoped3A : memref<!tpu.dma_semaphore, #tpu.memory_space<semaphore_mem>>)
        %dma_wait3A = arith.constant 0 : i32
        %dma_wait3A_118 = tpu.memref_slice %arg12[%add3A_102, %dma_wait3A] : memref<10000x128xf32, #tpu.memory_space<hbm>> -> memref<80x128xf32, #tpu.memory_space<hbm>>
        %dma_wait3A_119 = arith.constant 0 : i32
        %dma_wait3A_120 = tpu.memref_slice %arg12[%add3A_102, %dma_wait3A_119] : memref<10000x128xf32, #tpu.memory_space<hbm>> -> memref<80x128xf32, #tpu.memory_space<hbm>>
        tpu.wait_dma2 semaphore(%run_scoped3A : memref<!tpu.dma_semaphore, #tpu.memory_space<semaphore_mem>>) src(%arg19 : memref<80x128xf32, #tpu.memory_space<vmem>>) dst(%dma_wait3A_120 : memref<80x128xf32, #tpu.memory_space<hbm>>)
        tpu.yield
      }) : () -> ()
      %add3A_103 = arith.constant 400 : i32
      %add3A_104 = arith.addi %multiple_of3A, %add3A_103 : i32
      "tpu.region"() ({
        %run_scoped3A = tpu.sem_alloc : memref<!tpu.dma_semaphore, #tpu.memory_space<semaphore_mem>>
        %dma_start3A = tpu.memref_slice %arg10[%add3A_104] : memref<10000xi32, #tpu.memory_space<hbm>> -> memref<80xi32, #tpu.memory_space<hbm>>
        %dma_start3A_115 = tpu.memref_slice %arg10[%add3A_104] : memref<10000xi32, #tpu.memory_space<hbm>> -> memref<80xi32, #tpu.memory_space<hbm>>
        tpu.enqueue_dma source(%dma_start3A_115 : memref<80xi32, #tpu.memory_space<hbm>>) target(%arg17 : memref<80xi32, #tpu.memory_space<vmem>>) target_semaphore(%run_scoped3A : memref<!tpu.dma_semaphore, #tpu.memory_space<semaphore_mem>>)
        %dma_wait3A = tpu.memref_slice %arg10[%add3A_104] : memref<10000xi32, #tpu.memory_space<hbm>> -> memref<80xi32, #tpu.memory_space<hbm>>
        %dma_wait3A_116 = tpu.memref_slice %arg10[%add3A_104] : memref<10000xi32, #tpu.memory_space<hbm>> -> memref<80xi32, #tpu.memory_space<hbm>>
        tpu.wait_dma2 semaphore(%run_scoped3A : memref<!tpu.dma_semaphore, #tpu.memory_space<semaphore_mem>>) src(%dma_wait3A_116 : memref<80xi32, #tpu.memory_space<hbm>>) dst(%arg17 : memref<80xi32, #tpu.memory_space<vmem>>)
        tpu.yield
      }) : () -> ()
      "tpu.region"() ({
        %run_scoped3A = tpu.sem_alloc : memref<!tpu.dma_semaphore, #tpu.memory_space<semaphore_mem>>
        %dma_start3A = arith.constant 0 : i32
        %dma_start3A_115 = arith.constant 0 : i32
        %dma_start3A_116 = tpu.memref_slice %arg16[%dma_start3A, %dma_start3A_115] : memref<10000x128xf32, #tpu.memory_space<vmem_shared>> -> memref<10000x128xf32, #tpu.memory_space<vmem_shared>>
        tpu.enqueue_indirect_dma source(%dma_start3A_116 : memref<10000x128xf32, #tpu.memory_space<vmem_shared>>) target(%arg19 : memref<80x128xf32, #tpu.memory_space<vmem>>) offsets(%arg17 : memref<80xi32, #tpu.memory_space<vmem>>) semaphore(%run_scoped3A : memref<!tpu.dma_semaphore, #tpu.memory_space<semaphore_mem>>)
        %dma_wait3A = arith.constant 0 : i32
        %dma_wait3A_117 = arith.constant 0 : i32
        %dma_wait3A_118 = tpu.memref_slice %arg16[%dma_wait3A, %dma_wait3A_117] : memref<10000x128xf32, #tpu.memory_space<vmem_shared>> -> memref<10000x128xf32, #tpu.memory_space<vmem_shared>>
        tpu.wait_indirect_dma semaphore(%run_scoped3A : memref<!tpu.dma_semaphore, #tpu.memory_space<semaphore_mem>>) src(%dma_wait3A_118 : memref<10000x128xf32, #tpu.memory_space<vmem_shared>>) dst(%arg19 : memref<80x128xf32, #tpu.memory_space<vmem>>)
        tpu.yield
      }) : () -> ()
      %add3A_105 = arith.constant 400 : i32
      %add3A_106 = arith.addi %multiple_of3A, %add3A_105 : i32
      "tpu.region"() ({
        %run_scoped3A = tpu.sem_alloc : memref<!tpu.dma_semaphore, #tpu.memory_space<semaphore_mem>>
        %dma_start3A = arith.constant 0 : i32
        %dma_start3A_115 = tpu.memref_slice %arg12[%add3A_106, %dma_start3A] : memref<10000x128xf32, #tpu.memory_space<hbm>> -> memref<80x128xf32, #tpu.memory_space<hbm>>
        %dma_start3A_116 = arith.constant 0 : i32
        %dma_start3A_117 = tpu.memref_slice %arg12[%add3A_106, %dma_start3A_116] : memref<10000x128xf32, #tpu.memory_space<hbm>> -> memref<80x128xf32, #tpu.memory_space<hbm>>
        tpu.enqueue_dma source(%arg19 : memref<80x128xf32, #tpu.memory_space<vmem>>) target(%dma_start3A_117 : memref<80x128xf32, #tpu.memory_space<hbm>>) target_semaphore(%run_scoped3A : memref<!tpu.dma_semaphore, #tpu.memory_space<semaphore_mem>>)
        %dma_wait3A = arith.constant 0 : i32
        %dma_wait3A_118 = tpu.memref_slice %arg12[%add3A_106, %dma_wait3A] : memref<10000x128xf32, #tpu.memory_space<hbm>> -> memref<80x128xf32, #tpu.memory_space<hbm>>
        %dma_wait3A_119 = arith.constant 0 : i32
        %dma_wait3A_120 = tpu.memref_slice %arg12[%add3A_106, %dma_wait3A_119] : memref<10000x128xf32, #tpu.memory_space<hbm>> -> memref<80x128xf32, #tpu.memory_space<hbm>>
        tpu.wait_dma2 semaphore(%run_scoped3A : memref<!tpu.dma_semaphore, #tpu.memory_space<semaphore_mem>>) src(%arg19 : memref<80x128xf32, #tpu.memory_space<vmem>>) dst(%dma_wait3A_120 : memref<80x128xf32, #tpu.memory_space<hbm>>)
        tpu.yield
      }) : () -> ()
      %add3A_107 = arith.constant 480 : i32
      %add3A_108 = arith.addi %multiple_of3A, %add3A_107 : i32
      "tpu.region"() ({
        %run_scoped3A = tpu.sem_alloc : memref<!tpu.dma_semaphore, #tpu.memory_space<semaphore_mem>>
        %dma_start3A = tpu.memref_slice %arg10[%add3A_108] : memref<10000xi32, #tpu.memory_space<hbm>> -> memref<80xi32, #tpu.memory_space<hbm>>
        %dma_start3A_115 = tpu.memref_slice %arg10[%add3A_108] : memref<10000xi32, #tpu.memory_space<hbm>> -> memref<80xi32, #tpu.memory_space<hbm>>
        tpu.enqueue_dma source(%dma_start3A_115 : memref<80xi32, #tpu.memory_space<hbm>>) target(%arg17 : memref<80xi32, #tpu.memory_space<vmem>>) target_semaphore(%run_scoped3A : memref<!tpu.dma_semaphore, #tpu.memory_space<semaphore_mem>>)
        %dma_wait3A = tpu.memref_slice %arg10[%add3A_108] : memref<10000xi32, #tpu.memory_space<hbm>> -> memref<80xi32, #tpu.memory_space<hbm>>
        %dma_wait3A_116 = tpu.memref_slice %arg10[%add3A_108] : memref<10000xi32, #tpu.memory_space<hbm>> -> memref<80xi32, #tpu.memory_space<hbm>>
        tpu.wait_dma2 semaphore(%run_scoped3A : memref<!tpu.dma_semaphore, #tpu.memory_space<semaphore_mem>>) src(%dma_wait3A_116 : memref<80xi32, #tpu.memory_space<hbm>>) dst(%arg17 : memref<80xi32, #tpu.memory_space<vmem>>)
        tpu.yield
      }) : () -> ()
      "tpu.region"() ({
        %run_scoped3A = tpu.sem_alloc : memref<!tpu.dma_semaphore, #tpu.memory_space<semaphore_mem>>
        %dma_start3A = arith.constant 0 : i32
        %dma_start3A_115 = arith.constant 0 : i32
        %dma_start3A_116 = tpu.memref_slice %arg16[%dma_start3A, %dma_start3A_115] : memref<10000x128xf32, #tpu.memory_space<vmem_shared>> -> memref<10000x128xf32, #tpu.memory_space<vmem_shared>>
        tpu.enqueue_indirect_dma source(%dma_start3A_116 : memref<10000x128xf32, #tpu.memory_space<vmem_shared>>) target(%arg19 : memref<80x128xf32, #tpu.memory_space<vmem>>) offsets(%arg17 : memref<80xi32, #tpu.memory_space<vmem>>) semaphore(%run_scoped3A : memref<!tpu.dma_semaphore, #tpu.memory_space<semaphore_mem>>)
        %dma_wait3A = arith.constant 0 : i32
        %dma_wait3A_117 = arith.constant 0 : i32
        %dma_wait3A_118 = tpu.memref_slice %arg16[%dma_wait3A, %dma_wait3A_117] : memref<10000x128xf32, #tpu.memory_space<vmem_shared>> -> memref<10000x128xf32, #tpu.memory_space<vmem_shared>>
        tpu.wait_indirect_dma semaphore(%run_scoped3A : memref<!tpu.dma_semaphore, #tpu.memory_space<semaphore_mem>>) src(%dma_wait3A_118 : memref<10000x128xf32, #tpu.memory_space<vmem_shared>>) dst(%arg19 : memref<80x128xf32, #tpu.memory_space<vmem>>)
        tpu.yield
      }) : () -> ()
      %add3A_109 = arith.constant 480 : i32
      %add3A_110 = arith.addi %multiple_of3A, %add3A_109 : i32
      "tpu.region"() ({
        %run_scoped3A = tpu.sem_alloc : memref<!tpu.dma_semaphore, #tpu.memory_space<semaphore_mem>>
        %dma_start3A = arith.constant 0 : i32
        %dma_start3A_115 = tpu.memref_slice %arg12[%add3A_110, %dma_start3A] : memref<10000x128xf32, #tpu.memory_space<hbm>> -> memref<80x128xf32, #tpu.memory_space<hbm>>
        %dma_start3A_116 = arith.constant 0 : i32
        %dma_start3A_117 = tpu.memref_slice %arg12[%add3A_110, %dma_start3A_116] : memref<10000x128xf32, #tpu.memory_space<hbm>> -> memref<80x128xf32, #tpu.memory_space<hbm>>
        tpu.enqueue_dma source(%arg19 : memref<80x128xf32, #tpu.memory_space<vmem>>) target(%dma_start3A_117 : memref<80x128xf32, #tpu.memory_space<hbm>>) target_semaphore(%run_scoped3A : memref<!tpu.dma_semaphore, #tpu.memory_space<semaphore_mem>>)
        %dma_wait3A = arith.constant 0 : i32
        %dma_wait3A_118 = tpu.memref_slice %arg12[%add3A_110, %dma_wait3A] : memref<10000x128xf32, #tpu.memory_space<hbm>> -> memref<80x128xf32, #tpu.memory_space<hbm>>
        %dma_wait3A_119 = arith.constant 0 : i32
        %dma_wait3A_120 = tpu.memref_slice %arg12[%add3A_110, %dma_wait3A_119] : memref<10000x128xf32, #tpu.memory_space<hbm>> -> memref<80x128xf32, #tpu.memory_space<hbm>>
        tpu.wait_dma2 semaphore(%run_scoped3A : memref<!tpu.dma_semaphore, #tpu.memory_space<semaphore_mem>>) src(%arg19 : memref<80x128xf32, #tpu.memory_space<vmem>>) dst(%dma_wait3A_120 : memref<80x128xf32, #tpu.memory_space<hbm>>)
        tpu.yield
      }) : () -> ()
      %add3A_111 = arith.constant 560 : i32
      %add3A_112 = arith.addi %multiple_of3A, %add3A_111 : i32
      "tpu.region"() ({
        %run_scoped3A = tpu.sem_alloc : memref<!tpu.dma_semaphore, #tpu.memory_space<semaphore_mem>>
        %dma_start3A = tpu.memref_slice %arg10[%add3A_112] : memref<10000xi32, #tpu.memory_space<hbm>> -> memref<80xi32, #tpu.memory_space<hbm>>
        %dma_start3A_115 = tpu.memref_slice %arg10[%add3A_112] : memref<10000xi32, #tpu.memory_space<hbm>> -> memref<80xi32, #tpu.memory_space<hbm>>
        tpu.enqueue_dma source(%dma_start3A_115 : memref<80xi32, #tpu.memory_space<hbm>>) target(%arg17 : memref<80xi32, #tpu.memory_space<vmem>>) target_semaphore(%run_scoped3A : memref<!tpu.dma_semaphore, #tpu.memory_space<semaphore_mem>>)
        %dma_wait3A = tpu.memref_slice %arg10[%add3A_112] : memref<10000xi32, #tpu.memory_space<hbm>> -> memref<80xi32, #tpu.memory_space<hbm>>
        %dma_wait3A_116 = tpu.memref_slice %arg10[%add3A_112] : memref<10000xi32, #tpu.memory_space<hbm>> -> memref<80xi32, #tpu.memory_space<hbm>>
        tpu.wait_dma2 semaphore(%run_scoped3A : memref<!tpu.dma_semaphore, #tpu.memory_space<semaphore_mem>>) src(%dma_wait3A_116 : memref<80xi32, #tpu.memory_space<hbm>>) dst(%arg17 : memref<80xi32, #tpu.memory_space<vmem>>)
        tpu.yield
      }) : () -> ()
      "tpu.region"() ({
        %run_scoped3A = tpu.sem_alloc : memref<!tpu.dma_semaphore, #tpu.memory_space<semaphore_mem>>
        %dma_start3A = arith.constant 0 : i32
        %dma_start3A_115 = arith.constant 0 : i32
        %dma_start3A_116 = tpu.memref_slice %arg16[%dma_start3A, %dma_start3A_115] : memref<10000x128xf32, #tpu.memory_space<vmem_shared>> -> memref<10000x128xf32, #tpu.memory_space<vmem_shared>>
        tpu.enqueue_indirect_dma source(%dma_start3A_116 : memref<10000x128xf32, #tpu.memory_space<vmem_shared>>) target(%arg19 : memref<80x128xf32, #tpu.memory_space<vmem>>) offsets(%arg17 : memref<80xi32, #tpu.memory_space<vmem>>) semaphore(%run_scoped3A : memref<!tpu.dma_semaphore, #tpu.memory_space<semaphore_mem>>)
        %dma_wait3A = arith.constant 0 : i32
        %dma_wait3A_117 = arith.constant 0 : i32
        %dma_wait3A_118 = tpu.memref_slice %arg16[%dma_wait3A, %dma_wait3A_117] : memref<10000x128xf32, #tpu.memory_space<vmem_shared>> -> memref<10000x128xf32, #tpu.memory_space<vmem_shared>>
        tpu.wait_indirect_dma semaphore(%run_scoped3A : memref<!tpu.dma_semaphore, #tpu.memory_space<semaphore_mem>>) src(%dma_wait3A_118 : memref<10000x128xf32, #tpu.memory_space<vmem_shared>>) dst(%arg19 : memref<80x128xf32, #tpu.memory_space<vmem>>)
        tpu.yield
      }) : () -> ()
      %add3A_113 = arith.constant 560 : i32
      %add3A_114 = arith.addi %multiple_of3A, %add3A_113 : i32
      "tpu.region"() ({
        %run_scoped3A = tpu.sem_alloc : memref<!tpu.dma_semaphore, #tpu.memory_space<semaphore_mem>>
        %dma_start3A = arith.constant 0 : i32
        %dma_start3A_115 = tpu.memref_slice %arg12[%add3A_114, %dma_start3A] : memref<10000x128xf32, #tpu.memory_space<hbm>> -> memref<80x128xf32, #tpu.memory_space<hbm>>
        %dma_start3A_116 = arith.constant 0 : i32
        %dma_start3A_117 = tpu.memref_slice %arg12[%add3A_114, %dma_start3A_116] : memref<10000x128xf32, #tpu.memory_space<hbm>> -> memref<80x128xf32, #tpu.memory_space<hbm>>
        tpu.enqueue_dma source(%arg19 : memref<80x128xf32, #tpu.memory_space<vmem>>) target(%dma_start3A_117 : memref<80x128xf32, #tpu.memory_space<hbm>>) target_semaphore(%run_scoped3A : memref<!tpu.dma_semaphore, #tpu.memory_space<semaphore_mem>>)
        %dma_wait3A = arith.constant 0 : i32
        %dma_wait3A_118 = tpu.memref_slice %arg12[%add3A_114, %dma_wait3A] : memref<10000x128xf32, #tpu.memory_space<hbm>> -> memref<80x128xf32, #tpu.memory_space<hbm>>
        %dma_wait3A_119 = arith.constant 0 : i32
        %dma_wait3A_120 = tpu.memref_slice %arg12[%add3A_114, %dma_wait3A_119] : memref<10000x128xf32, #tpu.memory_space<hbm>> -> memref<80x128xf32, #tpu.memory_space<hbm>>
        tpu.wait_dma2 semaphore(%run_scoped3A : memref<!tpu.dma_semaphore, #tpu.memory_space<semaphore_mem>>) src(%arg19 : memref<80x128xf32, #tpu.memory_space<vmem>>) dst(%dma_wait3A_120 : memref<80x128xf32, #tpu.memory_space<hbm>>)
        tpu.yield
      }) : () -> ()
    } else {
    }
    %eq3A_34 = arith.constant 1 : i32
    %eq3A_35 = arith.cmpi eq, %arg0, %eq3A_34 : i32
    %convert_element_type3A_36 = arith.extui %eq3A_35 : i1 to i32
    %cond3A_37 = arith.constant 0 : i32
    %cond3A_38 = arith.cmpi ne, %convert_element_type3A_36, %cond3A_37 : i32
    scf.if %cond3A_38 {
      %add3A_83 = arith.constant 0 : i32
      %add3A_84 = arith.addi %multiple_of3A, %add3A_83 : i32
      "tpu.region"() ({
        %run_scoped3A = tpu.sem_alloc : memref<!tpu.dma_semaphore, #tpu.memory_space<semaphore_mem>>
        %dma_start3A = tpu.memref_slice %arg10[%add3A_84] : memref<10000xi32, #tpu.memory_space<hbm>> -> memref<80xi32, #tpu.memory_space<hbm>>
        %dma_start3A_115 = tpu.memref_slice %arg10[%add3A_84] : memref<10000xi32, #tpu.memory_space<hbm>> -> memref<80xi32, #tpu.memory_space<hbm>>
        tpu.enqueue_dma source(%dma_start3A_115 : memref<80xi32, #tpu.memory_space<hbm>>) target(%arg17 : memref<80xi32, #tpu.memory_space<vmem>>) target_semaphore(%run_scoped3A : memref<!tpu.dma_semaphore, #tpu.memory_space<semaphore_mem>>)
        %dma_wait3A = tpu.memref_slice %arg10[%add3A_84] : memref<10000xi32, #tpu.memory_space<hbm>> -> memref<80xi32, #tpu.memory_space<hbm>>
        %dma_wait3A_116 = tpu.memref_slice %arg10[%add3A_84] : memref<10000xi32, #tpu.memory_space<hbm>> -> memref<80xi32, #tpu.memory_space<hbm>>
        tpu.wait_dma2 semaphore(%run_scoped3A : memref<!tpu.dma_semaphore, #tpu.memory_space<semaphore_mem>>) src(%dma_wait3A_116 : memref<80xi32, #tpu.memory_space<hbm>>) dst(%arg17 : memref<80xi32, #tpu.memory_space<vmem>>)
        tpu.yield
      }) : () -> ()
      "tpu.region"() ({
        %run_scoped3A = tpu.sem_alloc : memref<!tpu.dma_semaphore, #tpu.memory_space<semaphore_mem>>
        %dma_start3A = arith.constant 0 : i32
        %dma_start3A_115 = arith.constant 0 : i32
        %dma_start3A_116 = tpu.memref_slice %arg16[%dma_start3A, %dma_start3A_115] : memref<10000x128xf32, #tpu.memory_space<vmem_shared>> -> memref<10000x128xf32, #tpu.memory_space<vmem_shared>>
        tpu.enqueue_indirect_dma source(%dma_start3A_116 : memref<10000x128xf32, #tpu.memory_space<vmem_shared>>) target(%arg19 : memref<80x128xf32, #tpu.memory_space<vmem>>) offsets(%arg17 : memref<80xi32, #tpu.memory_space<vmem>>) semaphore(%run_scoped3A : memref<!tpu.dma_semaphore, #tpu.memory_space<semaphore_mem>>)
        %dma_wait3A = arith.constant 0 : i32
        %dma_wait3A_117 = arith.constant 0 : i32
        %dma_wait3A_118 = tpu.memref_slice %arg16[%dma_wait3A, %dma_wait3A_117] : memref<10000x128xf32, #tpu.memory_space<vmem_shared>> -> memref<10000x128xf32, #tpu.memory_space<vmem_shared>>
        tpu.wait_indirect_dma semaphore(%run_scoped3A : memref<!tpu.dma_semaphore, #tpu.memory_space<semaphore_mem>>) src(%dma_wait3A_118 : memref<10000x128xf32, #tpu.memory_space<vmem_shared>>) dst(%arg19 : memref<80x128xf32, #tpu.memory_space<vmem>>)
        tpu.yield
      }) : () -> ()
      %add3A_85 = arith.constant 0 : i32
      %add3A_86 = arith.addi %multiple_of3A, %add3A_85 : i32
      "tpu.region"() ({
        %run_scoped3A = tpu.sem_alloc : memref<!tpu.dma_semaphore, #tpu.memory_space<semaphore_mem>>
        %dma_start3A = arith.constant 0 : i32
        %dma_start3A_115 = tpu.memref_slice %arg14[%add3A_86, %dma_start3A] : memref<10000x128xf32, #tpu.memory_space<hbm>> -> memref<80x128xf32, #tpu.memory_space<hbm>>
        %dma_start3A_116 = arith.constant 0 : i32
        %dma_start3A_117 = tpu.memref_slice %arg14[%add3A_86, %dma_start3A_116] : memref<10000x128xf32, #tpu.memory_space<hbm>> -> memref<80x128xf32, #tpu.memory_space<hbm>>
        tpu.enqueue_dma source(%arg19 : memref<80x128xf32, #tpu.memory_space<vmem>>) target(%dma_start3A_117 : memref<80x128xf32, #tpu.memory_space<hbm>>) target_semaphore(%run_scoped3A : memref<!tpu.dma_semaphore, #tpu.memory_space<semaphore_mem>>)
        %dma_wait3A = arith.constant 0 : i32
        %dma_wait3A_118 = tpu.memref_slice %arg14[%add3A_86, %dma_wait3A] : memref<10000x128xf32, #tpu.memory_space<hbm>> -> memref<80x128xf32, #tpu.memory_space<hbm>>
        %dma_wait3A_119 = arith.constant 0 : i32
        %dma_wait3A_120 = tpu.memref_slice %arg14[%add3A_86, %dma_wait3A_119] : memref<10000x128xf32, #tpu.memory_space<hbm>> -> memref<80x128xf32, #tpu.memory_space<hbm>>
        tpu.wait_dma2 semaphore(%run_scoped3A : memref<!tpu.dma_semaphore, #tpu.memory_space<semaphore_mem>>) src(%arg19 : memref<80x128xf32, #tpu.memory_space<vmem>>) dst(%dma_wait3A_120 : memref<80x128xf32, #tpu.memory_space<hbm>>)
        tpu.yield
      }) : () -> ()
      %add3A_87 = arith.constant 80 : i32
      %add3A_88 = arith.addi %multiple_of3A, %add3A_87 : i32
      "tpu.region"() ({
        %run_scoped3A = tpu.sem_alloc : memref<!tpu.dma_semaphore, #tpu.memory_space<semaphore_mem>>
        %dma_start3A = tpu.memref_slice %arg10[%add3A_88] : memref<10000xi32, #tpu.memory_space<hbm>> -> memref<80xi32, #tpu.memory_space<hbm>>
        %dma_start3A_115 = tpu.memref_slice %arg10[%add3A_88] : memref<10000xi32, #tpu.memory_space<hbm>> -> memref<80xi32, #tpu.memory_space<hbm>>
        tpu.enqueue_dma source(%dma_start3A_115 : memref<80xi32, #tpu.memory_space<hbm>>) target(%arg17 : memref<80xi32, #tpu.memory_space<vmem>>) target_semaphore(%run_scoped3A : memref<!tpu.dma_semaphore, #tpu.memory_space<semaphore_mem>>)
        %dma_wait3A = tpu.memref_slice %arg10[%add3A_88] : memref<10000xi32, #tpu.memory_space<hbm>> -> memref<80xi32, #tpu.memory_space<hbm>>
        %dma_wait3A_116 = tpu.memref_slice %arg10[%add3A_88] : memref<10000xi32, #tpu.memory_space<hbm>> -> memref<80xi32, #tpu.memory_space<hbm>>
        tpu.wait_dma2 semaphore(%run_scoped3A : memref<!tpu.dma_semaphore, #tpu.memory_space<semaphore_mem>>) src(%dma_wait3A_116 : memref<80xi32, #tpu.memory_space<hbm>>) dst(%arg17 : memref<80xi32, #tpu.memory_space<vmem>>)
        tpu.yield
      }) : () -> ()
      "tpu.region"() ({
        %run_scoped3A = tpu.sem_alloc : memref<!tpu.dma_semaphore, #tpu.memory_space<semaphore_mem>>
        %dma_start3A = arith.constant 0 : i32
        %dma_start3A_115 = arith.constant 0 : i32
        %dma_start3A_116 = tpu.memref_slice %arg16[%dma_start3A, %dma_start3A_115] : memref<10000x128xf32, #tpu.memory_space<vmem_shared>> -> memref<10000x128xf32, #tpu.memory_space<vmem_shared>>
        tpu.enqueue_indirect_dma source(%dma_start3A_116 : memref<10000x128xf32, #tpu.memory_space<vmem_shared>>) target(%arg19 : memref<80x128xf32, #tpu.memory_space<vmem>>) offsets(%arg17 : memref<80xi32, #tpu.memory_space<vmem>>) semaphore(%run_scoped3A : memref<!tpu.dma_semaphore, #tpu.memory_space<semaphore_mem>>)
        %dma_wait3A = arith.constant 0 : i32
        %dma_wait3A_117 = arith.constant 0 : i32
        %dma_wait3A_118 = tpu.memref_slice %arg16[%dma_wait3A, %dma_wait3A_117] : memref<10000x128xf32, #tpu.memory_space<vmem_shared>> -> memref<10000x128xf32, #tpu.memory_space<vmem_shared>>
        tpu.wait_indirect_dma semaphore(%run_scoped3A : memref<!tpu.dma_semaphore, #tpu.memory_space<semaphore_mem>>) src(%dma_wait3A_118 : memref<10000x128xf32, #tpu.memory_space<vmem_shared>>) dst(%arg19 : memref<80x128xf32, #tpu.memory_space<vmem>>)
        tpu.yield
      }) : () -> ()
      %add3A_89 = arith.constant 80 : i32
      %add3A_90 = arith.addi %multiple_of3A, %add3A_89 : i32
      "tpu.region"() ({
        %run_scoped3A = tpu.sem_alloc : memref<!tpu.dma_semaphore, #tpu.memory_space<semaphore_mem>>
        %dma_start3A = arith.constant 0 : i32
        %dma_start3A_115 = tpu.memref_slice %arg14[%add3A_90, %dma_start3A] : memref<10000x128xf32, #tpu.memory_space<hbm>> -> memref<80x128xf32, #tpu.memory_space<hbm>>
        %dma_start3A_116 = arith.constant 0 : i32
        %dma_start3A_117 = tpu.memref_slice %arg14[%add3A_90, %dma_start3A_116] : memref<10000x128xf32, #tpu.memory_space<hbm>> -> memref<80x128xf32, #tpu.memory_space<hbm>>
        tpu.enqueue_dma source(%arg19 : memref<80x128xf32, #tpu.memory_space<vmem>>) target(%dma_start3A_117 : memref<80x128xf32, #tpu.memory_space<hbm>>) target_semaphore(%run_scoped3A : memref<!tpu.dma_semaphore, #tpu.memory_space<semaphore_mem>>)
        %dma_wait3A = arith.constant 0 : i32
        %dma_wait3A_118 = tpu.memref_slice %arg14[%add3A_90, %dma_wait3A] : memref<10000x128xf32, #tpu.memory_space<hbm>> -> memref<80x128xf32, #tpu.memory_space<hbm>>
        %dma_wait3A_119 = arith.constant 0 : i32
        %dma_wait3A_120 = tpu.memref_slice %arg14[%add3A_90, %dma_wait3A_119] : memref<10000x128xf32, #tpu.memory_space<hbm>> -> memref<80x128xf32, #tpu.memory_space<hbm>>
        tpu.wait_dma2 semaphore(%run_scoped3A : memref<!tpu.dma_semaphore, #tpu.memory_space<semaphore_mem>>) src(%arg19 : memref<80x128xf32, #tpu.memory_space<vmem>>) dst(%dma_wait3A_120 : memref<80x128xf32, #tpu.memory_space<hbm>>)
        tpu.yield
      }) : () -> ()
      %add3A_91 = arith.constant 160 : i32
      %add3A_92 = arith.addi %multiple_of3A, %add3A_91 : i32
      "tpu.region"() ({
        %run_scoped3A = tpu.sem_alloc : memref<!tpu.dma_semaphore, #tpu.memory_space<semaphore_mem>>
        %dma_start3A = tpu.memref_slice %arg10[%add3A_92] : memref<10000xi32, #tpu.memory_space<hbm>> -> memref<80xi32, #tpu.memory_space<hbm>>
        %dma_start3A_115 = tpu.memref_slice %arg10[%add3A_92] : memref<10000xi32, #tpu.memory_space<hbm>> -> memref<80xi32, #tpu.memory_space<hbm>>
        tpu.enqueue_dma source(%dma_start3A_115 : memref<80xi32, #tpu.memory_space<hbm>>) target(%arg17 : memref<80xi32, #tpu.memory_space<vmem>>) target_semaphore(%run_scoped3A : memref<!tpu.dma_semaphore, #tpu.memory_space<semaphore_mem>>)
        %dma_wait3A = tpu.memref_slice %arg10[%add3A_92] : memref<10000xi32, #tpu.memory_space<hbm>> -> memref<80xi32, #tpu.memory_space<hbm>>
        %dma_wait3A_116 = tpu.memref_slice %arg10[%add3A_92] : memref<10000xi32, #tpu.memory_space<hbm>> -> memref<80xi32, #tpu.memory_space<hbm>>
        tpu.wait_dma2 semaphore(%run_scoped3A : memref<!tpu.dma_semaphore, #tpu.memory_space<semaphore_mem>>) src(%dma_wait3A_116 : memref<80xi32, #tpu.memory_space<hbm>>) dst(%arg17 : memref<80xi32, #tpu.memory_space<vmem>>)
        tpu.yield
      }) : () -> ()
      "tpu.region"() ({
        %run_scoped3A = tpu.sem_alloc : memref<!tpu.dma_semaphore, #tpu.memory_space<semaphore_mem>>
        %dma_start3A = arith.constant 0 : i32
        %dma_start3A_115 = arith.constant 0 : i32
        %dma_start3A_116 = tpu.memref_slice %arg16[%dma_start3A, %dma_start3A_115] : memref<10000x128xf32, #tpu.memory_space<vmem_shared>> -> memref<10000x128xf32, #tpu.memory_space<vmem_shared>>
        tpu.enqueue_indirect_dma source(%dma_start3A_116 : memref<10000x128xf32, #tpu.memory_space<vmem_shared>>) target(%arg19 : memref<80x128xf32, #tpu.memory_space<vmem>>) offsets(%arg17 : memref<80xi32, #tpu.memory_space<vmem>>) semaphore(%run_scoped3A : memref<!tpu.dma_semaphore, #tpu.memory_space<semaphore_mem>>)
        %dma_wait3A = arith.constant 0 : i32
        %dma_wait3A_117 = arith.constant 0 : i32
        %dma_wait3A_118 = tpu.memref_slice %arg16[%dma_wait3A, %dma_wait3A_117] : memref<10000x128xf32, #tpu.memory_space<vmem_shared>> -> memref<10000x128xf32, #tpu.memory_space<vmem_shared>>
        tpu.wait_indirect_dma semaphore(%run_scoped3A : memref<!tpu.dma_semaphore, #tpu.memory_space<semaphore_mem>>) src(%dma_wait3A_118 : memref<10000x128xf32, #tpu.memory_space<vmem_shared>>) dst(%arg19 : memref<80x128xf32, #tpu.memory_space<vmem>>)
        tpu.yield
      }) : () -> ()
      %add3A_93 = arith.constant 160 : i32
      %add3A_94 = arith.addi %multiple_of3A, %add3A_93 : i32
      "tpu.region"() ({
        %run_scoped3A = tpu.sem_alloc : memref<!tpu.dma_semaphore, #tpu.memory_space<semaphore_mem>>
        %dma_start3A = arith.constant 0 : i32
        %dma_start3A_115 = tpu.memref_slice %arg14[%add3A_94, %dma_start3A] : memref<10000x128xf32, #tpu.memory_space<hbm>> -> memref<80x128xf32, #tpu.memory_space<hbm>>
        %dma_start3A_116 = arith.constant 0 : i32
        %dma_start3A_117 = tpu.memref_slice %arg14[%add3A_94, %dma_start3A_116] : memref<10000x128xf32, #tpu.memory_space<hbm>> -> memref<80x128xf32, #tpu.memory_space<hbm>>
        tpu.enqueue_dma source(%arg19 : memref<80x128xf32, #tpu.memory_space<vmem>>) target(%dma_start3A_117 : memref<80x128xf32, #tpu.memory_space<hbm>>) target_semaphore(%run_scoped3A : memref<!tpu.dma_semaphore, #tpu.memory_space<semaphore_mem>>)
        %dma_wait3A = arith.constant 0 : i32
        %dma_wait3A_118 = tpu.memref_slice %arg14[%add3A_94, %dma_wait3A] : memref<10000x128xf32, #tpu.memory_space<hbm>> -> memref<80x128xf32, #tpu.memory_space<hbm>>
        %dma_wait3A_119 = arith.constant 0 : i32
        %dma_wait3A_120 = tpu.memref_slice %arg14[%add3A_94, %dma_wait3A_119] : memref<10000x128xf32, #tpu.memory_space<hbm>> -> memref<80x128xf32, #tpu.memory_space<hbm>>
        tpu.wait_dma2 semaphore(%run_scoped3A : memref<!tpu.dma_semaphore, #tpu.memory_space<semaphore_mem>>) src(%arg19 : memref<80x128xf32, #tpu.memory_space<vmem>>) dst(%dma_wait3A_120 : memref<80x128xf32, #tpu.memory_space<hbm>>)
        tpu.yield
      }) : () -> ()
      %add3A_95 = arith.constant 240 : i32
      %add3A_96 = arith.addi %multiple_of3A, %add3A_95 : i32
      "tpu.region"() ({
        %run_scoped3A = tpu.sem_alloc : memref<!tpu.dma_semaphore, #tpu.memory_space<semaphore_mem>>
        %dma_start3A = tpu.memref_slice %arg10[%add3A_96] : memref<10000xi32, #tpu.memory_space<hbm>> -> memref<80xi32, #tpu.memory_space<hbm>>
        %dma_start3A_115 = tpu.memref_slice %arg10[%add3A_96] : memref<10000xi32, #tpu.memory_space<hbm>> -> memref<80xi32, #tpu.memory_space<hbm>>
        tpu.enqueue_dma source(%dma_start3A_115 : memref<80xi32, #tpu.memory_space<hbm>>) target(%arg17 : memref<80xi32, #tpu.memory_space<vmem>>) target_semaphore(%run_scoped3A : memref<!tpu.dma_semaphore, #tpu.memory_space<semaphore_mem>>)
        %dma_wait3A = tpu.memref_slice %arg10[%add3A_96] : memref<10000xi32, #tpu.memory_space<hbm>> -> memref<80xi32, #tpu.memory_space<hbm>>
        %dma_wait3A_116 = tpu.memref_slice %arg10[%add3A_96] : memref<10000xi32, #tpu.memory_space<hbm>> -> memref<80xi32, #tpu.memory_space<hbm>>
        tpu.wait_dma2 semaphore(%run_scoped3A : memref<!tpu.dma_semaphore, #tpu.memory_space<semaphore_mem>>) src(%dma_wait3A_116 : memref<80xi32, #tpu.memory_space<hbm>>) dst(%arg17 : memref<80xi32, #tpu.memory_space<vmem>>)
        tpu.yield
      }) : () -> ()
      "tpu.region"() ({
        %run_scoped3A = tpu.sem_alloc : memref<!tpu.dma_semaphore, #tpu.memory_space<semaphore_mem>>
        %dma_start3A = arith.constant 0 : i32
        %dma_start3A_115 = arith.constant 0 : i32
        %dma_start3A_116 = tpu.memref_slice %arg16[%dma_start3A, %dma_start3A_115] : memref<10000x128xf32, #tpu.memory_space<vmem_shared>> -> memref<10000x128xf32, #tpu.memory_space<vmem_shared>>
        tpu.enqueue_indirect_dma source(%dma_start3A_116 : memref<10000x128xf32, #tpu.memory_space<vmem_shared>>) target(%arg19 : memref<80x128xf32, #tpu.memory_space<vmem>>) offsets(%arg17 : memref<80xi32, #tpu.memory_space<vmem>>) semaphore(%run_scoped3A : memref<!tpu.dma_semaphore, #tpu.memory_space<semaphore_mem>>)
        %dma_wait3A = arith.constant 0 : i32
        %dma_wait3A_117 = arith.constant 0 : i32
        %dma_wait3A_118 = tpu.memref_slice %arg16[%dma_wait3A, %dma_wait3A_117] : memref<10000x128xf32, #tpu.memory_space<vmem_shared>> -> memref<10000x128xf32, #tpu.memory_space<vmem_shared>>
        tpu.wait_indirect_dma semaphore(%run_scoped3A : memref<!tpu.dma_semaphore, #tpu.memory_space<semaphore_mem>>) src(%dma_wait3A_118 : memref<10000x128xf32, #tpu.memory_space<vmem_shared>>) dst(%arg19 : memref<80x128xf32, #tpu.memory_space<vmem>>)
        tpu.yield
      }) : () -> ()
      %add3A_97 = arith.constant 240 : i32
      %add3A_98 = arith.addi %multiple_of3A, %add3A_97 : i32
      "tpu.region"() ({
        %run_scoped3A = tpu.sem_alloc : memref<!tpu.dma_semaphore, #tpu.memory_space<semaphore_mem>>
        %dma_start3A = arith.constant 0 : i32
        %dma_start3A_115 = tpu.memref_slice %arg14[%add3A_98, %dma_start3A] : memref<10000x128xf32, #tpu.memory_space<hbm>> -> memref<80x128xf32, #tpu.memory_space<hbm>>
        %dma_start3A_116 = arith.constant 0 : i32
        %dma_start3A_117 = tpu.memref_slice %arg14[%add3A_98, %dma_start3A_116] : memref<10000x128xf32, #tpu.memory_space<hbm>> -> memref<80x128xf32, #tpu.memory_space<hbm>>
        tpu.enqueue_dma source(%arg19 : memref<80x128xf32, #tpu.memory_space<vmem>>) target(%dma_start3A_117 : memref<80x128xf32, #tpu.memory_space<hbm>>) target_semaphore(%run_scoped3A : memref<!tpu.dma_semaphore, #tpu.memory_space<semaphore_mem>>)
        %dma_wait3A = arith.constant 0 : i32
        %dma_wait3A_118 = tpu.memref_slice %arg14[%add3A_98, %dma_wait3A] : memref<10000x128xf32, #tpu.memory_space<hbm>> -> memref<80x128xf32, #tpu.memory_space<hbm>>
        %dma_wait3A_119 = arith.constant 0 : i32
        %dma_wait3A_120 = tpu.memref_slice %arg14[%add3A_98, %dma_wait3A_119] : memref<10000x128xf32, #tpu.memory_space<hbm>> -> memref<80x128xf32, #tpu.memory_space<hbm>>
        tpu.wait_dma2 semaphore(%run_scoped3A : memref<!tpu.dma_semaphore, #tpu.memory_space<semaphore_mem>>) src(%arg19 : memref<80x128xf32, #tpu.memory_space<vmem>>) dst(%dma_wait3A_120 : memref<80x128xf32, #tpu.memory_space<hbm>>)
        tpu.yield
      }) : () -> ()
      %add3A_99 = arith.constant 320 : i32
      %add3A_100 = arith.addi %multiple_of3A, %add3A_99 : i32
      "tpu.region"() ({
        %run_scoped3A = tpu.sem_alloc : memref<!tpu.dma_semaphore, #tpu.memory_space<semaphore_mem>>
        %dma_start3A = tpu.memref_slice %arg10[%add3A_100] : memref<10000xi32, #tpu.memory_space<hbm>> -> memref<80xi32, #tpu.memory_space<hbm>>
        %dma_start3A_115 = tpu.memref_slice %arg10[%add3A_100] : memref<10000xi32, #tpu.memory_space<hbm>> -> memref<80xi32, #tpu.memory_space<hbm>>
        tpu.enqueue_dma source(%dma_start3A_115 : memref<80xi32, #tpu.memory_space<hbm>>) target(%arg17 : memref<80xi32, #tpu.memory_space<vmem>>) target_semaphore(%run_scoped3A : memref<!tpu.dma_semaphore, #tpu.memory_space<semaphore_mem>>)
        %dma_wait3A = tpu.memref_slice %arg10[%add3A_100] : memref<10000xi32, #tpu.memory_space<hbm>> -> memref<80xi32, #tpu.memory_space<hbm>>
        %dma_wait3A_116 = tpu.memref_slice %arg10[%add3A_100] : memref<10000xi32, #tpu.memory_space<hbm>> -> memref<80xi32, #tpu.memory_space<hbm>>
        tpu.wait_dma2 semaphore(%run_scoped3A : memref<!tpu.dma_semaphore, #tpu.memory_space<semaphore_mem>>) src(%dma_wait3A_116 : memref<80xi32, #tpu.memory_space<hbm>>) dst(%arg17 : memref<80xi32, #tpu.memory_space<vmem>>)
        tpu.yield
      }) : () -> ()
      "tpu.region"() ({
        %run_scoped3A = tpu.sem_alloc : memref<!tpu.dma_semaphore, #tpu.memory_space<semaphore_mem>>
        %dma_start3A = arith.constant 0 : i32
        %dma_start3A_115 = arith.constant 0 : i32
        %dma_start3A_116 = tpu.memref_slice %arg16[%dma_start3A, %dma_start3A_115] : memref<10000x128xf32, #tpu.memory_space<vmem_shared>> -> memref<10000x128xf32, #tpu.memory_space<vmem_shared>>
        tpu.enqueue_indirect_dma source(%dma_start3A_116 : memref<10000x128xf32, #tpu.memory_space<vmem_shared>>) target(%arg19 : memref<80x128xf32, #tpu.memory_space<vmem>>) offsets(%arg17 : memref<80xi32, #tpu.memory_space<vmem>>) semaphore(%run_scoped3A : memref<!tpu.dma_semaphore, #tpu.memory_space<semaphore_mem>>)
        %dma_wait3A = arith.constant 0 : i32
        %dma_wait3A_117 = arith.constant 0 : i32
        %dma_wait3A_118 = tpu.memref_slice %arg16[%dma_wait3A, %dma_wait3A_117] : memref<10000x128xf32, #tpu.memory_space<vmem_shared>> -> memref<10000x128xf32, #tpu.memory_space<vmem_shared>>
        tpu.wait_indirect_dma semaphore(%run_scoped3A : memref<!tpu.dma_semaphore, #tpu.memory_space<semaphore_mem>>) src(%dma_wait3A_118 : memref<10000x128xf32, #tpu.memory_space<vmem_shared>>) dst(%arg19 : memref<80x128xf32, #tpu.memory_space<vmem>>)
        tpu.yield
      }) : () -> ()
      %add3A_101 = arith.constant 320 : i32
      %add3A_102 = arith.addi %multiple_of3A, %add3A_101 : i32
      "tpu.region"() ({
        %run_scoped3A = tpu.sem_alloc : memref<!tpu.dma_semaphore, #tpu.memory_space<semaphore_mem>>
        %dma_start3A = arith.constant 0 : i32
        %dma_start3A_115 = tpu.memref_slice %arg14[%add3A_102, %dma_start3A] : memref<10000x128xf32, #tpu.memory_space<hbm>> -> memref<80x128xf32, #tpu.memory_space<hbm>>
        %dma_start3A_116 = arith.constant 0 : i32
        %dma_start3A_117 = tpu.memref_slice %arg14[%add3A_102, %dma_start3A_116] : memref<10000x128xf32, #tpu.memory_space<hbm>> -> memref<80x128xf32, #tpu.memory_space<hbm>>
        tpu.enqueue_dma source(%arg19 : memref<80x128xf32, #tpu.memory_space<vmem>>) target(%dma_start3A_117 : memref<80x128xf32, #tpu.memory_space<hbm>>) target_semaphore(%run_scoped3A : memref<!tpu.dma_semaphore, #tpu.memory_space<semaphore_mem>>)
        %dma_wait3A = arith.constant 0 : i32
        %dma_wait3A_118 = tpu.memref_slice %arg14[%add3A_102, %dma_wait3A] : memref<10000x128xf32, #tpu.memory_space<hbm>> -> memref<80x128xf32, #tpu.memory_space<hbm>>
        %dma_wait3A_119 = arith.constant 0 : i32
        %dma_wait3A_120 = tpu.memref_slice %arg14[%add3A_102, %dma_wait3A_119] : memref<10000x128xf32, #tpu.memory_space<hbm>> -> memref<80x128xf32, #tpu.memory_space<hbm>>
        tpu.wait_dma2 semaphore(%run_scoped3A : memref<!tpu.dma_semaphore, #tpu.memory_space<semaphore_mem>>) src(%arg19 : memref<80x128xf32, #tpu.memory_space<vmem>>) dst(%dma_wait3A_120 : memref<80x128xf32, #tpu.memory_space<hbm>>)
        tpu.yield
      }) : () -> ()
      %add3A_103 = arith.constant 400 : i32
      %add3A_104 = arith.addi %multiple_of3A, %add3A_103 : i32
      "tpu.region"() ({
        %run_scoped3A = tpu.sem_alloc : memref<!tpu.dma_semaphore, #tpu.memory_space<semaphore_mem>>
        %dma_start3A = tpu.memref_slice %arg10[%add3A_104] : memref<10000xi32, #tpu.memory_space<hbm>> -> memref<80xi32, #tpu.memory_space<hbm>>
        %dma_start3A_115 = tpu.memref_slice %arg10[%add3A_104] : memref<10000xi32, #tpu.memory_space<hbm>> -> memref<80xi32, #tpu.memory_space<hbm>>
        tpu.enqueue_dma source(%dma_start3A_115 : memref<80xi32, #tpu.memory_space<hbm>>) target(%arg17 : memref<80xi32, #tpu.memory_space<vmem>>) target_semaphore(%run_scoped3A : memref<!tpu.dma_semaphore, #tpu.memory_space<semaphore_mem>>)
        %dma_wait3A = tpu.memref_slice %arg10[%add3A_104] : memref<10000xi32, #tpu.memory_space<hbm>> -> memref<80xi32, #tpu.memory_space<hbm>>
        %dma_wait3A_116 = tpu.memref_slice %arg10[%add3A_104] : memref<10000xi32, #tpu.memory_space<hbm>> -> memref<80xi32, #tpu.memory_space<hbm>>
        tpu.wait_dma2 semaphore(%run_scoped3A : memref<!tpu.dma_semaphore, #tpu.memory_space<semaphore_mem>>) src(%dma_wait3A_116 : memref<80xi32, #tpu.memory_space<hbm>>) dst(%arg17 : memref<80xi32, #tpu.memory_space<vmem>>)
        tpu.yield
      }) : () -> ()
      "tpu.region"() ({
        %run_scoped3A = tpu.sem_alloc : memref<!tpu.dma_semaphore, #tpu.memory_space<semaphore_mem>>
        %dma_start3A = arith.constant 0 : i32
        %dma_start3A_115 = arith.constant 0 : i32
        %dma_start3A_116 = tpu.memref_slice %arg16[%dma_start3A, %dma_start3A_115] : memref<10000x128xf32, #tpu.memory_space<vmem_shared>> -> memref<10000x128xf32, #tpu.memory_space<vmem_shared>>
        tpu.enqueue_indirect_dma source(%dma_start3A_116 : memref<10000x128xf32, #tpu.memory_space<vmem_shared>>) target(%arg19 : memref<80x128xf32, #tpu.memory_space<vmem>>) offsets(%arg17 : memref<80xi32, #tpu.memory_space<vmem>>) semaphore(%run_scoped3A : memref<!tpu.dma_semaphore, #tpu.memory_space<semaphore_mem>>)
        %dma_wait3A = arith.constant 0 : i32
        %dma_wait3A_117 = arith.constant 0 : i32
        %dma_wait3A_118 = tpu.memref_slice %arg16[%dma_wait3A, %dma_wait3A_117] : memref<10000x128xf32, #tpu.memory_space<vmem_shared>> -> memref<10000x128xf32, #tpu.memory_space<vmem_shared>>
        tpu.wait_indirect_dma semaphore(%run_scoped3A : memref<!tpu.dma_semaphore, #tpu.memory_space<semaphore_mem>>) src(%dma_wait3A_118 : memref<10000x128xf32, #tpu.memory_space<vmem_shared>>) dst(%arg19 : memref<80x128xf32, #tpu.memory_space<vmem>>)
        tpu.yield
      }) : () -> ()
      %add3A_105 = arith.constant 400 : i32
      %add3A_106 = arith.addi %multiple_of3A, %add3A_105 : i32
      "tpu.region"() ({
        %run_scoped3A = tpu.sem_alloc : memref<!tpu.dma_semaphore, #tpu.memory_space<semaphore_mem>>
        %dma_start3A = arith.constant 0 : i32
        %dma_start3A_115 = tpu.memref_slice %arg14[%add3A_106, %dma_start3A] : memref<10000x128xf32, #tpu.memory_space<hbm>> -> memref<80x128xf32, #tpu.memory_space<hbm>>
        %dma_start3A_116 = arith.constant 0 : i32
        %dma_start3A_117 = tpu.memref_slice %arg14[%add3A_106, %dma_start3A_116] : memref<10000x128xf32, #tpu.memory_space<hbm>> -> memref<80x128xf32, #tpu.memory_space<hbm>>
        tpu.enqueue_dma source(%arg19 : memref<80x128xf32, #tpu.memory_space<vmem>>) target(%dma_start3A_117 : memref<80x128xf32, #tpu.memory_space<hbm>>) target_semaphore(%run_scoped3A : memref<!tpu.dma_semaphore, #tpu.memory_space<semaphore_mem>>)
        %dma_wait3A = arith.constant 0 : i32
        %dma_wait3A_118 = tpu.memref_slice %arg14[%add3A_106, %dma_wait3A] : memref<10000x128xf32, #tpu.memory_space<hbm>> -> memref<80x128xf32, #tpu.memory_space<hbm>>
        %dma_wait3A_119 = arith.constant 0 : i32
        %dma_wait3A_120 = tpu.memref_slice %arg14[%add3A_106, %dma_wait3A_119] : memref<10000x128xf32, #tpu.memory_space<hbm>> -> memref<80x128xf32, #tpu.memory_space<hbm>>
        tpu.wait_dma2 semaphore(%run_scoped3A : memref<!tpu.dma_semaphore, #tpu.memory_space<semaphore_mem>>) src(%arg19 : memref<80x128xf32, #tpu.memory_space<vmem>>) dst(%dma_wait3A_120 : memref<80x128xf32, #tpu.memory_space<hbm>>)
        tpu.yield
      }) : () -> ()
      %add3A_107 = arith.constant 480 : i32
      %add3A_108 = arith.addi %multiple_of3A, %add3A_107 : i32
      "tpu.region"() ({
        %run_scoped3A = tpu.sem_alloc : memref<!tpu.dma_semaphore, #tpu.memory_space<semaphore_mem>>
        %dma_start3A = tpu.memref_slice %arg10[%add3A_108] : memref<10000xi32, #tpu.memory_space<hbm>> -> memref<80xi32, #tpu.memory_space<hbm>>
        %dma_start3A_115 = tpu.memref_slice %arg10[%add3A_108] : memref<10000xi32, #tpu.memory_space<hbm>> -> memref<80xi32, #tpu.memory_space<hbm>>
        tpu.enqueue_dma source(%dma_start3A_115 : memref<80xi32, #tpu.memory_space<hbm>>) target(%arg17 : memref<80xi32, #tpu.memory_space<vmem>>) target_semaphore(%run_scoped3A : memref<!tpu.dma_semaphore, #tpu.memory_space<semaphore_mem>>)
        %dma_wait3A = tpu.memref_slice %arg10[%add3A_108] : memref<10000xi32, #tpu.memory_space<hbm>> -> memref<80xi32, #tpu.memory_space<hbm>>
        %dma_wait3A_116 = tpu.memref_slice %arg10[%add3A_108] : memref<10000xi32, #tpu.memory_space<hbm>> -> memref<80xi32, #tpu.memory_space<hbm>>
        tpu.wait_dma2 semaphore(%run_scoped3A : memref<!tpu.dma_semaphore, #tpu.memory_space<semaphore_mem>>) src(%dma_wait3A_116 : memref<80xi32, #tpu.memory_space<hbm>>) dst(%arg17 : memref<80xi32, #tpu.memory_space<vmem>>)
        tpu.yield
      }) : () -> ()
      "tpu.region"() ({
        %run_scoped3A = tpu.sem_alloc : memref<!tpu.dma_semaphore, #tpu.memory_space<semaphore_mem>>
        %dma_start3A = arith.constant 0 : i32
        %dma_start3A_115 = arith.constant 0 : i32
        %dma_start3A_116 = tpu.memref_slice %arg16[%dma_start3A, %dma_start3A_115] : memref<10000x128xf32, #tpu.memory_space<vmem_shared>> -> memref<10000x128xf32, #tpu.memory_space<vmem_shared>>
        tpu.enqueue_indirect_dma source(%dma_start3A_116 : memref<10000x128xf32, #tpu.memory_space<vmem_shared>>) target(%arg19 : memref<80x128xf32, #tpu.memory_space<vmem>>) offsets(%arg17 : memref<80xi32, #tpu.memory_space<vmem>>) semaphore(%run_scoped3A : memref<!tpu.dma_semaphore, #tpu.memory_space<semaphore_mem>>)
        %dma_wait3A = arith.constant 0 : i32
        %dma_wait3A_117 = arith.constant 0 : i32
        %dma_wait3A_118 = tpu.memref_slice %arg16[%dma_wait3A, %dma_wait3A_117] : memref<10000x128xf32, #tpu.memory_space<vmem_shared>> -> memref<10000x128xf32, #tpu.memory_space<vmem_shared>>
        tpu.wait_indirect_dma semaphore(%run_scoped3A : memref<!tpu.dma_semaphore, #tpu.memory_space<semaphore_mem>>) src(%dma_wait3A_118 : memref<10000x128xf32, #tpu.memory_space<vmem_shared>>) dst(%arg19 : memref<80x128xf32, #tpu.memory_space<vmem>>)
        tpu.yield
      }) : () -> ()
      %add3A_109 = arith.constant 480 : i32
      %add3A_110 = arith.addi %multiple_of3A, %add3A_109 : i32
      "tpu.region"() ({
        %run_scoped3A = tpu.sem_alloc : memref<!tpu.dma_semaphore, #tpu.memory_space<semaphore_mem>>
        %dma_start3A = arith.constant 0 : i32
        %dma_start3A_115 = tpu.memref_slice %arg14[%add3A_110, %dma_start3A] : memref<10000x128xf32, #tpu.memory_space<hbm>> -> memref<80x128xf32, #tpu.memory_space<hbm>>
        %dma_start3A_116 = arith.constant 0 : i32
        %dma_start3A_117 = tpu.memref_slice %arg14[%add3A_110, %dma_start3A_116] : memref<10000x128xf32, #tpu.memory_space<hbm>> -> memref<80x128xf32, #tpu.memory_space<hbm>>
        tpu.enqueue_dma source(%arg19 : memref<80x128xf32, #tpu.memory_space<vmem>>) target(%dma_start3A_117 : memref<80x128xf32, #tpu.memory_space<hbm>>) target_semaphore(%run_scoped3A : memref<!tpu.dma_semaphore, #tpu.memory_space<semaphore_mem>>)
        %dma_wait3A = arith.constant 0 : i32
        %dma_wait3A_118 = tpu.memref_slice %arg14[%add3A_110, %dma_wait3A] : memref<10000x128xf32, #tpu.memory_space<hbm>> -> memref<80x128xf32, #tpu.memory_space<hbm>>
        %dma_wait3A_119 = arith.constant 0 : i32
        %dma_wait3A_120 = tpu.memref_slice %arg14[%add3A_110, %dma_wait3A_119] : memref<10000x128xf32, #tpu.memory_space<hbm>> -> memref<80x128xf32, #tpu.memory_space<hbm>>
        tpu.wait_dma2 semaphore(%run_scoped3A : memref<!tpu.dma_semaphore, #tpu.memory_space<semaphore_mem>>) src(%arg19 : memref<80x128xf32, #tpu.memory_space<vmem>>) dst(%dma_wait3A_120 : memref<80x128xf32, #tpu.memory_space<hbm>>)
        tpu.yield
      }) : () -> ()
      %add3A_111 = arith.constant 560 : i32
      %add3A_112 = arith.addi %multiple_of3A, %add3A_111 : i32
      "tpu.region"() ({
        %run_scoped3A = tpu.sem_alloc : memref<!tpu.dma_semaphore, #tpu.memory_space<semaphore_mem>>
        %dma_start3A = tpu.memref_slice %arg10[%add3A_112] : memref<10000xi32, #tpu.memory_space<hbm>> -> memref<80xi32, #tpu.memory_space<hbm>>
        %dma_start3A_115 = tpu.memref_slice %arg10[%add3A_112] : memref<10000xi32, #tpu.memory_space<hbm>> -> memref<80xi32, #tpu.memory_space<hbm>>
        tpu.enqueue_dma source(%dma_start3A_115 : memref<80xi32, #tpu.memory_space<hbm>>) target(%arg17 : memref<80xi32, #tpu.memory_space<vmem>>) target_semaphore(%run_scoped3A : memref<!tpu.dma_semaphore, #tpu.memory_space<semaphore_mem>>)
        %dma_wait3A = tpu.memref_slice %arg10[%add3A_112] : memref<10000xi32, #tpu.memory_space<hbm>> -> memref<80xi32, #tpu.memory_space<hbm>>
        %dma_wait3A_116 = tpu.memref_slice %arg10[%add3A_112] : memref<10000xi32, #tpu.memory_space<hbm>> -> memref<80xi32, #tpu.memory_space<hbm>>
        tpu.wait_dma2 semaphore(%run_scoped3A : memref<!tpu.dma_semaphore, #tpu.memory_space<semaphore_mem>>) src(%dma_wait3A_116 : memref<80xi32, #tpu.memory_space<hbm>>) dst(%arg17 : memref<80xi32, #tpu.memory_space<vmem>>)
        tpu.yield
      }) : () -> ()
      "tpu.region"() ({
        %run_scoped3A = tpu.sem_alloc : memref<!tpu.dma_semaphore, #tpu.memory_space<semaphore_mem>>
        %dma_start3A = arith.constant 0 : i32
        %dma_start3A_115 = arith.constant 0 : i32
        %dma_start3A_116 = tpu.memref_slice %arg16[%dma_start3A, %dma_start3A_115] : memref<10000x128xf32, #tpu.memory_space<vmem_shared>> -> memref<10000x128xf32, #tpu.memory_space<vmem_shared>>
        tpu.enqueue_indirect_dma source(%dma_start3A_116 : memref<10000x128xf32, #tpu.memory_space<vmem_shared>>) target(%arg19 : memref<80x128xf32, #tpu.memory_space<vmem>>) offsets(%arg17 : memref<80xi32, #tpu.memory_space<vmem>>) semaphore(%run_scoped3A : memref<!tpu.dma_semaphore, #tpu.memory_space<semaphore_mem>>)
        %dma_wait3A = arith.constant 0 : i32
        %dma_wait3A_117 = arith.constant 0 : i32
        %dma_wait3A_118 = tpu.memref_slice %arg16[%dma_wait3A, %dma_wait3A_117] : memref<10000x128xf32, #tpu.memory_space<vmem_shared>> -> memref<10000x128xf32, #tpu.memory_space<vmem_shared>>
        tpu.wait_indirect_dma semaphore(%run_scoped3A : memref<!tpu.dma_semaphore, #tpu.memory_space<semaphore_mem>>) src(%dma_wait3A_118 : memref<10000x128xf32, #tpu.memory_space<vmem_shared>>) dst(%arg19 : memref<80x128xf32, #tpu.memory_space<vmem>>)
        tpu.yield
      }) : () -> ()
      %add3A_113 = arith.constant 560 : i32
      %add3A_114 = arith.addi %multiple_of3A, %add3A_113 : i32
      "tpu.region"() ({
        %run_scoped3A = tpu.sem_alloc : memref<!tpu.dma_semaphore, #tpu.memory_space<semaphore_mem>>
        %dma_start3A = arith.constant 0 : i32
        %dma_start3A_115 = tpu.memref_slice %arg14[%add3A_114, %dma_start3A] : memref<10000x128xf32, #tpu.memory_space<hbm>> -> memref<80x128xf32, #tpu.memory_space<hbm>>
        %dma_start3A_116 = arith.constant 0 : i32
        %dma_start3A_117 = tpu.memref_slice %arg14[%add3A_114, %dma_start3A_116] : memref<10000x128xf32, #tpu.memory_space<hbm>> -> memref<80x128xf32, #tpu.memory_space<hbm>>
        tpu.enqueue_dma source(%arg19 : memref<80x128xf32, #tpu.memory_space<vmem>>) target(%dma_start3A_117 : memref<80x128xf32, #tpu.memory_space<hbm>>) target_semaphore(%run_scoped3A : memref<!tpu.dma_semaphore, #tpu.memory_space<semaphore_mem>>)
        %dma_wait3A = arith.constant 0 : i32
        %dma_wait3A_118 = tpu.memref_slice %arg14[%add3A_114, %dma_wait3A] : memref<10000x128xf32, #tpu.memory_space<hbm>> -> memref<80x128xf32, #tpu.memory_space<hbm>>
        %dma_wait3A_119 = arith.constant 0 : i32
        %dma_wait3A_120 = tpu.memref_slice %arg14[%add3A_114, %dma_wait3A_119] : memref<10000x128xf32, #tpu.memory_space<hbm>> -> memref<80x128xf32, #tpu.memory_space<hbm>>
        tpu.wait_dma2 semaphore(%run_scoped3A : memref<!tpu.dma_semaphore, #tpu.memory_space<semaphore_mem>>) src(%arg19 : memref<80x128xf32, #tpu.memory_space<vmem>>) dst(%dma_wait3A_120 : memref<80x128xf32, #tpu.memory_space<hbm>>)
        tpu.yield
      }) : () -> ()
    } else {
    }
    %barrier3A_39 = arith.constant 0 : index
    tpu.barrier barrier_id(%barrier3A_39)
    %scan3A_40 = arith.constant 0 : i32
    %scan3A_41 = arith.constant 80 : i32
    %scan3A_42 = arith.addi %scan3A_40, %scan3A_41 : i32
    %scan3A_43 = arith.constant 1 : i32
    scf.for %scan3A_83 = %scan3A_40 to %scan3A_42 step %scan3A_43  : i32 {
      %mul3A_84 = arith.constant 1 : i32
      %mul3A_85 = arith.muli %scan3A_83, %mul3A_84 : i32
      %add3A_86 = arith.constant 0 : i32
      %add3A_87 = arith.addi %add3A_86, %mul3A_85 : i32
      %swap3A = arith.index_cast %add3A_87 : i32 to index
      %swap3A_88 = arith.constant 0 : index
      %swap3A_89 = tpu.vector_load %arg19[%swap3A, %swap3A_88] {strides = array<i32>} : memref<80x128xf32, #tpu.memory_space<vmem>>, vector<1x16xf32>,
      %swap3A_90 = vector.shape_cast %swap3A_89 : vector<1x16xf32> to vector<16xf32>
      %swap3A_91 = vector.shape_cast %broadcast_in_dim3A_1 : vector<16xf32> to vector<1x16xf32>
      tpu.vector_store %arg19[%swap3A, %swap3A_88], %swap3A_91 {strides = array<i32>} : memref<80x128xf32, #tpu.memory_space<vmem>>, vector<1x16xf32>,
      %swap3A_92 = arith.index_cast %add3A_87 : i32 to index
      %swap3A_93 = arith.constant 16 : index
      %swap3A_94 = tpu.vector_load %arg19[%swap3A_92, %swap3A_93] {strides = array<i32>} : memref<80x128xf32, #tpu.memory_space<vmem>>, vector<1x16xf32>,
      %swap3A_95 = vector.shape_cast %swap3A_94 : vector<1x16xf32> to vector<16xf32>
      %swap3A_96 = vector.shape_cast %broadcast_in_dim3A_1 : vector<16xf32> to vector<1x16xf32>
      tpu.vector_store %arg19[%swap3A_92, %swap3A_93], %swap3A_96 {strides = array<i32>} : memref<80x128xf32, #tpu.memory_space<vmem>>, vector<1x16xf32>,
      %swap3A_97 = arith.index_cast %add3A_87 : i32 to index
      %swap3A_98 = arith.constant 32 : index
      %swap3A_99 = tpu.vector_load %arg19[%swap3A_97, %swap3A_98] {strides = array<i32>} : memref<80x128xf32, #tpu.memory_space<vmem>>, vector<1x16xf32>,
      %swap3A_100 = vector.shape_cast %swap3A_99 : vector<1x16xf32> to vector<16xf32>
      %swap3A_101 = vector.shape_cast %broadcast_in_dim3A_1 : vector<16xf32> to vector<1x16xf32>
      tpu.vector_store %arg19[%swap3A_97, %swap3A_98], %swap3A_101 {strides = array<i32>} : memref<80x128xf32, #tpu.memory_space<vmem>>, vector<1x16xf32>,
      %swap3A_102 = arith.index_cast %add3A_87 : i32 to index
      %swap3A_103 = arith.constant 48 : index
      %swap3A_104 = tpu.vector_load %arg19[%swap3A_102, %swap3A_103] {strides = array<i32>} : memref<80x128xf32, #tpu.memory_space<vmem>>, vector<1x16xf32>,
      %swap3A_105 = vector.shape_cast %swap3A_104 : vector<1x16xf32> to vector<16xf32>
      %swap3A_106 = vector.shape_cast %broadcast_in_dim3A_1 : vector<16xf32> to vector<1x16xf32>
      tpu.vector_store %arg19[%swap3A_102, %swap3A_103], %swap3A_106 {strides = array<i32>} : memref<80x128xf32, #tpu.memory_space<vmem>>, vector<1x16xf32>,
      %swap3A_107 = arith.index_cast %add3A_87 : i32 to index
      %swap3A_108 = arith.constant 64 : index
      %swap3A_109 = tpu.vector_load %arg19[%swap3A_107, %swap3A_108] {strides = array<i32>} : memref<80x128xf32, #tpu.memory_space<vmem>>, vector<1x16xf32>,
      %swap3A_110 = vector.shape_cast %swap3A_109 : vector<1x16xf32> to vector<16xf32>
      %swap3A_111 = vector.shape_cast %broadcast_in_dim3A_1 : vector<16xf32> to vector<1x16xf32>
      tpu.vector_store %arg19[%swap3A_107, %swap3A_108], %swap3A_111 {strides = array<i32>} : memref<80x128xf32, #tpu.memory_space<vmem>>, vector<1x16xf32>,
      %swap3A_112 = arith.index_cast %add3A_87 : i32 to index
      %swap3A_113 = arith.constant 80 : index
      %swap3A_114 = tpu.vector_load %arg19[%swap3A_112, %swap3A_113] {strides = array<i32>} : memref<80x128xf32, #tpu.memory_space<vmem>>, vector<1x16xf32>,
      %swap3A_115 = vector.shape_cast %swap3A_114 : vector<1x16xf32> to vector<16xf32>
      %swap3A_116 = vector.shape_cast %broadcast_in_dim3A_1 : vector<16xf32> to vector<1x16xf32>
      tpu.vector_store %arg19[%swap3A_112, %swap3A_113], %swap3A_116 {strides = array<i32>} : memref<80x128xf32, #tpu.memory_space<vmem>>, vector<1x16xf32>,
      %swap3A_117 = arith.index_cast %add3A_87 : i32 to index
      %swap3A_118 = arith.constant 96 : index
      %swap3A_119 = tpu.vector_load %arg19[%swap3A_117, %swap3A_118] {strides = array<i32>} : memref<80x128xf32, #tpu.memory_space<vmem>>, vector<1x16xf32>,
      %swap3A_120 = vector.shape_cast %swap3A_119 : vector<1x16xf32> to vector<16xf32>
      %swap3A_121 = vector.shape_cast %broadcast_in_dim3A_1 : vector<16xf32> to vector<1x16xf32>
      tpu.vector_store %arg19[%swap3A_117, %swap3A_118], %swap3A_121 {strides = array<i32>} : memref<80x128xf32, #tpu.memory_space<vmem>>, vector<1x16xf32>,
      %swap3A_122 = arith.index_cast %add3A_87 : i32 to index
      %swap3A_123 = arith.constant 112 : index
      %swap3A_124 = tpu.vector_load %arg19[%swap3A_122, %swap3A_123] {strides = array<i32>} : memref<80x128xf32, #tpu.memory_space<vmem>>, vector<1x16xf32>,
      %swap3A_125 = vector.shape_cast %swap3A_124 : vector<1x16xf32> to vector<16xf32>
      %swap3A_126 = vector.shape_cast %broadcast_in_dim3A_1 : vector<16xf32> to vector<1x16xf32>
      tpu.vector_store %arg19[%swap3A_122, %swap3A_123], %swap3A_126 {strides = array<i32>} : memref<80x128xf32, #tpu.memory_space<vmem>>, vector<1x16xf32>,
    }
    %scan3A_44 = arith.constant 80 : i32
    %add3A_45 = arith.constant 0 : i32
    %add3A_46 = arith.addi %multiple_of3A, %add3A_45 : i32
    "tpu.region"() ({
      %run_scoped3A = tpu.sem_alloc : memref<!tpu.dma_semaphore, #tpu.memory_space<semaphore_mem>>
      %dma_start3A = tpu.memref_slice %arg10[%add3A_46] : memref<10000xi32, #tpu.memory_space<hbm>> -> memref<80xi32, #tpu.memory_space<hbm>>
      %dma_start3A_83 = tpu.memref_slice %arg10[%add3A_46] : memref<10000xi32, #tpu.memory_space<hbm>> -> memref<80xi32, #tpu.memory_space<hbm>>
      tpu.enqueue_dma source(%dma_start3A_83 : memref<80xi32, #tpu.memory_space<hbm>>) target(%arg17 : memref<80xi32, #tpu.memory_space<vmem>>) target_semaphore(%run_scoped3A : memref<!tpu.dma_semaphore, #tpu.memory_space<semaphore_mem>>)
      %dma_wait3A = tpu.memref_slice %arg10[%add3A_46] : memref<10000xi32, #tpu.memory_space<hbm>> -> memref<80xi32, #tpu.memory_space<hbm>>
      %dma_wait3A_84 = tpu.memref_slice %arg10[%add3A_46] : memref<10000xi32, #tpu.memory_space<hbm>> -> memref<80xi32, #tpu.memory_space<hbm>>
      tpu.wait_dma2 semaphore(%run_scoped3A : memref<!tpu.dma_semaphore, #tpu.memory_space<semaphore_mem>>) src(%dma_wait3A_84 : memref<80xi32, #tpu.memory_space<hbm>>) dst(%arg17 : memref<80xi32, #tpu.memory_space<vmem>>)
      tpu.yield
    }) : () -> ()
    "tpu.region"() ({
      %run_scoped3A = tpu.sem_alloc : memref<!tpu.dma_semaphore, #tpu.memory_space<semaphore_mem>>
      %dma_start3A = arith.constant 0 : i32
      %dma_start3A_83 = arith.constant 0 : i32
      %dma_start3A_84 = tpu.memref_slice %arg16[%dma_start3A, %dma_start3A_83] : memref<10000x128xf32, #tpu.memory_space<vmem_shared>> -> memref<10000x128xf32, #tpu.memory_space<vmem_shared>>
      tpu.enqueue_indirect_dma source(%arg19 : memref<80x128xf32, #tpu.memory_space<vmem>>) target(%dma_start3A_84 : memref<10000x128xf32, #tpu.memory_space<vmem_shared>>) offsets(%arg17 : memref<80xi32, #tpu.memory_space<vmem>>) semaphore(%run_scoped3A : memref<!tpu.dma_semaphore, #tpu.memory_space<semaphore_mem>>)
      %dma_wait3A = arith.constant 0 : i32
      %dma_wait3A_85 = arith.constant 0 : i32
      %dma_wait3A_86 = tpu.memref_slice %arg16[%dma_wait3A, %dma_wait3A_85] : memref<10000x128xf32, #tpu.memory_space<vmem_shared>> -> memref<10000x128xf32, #tpu.memory_space<vmem_shared>>
      tpu.wait_indirect_dma semaphore(%run_scoped3A : memref<!tpu.dma_semaphore, #tpu.memory_space<semaphore_mem>>) src(%arg19 : memref<80x128xf32, #tpu.memory_space<vmem>>) dst(%dma_wait3A_86 : memref<10000x128xf32, #tpu.memory_space<vmem_shared>>)
      tpu.yield
    }) : () -> ()
    %add3A_47 = arith.constant 80 : i32
    %add3A_48 = arith.addi %multiple_of3A, %add3A_47 : i32
    "tpu.region"() ({
      %run_scoped3A = tpu.sem_alloc : memref<!tpu.dma_semaphore, #tpu.memory_space<semaphore_mem>>
      %dma_start3A = tpu.memref_slice %arg10[%add3A_48] : memref<10000xi32, #tpu.memory_space<hbm>> -> memref<80xi32, #tpu.memory_space<hbm>>
      %dma_start3A_83 = tpu.memref_slice %arg10[%add3A_48] : memref<10000xi32, #tpu.memory_space<hbm>> -> memref<80xi32, #tpu.memory_space<hbm>>
      tpu.enqueue_dma source(%dma_start3A_83 : memref<80xi32, #tpu.memory_space<hbm>>) target(%arg17 : memref<80xi32, #tpu.memory_space<vmem>>) target_semaphore(%run_scoped3A : memref<!tpu.dma_semaphore, #tpu.memory_space<semaphore_mem>>)
      %dma_wait3A = tpu.memref_slice %arg10[%add3A_48] : memref<10000xi32, #tpu.memory_space<hbm>> -> memref<80xi32, #tpu.memory_space<hbm>>
      %dma_wait3A_84 = tpu.memref_slice %arg10[%add3A_48] : memref<10000xi32, #tpu.memory_space<hbm>> -> memref<80xi32, #tpu.memory_space<hbm>>
      tpu.wait_dma2 semaphore(%run_scoped3A : memref<!tpu.dma_semaphore, #tpu.memory_space<semaphore_mem>>) src(%dma_wait3A_84 : memref<80xi32, #tpu.memory_space<hbm>>) dst(%arg17 : memref<80xi32, #tpu.memory_space<vmem>>)
      tpu.yield
    }) : () -> ()
    "tpu.region"() ({
      %run_scoped3A = tpu.sem_alloc : memref<!tpu.dma_semaphore, #tpu.memory_space<semaphore_mem>>
      %dma_start3A = arith.constant 0 : i32
      %dma_start3A_83 = arith.constant 0 : i32
      %dma_start3A_84 = tpu.memref_slice %arg16[%dma_start3A, %dma_start3A_83] : memref<10000x128xf32, #tpu.memory_space<vmem_shared>> -> memref<10000x128xf32, #tpu.memory_space<vmem_shared>>
      tpu.enqueue_indirect_dma source(%arg19 : memref<80x128xf32, #tpu.memory_space<vmem>>) target(%dma_start3A_84 : memref<10000x128xf32, #tpu.memory_space<vmem_shared>>) offsets(%arg17 : memref<80xi32, #tpu.memory_space<vmem>>) semaphore(%run_scoped3A : memref<!tpu.dma_semaphore, #tpu.memory_space<semaphore_mem>>)
      %dma_wait3A = arith.constant 0 : i32
      %dma_wait3A_85 = arith.constant 0 : i32
      %dma_wait3A_86 = tpu.memref_slice %arg16[%dma_wait3A, %dma_wait3A_85] : memref<10000x128xf32, #tpu.memory_space<vmem_shared>> -> memref<10000x128xf32, #tpu.memory_space<vmem_shared>>
      tpu.wait_indirect_dma semaphore(%run_scoped3A : memref<!tpu.dma_semaphore, #tpu.memory_space<semaphore_mem>>) src(%arg19 : memref<80x128xf32, #tpu.memory_space<vmem>>) dst(%dma_wait3A_86 : memref<10000x128xf32, #tpu.memory_space<vmem_shared>>)
      tpu.yield
    }) : () -> ()
    %add3A_49 = arith.constant 160 : i32
    %add3A_50 = arith.addi %multiple_of3A, %add3A_49 : i32
    "tpu.region"() ({
      %run_scoped3A = tpu.sem_alloc : memref<!tpu.dma_semaphore, #tpu.memory_space<semaphore_mem>>
      %dma_start3A = tpu.memref_slice %arg10[%add3A_50] : memref<10000xi32, #tpu.memory_space<hbm>> -> memref<80xi32, #tpu.memory_space<hbm>>
      %dma_start3A_83 = tpu.memref_slice %arg10[%add3A_50] : memref<10000xi32, #tpu.memory_space<hbm>> -> memref<80xi32, #tpu.memory_space<hbm>>
      tpu.enqueue_dma source(%dma_start3A_83 : memref<80xi32, #tpu.memory_space<hbm>>) target(%arg17 : memref<80xi32, #tpu.memory_space<vmem>>) target_semaphore(%run_scoped3A : memref<!tpu.dma_semaphore, #tpu.memory_space<semaphore_mem>>)
      %dma_wait3A = tpu.memref_slice %arg10[%add3A_50] : memref<10000xi32, #tpu.memory_space<hbm>> -> memref<80xi32, #tpu.memory_space<hbm>>
      %dma_wait3A_84 = tpu.memref_slice %arg10[%add3A_50] : memref<10000xi32, #tpu.memory_space<hbm>> -> memref<80xi32, #tpu.memory_space<hbm>>
      tpu.wait_dma2 semaphore(%run_scoped3A : memref<!tpu.dma_semaphore, #tpu.memory_space<semaphore_mem>>) src(%dma_wait3A_84 : memref<80xi32, #tpu.memory_space<hbm>>) dst(%arg17 : memref<80xi32, #tpu.memory_space<vmem>>)
      tpu.yield
    }) : () -> ()
    "tpu.region"() ({
      %run_scoped3A = tpu.sem_alloc : memref<!tpu.dma_semaphore, #tpu.memory_space<semaphore_mem>>
      %dma_start3A = arith.constant 0 : i32
      %dma_start3A_83 = arith.constant 0 : i32
      %dma_start3A_84 = tpu.memref_slice %arg16[%dma_start3A, %dma_start3A_83] : memref<10000x128xf32, #tpu.memory_space<vmem_shared>> -> memref<10000x128xf32, #tpu.memory_space<vmem_shared>>
      tpu.enqueue_indirect_dma source(%arg19 : memref<80x128xf32, #tpu.memory_space<vmem>>) target(%dma_start3A_84 : memref<10000x128xf32, #tpu.memory_space<vmem_shared>>) offsets(%arg17 : memref<80xi32, #tpu.memory_space<vmem>>) semaphore(%run_scoped3A : memref<!tpu.dma_semaphore, #tpu.memory_space<semaphore_mem>>)
      %dma_wait3A = arith.constant 0 : i32
      %dma_wait3A_85 = arith.constant 0 : i32
      %dma_wait3A_86 = tpu.memref_slice %arg16[%dma_wait3A, %dma_wait3A_85] : memref<10000x128xf32, #tpu.memory_space<vmem_shared>> -> memref<10000x128xf32, #tpu.memory_space<vmem_shared>>
      tpu.wait_indirect_dma semaphore(%run_scoped3A : memref<!tpu.dma_semaphore, #tpu.memory_space<semaphore_mem>>) src(%arg19 : memref<80x128xf32, #tpu.memory_space<vmem>>) dst(%dma_wait3A_86 : memref<10000x128xf32, #tpu.memory_space<vmem_shared>>)
      tpu.yield
    }) : () -> ()
    %add3A_51 = arith.constant 240 : i32
    %add3A_52 = arith.addi %multiple_of3A, %add3A_51 : i32
    "tpu.region"() ({
      %run_scoped3A = tpu.sem_alloc : memref<!tpu.dma_semaphore, #tpu.memory_space<semaphore_mem>>
      %dma_start3A = tpu.memref_slice %arg10[%add3A_52] : memref<10000xi32, #tpu.memory_space<hbm>> -> memref<80xi32, #tpu.memory_space<hbm>>
      %dma_start3A_83 = tpu.memref_slice %arg10[%add3A_52] : memref<10000xi32, #tpu.memory_space<hbm>> -> memref<80xi32, #tpu.memory_space<hbm>>
      tpu.enqueue_dma source(%dma_start3A_83 : memref<80xi32, #tpu.memory_space<hbm>>) target(%arg17 : memref<80xi32, #tpu.memory_space<vmem>>) target_semaphore(%run_scoped3A : memref<!tpu.dma_semaphore, #tpu.memory_space<semaphore_mem>>)
      %dma_wait3A = tpu.memref_slice %arg10[%add3A_52] : memref<10000xi32, #tpu.memory_space<hbm>> -> memref<80xi32, #tpu.memory_space<hbm>>
      %dma_wait3A_84 = tpu.memref_slice %arg10[%add3A_52] : memref<10000xi32, #tpu.memory_space<hbm>> -> memref<80xi32, #tpu.memory_space<hbm>>
      tpu.wait_dma2 semaphore(%run_scoped3A : memref<!tpu.dma_semaphore, #tpu.memory_space<semaphore_mem>>) src(%dma_wait3A_84 : memref<80xi32, #tpu.memory_space<hbm>>) dst(%arg17 : memref<80xi32, #tpu.memory_space<vmem>>)
      tpu.yield
    }) : () -> ()
    "tpu.region"() ({
      %run_scoped3A = tpu.sem_alloc : memref<!tpu.dma_semaphore, #tpu.memory_space<semaphore_mem>>
      %dma_start3A = arith.constant 0 : i32
      %dma_start3A_83 = arith.constant 0 : i32
      %dma_start3A_84 = tpu.memref_slice %arg16[%dma_start3A, %dma_start3A_83] : memref<10000x128xf32, #tpu.memory_space<vmem_shared>> -> memref<10000x128xf32, #tpu.memory_space<vmem_shared>>
      tpu.enqueue_indirect_dma source(%arg19 : memref<80x128xf32, #tpu.memory_space<vmem>>) target(%dma_start3A_84 : memref<10000x128xf32, #tpu.memory_space<vmem_shared>>) offsets(%arg17 : memref<80xi32, #tpu.memory_space<vmem>>) semaphore(%run_scoped3A : memref<!tpu.dma_semaphore, #tpu.memory_space<semaphore_mem>>)
      %dma_wait3A = arith.constant 0 : i32
      %dma_wait3A_85 = arith.constant 0 : i32
      %dma_wait3A_86 = tpu.memref_slice %arg16[%dma_wait3A, %dma_wait3A_85] : memref<10000x128xf32, #tpu.memory_space<vmem_shared>> -> memref<10000x128xf32, #tpu.memory_space<vmem_shared>>
      tpu.wait_indirect_dma semaphore(%run_scoped3A : memref<!tpu.dma_semaphore, #tpu.memory_space<semaphore_mem>>) src(%arg19 : memref<80x128xf32, #tpu.memory_space<vmem>>) dst(%dma_wait3A_86 : memref<10000x128xf32, #tpu.memory_space<vmem_shared>>)
      tpu.yield
    }) : () -> ()
    %add3A_53 = arith.constant 320 : i32
    %add3A_54 = arith.addi %multiple_of3A, %add3A_53 : i32
    "tpu.region"() ({
      %run_scoped3A = tpu.sem_alloc : memref<!tpu.dma_semaphore, #tpu.memory_space<semaphore_mem>>
      %dma_start3A = tpu.memref_slice %arg10[%add3A_54] : memref<10000xi32, #tpu.memory_space<hbm>> -> memref<80xi32, #tpu.memory_space<hbm>>
      %dma_start3A_83 = tpu.memref_slice %arg10[%add3A_54] : memref<10000xi32, #tpu.memory_space<hbm>> -> memref<80xi32, #tpu.memory_space<hbm>>
      tpu.enqueue_dma source(%dma_start3A_83 : memref<80xi32, #tpu.memory_space<hbm>>) target(%arg17 : memref<80xi32, #tpu.memory_space<vmem>>) target_semaphore(%run_scoped3A : memref<!tpu.dma_semaphore, #tpu.memory_space<semaphore_mem>>)
      %dma_wait3A = tpu.memref_slice %arg10[%add3A_54] : memref<10000xi32, #tpu.memory_space<hbm>> -> memref<80xi32, #tpu.memory_space<hbm>>
      %dma_wait3A_84 = tpu.memref_slice %arg10[%add3A_54] : memref<10000xi32, #tpu.memory_space<hbm>> -> memref<80xi32, #tpu.memory_space<hbm>>
      tpu.wait_dma2 semaphore(%run_scoped3A : memref<!tpu.dma_semaphore, #tpu.memory_space<semaphore_mem>>) src(%dma_wait3A_84 : memref<80xi32, #tpu.memory_space<hbm>>) dst(%arg17 : memref<80xi32, #tpu.memory_space<vmem>>)
      tpu.yield
    }) : () -> ()
    "tpu.region"() ({
      %run_scoped3A = tpu.sem_alloc : memref<!tpu.dma_semaphore, #tpu.memory_space<semaphore_mem>>
      %dma_start3A = arith.constant 0 : i32
      %dma_start3A_83 = arith.constant 0 : i32
      %dma_start3A_84 = tpu.memref_slice %arg16[%dma_start3A, %dma_start3A_83] : memref<10000x128xf32, #tpu.memory_space<vmem_shared>> -> memref<10000x128xf32, #tpu.memory_space<vmem_shared>>
      tpu.enqueue_indirect_dma source(%arg19 : memref<80x128xf32, #tpu.memory_space<vmem>>) target(%dma_start3A_84 : memref<10000x128xf32, #tpu.memory_space<vmem_shared>>) offsets(%arg17 : memref<80xi32, #tpu.memory_space<vmem>>) semaphore(%run_scoped3A : memref<!tpu.dma_semaphore, #tpu.memory_space<semaphore_mem>>)
      %dma_wait3A = arith.constant 0 : i32
      %dma_wait3A_85 = arith.constant 0 : i32
      %dma_wait3A_86 = tpu.memref_slice %arg16[%dma_wait3A, %dma_wait3A_85] : memref<10000x128xf32, #tpu.memory_space<vmem_shared>> -> memref<10000x128xf32, #tpu.memory_space<vmem_shared>>
      tpu.wait_indirect_dma semaphore(%run_scoped3A : memref<!tpu.dma_semaphore, #tpu.memory_space<semaphore_mem>>) src(%arg19 : memref<80x128xf32, #tpu.memory_space<vmem>>) dst(%dma_wait3A_86 : memref<10000x128xf32, #tpu.memory_space<vmem_shared>>)
      tpu.yield
    }) : () -> ()
    %add3A_55 = arith.constant 400 : i32
    %add3A_56 = arith.addi %multiple_of3A, %add3A_55 : i32
    "tpu.region"() ({
      %run_scoped3A = tpu.sem_alloc : memref<!tpu.dma_semaphore, #tpu.memory_space<semaphore_mem>>
      %dma_start3A = tpu.memref_slice %arg10[%add3A_56] : memref<10000xi32, #tpu.memory_space<hbm>> -> memref<80xi32, #tpu.memory_space<hbm>>
      %dma_start3A_83 = tpu.memref_slice %arg10[%add3A_56] : memref<10000xi32, #tpu.memory_space<hbm>> -> memref<80xi32, #tpu.memory_space<hbm>>
      tpu.enqueue_dma source(%dma_start3A_83 : memref<80xi32, #tpu.memory_space<hbm>>) target(%arg17 : memref<80xi32, #tpu.memory_space<vmem>>) target_semaphore(%run_scoped3A : memref<!tpu.dma_semaphore, #tpu.memory_space<semaphore_mem>>)
      %dma_wait3A = tpu.memref_slice %arg10[%add3A_56] : memref<10000xi32, #tpu.memory_space<hbm>> -> memref<80xi32, #tpu.memory_space<hbm>>
      %dma_wait3A_84 = tpu.memref_slice %arg10[%add3A_56] : memref<10000xi32, #tpu.memory_space<hbm>> -> memref<80xi32, #tpu.memory_space<hbm>>
      tpu.wait_dma2 semaphore(%run_scoped3A : memref<!tpu.dma_semaphore, #tpu.memory_space<semaphore_mem>>) src(%dma_wait3A_84 : memref<80xi32, #tpu.memory_space<hbm>>) dst(%arg17 : memref<80xi32, #tpu.memory_space<vmem>>)
      tpu.yield
    }) : () -> ()
    "tpu.region"() ({
      %run_scoped3A = tpu.sem_alloc : memref<!tpu.dma_semaphore, #tpu.memory_space<semaphore_mem>>
      %dma_start3A = arith.constant 0 : i32
      %dma_start3A_83 = arith.constant 0 : i32
      %dma_start3A_84 = tpu.memref_slice %arg16[%dma_start3A, %dma_start3A_83] : memref<10000x128xf32, #tpu.memory_space<vmem_shared>> -> memref<10000x128xf32, #tpu.memory_space<vmem_shared>>
      tpu.enqueue_indirect_dma source(%arg19 : memref<80x128xf32, #tpu.memory_space<vmem>>) target(%dma_start3A_84 : memref<10000x128xf32, #tpu.memory_space<vmem_shared>>) offsets(%arg17 : memref<80xi32, #tpu.memory_space<vmem>>) semaphore(%run_scoped3A : memref<!tpu.dma_semaphore, #tpu.memory_space<semaphore_mem>>)
      %dma_wait3A = arith.constant 0 : i32
      %dma_wait3A_85 = arith.constant 0 : i32
      %dma_wait3A_86 = tpu.memref_slice %arg16[%dma_wait3A, %dma_wait3A_85] : memref<10000x128xf32, #tpu.memory_space<vmem_shared>> -> memref<10000x128xf32, #tpu.memory_space<vmem_shared>>
      tpu.wait_indirect_dma semaphore(%run_scoped3A : memref<!tpu.dma_semaphore, #tpu.memory_space<semaphore_mem>>) src(%arg19 : memref<80x128xf32, #tpu.memory_space<vmem>>) dst(%dma_wait3A_86 : memref<10000x128xf32, #tpu.memory_space<vmem_shared>>)
      tpu.yield
    }) : () -> ()
    %add3A_57 = arith.constant 480 : i32
    %add3A_58 = arith.addi %multiple_of3A, %add3A_57 : i32
    "tpu.region"() ({
      %run_scoped3A = tpu.sem_alloc : memref<!tpu.dma_semaphore, #tpu.memory_space<semaphore_mem>>
      %dma_start3A = tpu.memref_slice %arg10[%add3A_58] : memref<10000xi32, #tpu.memory_space<hbm>> -> memref<80xi32, #tpu.memory_space<hbm>>
      %dma_start3A_83 = tpu.memref_slice %arg10[%add3A_58] : memref<10000xi32, #tpu.memory_space<hbm>> -> memref<80xi32, #tpu.memory_space<hbm>>
      tpu.enqueue_dma source(%dma_start3A_83 : memref<80xi32, #tpu.memory_space<hbm>>) target(%arg17 : memref<80xi32, #tpu.memory_space<vmem>>) target_semaphore(%run_scoped3A : memref<!tpu.dma_semaphore, #tpu.memory_space<semaphore_mem>>)
      %dma_wait3A = tpu.memref_slice %arg10[%add3A_58] : memref<10000xi32, #tpu.memory_space<hbm>> -> memref<80xi32, #tpu.memory_space<hbm>>
      %dma_wait3A_84 = tpu.memref_slice %arg10[%add3A_58] : memref<10000xi32, #tpu.memory_space<hbm>> -> memref<80xi32, #tpu.memory_space<hbm>>
      tpu.wait_dma2 semaphore(%run_scoped3A : memref<!tpu.dma_semaphore, #tpu.memory_space<semaphore_mem>>) src(%dma_wait3A_84 : memref<80xi32, #tpu.memory_space<hbm>>) dst(%arg17 : memref<80xi32, #tpu.memory_space<vmem>>)
      tpu.yield
    }) : () -> ()
    "tpu.region"() ({
      %run_scoped3A = tpu.sem_alloc : memref<!tpu.dma_semaphore, #tpu.memory_space<semaphore_mem>>
      %dma_start3A = arith.constant 0 : i32
      %dma_start3A_83 = arith.constant 0 : i32
      %dma_start3A_84 = tpu.memref_slice %arg16[%dma_start3A, %dma_start3A_83] : memref<10000x128xf32, #tpu.memory_space<vmem_shared>> -> memref<10000x128xf32, #tpu.memory_space<vmem_shared>>
      tpu.enqueue_indirect_dma source(%arg19 : memref<80x128xf32, #tpu.memory_space<vmem>>) target(%dma_start3A_84 : memref<10000x128xf32, #tpu.memory_space<vmem_shared>>) offsets(%arg17 : memref<80xi32, #tpu.memory_space<vmem>>) semaphore(%run_scoped3A : memref<!tpu.dma_semaphore, #tpu.memory_space<semaphore_mem>>)
      %dma_wait3A = arith.constant 0 : i32
      %dma_wait3A_85 = arith.constant 0 : i32
      %dma_wait3A_86 = tpu.memref_slice %arg16[%dma_wait3A, %dma_wait3A_85] : memref<10000x128xf32, #tpu.memory_space<vmem_shared>> -> memref<10000x128xf32, #tpu.memory_space<vmem_shared>>
      tpu.wait_indirect_dma semaphore(%run_scoped3A : memref<!tpu.dma_semaphore, #tpu.memory_space<semaphore_mem>>) src(%arg19 : memref<80x128xf32, #tpu.memory_space<vmem>>) dst(%dma_wait3A_86 : memref<10000x128xf32, #tpu.memory_space<vmem_shared>>)
      tpu.yield
    }) : () -> ()
    %add3A_59 = arith.constant 560 : i32
    %add3A_60 = arith.addi %multiple_of3A, %add3A_59 : i32
    "tpu.region"() ({
      %run_scoped3A = tpu.sem_alloc : memref<!tpu.dma_semaphore, #tpu.memory_space<semaphore_mem>>
      %dma_start3A = tpu.memref_slice %arg10[%add3A_60] : memref<10000xi32, #tpu.memory_space<hbm>> -> memref<80xi32, #tpu.memory_space<hbm>>
      %dma_start3A_83 = tpu.memref_slice %arg10[%add3A_60] : memref<10000xi32, #tpu.memory_space<hbm>> -> memref<80xi32, #tpu.memory_space<hbm>>
      tpu.enqueue_dma source(%dma_start3A_83 : memref<80xi32, #tpu.memory_space<hbm>>) target(%arg17 : memref<80xi32, #tpu.memory_space<vmem>>) target_semaphore(%run_scoped3A : memref<!tpu.dma_semaphore, #tpu.memory_space<semaphore_mem>>)
      %dma_wait3A = tpu.memref_slice %arg10[%add3A_60] : memref<10000xi32, #tpu.memory_space<hbm>> -> memref<80xi32, #tpu.memory_space<hbm>>
      %dma_wait3A_84 = tpu.memref_slice %arg10[%add3A_60] : memref<10000xi32, #tpu.memory_space<hbm>> -> memref<80xi32, #tpu.memory_space<hbm>>
      tpu.wait_dma2 semaphore(%run_scoped3A : memref<!tpu.dma_semaphore, #tpu.memory_space<semaphore_mem>>) src(%dma_wait3A_84 : memref<80xi32, #tpu.memory_space<hbm>>) dst(%arg17 : memref<80xi32, #tpu.memory_space<vmem>>)
      tpu.yield
    }) : () -> ()
    "tpu.region"() ({
      %run_scoped3A = tpu.sem_alloc : memref<!tpu.dma_semaphore, #tpu.memory_space<semaphore_mem>>
      %dma_start3A = arith.constant 0 : i32
      %dma_start3A_83 = arith.constant 0 : i32
      %dma_start3A_84 = tpu.memref_slice %arg16[%dma_start3A, %dma_start3A_83] : memref<10000x128xf32, #tpu.memory_space<vmem_shared>> -> memref<10000x128xf32, #tpu.memory_space<vmem_shared>>
      tpu.enqueue_indirect_dma source(%arg19 : memref<80x128xf32, #tpu.memory_space<vmem>>) target(%dma_start3A_84 : memref<10000x128xf32, #tpu.memory_space<vmem_shared>>) offsets(%arg17 : memref<80xi32, #tpu.memory_space<vmem>>) semaphore(%run_scoped3A : memref<!tpu.dma_semaphore, #tpu.memory_space<semaphore_mem>>)
      %dma_wait3A = arith.constant 0 : i32
      %dma_wait3A_85 = arith.constant 0 : i32
      %dma_wait3A_86 = tpu.memref_slice %arg16[%dma_wait3A, %dma_wait3A_85] : memref<10000x128xf32, #tpu.memory_space<vmem_shared>> -> memref<10000x128xf32, #tpu.memory_space<vmem_shared>>
      tpu.wait_indirect_dma semaphore(%run_scoped3A : memref<!tpu.dma_semaphore, #tpu.memory_space<semaphore_mem>>) src(%arg19 : memref<80x128xf32, #tpu.memory_space<vmem>>) dst(%dma_wait3A_86 : memref<10000x128xf32, #tpu.memory_space<vmem_shared>>)
      tpu.yield
    }) : () -> ()
    %barrier3A_61 = arith.constant 0 : index
    tpu.barrier barrier_id(%barrier3A_61)
    %eq3A_62 = arith.constant 0 : i32
    %eq3A_63 = arith.cmpi eq, %arg0, %eq3A_62 : i32
    %convert_element_type3A_64 = arith.extui %eq3A_63 : i1 to i32
    %cond3A_65 = arith.constant 0 : i32
    %cond3A_66 = arith.cmpi ne, %convert_element_type3A_64, %cond3A_65 : i32
    scf.if %cond3A_66 {
      %mul3A_83 = arith.constant 10000 : i32
      %mul3A_84 = arith.muli %arg1, %mul3A_83 : i32
      "tpu.region"() ({
        %run_scoped3A = tpu.sem_alloc : memref<!tpu.dma_semaphore, #tpu.memory_space<semaphore_mem>>
        tpu.enqueue_dma source(%arg11 : memref<80x128xf32, #tpu.memory_space<hbm>>) target(%arg20 : memref<80x128xf32, #tpu.memory_space<vmem>>) target_semaphore(%run_scoped3A : memref<!tpu.dma_semaphore, #tpu.memory_space<semaphore_mem>>)
        tpu.wait_dma2 semaphore(%run_scoped3A : memref<!tpu.dma_semaphore, #tpu.memory_space<semaphore_mem>>) src(%arg11 : memref<80x128xf32, #tpu.memory_space<hbm>>) dst(%arg20 : memref<80x128xf32, #tpu.memory_space<vmem>>)
        tpu.yield
      }) : () -> ()
      %add3A_85 = arith.constant 0 : i32
      %add3A_86 = arith.addi %mul3A_84, %add3A_85 : i32
      %multiple_of3A_87 = tpu.assume_multiple %add3A_86, 8 : i32
      %dma_start3A = tpu.memref_slice %arg5[%multiple_of3A_87] : memref<160000xi32, #tpu.memory_space<hbm>> -> memref<80xi32, #tpu.memory_space<hbm>>
      %dma_start3A_88 = tpu.memref_slice %arg5[%multiple_of3A_87] : memref<160000xi32, #tpu.memory_space<hbm>> -> memref<80xi32, #tpu.memory_space<hbm>>
      tpu.enqueue_dma source(%dma_start3A_88 : memref<80xi32, #tpu.memory_space<hbm>>) target(%arg18 : memref<80xi32, #tpu.memory_space<vmem>>) target_semaphore(%arg25 : memref<!tpu.dma_semaphore, #tpu.memory_space<semaphore_mem>>)
      %scan3A_89 = arith.constant 0 : i32
      %scan3A_90 = arith.constant 62 : i32
      %scan3A_91 = arith.addi %scan3A_89, %scan3A_90 : i32
      %scan3A_92 = arith.constant 1 : i32
      scf.for %scan3A_98 = %scan3A_89 to %scan3A_91 step %scan3A_92  : i32 {
        %mul3A_99 = arith.constant 1 : i32
        %mul3A_100 = arith.muli %scan3A_98, %mul3A_99 : i32
        %add3A_101 = arith.constant 0 : i32
        %add3A_102 = arith.addi %add3A_101, %mul3A_100 : i32
        %mul3A_103 = arith.constant 2 : i32
        %mul3A_104 = arith.muli %add3A_102, %mul3A_103 : i32
        %add3A_105 = arith.constant 1 : i32
        %add3A_106 = arith.addi %mul3A_104, %add3A_105 : i32
        %mul3A_107 = arith.constant 80 : i32
        %mul3A_108 = arith.muli %add3A_106, %mul3A_107 : i32
        %add3A_109 = arith.addi %mul3A_84, %mul3A_108 : i32
        %multiple_of3A_110 = tpu.assume_multiple %add3A_109, 8 : i32
        %dma_start3A_111 = tpu.memref_slice %arg5[%multiple_of3A_110] : memref<160000xi32, #tpu.memory_space<hbm>> -> memref<80xi32, #tpu.memory_space<hbm>>
        %dma_start3A_112 = tpu.memref_slice %arg5[%multiple_of3A_110] : memref<160000xi32, #tpu.memory_space<hbm>> -> memref<80xi32, #tpu.memory_space<hbm>>
        tpu.enqueue_dma source(%dma_start3A_112 : memref<80xi32, #tpu.memory_space<hbm>>) target(%arg22 : memref<80xi32, #tpu.memory_space<vmem>>) target_semaphore(%arg26 : memref<!tpu.dma_semaphore, #tpu.memory_space<semaphore_mem>>)
        %mul3A_113 = arith.constant 80 : i32
        %mul3A_114 = arith.muli %mul3A_104, %mul3A_113 : i32
        %add3A_115 = arith.addi %mul3A_84, %mul3A_114 : i32
        %multiple_of3A_116 = tpu.assume_multiple %add3A_115, 8 : i32
        %dma_wait3A_117 = tpu.memref_slice %arg5[%multiple_of3A_116] : memref<160000xi32, #tpu.memory_space<hbm>> -> memref<80xi32, #tpu.memory_space<hbm>>
        %dma_wait3A_118 = tpu.memref_slice %arg5[%multiple_of3A_116] : memref<160000xi32, #tpu.memory_space<hbm>> -> memref<80xi32, #tpu.memory_space<hbm>>
        tpu.wait_dma2 semaphore(%arg25 : memref<!tpu.dma_semaphore, #tpu.memory_space<semaphore_mem>>) src(%dma_wait3A_118 : memref<80xi32, #tpu.memory_space<hbm>>) dst(%arg18 : memref<80xi32, #tpu.memory_space<vmem>>)
        "tpu.region"() ({
          %run_scoped3A = tpu.sem_alloc : memref<!tpu.dma_semaphore, #tpu.memory_space<semaphore_mem>>
          %dma_start3A_135 = arith.constant 0 : i32
          %dma_start3A_136 = arith.constant 0 : i32
          %dma_start3A_137 = tpu.memref_slice %arg16[%dma_start3A_135, %dma_start3A_136] : memref<10000x128xf32, #tpu.memory_space<vmem_shared>> -> memref<10000x128xf32, #tpu.memory_space<vmem_shared>>
          tpu.enqueue_indirect_dma source(%arg20 : memref<80x128xf32, #tpu.memory_space<vmem>>) target(%dma_start3A_137 : memref<10000x128xf32, #tpu.memory_space<vmem_shared>>) offsets(%arg18 : memref<80xi32, #tpu.memory_space<vmem>>) semaphore(%run_scoped3A : memref<!tpu.dma_semaphore, #tpu.memory_space<semaphore_mem>>) {add = true}
          %dma_wait3A_138 = arith.constant 0 : i32
          %dma_wait3A_139 = arith.constant 0 : i32
          %dma_wait3A_140 = tpu.memref_slice %arg16[%dma_wait3A_138, %dma_wait3A_139] : memref<10000x128xf32, #tpu.memory_space<vmem_shared>> -> memref<10000x128xf32, #tpu.memory_space<vmem_shared>>
          tpu.wait_indirect_dma semaphore(%run_scoped3A : memref<!tpu.dma_semaphore, #tpu.memory_space<semaphore_mem>>) src(%arg20 : memref<80x128xf32, #tpu.memory_space<vmem>>) dst(%dma_wait3A_140 : memref<10000x128xf32, #tpu.memory_space<vmem_shared>>)
          tpu.yield
        }) : () -> ()
        %add3A_119 = arith.constant 2 : i32
        %add3A_120 = arith.addi %mul3A_104, %add3A_119 : i32
        %mul3A_121 = arith.constant 80 : i32
        %mul3A_122 = arith.muli %add3A_120, %mul3A_121 : i32
        %add3A_123 = arith.addi %mul3A_84, %mul3A_122 : i32
        %multiple_of3A_124 = tpu.assume_multiple %add3A_123, 8 : i32
        %dma_start3A_125 = tpu.memref_slice %arg5[%multiple_of3A_124] : memref<160000xi32, #tpu.memory_space<hbm>> -> memref<80xi32, #tpu.memory_space<hbm>>
        %dma_start3A_126 = tpu.memref_slice %arg5[%multiple_of3A_124] : memref<160000xi32, #tpu.memory_space<hbm>> -> memref<80xi32, #tpu.memory_space<hbm>>
        tpu.enqueue_dma source(%dma_start3A_126 : memref<80xi32, #tpu.memory_space<hbm>>) target(%arg18 : memref<80xi32, #tpu.memory_space<vmem>>) target_semaphore(%arg25 : memref<!tpu.dma_semaphore, #tpu.memory_space<semaphore_mem>>)
        %add3A_127 = arith.constant 1 : i32
        %add3A_128 = arith.addi %mul3A_104, %add3A_127 : i32
        %mul3A_129 = arith.constant 80 : i32
        %mul3A_130 = arith.muli %add3A_128, %mul3A_129 : i32
        %add3A_131 = arith.addi %mul3A_84, %mul3A_130 : i32
        %multiple_of3A_132 = tpu.assume_multiple %add3A_131, 8 : i32
        %dma_wait3A_133 = tpu.memref_slice %arg5[%multiple_of3A_132] : memref<160000xi32, #tpu.memory_space<hbm>> -> memref<80xi32, #tpu.memory_space<hbm>>
        %dma_wait3A_134 = tpu.memref_slice %arg5[%multiple_of3A_132] : memref<160000xi32, #tpu.memory_space<hbm>> -> memref<80xi32, #tpu.memory_space<hbm>>
        tpu.wait_dma2 semaphore(%arg26 : memref<!tpu.dma_semaphore, #tpu.memory_space<semaphore_mem>>) src(%dma_wait3A_134 : memref<80xi32, #tpu.memory_space<hbm>>) dst(%arg22 : memref<80xi32, #tpu.memory_space<vmem>>)
        "tpu.region"() ({
          %run_scoped3A = tpu.sem_alloc : memref<!tpu.dma_semaphore, #tpu.memory_space<semaphore_mem>>
          %dma_start3A_135 = arith.constant 0 : i32
          %dma_start3A_136 = arith.constant 0 : i32
          %dma_start3A_137 = tpu.memref_slice %arg16[%dma_start3A_135, %dma_start3A_136] : memref<10000x128xf32, #tpu.memory_space<vmem_shared>> -> memref<10000x128xf32, #tpu.memory_space<vmem_shared>>
          tpu.enqueue_indirect_dma source(%arg20 : memref<80x128xf32, #tpu.memory_space<vmem>>) target(%dma_start3A_137 : memref<10000x128xf32, #tpu.memory_space<vmem_shared>>) offsets(%arg22 : memref<80xi32, #tpu.memory_space<vmem>>) semaphore(%run_scoped3A : memref<!tpu.dma_semaphore, #tpu.memory_space<semaphore_mem>>) {add = true}
          %dma_wait3A_138 = arith.constant 0 : i32
          %dma_wait3A_139 = arith.constant 0 : i32
          %dma_wait3A_140 = tpu.memref_slice %arg16[%dma_wait3A_138, %dma_wait3A_139] : memref<10000x128xf32, #tpu.memory_space<vmem_shared>> -> memref<10000x128xf32, #tpu.memory_space<vmem_shared>>
          tpu.wait_indirect_dma semaphore(%run_scoped3A : memref<!tpu.dma_semaphore, #tpu.memory_space<semaphore_mem>>) src(%arg20 : memref<80x128xf32, #tpu.memory_space<vmem>>) dst(%dma_wait3A_140 : memref<10000x128xf32, #tpu.memory_space<vmem_shared>>)
          tpu.yield
        }) : () -> ()
      }
      %scan3A_93 = arith.constant 62 : i32
      %add3A_94 = arith.constant 9920 : i32
      %add3A_95 = arith.addi %mul3A_84, %add3A_94 : i32
      %multiple_of3A_96 = tpu.assume_multiple %add3A_95, 8 : i32
      %dma_wait3A = tpu.memref_slice %arg5[%multiple_of3A_96] : memref<160000xi32, #tpu.memory_space<hbm>> -> memref<80xi32, #tpu.memory_space<hbm>>
      %dma_wait3A_97 = tpu.memref_slice %arg5[%multiple_of3A_96] : memref<160000xi32, #tpu.memory_space<hbm>> -> memref<80xi32, #tpu.memory_space<hbm>>
      tpu.wait_dma2 semaphore(%arg25 : memref<!tpu.dma_semaphore, #tpu.memory_space<semaphore_mem>>) src(%dma_wait3A_97 : memref<80xi32, #tpu.memory_space<hbm>>) dst(%arg18 : memref<80xi32, #tpu.memory_space<vmem>>)
      "tpu.region"() ({
        %run_scoped3A = tpu.sem_alloc : memref<!tpu.dma_semaphore, #tpu.memory_space<semaphore_mem>>
        %dma_start3A_98 = arith.constant 0 : i32
        %dma_start3A_99 = arith.constant 0 : i32
        %dma_start3A_100 = tpu.memref_slice %arg16[%dma_start3A_98, %dma_start3A_99] : memref<10000x128xf32, #tpu.memory_space<vmem_shared>> -> memref<10000x128xf32, #tpu.memory_space<vmem_shared>>
        tpu.enqueue_indirect_dma source(%arg20 : memref<80x128xf32, #tpu.memory_space<vmem>>) target(%dma_start3A_100 : memref<10000x128xf32, #tpu.memory_space<vmem_shared>>) offsets(%arg18 : memref<80xi32, #tpu.memory_space<vmem>>) semaphore(%run_scoped3A : memref<!tpu.dma_semaphore, #tpu.memory_space<semaphore_mem>>) {add = true}
        %dma_wait3A_101 = arith.constant 0 : i32
        %dma_wait3A_102 = arith.constant 0 : i32
        %dma_wait3A_103 = tpu.memref_slice %arg16[%dma_wait3A_101, %dma_wait3A_102] : memref<10000x128xf32, #tpu.memory_space<vmem_shared>> -> memref<10000x128xf32, #tpu.memory_space<vmem_shared>>
        tpu.wait_indirect_dma semaphore(%run_scoped3A : memref<!tpu.dma_semaphore, #tpu.memory_space<semaphore_mem>>) src(%arg20 : memref<80x128xf32, #tpu.memory_space<vmem>>) dst(%dma_wait3A_103 : memref<10000x128xf32, #tpu.memory_space<vmem_shared>>)
        tpu.yield
      }) : () -> ()
    } else {
    }
    %eq3A_67 = arith.constant 1 : i32
    %eq3A_68 = arith.cmpi eq, %arg0, %eq3A_67 : i32
    %convert_element_type3A_69 = arith.extui %eq3A_68 : i1 to i32
    %cond3A_70 = arith.constant 0 : i32
    %cond3A_71 = arith.cmpi ne, %convert_element_type3A_69, %cond3A_70 : i32
    scf.if %cond3A_71 {
      %mul3A_83 = arith.constant 10000 : i32
      %mul3A_84 = arith.muli %arg1, %mul3A_83 : i32
      "tpu.region"() ({
        %run_scoped3A = tpu.sem_alloc : memref<!tpu.dma_semaphore, #tpu.memory_space<semaphore_mem>>
        tpu.enqueue_dma source(%arg11 : memref<80x128xf32, #tpu.memory_space<hbm>>) target(%arg20 : memref<80x128xf32, #tpu.memory_space<vmem>>) target_semaphore(%run_scoped3A : memref<!tpu.dma_semaphore, #tpu.memory_space<semaphore_mem>>)
        tpu.wait_dma2 semaphore(%run_scoped3A : memref<!tpu.dma_semaphore, #tpu.memory_space<semaphore_mem>>) src(%arg11 : memref<80x128xf32, #tpu.memory_space<hbm>>) dst(%arg20 : memref<80x128xf32, #tpu.memory_space<vmem>>)
        tpu.yield
      }) : () -> ()
      %add3A_85 = arith.constant 0 : i32
      %add3A_86 = arith.addi %mul3A_84, %add3A_85 : i32
      %multiple_of3A_87 = tpu.assume_multiple %add3A_86, 8 : i32
      %dma_start3A = tpu.memref_slice %arg9[%multiple_of3A_87] : memref<160000xi32, #tpu.memory_space<hbm>> -> memref<80xi32, #tpu.memory_space<hbm>>
      %dma_start3A_88 = tpu.memref_slice %arg9[%multiple_of3A_87] : memref<160000xi32, #tpu.memory_space<hbm>> -> memref<80xi32, #tpu.memory_space<hbm>>
      tpu.enqueue_dma source(%dma_start3A_88 : memref<80xi32, #tpu.memory_space<hbm>>) target(%arg18 : memref<80xi32, #tpu.memory_space<vmem>>) target_semaphore(%arg25 : memref<!tpu.dma_semaphore, #tpu.memory_space<semaphore_mem>>)
      %scan3A_89 = arith.constant 0 : i32
      %scan3A_90 = arith.constant 62 : i32
      %scan3A_91 = arith.addi %scan3A_89, %scan3A_90 : i32
      %scan3A_92 = arith.constant 1 : i32
      scf.for %scan3A_98 = %scan3A_89 to %scan3A_91 step %scan3A_92  : i32 {
        %mul3A_99 = arith.constant 1 : i32
        %mul3A_100 = arith.muli %scan3A_98, %mul3A_99 : i32
        %add3A_101 = arith.constant 0 : i32
        %add3A_102 = arith.addi %add3A_101, %mul3A_100 : i32
        %mul3A_103 = arith.constant 2 : i32
        %mul3A_104 = arith.muli %add3A_102, %mul3A_103 : i32
        %add3A_105 = arith.constant 1 : i32
        %add3A_106 = arith.addi %mul3A_104, %add3A_105 : i32
        %mul3A_107 = arith.constant 80 : i32
        %mul3A_108 = arith.muli %add3A_106, %mul3A_107 : i32
        %add3A_109 = arith.addi %mul3A_84, %mul3A_108 : i32
        %multiple_of3A_110 = tpu.assume_multiple %add3A_109, 8 : i32
        %dma_start3A_111 = tpu.memref_slice %arg9[%multiple_of3A_110] : memref<160000xi32, #tpu.memory_space<hbm>> -> memref<80xi32, #tpu.memory_space<hbm>>
        %dma_start3A_112 = tpu.memref_slice %arg9[%multiple_of3A_110] : memref<160000xi32, #tpu.memory_space<hbm>> -> memref<80xi32, #tpu.memory_space<hbm>>
        tpu.enqueue_dma source(%dma_start3A_112 : memref<80xi32, #tpu.memory_space<hbm>>) target(%arg22 : memref<80xi32, #tpu.memory_space<vmem>>) target_semaphore(%arg26 : memref<!tpu.dma_semaphore, #tpu.memory_space<semaphore_mem>>)
        %mul3A_113 = arith.constant 80 : i32
        %mul3A_114 = arith.muli %mul3A_104, %mul3A_113 : i32
        %add3A_115 = arith.addi %mul3A_84, %mul3A_114 : i32
        %multiple_of3A_116 = tpu.assume_multiple %add3A_115, 8 : i32
        %dma_wait3A_117 = tpu.memref_slice %arg9[%multiple_of3A_116] : memref<160000xi32, #tpu.memory_space<hbm>> -> memref<80xi32, #tpu.memory_space<hbm>>
        %dma_wait3A_118 = tpu.memref_slice %arg9[%multiple_of3A_116] : memref<160000xi32, #tpu.memory_space<hbm>> -> memref<80xi32, #tpu.memory_space<hbm>>
        tpu.wait_dma2 semaphore(%arg25 : memref<!tpu.dma_semaphore, #tpu.memory_space<semaphore_mem>>) src(%dma_wait3A_118 : memref<80xi32, #tpu.memory_space<hbm>>) dst(%arg18 : memref<80xi32, #tpu.memory_space<vmem>>)
        "tpu.region"() ({
          %run_scoped3A = tpu.sem_alloc : memref<!tpu.dma_semaphore, #tpu.memory_space<semaphore_mem>>
          %dma_start3A_135 = arith.constant 0 : i32
          %dma_start3A_136 = arith.constant 0 : i32
          %dma_start3A_137 = tpu.memref_slice %arg16[%dma_start3A_135, %dma_start3A_136] : memref<10000x128xf32, #tpu.memory_space<vmem_shared>> -> memref<10000x128xf32, #tpu.memory_space<vmem_shared>>
          tpu.enqueue_indirect_dma source(%arg20 : memref<80x128xf32, #tpu.memory_space<vmem>>) target(%dma_start3A_137 : memref<10000x128xf32, #tpu.memory_space<vmem_shared>>) offsets(%arg18 : memref<80xi32, #tpu.memory_space<vmem>>) semaphore(%run_scoped3A : memref<!tpu.dma_semaphore, #tpu.memory_space<semaphore_mem>>) {add = true}
          %dma_wait3A_138 = arith.constant 0 : i32
          %dma_wait3A_139 = arith.constant 0 : i32
          %dma_wait3A_140 = tpu.memref_slice %arg16[%dma_wait3A_138, %dma_wait3A_139] : memref<10000x128xf32, #tpu.memory_space<vmem_shared>> -> memref<10000x128xf32, #tpu.memory_space<vmem_shared>>
          tpu.wait_indirect_dma semaphore(%run_scoped3A : memref<!tpu.dma_semaphore, #tpu.memory_space<semaphore_mem>>) src(%arg20 : memref<80x128xf32, #tpu.memory_space<vmem>>) dst(%dma_wait3A_140 : memref<10000x128xf32, #tpu.memory_space<vmem_shared>>)
          tpu.yield
        }) : () -> ()
        %add3A_119 = arith.constant 2 : i32
        %add3A_120 = arith.addi %mul3A_104, %add3A_119 : i32
        %mul3A_121 = arith.constant 80 : i32
        %mul3A_122 = arith.muli %add3A_120, %mul3A_121 : i32
        %add3A_123 = arith.addi %mul3A_84, %mul3A_122 : i32
        %multiple_of3A_124 = tpu.assume_multiple %add3A_123, 8 : i32
        %dma_start3A_125 = tpu.memref_slice %arg9[%multiple_of3A_124] : memref<160000xi32, #tpu.memory_space<hbm>> -> memref<80xi32, #tpu.memory_space<hbm>>
        %dma_start3A_126 = tpu.memref_slice %arg9[%multiple_of3A_124] : memref<160000xi32, #tpu.memory_space<hbm>> -> memref<80xi32, #tpu.memory_space<hbm>>
        tpu.enqueue_dma source(%dma_start3A_126 : memref<80xi32, #tpu.memory_space<hbm>>) target(%arg18 : memref<80xi32, #tpu.memory_space<vmem>>) target_semaphore(%arg25 : memref<!tpu.dma_semaphore, #tpu.memory_space<semaphore_mem>>)
        %add3A_127 = arith.constant 1 : i32
        %add3A_128 = arith.addi %mul3A_104, %add3A_127 : i32
        %mul3A_129 = arith.constant 80 : i32
        %mul3A_130 = arith.muli %add3A_128, %mul3A_129 : i32
        %add3A_131 = arith.addi %mul3A_84, %mul3A_130 : i32
        %multiple_of3A_132 = tpu.assume_multiple %add3A_131, 8 : i32
        %dma_wait3A_133 = tpu.memref_slice %arg9[%multiple_of3A_132] : memref<160000xi32, #tpu.memory_space<hbm>> -> memref<80xi32, #tpu.memory_space<hbm>>
        %dma_wait3A_134 = tpu.memref_slice %arg9[%multiple_of3A_132] : memref<160000xi32, #tpu.memory_space<hbm>> -> memref<80xi32, #tpu.memory_space<hbm>>
        tpu.wait_dma2 semaphore(%arg26 : memref<!tpu.dma_semaphore, #tpu.memory_space<semaphore_mem>>) src(%dma_wait3A_134 : memref<80xi32, #tpu.memory_space<hbm>>) dst(%arg22 : memref<80xi32, #tpu.memory_space<vmem>>)
        "tpu.region"() ({
          %run_scoped3A = tpu.sem_alloc : memref<!tpu.dma_semaphore, #tpu.memory_space<semaphore_mem>>
          %dma_start3A_135 = arith.constant 0 : i32
          %dma_start3A_136 = arith.constant 0 : i32
          %dma_start3A_137 = tpu.memref_slice %arg16[%dma_start3A_135, %dma_start3A_136] : memref<10000x128xf32, #tpu.memory_space<vmem_shared>> -> memref<10000x128xf32, #tpu.memory_space<vmem_shared>>
          tpu.enqueue_indirect_dma source(%arg20 : memref<80x128xf32, #tpu.memory_space<vmem>>) target(%dma_start3A_137 : memref<10000x128xf32, #tpu.memory_space<vmem_shared>>) offsets(%arg22 : memref<80xi32, #tpu.memory_space<vmem>>) semaphore(%run_scoped3A : memref<!tpu.dma_semaphore, #tpu.memory_space<semaphore_mem>>) {add = true}
          %dma_wait3A_138 = arith.constant 0 : i32
          %dma_wait3A_139 = arith.constant 0 : i32
          %dma_wait3A_140 = tpu.memref_slice %arg16[%dma_wait3A_138, %dma_wait3A_139] : memref<10000x128xf32, #tpu.memory_space<vmem_shared>> -> memref<10000x128xf32, #tpu.memory_space<vmem_shared>>
          tpu.wait_indirect_dma semaphore(%run_scoped3A : memref<!tpu.dma_semaphore, #tpu.memory_space<semaphore_mem>>) src(%arg20 : memref<80x128xf32, #tpu.memory_space<vmem>>) dst(%dma_wait3A_140 : memref<10000x128xf32, #tpu.memory_space<vmem_shared>>)
          tpu.yield
        }) : () -> ()
      }
      %scan3A_93 = arith.constant 62 : i32
      %add3A_94 = arith.constant 9920 : i32
      %add3A_95 = arith.addi %mul3A_84, %add3A_94 : i32
      %multiple_of3A_96 = tpu.assume_multiple %add3A_95, 8 : i32
      %dma_wait3A = tpu.memref_slice %arg9[%multiple_of3A_96] : memref<160000xi32, #tpu.memory_space<hbm>> -> memref<80xi32, #tpu.memory_space<hbm>>
      %dma_wait3A_97 = tpu.memref_slice %arg9[%multiple_of3A_96] : memref<160000xi32, #tpu.memory_space<hbm>> -> memref<80xi32, #tpu.memory_space<hbm>>
      tpu.wait_dma2 semaphore(%arg25 : memref<!tpu.dma_semaphore, #tpu.memory_space<semaphore_mem>>) src(%dma_wait3A_97 : memref<80xi32, #tpu.memory_space<hbm>>) dst(%arg18 : memref<80xi32, #tpu.memory_space<vmem>>)
      "tpu.region"() ({
        %run_scoped3A = tpu.sem_alloc : memref<!tpu.dma_semaphore, #tpu.memory_space<semaphore_mem>>
        %dma_start3A_98 = arith.constant 0 : i32
        %dma_start3A_99 = arith.constant 0 : i32
        %dma_start3A_100 = tpu.memref_slice %arg16[%dma_start3A_98, %dma_start3A_99] : memref<10000x128xf32, #tpu.memory_space<vmem_shared>> -> memref<10000x128xf32, #tpu.memory_space<vmem_shared>>
        tpu.enqueue_indirect_dma source(%arg20 : memref<80x128xf32, #tpu.memory_space<vmem>>) target(%dma_start3A_100 : memref<10000x128xf32, #tpu.memory_space<vmem_shared>>) offsets(%arg18 : memref<80xi32, #tpu.memory_space<vmem>>) semaphore(%run_scoped3A : memref<!tpu.dma_semaphore, #tpu.memory_space<semaphore_mem>>) {add = true}
        %dma_wait3A_101 = arith.constant 0 : i32
        %dma_wait3A_102 = arith.constant 0 : i32
        %dma_wait3A_103 = tpu.memref_slice %arg16[%dma_wait3A_101, %dma_wait3A_102] : memref<10000x128xf32, #tpu.memory_space<vmem_shared>> -> memref<10000x128xf32, #tpu.memory_space<vmem_shared>>
        tpu.wait_indirect_dma semaphore(%run_scoped3A : memref<!tpu.dma_semaphore, #tpu.memory_space<semaphore_mem>>) src(%arg20 : memref<80x128xf32, #tpu.memory_space<vmem>>) dst(%dma_wait3A_103 : memref<10000x128xf32, #tpu.memory_space<vmem_shared>>)
        tpu.yield
      }) : () -> ()
    } else {
    }
    %barrier3A_72 = arith.constant 0 : index
    tpu.barrier barrier_id(%barrier3A_72)
    %eq3A_73 = arith.constant 0 : i32
    %eq3A_74 = arith.cmpi eq, %arg0, %eq3A_73 : i32
    %convert_element_type3A_75 = arith.extui %eq3A_74 : i1 to i32
    %cond3A_76 = arith.constant 0 : i32
    %cond3A_77 = arith.cmpi ne, %convert_element_type3A_75, %cond3A_76 : i32
    scf.if %cond3A_77 {
      %add3A_83 = arith.constant 0 : i32
      %add3A_84 = arith.addi %multiple_of3A, %add3A_83 : i32
      "tpu.region"() ({
        %run_scoped3A = tpu.sem_alloc : memref<!tpu.dma_semaphore, #tpu.memory_space<semaphore_mem>>
        %dma_start3A = tpu.memref_slice %arg10[%add3A_84] : memref<10000xi32, #tpu.memory_space<hbm>> -> memref<80xi32, #tpu.memory_space<hbm>>
        %dma_start3A_115 = tpu.memref_slice %arg10[%add3A_84] : memref<10000xi32, #tpu.memory_space<hbm>> -> memref<80xi32, #tpu.memory_space<hbm>>
        tpu.enqueue_dma source(%dma_start3A_115 : memref<80xi32, #tpu.memory_space<hbm>>) target(%arg17 : memref<80xi32, #tpu.memory_space<vmem>>) target_semaphore(%run_scoped3A : memref<!tpu.dma_semaphore, #tpu.memory_space<semaphore_mem>>)
        %dma_wait3A = tpu.memref_slice %arg10[%add3A_84] : memref<10000xi32, #tpu.memory_space<hbm>> -> memref<80xi32, #tpu.memory_space<hbm>>
        %dma_wait3A_116 = tpu.memref_slice %arg10[%add3A_84] : memref<10000xi32, #tpu.memory_space<hbm>> -> memref<80xi32, #tpu.memory_space<hbm>>
        tpu.wait_dma2 semaphore(%run_scoped3A : memref<!tpu.dma_semaphore, #tpu.memory_space<semaphore_mem>>) src(%dma_wait3A_116 : memref<80xi32, #tpu.memory_space<hbm>>) dst(%arg17 : memref<80xi32, #tpu.memory_space<vmem>>)
        tpu.yield
      }) : () -> ()
      "tpu.region"() ({
        %run_scoped3A = tpu.sem_alloc : memref<!tpu.dma_semaphore, #tpu.memory_space<semaphore_mem>>
        %dma_start3A = arith.constant 0 : i32
        %dma_start3A_115 = arith.constant 0 : i32
        %dma_start3A_116 = tpu.memref_slice %arg16[%dma_start3A, %dma_start3A_115] : memref<10000x128xf32, #tpu.memory_space<vmem_shared>> -> memref<10000x128xf32, #tpu.memory_space<vmem_shared>>
        tpu.enqueue_indirect_dma source(%dma_start3A_116 : memref<10000x128xf32, #tpu.memory_space<vmem_shared>>) target(%arg19 : memref<80x128xf32, #tpu.memory_space<vmem>>) offsets(%arg17 : memref<80xi32, #tpu.memory_space<vmem>>) semaphore(%run_scoped3A : memref<!tpu.dma_semaphore, #tpu.memory_space<semaphore_mem>>)
        %dma_wait3A = arith.constant 0 : i32
        %dma_wait3A_117 = arith.constant 0 : i32
        %dma_wait3A_118 = tpu.memref_slice %arg16[%dma_wait3A, %dma_wait3A_117] : memref<10000x128xf32, #tpu.memory_space<vmem_shared>> -> memref<10000x128xf32, #tpu.memory_space<vmem_shared>>
        tpu.wait_indirect_dma semaphore(%run_scoped3A : memref<!tpu.dma_semaphore, #tpu.memory_space<semaphore_mem>>) src(%dma_wait3A_118 : memref<10000x128xf32, #tpu.memory_space<vmem_shared>>) dst(%arg19 : memref<80x128xf32, #tpu.memory_space<vmem>>)
        tpu.yield
      }) : () -> ()
      %add3A_85 = arith.constant 0 : i32
      %add3A_86 = arith.addi %multiple_of3A, %add3A_85 : i32
      "tpu.region"() ({
        %run_scoped3A = tpu.sem_alloc : memref<!tpu.dma_semaphore, #tpu.memory_space<semaphore_mem>>
        %dma_start3A = arith.constant 0 : i32
        %dma_start3A_115 = tpu.memref_slice %arg13[%add3A_86, %dma_start3A] : memref<10000x128xf32, #tpu.memory_space<hbm>> -> memref<80x128xf32, #tpu.memory_space<hbm>>
        %dma_start3A_116 = arith.constant 0 : i32
        %dma_start3A_117 = tpu.memref_slice %arg13[%add3A_86, %dma_start3A_116] : memref<10000x128xf32, #tpu.memory_space<hbm>> -> memref<80x128xf32, #tpu.memory_space<hbm>>
        tpu.enqueue_dma source(%arg19 : memref<80x128xf32, #tpu.memory_space<vmem>>) target(%dma_start3A_117 : memref<80x128xf32, #tpu.memory_space<hbm>>) target_semaphore(%run_scoped3A : memref<!tpu.dma_semaphore, #tpu.memory_space<semaphore_mem>>)
        %dma_wait3A = arith.constant 0 : i32
        %dma_wait3A_118 = tpu.memref_slice %arg13[%add3A_86, %dma_wait3A] : memref<10000x128xf32, #tpu.memory_space<hbm>> -> memref<80x128xf32, #tpu.memory_space<hbm>>
        %dma_wait3A_119 = arith.constant 0 : i32
        %dma_wait3A_120 = tpu.memref_slice %arg13[%add3A_86, %dma_wait3A_119] : memref<10000x128xf32, #tpu.memory_space<hbm>> -> memref<80x128xf32, #tpu.memory_space<hbm>>
        tpu.wait_dma2 semaphore(%run_scoped3A : memref<!tpu.dma_semaphore, #tpu.memory_space<semaphore_mem>>) src(%arg19 : memref<80x128xf32, #tpu.memory_space<vmem>>) dst(%dma_wait3A_120 : memref<80x128xf32, #tpu.memory_space<hbm>>)
        tpu.yield
      }) : () -> ()
      %add3A_87 = arith.constant 80 : i32
      %add3A_88 = arith.addi %multiple_of3A, %add3A_87 : i32
      "tpu.region"() ({
        %run_scoped3A = tpu.sem_alloc : memref<!tpu.dma_semaphore, #tpu.memory_space<semaphore_mem>>
        %dma_start3A = tpu.memref_slice %arg10[%add3A_88] : memref<10000xi32, #tpu.memory_space<hbm>> -> memref<80xi32, #tpu.memory_space<hbm>>
        %dma_start3A_115 = tpu.memref_slice %arg10[%add3A_88] : memref<10000xi32, #tpu.memory_space<hbm>> -> memref<80xi32, #tpu.memory_space<hbm>>
        tpu.enqueue_dma source(%dma_start3A_115 : memref<80xi32, #tpu.memory_space<hbm>>) target(%arg17 : memref<80xi32, #tpu.memory_space<vmem>>) target_semaphore(%run_scoped3A : memref<!tpu.dma_semaphore, #tpu.memory_space<semaphore_mem>>)
        %dma_wait3A = tpu.memref_slice %arg10[%add3A_88] : memref<10000xi32, #tpu.memory_space<hbm>> -> memref<80xi32, #tpu.memory_space<hbm>>
        %dma_wait3A_116 = tpu.memref_slice %arg10[%add3A_88] : memref<10000xi32, #tpu.memory_space<hbm>> -> memref<80xi32, #tpu.memory_space<hbm>>
        tpu.wait_dma2 semaphore(%run_scoped3A : memref<!tpu.dma_semaphore, #tpu.memory_space<semaphore_mem>>) src(%dma_wait3A_116 : memref<80xi32, #tpu.memory_space<hbm>>) dst(%arg17 : memref<80xi32, #tpu.memory_space<vmem>>)
        tpu.yield
      }) : () -> ()
      "tpu.region"() ({
        %run_scoped3A = tpu.sem_alloc : memref<!tpu.dma_semaphore, #tpu.memory_space<semaphore_mem>>
        %dma_start3A = arith.constant 0 : i32
        %dma_start3A_115 = arith.constant 0 : i32
        %dma_start3A_116 = tpu.memref_slice %arg16[%dma_start3A, %dma_start3A_115] : memref<10000x128xf32, #tpu.memory_space<vmem_shared>> -> memref<10000x128xf32, #tpu.memory_space<vmem_shared>>
        tpu.enqueue_indirect_dma source(%dma_start3A_116 : memref<10000x128xf32, #tpu.memory_space<vmem_shared>>) target(%arg19 : memref<80x128xf32, #tpu.memory_space<vmem>>) offsets(%arg17 : memref<80xi32, #tpu.memory_space<vmem>>) semaphore(%run_scoped3A : memref<!tpu.dma_semaphore, #tpu.memory_space<semaphore_mem>>)
        %dma_wait3A = arith.constant 0 : i32
        %dma_wait3A_117 = arith.constant 0 : i32
        %dma_wait3A_118 = tpu.memref_slice %arg16[%dma_wait3A, %dma_wait3A_117] : memref<10000x128xf32, #tpu.memory_space<vmem_shared>> -> memref<10000x128xf32, #tpu.memory_space<vmem_shared>>
        tpu.wait_indirect_dma semaphore(%run_scoped3A : memref<!tpu.dma_semaphore, #tpu.memory_space<semaphore_mem>>) src(%dma_wait3A_118 : memref<10000x128xf32, #tpu.memory_space<vmem_shared>>) dst(%arg19 : memref<80x128xf32, #tpu.memory_space<vmem>>)
        tpu.yield
      }) : () -> ()
      %add3A_89 = arith.constant 80 : i32
      %add3A_90 = arith.addi %multiple_of3A, %add3A_89 : i32
      "tpu.region"() ({
        %run_scoped3A = tpu.sem_alloc : memref<!tpu.dma_semaphore, #tpu.memory_space<semaphore_mem>>
        %dma_start3A = arith.constant 0 : i32
        %dma_start3A_115 = tpu.memref_slice %arg13[%add3A_90, %dma_start3A] : memref<10000x128xf32, #tpu.memory_space<hbm>> -> memref<80x128xf32, #tpu.memory_space<hbm>>
        %dma_start3A_116 = arith.constant 0 : i32
        %dma_start3A_117 = tpu.memref_slice %arg13[%add3A_90, %dma_start3A_116] : memref<10000x128xf32, #tpu.memory_space<hbm>> -> memref<80x128xf32, #tpu.memory_space<hbm>>
        tpu.enqueue_dma source(%arg19 : memref<80x128xf32, #tpu.memory_space<vmem>>) target(%dma_start3A_117 : memref<80x128xf32, #tpu.memory_space<hbm>>) target_semaphore(%run_scoped3A : memref<!tpu.dma_semaphore, #tpu.memory_space<semaphore_mem>>)
        %dma_wait3A = arith.constant 0 : i32
        %dma_wait3A_118 = tpu.memref_slice %arg13[%add3A_90, %dma_wait3A] : memref<10000x128xf32, #tpu.memory_space<hbm>> -> memref<80x128xf32, #tpu.memory_space<hbm>>
        %dma_wait3A_119 = arith.constant 0 : i32
        %dma_wait3A_120 = tpu.memref_slice %arg13[%add3A_90, %dma_wait3A_119] : memref<10000x128xf32, #tpu.memory_space<hbm>> -> memref<80x128xf32, #tpu.memory_space<hbm>>
        tpu.wait_dma2 semaphore(%run_scoped3A : memref<!tpu.dma_semaphore, #tpu.memory_space<semaphore_mem>>) src(%arg19 : memref<80x128xf32, #tpu.memory_space<vmem>>) dst(%dma_wait3A_120 : memref<80x128xf32, #tpu.memory_space<hbm>>)
        tpu.yield
      }) : () -> ()
      %add3A_91 = arith.constant 160 : i32
      %add3A_92 = arith.addi %multiple_of3A, %add3A_91 : i32
      "tpu.region"() ({
        %run_scoped3A = tpu.sem_alloc : memref<!tpu.dma_semaphore, #tpu.memory_space<semaphore_mem>>
        %dma_start3A = tpu.memref_slice %arg10[%add3A_92] : memref<10000xi32, #tpu.memory_space<hbm>> -> memref<80xi32, #tpu.memory_space<hbm>>
        %dma_start3A_115 = tpu.memref_slice %arg10[%add3A_92] : memref<10000xi32, #tpu.memory_space<hbm>> -> memref<80xi32, #tpu.memory_space<hbm>>
        tpu.enqueue_dma source(%dma_start3A_115 : memref<80xi32, #tpu.memory_space<hbm>>) target(%arg17 : memref<80xi32, #tpu.memory_space<vmem>>) target_semaphore(%run_scoped3A : memref<!tpu.dma_semaphore, #tpu.memory_space<semaphore_mem>>)
        %dma_wait3A = tpu.memref_slice %arg10[%add3A_92] : memref<10000xi32, #tpu.memory_space<hbm>> -> memref<80xi32, #tpu.memory_space<hbm>>
        %dma_wait3A_116 = tpu.memref_slice %arg10[%add3A_92] : memref<10000xi32, #tpu.memory_space<hbm>> -> memref<80xi32, #tpu.memory_space<hbm>>
        tpu.wait_dma2 semaphore(%run_scoped3A : memref<!tpu.dma_semaphore, #tpu.memory_space<semaphore_mem>>) src(%dma_wait3A_116 : memref<80xi32, #tpu.memory_space<hbm>>) dst(%arg17 : memref<80xi32, #tpu.memory_space<vmem>>)
        tpu.yield
      }) : () -> ()
      "tpu.region"() ({
        %run_scoped3A = tpu.sem_alloc : memref<!tpu.dma_semaphore, #tpu.memory_space<semaphore_mem>>
        %dma_start3A = arith.constant 0 : i32
        %dma_start3A_115 = arith.constant 0 : i32
        %dma_start3A_116 = tpu.memref_slice %arg16[%dma_start3A, %dma_start3A_115] : memref<10000x128xf32, #tpu.memory_space<vmem_shared>> -> memref<10000x128xf32, #tpu.memory_space<vmem_shared>>
        tpu.enqueue_indirect_dma source(%dma_start3A_116 : memref<10000x128xf32, #tpu.memory_space<vmem_shared>>) target(%arg19 : memref<80x128xf32, #tpu.memory_space<vmem>>) offsets(%arg17 : memref<80xi32, #tpu.memory_space<vmem>>) semaphore(%run_scoped3A : memref<!tpu.dma_semaphore, #tpu.memory_space<semaphore_mem>>)
        %dma_wait3A = arith.constant 0 : i32
        %dma_wait3A_117 = arith.constant 0 : i32
        %dma_wait3A_118 = tpu.memref_slice %arg16[%dma_wait3A, %dma_wait3A_117] : memref<10000x128xf32, #tpu.memory_space<vmem_shared>> -> memref<10000x128xf32, #tpu.memory_space<vmem_shared>>
        tpu.wait_indirect_dma semaphore(%run_scoped3A : memref<!tpu.dma_semaphore, #tpu.memory_space<semaphore_mem>>) src(%dma_wait3A_118 : memref<10000x128xf32, #tpu.memory_space<vmem_shared>>) dst(%arg19 : memref<80x128xf32, #tpu.memory_space<vmem>>)
        tpu.yield
      }) : () -> ()
      %add3A_93 = arith.constant 160 : i32
      %add3A_94 = arith.addi %multiple_of3A, %add3A_93 : i32
      "tpu.region"() ({
        %run_scoped3A = tpu.sem_alloc : memref<!tpu.dma_semaphore, #tpu.memory_space<semaphore_mem>>
        %dma_start3A = arith.constant 0 : i32
        %dma_start3A_115 = tpu.memref_slice %arg13[%add3A_94, %dma_start3A] : memref<10000x128xf32, #tpu.memory_space<hbm>> -> memref<80x128xf32, #tpu.memory_space<hbm>>
        %dma_start3A_116 = arith.constant 0 : i32
        %dma_start3A_117 = tpu.memref_slice %arg13[%add3A_94, %dma_start3A_116] : memref<10000x128xf32, #tpu.memory_space<hbm>> -> memref<80x128xf32, #tpu.memory_space<hbm>>
        tpu.enqueue_dma source(%arg19 : memref<80x128xf32, #tpu.memory_space<vmem>>) target(%dma_start3A_117 : memref<80x128xf32, #tpu.memory_space<hbm>>) target_semaphore(%run_scoped3A : memref<!tpu.dma_semaphore, #tpu.memory_space<semaphore_mem>>)
        %dma_wait3A = arith.constant 0 : i32
        %dma_wait3A_118 = tpu.memref_slice %arg13[%add3A_94, %dma_wait3A] : memref<10000x128xf32, #tpu.memory_space<hbm>> -> memref<80x128xf32, #tpu.memory_space<hbm>>
        %dma_wait3A_119 = arith.constant 0 : i32
        %dma_wait3A_120 = tpu.memref_slice %arg13[%add3A_94, %dma_wait3A_119] : memref<10000x128xf32, #tpu.memory_space<hbm>> -> memref<80x128xf32, #tpu.memory_space<hbm>>
        tpu.wait_dma2 semaphore(%run_scoped3A : memref<!tpu.dma_semaphore, #tpu.memory_space<semaphore_mem>>) src(%arg19 : memref<80x128xf32, #tpu.memory_space<vmem>>) dst(%dma_wait3A_120 : memref<80x128xf32, #tpu.memory_space<hbm>>)
        tpu.yield
      }) : () -> ()
      %add3A_95 = arith.constant 240 : i32
      %add3A_96 = arith.addi %multiple_of3A, %add3A_95 : i32
      "tpu.region"() ({
        %run_scoped3A = tpu.sem_alloc : memref<!tpu.dma_semaphore, #tpu.memory_space<semaphore_mem>>
        %dma_start3A = tpu.memref_slice %arg10[%add3A_96] : memref<10000xi32, #tpu.memory_space<hbm>> -> memref<80xi32, #tpu.memory_space<hbm>>
        %dma_start3A_115 = tpu.memref_slice %arg10[%add3A_96] : memref<10000xi32, #tpu.memory_space<hbm>> -> memref<80xi32, #tpu.memory_space<hbm>>
        tpu.enqueue_dma source(%dma_start3A_115 : memref<80xi32, #tpu.memory_space<hbm>>) target(%arg17 : memref<80xi32, #tpu.memory_space<vmem>>) target_semaphore(%run_scoped3A : memref<!tpu.dma_semaphore, #tpu.memory_space<semaphore_mem>>)
        %dma_wait3A = tpu.memref_slice %arg10[%add3A_96] : memref<10000xi32, #tpu.memory_space<hbm>> -> memref<80xi32, #tpu.memory_space<hbm>>
        %dma_wait3A_116 = tpu.memref_slice %arg10[%add3A_96] : memref<10000xi32, #tpu.memory_space<hbm>> -> memref<80xi32, #tpu.memory_space<hbm>>
        tpu.wait_dma2 semaphore(%run_scoped3A : memref<!tpu.dma_semaphore, #tpu.memory_space<semaphore_mem>>) src(%dma_wait3A_116 : memref<80xi32, #tpu.memory_space<hbm>>) dst(%arg17 : memref<80xi32, #tpu.memory_space<vmem>>)
        tpu.yield
      }) : () -> ()
      "tpu.region"() ({
        %run_scoped3A = tpu.sem_alloc : memref<!tpu.dma_semaphore, #tpu.memory_space<semaphore_mem>>
        %dma_start3A = arith.constant 0 : i32
        %dma_start3A_115 = arith.constant 0 : i32
        %dma_start3A_116 = tpu.memref_slice %arg16[%dma_start3A, %dma_start3A_115] : memref<10000x128xf32, #tpu.memory_space<vmem_shared>> -> memref<10000x128xf32, #tpu.memory_space<vmem_shared>>
        tpu.enqueue_indirect_dma source(%dma_start3A_116 : memref<10000x128xf32, #tpu.memory_space<vmem_shared>>) target(%arg19 : memref<80x128xf32, #tpu.memory_space<vmem>>) offsets(%arg17 : memref<80xi32, #tpu.memory_space<vmem>>) semaphore(%run_scoped3A : memref<!tpu.dma_semaphore, #tpu.memory_space<semaphore_mem>>)
        %dma_wait3A = arith.constant 0 : i32
        %dma_wait3A_117 = arith.constant 0 : i32
        %dma_wait3A_118 = tpu.memref_slice %arg16[%dma_wait3A, %dma_wait3A_117] : memref<10000x128xf32, #tpu.memory_space<vmem_shared>> -> memref<10000x128xf32, #tpu.memory_space<vmem_shared>>
        tpu.wait_indirect_dma semaphore(%run_scoped3A : memref<!tpu.dma_semaphore, #tpu.memory_space<semaphore_mem>>) src(%dma_wait3A_118 : memref<10000x128xf32, #tpu.memory_space<vmem_shared>>) dst(%arg19 : memref<80x128xf32, #tpu.memory_space<vmem>>)
        tpu.yield
      }) : () -> ()
      %add3A_97 = arith.constant 240 : i32
      %add3A_98 = arith.addi %multiple_of3A, %add3A_97 : i32
      "tpu.region"() ({
        %run_scoped3A = tpu.sem_alloc : memref<!tpu.dma_semaphore, #tpu.memory_space<semaphore_mem>>
        %dma_start3A = arith.constant 0 : i32
        %dma_start3A_115 = tpu.memref_slice %arg13[%add3A_98, %dma_start3A] : memref<10000x128xf32, #tpu.memory_space<hbm>> -> memref<80x128xf32, #tpu.memory_space<hbm>>
        %dma_start3A_116 = arith.constant 0 : i32
        %dma_start3A_117 = tpu.memref_slice %arg13[%add3A_98, %dma_start3A_116] : memref<10000x128xf32, #tpu.memory_space<hbm>> -> memref<80x128xf32, #tpu.memory_space<hbm>>
        tpu.enqueue_dma source(%arg19 : memref<80x128xf32, #tpu.memory_space<vmem>>) target(%dma_start3A_117 : memref<80x128xf32, #tpu.memory_space<hbm>>) target_semaphore(%run_scoped3A : memref<!tpu.dma_semaphore, #tpu.memory_space<semaphore_mem>>)
        %dma_wait3A = arith.constant 0 : i32
        %dma_wait3A_118 = tpu.memref_slice %arg13[%add3A_98, %dma_wait3A] : memref<10000x128xf32, #tpu.memory_space<hbm>> -> memref<80x128xf32, #tpu.memory_space<hbm>>
        %dma_wait3A_119 = arith.constant 0 : i32
        %dma_wait3A_120 = tpu.memref_slice %arg13[%add3A_98, %dma_wait3A_119] : memref<10000x128xf32, #tpu.memory_space<hbm>> -> memref<80x128xf32, #tpu.memory_space<hbm>>
        tpu.wait_dma2 semaphore(%run_scoped3A : memref<!tpu.dma_semaphore, #tpu.memory_space<semaphore_mem>>) src(%arg19 : memref<80x128xf32, #tpu.memory_space<vmem>>) dst(%dma_wait3A_120 : memref<80x128xf32, #tpu.memory_space<hbm>>)
        tpu.yield
      }) : () -> ()
      %add3A_99 = arith.constant 320 : i32
      %add3A_100 = arith.addi %multiple_of3A, %add3A_99 : i32
      "tpu.region"() ({
        %run_scoped3A = tpu.sem_alloc : memref<!tpu.dma_semaphore, #tpu.memory_space<semaphore_mem>>
        %dma_start3A = tpu.memref_slice %arg10[%add3A_100] : memref<10000xi32, #tpu.memory_space<hbm>> -> memref<80xi32, #tpu.memory_space<hbm>>
        %dma_start3A_115 = tpu.memref_slice %arg10[%add3A_100] : memref<10000xi32, #tpu.memory_space<hbm>> -> memref<80xi32, #tpu.memory_space<hbm>>
        tpu.enqueue_dma source(%dma_start3A_115 : memref<80xi32, #tpu.memory_space<hbm>>) target(%arg17 : memref<80xi32, #tpu.memory_space<vmem>>) target_semaphore(%run_scoped3A : memref<!tpu.dma_semaphore, #tpu.memory_space<semaphore_mem>>)
        %dma_wait3A = tpu.memref_slice %arg10[%add3A_100] : memref<10000xi32, #tpu.memory_space<hbm>> -> memref<80xi32, #tpu.memory_space<hbm>>
        %dma_wait3A_116 = tpu.memref_slice %arg10[%add3A_100] : memref<10000xi32, #tpu.memory_space<hbm>> -> memref<80xi32, #tpu.memory_space<hbm>>
        tpu.wait_dma2 semaphore(%run_scoped3A : memref<!tpu.dma_semaphore, #tpu.memory_space<semaphore_mem>>) src(%dma_wait3A_116 : memref<80xi32, #tpu.memory_space<hbm>>) dst(%arg17 : memref<80xi32, #tpu.memory_space<vmem>>)
        tpu.yield
      }) : () -> ()
      "tpu.region"() ({
        %run_scoped3A = tpu.sem_alloc : memref<!tpu.dma_semaphore, #tpu.memory_space<semaphore_mem>>
        %dma_start3A = arith.constant 0 : i32
        %dma_start3A_115 = arith.constant 0 : i32
        %dma_start3A_116 = tpu.memref_slice %arg16[%dma_start3A, %dma_start3A_115] : memref<10000x128xf32, #tpu.memory_space<vmem_shared>> -> memref<10000x128xf32, #tpu.memory_space<vmem_shared>>
        tpu.enqueue_indirect_dma source(%dma_start3A_116 : memref<10000x128xf32, #tpu.memory_space<vmem_shared>>) target(%arg19 : memref<80x128xf32, #tpu.memory_space<vmem>>) offsets(%arg17 : memref<80xi32, #tpu.memory_space<vmem>>) semaphore(%run_scoped3A : memref<!tpu.dma_semaphore, #tpu.memory_space<semaphore_mem>>)
        %dma_wait3A = arith.constant 0 : i32
        %dma_wait3A_117 = arith.constant 0 : i32
        %dma_wait3A_118 = tpu.memref_slice %arg16[%dma_wait3A, %dma_wait3A_117] : memref<10000x128xf32, #tpu.memory_space<vmem_shared>> -> memref<10000x128xf32, #tpu.memory_space<vmem_shared>>
        tpu.wait_indirect_dma semaphore(%run_scoped3A : memref<!tpu.dma_semaphore, #tpu.memory_space<semaphore_mem>>) src(%dma_wait3A_118 : memref<10000x128xf32, #tpu.memory_space<vmem_shared>>) dst(%arg19 : memref<80x128xf32, #tpu.memory_space<vmem>>)
        tpu.yield
      }) : () -> ()
      %add3A_101 = arith.constant 320 : i32
      %add3A_102 = arith.addi %multiple_of3A, %add3A_101 : i32
      "tpu.region"() ({
        %run_scoped3A = tpu.sem_alloc : memref<!tpu.dma_semaphore, #tpu.memory_space<semaphore_mem>>
        %dma_start3A = arith.constant 0 : i32
        %dma_start3A_115 = tpu.memref_slice %arg13[%add3A_102, %dma_start3A] : memref<10000x128xf32, #tpu.memory_space<hbm>> -> memref<80x128xf32, #tpu.memory_space<hbm>>
        %dma_start3A_116 = arith.constant 0 : i32
        %dma_start3A_117 = tpu.memref_slice %arg13[%add3A_102, %dma_start3A_116] : memref<10000x128xf32, #tpu.memory_space<hbm>> -> memref<80x128xf32, #tpu.memory_space<hbm>>
        tpu.enqueue_dma source(%arg19 : memref<80x128xf32, #tpu.memory_space<vmem>>) target(%dma_start3A_117 : memref<80x128xf32, #tpu.memory_space<hbm>>) target_semaphore(%run_scoped3A : memref<!tpu.dma_semaphore, #tpu.memory_space<semaphore_mem>>)
        %dma_wait3A = arith.constant 0 : i32
        %dma_wait3A_118 = tpu.memref_slice %arg13[%add3A_102, %dma_wait3A] : memref<10000x128xf32, #tpu.memory_space<hbm>> -> memref<80x128xf32, #tpu.memory_space<hbm>>
        %dma_wait3A_119 = arith.constant 0 : i32
        %dma_wait3A_120 = tpu.memref_slice %arg13[%add3A_102, %dma_wait3A_119] : memref<10000x128xf32, #tpu.memory_space<hbm>> -> memref<80x128xf32, #tpu.memory_space<hbm>>
        tpu.wait_dma2 semaphore(%run_scoped3A : memref<!tpu.dma_semaphore, #tpu.memory_space<semaphore_mem>>) src(%arg19 : memref<80x128xf32, #tpu.memory_space<vmem>>) dst(%dma_wait3A_120 : memref<80x128xf32, #tpu.memory_space<hbm>>)
        tpu.yield
      }) : () -> ()
      %add3A_103 = arith.constant 400 : i32
      %add3A_104 = arith.addi %multiple_of3A, %add3A_103 : i32
      "tpu.region"() ({
        %run_scoped3A = tpu.sem_alloc : memref<!tpu.dma_semaphore, #tpu.memory_space<semaphore_mem>>
        %dma_start3A = tpu.memref_slice %arg10[%add3A_104] : memref<10000xi32, #tpu.memory_space<hbm>> -> memref<80xi32, #tpu.memory_space<hbm>>
        %dma_start3A_115 = tpu.memref_slice %arg10[%add3A_104] : memref<10000xi32, #tpu.memory_space<hbm>> -> memref<80xi32, #tpu.memory_space<hbm>>
        tpu.enqueue_dma source(%dma_start3A_115 : memref<80xi32, #tpu.memory_space<hbm>>) target(%arg17 : memref<80xi32, #tpu.memory_space<vmem>>) target_semaphore(%run_scoped3A : memref<!tpu.dma_semaphore, #tpu.memory_space<semaphore_mem>>)
        %dma_wait3A = tpu.memref_slice %arg10[%add3A_104] : memref<10000xi32, #tpu.memory_space<hbm>> -> memref<80xi32, #tpu.memory_space<hbm>>
        %dma_wait3A_116 = tpu.memref_slice %arg10[%add3A_104] : memref<10000xi32, #tpu.memory_space<hbm>> -> memref<80xi32, #tpu.memory_space<hbm>>
        tpu.wait_dma2 semaphore(%run_scoped3A : memref<!tpu.dma_semaphore, #tpu.memory_space<semaphore_mem>>) src(%dma_wait3A_116 : memref<80xi32, #tpu.memory_space<hbm>>) dst(%arg17 : memref<80xi32, #tpu.memory_space<vmem>>)
        tpu.yield
      }) : () -> ()
      "tpu.region"() ({
        %run_scoped3A = tpu.sem_alloc : memref<!tpu.dma_semaphore, #tpu.memory_space<semaphore_mem>>
        %dma_start3A = arith.constant 0 : i32
        %dma_start3A_115 = arith.constant 0 : i32
        %dma_start3A_116 = tpu.memref_slice %arg16[%dma_start3A, %dma_start3A_115] : memref<10000x128xf32, #tpu.memory_space<vmem_shared>> -> memref<10000x128xf32, #tpu.memory_space<vmem_shared>>
        tpu.enqueue_indirect_dma source(%dma_start3A_116 : memref<10000x128xf32, #tpu.memory_space<vmem_shared>>) target(%arg19 : memref<80x128xf32, #tpu.memory_space<vmem>>) offsets(%arg17 : memref<80xi32, #tpu.memory_space<vmem>>) semaphore(%run_scoped3A : memref<!tpu.dma_semaphore, #tpu.memory_space<semaphore_mem>>)
        %dma_wait3A = arith.constant 0 : i32
        %dma_wait3A_117 = arith.constant 0 : i32
        %dma_wait3A_118 = tpu.memref_slice %arg16[%dma_wait3A, %dma_wait3A_117] : memref<10000x128xf32, #tpu.memory_space<vmem_shared>> -> memref<10000x128xf32, #tpu.memory_space<vmem_shared>>
        tpu.wait_indirect_dma semaphore(%run_scoped3A : memref<!tpu.dma_semaphore, #tpu.memory_space<semaphore_mem>>) src(%dma_wait3A_118 : memref<10000x128xf32, #tpu.memory_space<vmem_shared>>) dst(%arg19 : memref<80x128xf32, #tpu.memory_space<vmem>>)
        tpu.yield
      }) : () -> ()
      %add3A_105 = arith.constant 400 : i32
      %add3A_106 = arith.addi %multiple_of3A, %add3A_105 : i32
      "tpu.region"() ({
        %run_scoped3A = tpu.sem_alloc : memref<!tpu.dma_semaphore, #tpu.memory_space<semaphore_mem>>
        %dma_start3A = arith.constant 0 : i32
        %dma_start3A_115 = tpu.memref_slice %arg13[%add3A_106, %dma_start3A] : memref<10000x128xf32, #tpu.memory_space<hbm>> -> memref<80x128xf32, #tpu.memory_space<hbm>>
        %dma_start3A_116 = arith.constant 0 : i32
        %dma_start3A_117 = tpu.memref_slice %arg13[%add3A_106, %dma_start3A_116] : memref<10000x128xf32, #tpu.memory_space<hbm>> -> memref<80x128xf32, #tpu.memory_space<hbm>>
        tpu.enqueue_dma source(%arg19 : memref<80x128xf32, #tpu.memory_space<vmem>>) target(%dma_start3A_117 : memref<80x128xf32, #tpu.memory_space<hbm>>) target_semaphore(%run_scoped3A : memref<!tpu.dma_semaphore, #tpu.memory_space<semaphore_mem>>)
        %dma_wait3A = arith.constant 0 : i32
        %dma_wait3A_118 = tpu.memref_slice %arg13[%add3A_106, %dma_wait3A] : memref<10000x128xf32, #tpu.memory_space<hbm>> -> memref<80x128xf32, #tpu.memory_space<hbm>>
        %dma_wait3A_119 = arith.constant 0 : i32
        %dma_wait3A_120 = tpu.memref_slice %arg13[%add3A_106, %dma_wait3A_119] : memref<10000x128xf32, #tpu.memory_space<hbm>> -> memref<80x128xf32, #tpu.memory_space<hbm>>
        tpu.wait_dma2 semaphore(%run_scoped3A : memref<!tpu.dma_semaphore, #tpu.memory_space<semaphore_mem>>) src(%arg19 : memref<80x128xf32, #tpu.memory_space<vmem>>) dst(%dma_wait3A_120 : memref<80x128xf32, #tpu.memory_space<hbm>>)
        tpu.yield
      }) : () -> ()
      %add3A_107 = arith.constant 480 : i32
      %add3A_108 = arith.addi %multiple_of3A, %add3A_107 : i32
      "tpu.region"() ({
        %run_scoped3A = tpu.sem_alloc : memref<!tpu.dma_semaphore, #tpu.memory_space<semaphore_mem>>
        %dma_start3A = tpu.memref_slice %arg10[%add3A_108] : memref<10000xi32, #tpu.memory_space<hbm>> -> memref<80xi32, #tpu.memory_space<hbm>>
        %dma_start3A_115 = tpu.memref_slice %arg10[%add3A_108] : memref<10000xi32, #tpu.memory_space<hbm>> -> memref<80xi32, #tpu.memory_space<hbm>>
        tpu.enqueue_dma source(%dma_start3A_115 : memref<80xi32, #tpu.memory_space<hbm>>) target(%arg17 : memref<80xi32, #tpu.memory_space<vmem>>) target_semaphore(%run_scoped3A : memref<!tpu.dma_semaphore, #tpu.memory_space<semaphore_mem>>)
        %dma_wait3A = tpu.memref_slice %arg10[%add3A_108] : memref<10000xi32, #tpu.memory_space<hbm>> -> memref<80xi32, #tpu.memory_space<hbm>>
        %dma_wait3A_116 = tpu.memref_slice %arg10[%add3A_108] : memref<10000xi32, #tpu.memory_space<hbm>> -> memref<80xi32, #tpu.memory_space<hbm>>
        tpu.wait_dma2 semaphore(%run_scoped3A : memref<!tpu.dma_semaphore, #tpu.memory_space<semaphore_mem>>) src(%dma_wait3A_116 : memref<80xi32, #tpu.memory_space<hbm>>) dst(%arg17 : memref<80xi32, #tpu.memory_space<vmem>>)
        tpu.yield
      }) : () -> ()
      "tpu.region"() ({
        %run_scoped3A = tpu.sem_alloc : memref<!tpu.dma_semaphore, #tpu.memory_space<semaphore_mem>>
        %dma_start3A = arith.constant 0 : i32
        %dma_start3A_115 = arith.constant 0 : i32
        %dma_start3A_116 = tpu.memref_slice %arg16[%dma_start3A, %dma_start3A_115] : memref<10000x128xf32, #tpu.memory_space<vmem_shared>> -> memref<10000x128xf32, #tpu.memory_space<vmem_shared>>
        tpu.enqueue_indirect_dma source(%dma_start3A_116 : memref<10000x128xf32, #tpu.memory_space<vmem_shared>>) target(%arg19 : memref<80x128xf32, #tpu.memory_space<vmem>>) offsets(%arg17 : memref<80xi32, #tpu.memory_space<vmem>>) semaphore(%run_scoped3A : memref<!tpu.dma_semaphore, #tpu.memory_space<semaphore_mem>>)
        %dma_wait3A = arith.constant 0 : i32
        %dma_wait3A_117 = arith.constant 0 : i32
        %dma_wait3A_118 = tpu.memref_slice %arg16[%dma_wait3A, %dma_wait3A_117] : memref<10000x128xf32, #tpu.memory_space<vmem_shared>> -> memref<10000x128xf32, #tpu.memory_space<vmem_shared>>
        tpu.wait_indirect_dma semaphore(%run_scoped3A : memref<!tpu.dma_semaphore, #tpu.memory_space<semaphore_mem>>) src(%dma_wait3A_118 : memref<10000x128xf32, #tpu.memory_space<vmem_shared>>) dst(%arg19 : memref<80x128xf32, #tpu.memory_space<vmem>>)
        tpu.yield
      }) : () -> ()
      %add3A_109 = arith.constant 480 : i32
      %add3A_110 = arith.addi %multiple_of3A, %add3A_109 : i32
      "tpu.region"() ({
        %run_scoped3A = tpu.sem_alloc : memref<!tpu.dma_semaphore, #tpu.memory_space<semaphore_mem>>
        %dma_start3A = arith.constant 0 : i32
        %dma_start3A_115 = tpu.memref_slice %arg13[%add3A_110, %dma_start3A] : memref<10000x128xf32, #tpu.memory_space<hbm>> -> memref<80x128xf32, #tpu.memory_space<hbm>>
        %dma_start3A_116 = arith.constant 0 : i32
        %dma_start3A_117 = tpu.memref_slice %arg13[%add3A_110, %dma_start3A_116] : memref<10000x128xf32, #tpu.memory_space<hbm>> -> memref<80x128xf32, #tpu.memory_space<hbm>>
        tpu.enqueue_dma source(%arg19 : memref<80x128xf32, #tpu.memory_space<vmem>>) target(%dma_start3A_117 : memref<80x128xf32, #tpu.memory_space<hbm>>) target_semaphore(%run_scoped3A : memref<!tpu.dma_semaphore, #tpu.memory_space<semaphore_mem>>)
        %dma_wait3A = arith.constant 0 : i32
        %dma_wait3A_118 = tpu.memref_slice %arg13[%add3A_110, %dma_wait3A] : memref<10000x128xf32, #tpu.memory_space<hbm>> -> memref<80x128xf32, #tpu.memory_space<hbm>>
        %dma_wait3A_119 = arith.constant 0 : i32
        %dma_wait3A_120 = tpu.memref_slice %arg13[%add3A_110, %dma_wait3A_119] : memref<10000x128xf32, #tpu.memory_space<hbm>> -> memref<80x128xf32, #tpu.memory_space<hbm>>
        tpu.wait_dma2 semaphore(%run_scoped3A : memref<!tpu.dma_semaphore, #tpu.memory_space<semaphore_mem>>) src(%arg19 : memref<80x128xf32, #tpu.memory_space<vmem>>) dst(%dma_wait3A_120 : memref<80x128xf32, #tpu.memory_space<hbm>>)
        tpu.yield
      }) : () -> ()
      %add3A_111 = arith.constant 560 : i32
      %add3A_112 = arith.addi %multiple_of3A, %add3A_111 : i32
      "tpu.region"() ({
        %run_scoped3A = tpu.sem_alloc : memref<!tpu.dma_semaphore, #tpu.memory_space<semaphore_mem>>
        %dma_start3A = tpu.memref_slice %arg10[%add3A_112] : memref<10000xi32, #tpu.memory_space<hbm>> -> memref<80xi32, #tpu.memory_space<hbm>>
        %dma_start3A_115 = tpu.memref_slice %arg10[%add3A_112] : memref<10000xi32, #tpu.memory_space<hbm>> -> memref<80xi32, #tpu.memory_space<hbm>>
        tpu.enqueue_dma source(%dma_start3A_115 : memref<80xi32, #tpu.memory_space<hbm>>) target(%arg17 : memref<80xi32, #tpu.memory_space<vmem>>) target_semaphore(%run_scoped3A : memref<!tpu.dma_semaphore, #tpu.memory_space<semaphore_mem>>)
        %dma_wait3A = tpu.memref_slice %arg10[%add3A_112] : memref<10000xi32, #tpu.memory_space<hbm>> -> memref<80xi32, #tpu.memory_space<hbm>>
        %dma_wait3A_116 = tpu.memref_slice %arg10[%add3A_112] : memref<10000xi32, #tpu.memory_space<hbm>> -> memref<80xi32, #tpu.memory_space<hbm>>
        tpu.wait_dma2 semaphore(%run_scoped3A : memref<!tpu.dma_semaphore, #tpu.memory_space<semaphore_mem>>) src(%dma_wait3A_116 : memref<80xi32, #tpu.memory_space<hbm>>) dst(%arg17 : memref<80xi32, #tpu.memory_space<vmem>>)
        tpu.yield
      }) : () -> ()
      "tpu.region"() ({
        %run_scoped3A = tpu.sem_alloc : memref<!tpu.dma_semaphore, #tpu.memory_space<semaphore_mem>>
        %dma_start3A = arith.constant 0 : i32
        %dma_start3A_115 = arith.constant 0 : i32
        %dma_start3A_116 = tpu.memref_slice %arg16[%dma_start3A, %dma_start3A_115] : memref<10000x128xf32, #tpu.memory_space<vmem_shared>> -> memref<10000x128xf32, #tpu.memory_space<vmem_shared>>
        tpu.enqueue_indirect_dma source(%dma_start3A_116 : memref<10000x128xf32, #tpu.memory_space<vmem_shared>>) target(%arg19 : memref<80x128xf32, #tpu.memory_space<vmem>>) offsets(%arg17 : memref<80xi32, #tpu.memory_space<vmem>>) semaphore(%run_scoped3A : memref<!tpu.dma_semaphore, #tpu.memory_space<semaphore_mem>>)
        %dma_wait3A = arith.constant 0 : i32
        %dma_wait3A_117 = arith.constant 0 : i32
        %dma_wait3A_118 = tpu.memref_slice %arg16[%dma_wait3A, %dma_wait3A_117] : memref<10000x128xf32, #tpu.memory_space<vmem_shared>> -> memref<10000x128xf32, #tpu.memory_space<vmem_shared>>
        tpu.wait_indirect_dma semaphore(%run_scoped3A : memref<!tpu.dma_semaphore, #tpu.memory_space<semaphore_mem>>) src(%dma_wait3A_118 : memref<10000x128xf32, #tpu.memory_space<vmem_shared>>) dst(%arg19 : memref<80x128xf32, #tpu.memory_space<vmem>>)
        tpu.yield
      }) : () -> ()
      %add3A_113 = arith.constant 560 : i32
      %add3A_114 = arith.addi %multiple_of3A, %add3A_113 : i32
      "tpu.region"() ({
        %run_scoped3A = tpu.sem_alloc : memref<!tpu.dma_semaphore, #tpu.memory_space<semaphore_mem>>
        %dma_start3A = arith.constant 0 : i32
        %dma_start3A_115 = tpu.memref_slice %arg13[%add3A_114, %dma_start3A] : memref<10000x128xf32, #tpu.memory_space<hbm>> -> memref<80x128xf32, #tpu.memory_space<hbm>>
        %dma_start3A_116 = arith.constant 0 : i32
        %dma_start3A_117 = tpu.memref_slice %arg13[%add3A_114, %dma_start3A_116] : memref<10000x128xf32, #tpu.memory_space<hbm>> -> memref<80x128xf32, #tpu.memory_space<hbm>>
        tpu.enqueue_dma source(%arg19 : memref<80x128xf32, #tpu.memory_space<vmem>>) target(%dma_start3A_117 : memref<80x128xf32, #tpu.memory_space<hbm>>) target_semaphore(%run_scoped3A : memref<!tpu.dma_semaphore, #tpu.memory_space<semaphore_mem>>)
        %dma_wait3A = arith.constant 0 : i32
        %dma_wait3A_118 = tpu.memref_slice %arg13[%add3A_114, %dma_wait3A] : memref<10000x128xf32, #tpu.memory_space<hbm>> -> memref<80x128xf32, #tpu.memory_space<hbm>>
        %dma_wait3A_119 = arith.constant 0 : i32
        %dma_wait3A_120 = tpu.memref_slice %arg13[%add3A_114, %dma_wait3A_119] : memref<10000x128xf32, #tpu.memory_space<hbm>> -> memref<80x128xf32, #tpu.memory_space<hbm>>
        tpu.wait_dma2 semaphore(%run_scoped3A : memref<!tpu.dma_semaphore, #tpu.memory_space<semaphore_mem>>) src(%arg19 : memref<80x128xf32, #tpu.memory_space<vmem>>) dst(%dma_wait3A_120 : memref<80x128xf32, #tpu.memory_space<hbm>>)
        tpu.yield
      }) : () -> ()
    } else {
    }
    %eq3A_78 = arith.constant 1 : i32
    %eq3A_79 = arith.cmpi eq, %arg0, %eq3A_78 : i32
    %convert_element_type3A_80 = arith.extui %eq3A_79 : i1 to i32
    %cond3A_81 = arith.constant 0 : i32
    %cond3A_82 = arith.cmpi ne, %convert_element_type3A_80, %cond3A_81 : i32
    scf.if %cond3A_82 {
      %add3A_83 = arith.constant 0 : i32
      %add3A_84 = arith.addi %multiple_of3A, %add3A_83 : i32
      "tpu.region"() ({
        %run_scoped3A = tpu.sem_alloc : memref<!tpu.dma_semaphore, #tpu.memory_space<semaphore_mem>>
        %dma_start3A = tpu.memref_slice %arg10[%add3A_84] : memref<10000xi32, #tpu.memory_space<hbm>> -> memref<80xi32, #tpu.memory_space<hbm>>
        %dma_start3A_115 = tpu.memref_slice %arg10[%add3A_84] : memref<10000xi32, #tpu.memory_space<hbm>> -> memref<80xi32, #tpu.memory_space<hbm>>
        tpu.enqueue_dma source(%dma_start3A_115 : memref<80xi32, #tpu.memory_space<hbm>>) target(%arg17 : memref<80xi32, #tpu.memory_space<vmem>>) target_semaphore(%run_scoped3A : memref<!tpu.dma_semaphore, #tpu.memory_space<semaphore_mem>>)
        %dma_wait3A = tpu.memref_slice %arg10[%add3A_84] : memref<10000xi32, #tpu.memory_space<hbm>> -> memref<80xi32, #tpu.memory_space<hbm>>
        %dma_wait3A_116 = tpu.memref_slice %arg10[%add3A_84] : memref<10000xi32, #tpu.memory_space<hbm>> -> memref<80xi32, #tpu.memory_space<hbm>>
        tpu.wait_dma2 semaphore(%run_scoped3A : memref<!tpu.dma_semaphore, #tpu.memory_space<semaphore_mem>>) src(%dma_wait3A_116 : memref<80xi32, #tpu.memory_space<hbm>>) dst(%arg17 : memref<80xi32, #tpu.memory_space<vmem>>)
        tpu.yield
      }) : () -> ()
      "tpu.region"() ({
        %run_scoped3A = tpu.sem_alloc : memref<!tpu.dma_semaphore, #tpu.memory_space<semaphore_mem>>
        %dma_start3A = arith.constant 0 : i32
        %dma_start3A_115 = arith.constant 0 : i32
        %dma_start3A_116 = tpu.memref_slice %arg16[%dma_start3A, %dma_start3A_115] : memref<10000x128xf32, #tpu.memory_space<vmem_shared>> -> memref<10000x128xf32, #tpu.memory_space<vmem_shared>>
        tpu.enqueue_indirect_dma source(%dma_start3A_116 : memref<10000x128xf32, #tpu.memory_space<vmem_shared>>) target(%arg19 : memref<80x128xf32, #tpu.memory_space<vmem>>) offsets(%arg17 : memref<80xi32, #tpu.memory_space<vmem>>) semaphore(%run_scoped3A : memref<!tpu.dma_semaphore, #tpu.memory_space<semaphore_mem>>)
        %dma_wait3A = arith.constant 0 : i32
        %dma_wait3A_117 = arith.constant 0 : i32
        %dma_wait3A_118 = tpu.memref_slice %arg16[%dma_wait3A, %dma_wait3A_117] : memref<10000x128xf32, #tpu.memory_space<vmem_shared>> -> memref<10000x128xf32, #tpu.memory_space<vmem_shared>>
        tpu.wait_indirect_dma semaphore(%run_scoped3A : memref<!tpu.dma_semaphore, #tpu.memory_space<semaphore_mem>>) src(%dma_wait3A_118 : memref<10000x128xf32, #tpu.memory_space<vmem_shared>>) dst(%arg19 : memref<80x128xf32, #tpu.memory_space<vmem>>)
        tpu.yield
      }) : () -> ()
      %add3A_85 = arith.constant 0 : i32
      %add3A_86 = arith.addi %multiple_of3A, %add3A_85 : i32
      "tpu.region"() ({
        %run_scoped3A = tpu.sem_alloc : memref<!tpu.dma_semaphore, #tpu.memory_space<semaphore_mem>>
        %dma_start3A = arith.constant 0 : i32
        %dma_start3A_115 = tpu.memref_slice %arg15[%add3A_86, %dma_start3A] : memref<10000x128xf32, #tpu.memory_space<hbm>> -> memref<80x128xf32, #tpu.memory_space<hbm>>
        %dma_start3A_116 = arith.constant 0 : i32
        %dma_start3A_117 = tpu.memref_slice %arg15[%add3A_86, %dma_start3A_116] : memref<10000x128xf32, #tpu.memory_space<hbm>> -> memref<80x128xf32, #tpu.memory_space<hbm>>
        tpu.enqueue_dma source(%arg19 : memref<80x128xf32, #tpu.memory_space<vmem>>) target(%dma_start3A_117 : memref<80x128xf32, #tpu.memory_space<hbm>>) target_semaphore(%run_scoped3A : memref<!tpu.dma_semaphore, #tpu.memory_space<semaphore_mem>>)
        %dma_wait3A = arith.constant 0 : i32
        %dma_wait3A_118 = tpu.memref_slice %arg15[%add3A_86, %dma_wait3A] : memref<10000x128xf32, #tpu.memory_space<hbm>> -> memref<80x128xf32, #tpu.memory_space<hbm>>
        %dma_wait3A_119 = arith.constant 0 : i32
        %dma_wait3A_120 = tpu.memref_slice %arg15[%add3A_86, %dma_wait3A_119] : memref<10000x128xf32, #tpu.memory_space<hbm>> -> memref<80x128xf32, #tpu.memory_space<hbm>>
        tpu.wait_dma2 semaphore(%run_scoped3A : memref<!tpu.dma_semaphore, #tpu.memory_space<semaphore_mem>>) src(%arg19 : memref<80x128xf32, #tpu.memory_space<vmem>>) dst(%dma_wait3A_120 : memref<80x128xf32, #tpu.memory_space<hbm>>)
        tpu.yield
      }) : () -> ()
      %add3A_87 = arith.constant 80 : i32
      %add3A_88 = arith.addi %multiple_of3A, %add3A_87 : i32
      "tpu.region"() ({
        %run_scoped3A = tpu.sem_alloc : memref<!tpu.dma_semaphore, #tpu.memory_space<semaphore_mem>>
        %dma_start3A = tpu.memref_slice %arg10[%add3A_88] : memref<10000xi32, #tpu.memory_space<hbm>> -> memref<80xi32, #tpu.memory_space<hbm>>
        %dma_start3A_115 = tpu.memref_slice %arg10[%add3A_88] : memref<10000xi32, #tpu.memory_space<hbm>> -> memref<80xi32, #tpu.memory_space<hbm>>
        tpu.enqueue_dma source(%dma_start3A_115 : memref<80xi32, #tpu.memory_space<hbm>>) target(%arg17 : memref<80xi32, #tpu.memory_space<vmem>>) target_semaphore(%run_scoped3A : memref<!tpu.dma_semaphore, #tpu.memory_space<semaphore_mem>>)
        %dma_wait3A = tpu.memref_slice %arg10[%add3A_88] : memref<10000xi32, #tpu.memory_space<hbm>> -> memref<80xi32, #tpu.memory_space<hbm>>
        %dma_wait3A_116 = tpu.memref_slice %arg10[%add3A_88] : memref<10000xi32, #tpu.memory_space<hbm>> -> memref<80xi32, #tpu.memory_space<hbm>>
        tpu.wait_dma2 semaphore(%run_scoped3A : memref<!tpu.dma_semaphore, #tpu.memory_space<semaphore_mem>>) src(%dma_wait3A_116 : memref<80xi32, #tpu.memory_space<hbm>>) dst(%arg17 : memref<80xi32, #tpu.memory_space<vmem>>)
        tpu.yield
      }) : () -> ()
      "tpu.region"() ({
        %run_scoped3A = tpu.sem_alloc : memref<!tpu.dma_semaphore, #tpu.memory_space<semaphore_mem>>
        %dma_start3A = arith.constant 0 : i32
        %dma_start3A_115 = arith.constant 0 : i32
        %dma_start3A_116 = tpu.memref_slice %arg16[%dma_start3A, %dma_start3A_115] : memref<10000x128xf32, #tpu.memory_space<vmem_shared>> -> memref<10000x128xf32, #tpu.memory_space<vmem_shared>>
        tpu.enqueue_indirect_dma source(%dma_start3A_116 : memref<10000x128xf32, #tpu.memory_space<vmem_shared>>) target(%arg19 : memref<80x128xf32, #tpu.memory_space<vmem>>) offsets(%arg17 : memref<80xi32, #tpu.memory_space<vmem>>) semaphore(%run_scoped3A : memref<!tpu.dma_semaphore, #tpu.memory_space<semaphore_mem>>)
        %dma_wait3A = arith.constant 0 : i32
        %dma_wait3A_117 = arith.constant 0 : i32
        %dma_wait3A_118 = tpu.memref_slice %arg16[%dma_wait3A, %dma_wait3A_117] : memref<10000x128xf32, #tpu.memory_space<vmem_shared>> -> memref<10000x128xf32, #tpu.memory_space<vmem_shared>>
        tpu.wait_indirect_dma semaphore(%run_scoped3A : memref<!tpu.dma_semaphore, #tpu.memory_space<semaphore_mem>>) src(%dma_wait3A_118 : memref<10000x128xf32, #tpu.memory_space<vmem_shared>>) dst(%arg19 : memref<80x128xf32, #tpu.memory_space<vmem>>)
        tpu.yield
      }) : () -> ()
      %add3A_89 = arith.constant 80 : i32
      %add3A_90 = arith.addi %multiple_of3A, %add3A_89 : i32
      "tpu.region"() ({
        %run_scoped3A = tpu.sem_alloc : memref<!tpu.dma_semaphore, #tpu.memory_space<semaphore_mem>>
        %dma_start3A = arith.constant 0 : i32
        %dma_start3A_115 = tpu.memref_slice %arg15[%add3A_90, %dma_start3A] : memref<10000x128xf32, #tpu.memory_space<hbm>> -> memref<80x128xf32, #tpu.memory_space<hbm>>
        %dma_start3A_116 = arith.constant 0 : i32
        %dma_start3A_117 = tpu.memref_slice %arg15[%add3A_90, %dma_start3A_116] : memref<10000x128xf32, #tpu.memory_space<hbm>> -> memref<80x128xf32, #tpu.memory_space<hbm>>
        tpu.enqueue_dma source(%arg19 : memref<80x128xf32, #tpu.memory_space<vmem>>) target(%dma_start3A_117 : memref<80x128xf32, #tpu.memory_space<hbm>>) target_semaphore(%run_scoped3A : memref<!tpu.dma_semaphore, #tpu.memory_space<semaphore_mem>>)
        %dma_wait3A = arith.constant 0 : i32
        %dma_wait3A_118 = tpu.memref_slice %arg15[%add3A_90, %dma_wait3A] : memref<10000x128xf32, #tpu.memory_space<hbm>> -> memref<80x128xf32, #tpu.memory_space<hbm>>
        %dma_wait3A_119 = arith.constant 0 : i32
        %dma_wait3A_120 = tpu.memref_slice %arg15[%add3A_90, %dma_wait3A_119] : memref<10000x128xf32, #tpu.memory_space<hbm>> -> memref<80x128xf32, #tpu.memory_space<hbm>>
        tpu.wait_dma2 semaphore(%run_scoped3A : memref<!tpu.dma_semaphore, #tpu.memory_space<semaphore_mem>>) src(%arg19 : memref<80x128xf32, #tpu.memory_space<vmem>>) dst(%dma_wait3A_120 : memref<80x128xf32, #tpu.memory_space<hbm>>)
        tpu.yield
      }) : () -> ()
      %add3A_91 = arith.constant 160 : i32
      %add3A_92 = arith.addi %multiple_of3A, %add3A_91 : i32
      "tpu.region"() ({
        %run_scoped3A = tpu.sem_alloc : memref<!tpu.dma_semaphore, #tpu.memory_space<semaphore_mem>>
        %dma_start3A = tpu.memref_slice %arg10[%add3A_92] : memref<10000xi32, #tpu.memory_space<hbm>> -> memref<80xi32, #tpu.memory_space<hbm>>
        %dma_start3A_115 = tpu.memref_slice %arg10[%add3A_92] : memref<10000xi32, #tpu.memory_space<hbm>> -> memref<80xi32, #tpu.memory_space<hbm>>
        tpu.enqueue_dma source(%dma_start3A_115 : memref<80xi32, #tpu.memory_space<hbm>>) target(%arg17 : memref<80xi32, #tpu.memory_space<vmem>>) target_semaphore(%run_scoped3A : memref<!tpu.dma_semaphore, #tpu.memory_space<semaphore_mem>>)
        %dma_wait3A = tpu.memref_slice %arg10[%add3A_92] : memref<10000xi32, #tpu.memory_space<hbm>> -> memref<80xi32, #tpu.memory_space<hbm>>
        %dma_wait3A_116 = tpu.memref_slice %arg10[%add3A_92] : memref<10000xi32, #tpu.memory_space<hbm>> -> memref<80xi32, #tpu.memory_space<hbm>>
        tpu.wait_dma2 semaphore(%run_scoped3A : memref<!tpu.dma_semaphore, #tpu.memory_space<semaphore_mem>>) src(%dma_wait3A_116 : memref<80xi32, #tpu.memory_space<hbm>>) dst(%arg17 : memref<80xi32, #tpu.memory_space<vmem>>)
        tpu.yield
      }) : () -> ()
      "tpu.region"() ({
        %run_scoped3A = tpu.sem_alloc : memref<!tpu.dma_semaphore, #tpu.memory_space<semaphore_mem>>
        %dma_start3A = arith.constant 0 : i32
        %dma_start3A_115 = arith.constant 0 : i32
        %dma_start3A_116 = tpu.memref_slice %arg16[%dma_start3A, %dma_start3A_115] : memref<10000x128xf32, #tpu.memory_space<vmem_shared>> -> memref<10000x128xf32, #tpu.memory_space<vmem_shared>>
        tpu.enqueue_indirect_dma source(%dma_start3A_116 : memref<10000x128xf32, #tpu.memory_space<vmem_shared>>) target(%arg19 : memref<80x128xf32, #tpu.memory_space<vmem>>) offsets(%arg17 : memref<80xi32, #tpu.memory_space<vmem>>) semaphore(%run_scoped3A : memref<!tpu.dma_semaphore, #tpu.memory_space<semaphore_mem>>)
        %dma_wait3A = arith.constant 0 : i32
        %dma_wait3A_117 = arith.constant 0 : i32
        %dma_wait3A_118 = tpu.memref_slice %arg16[%dma_wait3A, %dma_wait3A_117] : memref<10000x128xf32, #tpu.memory_space<vmem_shared>> -> memref<10000x128xf32, #tpu.memory_space<vmem_shared>>
        tpu.wait_indirect_dma semaphore(%run_scoped3A : memref<!tpu.dma_semaphore, #tpu.memory_space<semaphore_mem>>) src(%dma_wait3A_118 : memref<10000x128xf32, #tpu.memory_space<vmem_shared>>) dst(%arg19 : memref<80x128xf32, #tpu.memory_space<vmem>>)
        tpu.yield
      }) : () -> ()
      %add3A_93 = arith.constant 160 : i32
      %add3A_94 = arith.addi %multiple_of3A, %add3A_93 : i32
      "tpu.region"() ({
        %run_scoped3A = tpu.sem_alloc : memref<!tpu.dma_semaphore, #tpu.memory_space<semaphore_mem>>
        %dma_start3A = arith.constant 0 : i32
        %dma_start3A_115 = tpu.memref_slice %arg15[%add3A_94, %dma_start3A] : memref<10000x128xf32, #tpu.memory_space<hbm>> -> memref<80x128xf32, #tpu.memory_space<hbm>>
        %dma_start3A_116 = arith.constant 0 : i32
        %dma_start3A_117 = tpu.memref_slice %arg15[%add3A_94, %dma_start3A_116] : memref<10000x128xf32, #tpu.memory_space<hbm>> -> memref<80x128xf32, #tpu.memory_space<hbm>>
        tpu.enqueue_dma source(%arg19 : memref<80x128xf32, #tpu.memory_space<vmem>>) target(%dma_start3A_117 : memref<80x128xf32, #tpu.memory_space<hbm>>) target_semaphore(%run_scoped3A : memref<!tpu.dma_semaphore, #tpu.memory_space<semaphore_mem>>)
        %dma_wait3A = arith.constant 0 : i32
        %dma_wait3A_118 = tpu.memref_slice %arg15[%add3A_94, %dma_wait3A] : memref<10000x128xf32, #tpu.memory_space<hbm>> -> memref<80x128xf32, #tpu.memory_space<hbm>>
        %dma_wait3A_119 = arith.constant 0 : i32
        %dma_wait3A_120 = tpu.memref_slice %arg15[%add3A_94, %dma_wait3A_119] : memref<10000x128xf32, #tpu.memory_space<hbm>> -> memref<80x128xf32, #tpu.memory_space<hbm>>
        tpu.wait_dma2 semaphore(%run_scoped3A : memref<!tpu.dma_semaphore, #tpu.memory_space<semaphore_mem>>) src(%arg19 : memref<80x128xf32, #tpu.memory_space<vmem>>) dst(%dma_wait3A_120 : memref<80x128xf32, #tpu.memory_space<hbm>>)
        tpu.yield
      }) : () -> ()
      %add3A_95 = arith.constant 240 : i32
      %add3A_96 = arith.addi %multiple_of3A, %add3A_95 : i32
      "tpu.region"() ({
        %run_scoped3A = tpu.sem_alloc : memref<!tpu.dma_semaphore, #tpu.memory_space<semaphore_mem>>
        %dma_start3A = tpu.memref_slice %arg10[%add3A_96] : memref<10000xi32, #tpu.memory_space<hbm>> -> memref<80xi32, #tpu.memory_space<hbm>>
        %dma_start3A_115 = tpu.memref_slice %arg10[%add3A_96] : memref<10000xi32, #tpu.memory_space<hbm>> -> memref<80xi32, #tpu.memory_space<hbm>>
        tpu.enqueue_dma source(%dma_start3A_115 : memref<80xi32, #tpu.memory_space<hbm>>) target(%arg17 : memref<80xi32, #tpu.memory_space<vmem>>) target_semaphore(%run_scoped3A : memref<!tpu.dma_semaphore, #tpu.memory_space<semaphore_mem>>)
        %dma_wait3A = tpu.memref_slice %arg10[%add3A_96] : memref<10000xi32, #tpu.memory_space<hbm>> -> memref<80xi32, #tpu.memory_space<hbm>>
        %dma_wait3A_116 = tpu.memref_slice %arg10[%add3A_96] : memref<10000xi32, #tpu.memory_space<hbm>> -> memref<80xi32, #tpu.memory_space<hbm>>
        tpu.wait_dma2 semaphore(%run_scoped3A : memref<!tpu.dma_semaphore, #tpu.memory_space<semaphore_mem>>) src(%dma_wait3A_116 : memref<80xi32, #tpu.memory_space<hbm>>) dst(%arg17 : memref<80xi32, #tpu.memory_space<vmem>>)
        tpu.yield
      }) : () -> ()
      "tpu.region"() ({
        %run_scoped3A = tpu.sem_alloc : memref<!tpu.dma_semaphore, #tpu.memory_space<semaphore_mem>>
        %dma_start3A = arith.constant 0 : i32
        %dma_start3A_115 = arith.constant 0 : i32
        %dma_start3A_116 = tpu.memref_slice %arg16[%dma_start3A, %dma_start3A_115] : memref<10000x128xf32, #tpu.memory_space<vmem_shared>> -> memref<10000x128xf32, #tpu.memory_space<vmem_shared>>
        tpu.enqueue_indirect_dma source(%dma_start3A_116 : memref<10000x128xf32, #tpu.memory_space<vmem_shared>>) target(%arg19 : memref<80x128xf32, #tpu.memory_space<vmem>>) offsets(%arg17 : memref<80xi32, #tpu.memory_space<vmem>>) semaphore(%run_scoped3A : memref<!tpu.dma_semaphore, #tpu.memory_space<semaphore_mem>>)
        %dma_wait3A = arith.constant 0 : i32
        %dma_wait3A_117 = arith.constant 0 : i32
        %dma_wait3A_118 = tpu.memref_slice %arg16[%dma_wait3A, %dma_wait3A_117] : memref<10000x128xf32, #tpu.memory_space<vmem_shared>> -> memref<10000x128xf32, #tpu.memory_space<vmem_shared>>
        tpu.wait_indirect_dma semaphore(%run_scoped3A : memref<!tpu.dma_semaphore, #tpu.memory_space<semaphore_mem>>) src(%dma_wait3A_118 : memref<10000x128xf32, #tpu.memory_space<vmem_shared>>) dst(%arg19 : memref<80x128xf32, #tpu.memory_space<vmem>>)
        tpu.yield
      }) : () -> ()
      %add3A_97 = arith.constant 240 : i32
      %add3A_98 = arith.addi %multiple_of3A, %add3A_97 : i32
      "tpu.region"() ({
        %run_scoped3A = tpu.sem_alloc : memref<!tpu.dma_semaphore, #tpu.memory_space<semaphore_mem>>
        %dma_start3A = arith.constant 0 : i32
        %dma_start3A_115 = tpu.memref_slice %arg15[%add3A_98, %dma_start3A] : memref<10000x128xf32, #tpu.memory_space<hbm>> -> memref<80x128xf32, #tpu.memory_space<hbm>>
        %dma_start3A_116 = arith.constant 0 : i32
        %dma_start3A_117 = tpu.memref_slice %arg15[%add3A_98, %dma_start3A_116] : memref<10000x128xf32, #tpu.memory_space<hbm>> -> memref<80x128xf32, #tpu.memory_space<hbm>>
        tpu.enqueue_dma source(%arg19 : memref<80x128xf32, #tpu.memory_space<vmem>>) target(%dma_start3A_117 : memref<80x128xf32, #tpu.memory_space<hbm>>) target_semaphore(%run_scoped3A : memref<!tpu.dma_semaphore, #tpu.memory_space<semaphore_mem>>)
        %dma_wait3A = arith.constant 0 : i32
        %dma_wait3A_118 = tpu.memref_slice %arg15[%add3A_98, %dma_wait3A] : memref<10000x128xf32, #tpu.memory_space<hbm>> -> memref<80x128xf32, #tpu.memory_space<hbm>>
        %dma_wait3A_119 = arith.constant 0 : i32
        %dma_wait3A_120 = tpu.memref_slice %arg15[%add3A_98, %dma_wait3A_119] : memref<10000x128xf32, #tpu.memory_space<hbm>> -> memref<80x128xf32, #tpu.memory_space<hbm>>
        tpu.wait_dma2 semaphore(%run_scoped3A : memref<!tpu.dma_semaphore, #tpu.memory_space<semaphore_mem>>) src(%arg19 : memref<80x128xf32, #tpu.memory_space<vmem>>) dst(%dma_wait3A_120 : memref<80x128xf32, #tpu.memory_space<hbm>>)
        tpu.yield
      }) : () -> ()
      %add3A_99 = arith.constant 320 : i32
      %add3A_100 = arith.addi %multiple_of3A, %add3A_99 : i32
      "tpu.region"() ({
        %run_scoped3A = tpu.sem_alloc : memref<!tpu.dma_semaphore, #tpu.memory_space<semaphore_mem>>
        %dma_start3A = tpu.memref_slice %arg10[%add3A_100] : memref<10000xi32, #tpu.memory_space<hbm>> -> memref<80xi32, #tpu.memory_space<hbm>>
        %dma_start3A_115 = tpu.memref_slice %arg10[%add3A_100] : memref<10000xi32, #tpu.memory_space<hbm>> -> memref<80xi32, #tpu.memory_space<hbm>>
        tpu.enqueue_dma source(%dma_start3A_115 : memref<80xi32, #tpu.memory_space<hbm>>) target(%arg17 : memref<80xi32, #tpu.memory_space<vmem>>) target_semaphore(%run_scoped3A : memref<!tpu.dma_semaphore, #tpu.memory_space<semaphore_mem>>)
        %dma_wait3A = tpu.memref_slice %arg10[%add3A_100] : memref<10000xi32, #tpu.memory_space<hbm>> -> memref<80xi32, #tpu.memory_space<hbm>>
        %dma_wait3A_116 = tpu.memref_slice %arg10[%add3A_100] : memref<10000xi32, #tpu.memory_space<hbm>> -> memref<80xi32, #tpu.memory_space<hbm>>
        tpu.wait_dma2 semaphore(%run_scoped3A : memref<!tpu.dma_semaphore, #tpu.memory_space<semaphore_mem>>) src(%dma_wait3A_116 : memref<80xi32, #tpu.memory_space<hbm>>) dst(%arg17 : memref<80xi32, #tpu.memory_space<vmem>>)
        tpu.yield
      }) : () -> ()
      "tpu.region"() ({
        %run_scoped3A = tpu.sem_alloc : memref<!tpu.dma_semaphore, #tpu.memory_space<semaphore_mem>>
        %dma_start3A = arith.constant 0 : i32
        %dma_start3A_115 = arith.constant 0 : i32
        %dma_start3A_116 = tpu.memref_slice %arg16[%dma_start3A, %dma_start3A_115] : memref<10000x128xf32, #tpu.memory_space<vmem_shared>> -> memref<10000x128xf32, #tpu.memory_space<vmem_shared>>
        tpu.enqueue_indirect_dma source(%dma_start3A_116 : memref<10000x128xf32, #tpu.memory_space<vmem_shared>>) target(%arg19 : memref<80x128xf32, #tpu.memory_space<vmem>>) offsets(%arg17 : memref<80xi32, #tpu.memory_space<vmem>>) semaphore(%run_scoped3A : memref<!tpu.dma_semaphore, #tpu.memory_space<semaphore_mem>>)
        %dma_wait3A = arith.constant 0 : i32
        %dma_wait3A_117 = arith.constant 0 : i32
        %dma_wait3A_118 = tpu.memref_slice %arg16[%dma_wait3A, %dma_wait3A_117] : memref<10000x128xf32, #tpu.memory_space<vmem_shared>> -> memref<10000x128xf32, #tpu.memory_space<vmem_shared>>
        tpu.wait_indirect_dma semaphore(%run_scoped3A : memref<!tpu.dma_semaphore, #tpu.memory_space<semaphore_mem>>) src(%dma_wait3A_118 : memref<10000x128xf32, #tpu.memory_space<vmem_shared>>) dst(%arg19 : memref<80x128xf32, #tpu.memory_space<vmem>>)
        tpu.yield
      }) : () -> ()
      %add3A_101 = arith.constant 320 : i32
      %add3A_102 = arith.addi %multiple_of3A, %add3A_101 : i32
      "tpu.region"() ({
        %run_scoped3A = tpu.sem_alloc : memref<!tpu.dma_semaphore, #tpu.memory_space<semaphore_mem>>
        %dma_start3A = arith.constant 0 : i32
        %dma_start3A_115 = tpu.memref_slice %arg15[%add3A_102, %dma_start3A] : memref<10000x128xf32, #tpu.memory_space<hbm>> -> memref<80x128xf32, #tpu.memory_space<hbm>>
        %dma_start3A_116 = arith.constant 0 : i32
        %dma_start3A_117 = tpu.memref_slice %arg15[%add3A_102, %dma_start3A_116] : memref<10000x128xf32, #tpu.memory_space<hbm>> -> memref<80x128xf32, #tpu.memory_space<hbm>>
        tpu.enqueue_dma source(%arg19 : memref<80x128xf32, #tpu.memory_space<vmem>>) target(%dma_start3A_117 : memref<80x128xf32, #tpu.memory_space<hbm>>) target_semaphore(%run_scoped3A : memref<!tpu.dma_semaphore, #tpu.memory_space<semaphore_mem>>)
        %dma_wait3A = arith.constant 0 : i32
        %dma_wait3A_118 = tpu.memref_slice %arg15[%add3A_102, %dma_wait3A] : memref<10000x128xf32, #tpu.memory_space<hbm>> -> memref<80x128xf32, #tpu.memory_space<hbm>>
        %dma_wait3A_119 = arith.constant 0 : i32
        %dma_wait3A_120 = tpu.memref_slice %arg15[%add3A_102, %dma_wait3A_119] : memref<10000x128xf32, #tpu.memory_space<hbm>> -> memref<80x128xf32, #tpu.memory_space<hbm>>
        tpu.wait_dma2 semaphore(%run_scoped3A : memref<!tpu.dma_semaphore, #tpu.memory_space<semaphore_mem>>) src(%arg19 : memref<80x128xf32, #tpu.memory_space<vmem>>) dst(%dma_wait3A_120 : memref<80x128xf32, #tpu.memory_space<hbm>>)
        tpu.yield
      }) : () -> ()
      %add3A_103 = arith.constant 400 : i32
      %add3A_104 = arith.addi %multiple_of3A, %add3A_103 : i32
      "tpu.region"() ({
        %run_scoped3A = tpu.sem_alloc : memref<!tpu.dma_semaphore, #tpu.memory_space<semaphore_mem>>
        %dma_start3A = tpu.memref_slice %arg10[%add3A_104] : memref<10000xi32, #tpu.memory_space<hbm>> -> memref<80xi32, #tpu.memory_space<hbm>>
        %dma_start3A_115 = tpu.memref_slice %arg10[%add3A_104] : memref<10000xi32, #tpu.memory_space<hbm>> -> memref<80xi32, #tpu.memory_space<hbm>>
        tpu.enqueue_dma source(%dma_start3A_115 : memref<80xi32, #tpu.memory_space<hbm>>) target(%arg17 : memref<80xi32, #tpu.memory_space<vmem>>) target_semaphore(%run_scoped3A : memref<!tpu.dma_semaphore, #tpu.memory_space<semaphore_mem>>)
        %dma_wait3A = tpu.memref_slice %arg10[%add3A_104] : memref<10000xi32, #tpu.memory_space<hbm>> -> memref<80xi32, #tpu.memory_space<hbm>>
        %dma_wait3A_116 = tpu.memref_slice %arg10[%add3A_104] : memref<10000xi32, #tpu.memory_space<hbm>> -> memref<80xi32, #tpu.memory_space<hbm>>
        tpu.wait_dma2 semaphore(%run_scoped3A : memref<!tpu.dma_semaphore, #tpu.memory_space<semaphore_mem>>) src(%dma_wait3A_116 : memref<80xi32, #tpu.memory_space<hbm>>) dst(%arg17 : memref<80xi32, #tpu.memory_space<vmem>>)
        tpu.yield
      }) : () -> ()
      "tpu.region"() ({
        %run_scoped3A = tpu.sem_alloc : memref<!tpu.dma_semaphore, #tpu.memory_space<semaphore_mem>>
        %dma_start3A = arith.constant 0 : i32
        %dma_start3A_115 = arith.constant 0 : i32
        %dma_start3A_116 = tpu.memref_slice %arg16[%dma_start3A, %dma_start3A_115] : memref<10000x128xf32, #tpu.memory_space<vmem_shared>> -> memref<10000x128xf32, #tpu.memory_space<vmem_shared>>
        tpu.enqueue_indirect_dma source(%dma_start3A_116 : memref<10000x128xf32, #tpu.memory_space<vmem_shared>>) target(%arg19 : memref<80x128xf32, #tpu.memory_space<vmem>>) offsets(%arg17 : memref<80xi32, #tpu.memory_space<vmem>>) semaphore(%run_scoped3A : memref<!tpu.dma_semaphore, #tpu.memory_space<semaphore_mem>>)
        %dma_wait3A = arith.constant 0 : i32
        %dma_wait3A_117 = arith.constant 0 : i32
        %dma_wait3A_118 = tpu.memref_slice %arg16[%dma_wait3A, %dma_wait3A_117] : memref<10000x128xf32, #tpu.memory_space<vmem_shared>> -> memref<10000x128xf32, #tpu.memory_space<vmem_shared>>
        tpu.wait_indirect_dma semaphore(%run_scoped3A : memref<!tpu.dma_semaphore, #tpu.memory_space<semaphore_mem>>) src(%dma_wait3A_118 : memref<10000x128xf32, #tpu.memory_space<vmem_shared>>) dst(%arg19 : memref<80x128xf32, #tpu.memory_space<vmem>>)
        tpu.yield
      }) : () -> ()
      %add3A_105 = arith.constant 400 : i32
      %add3A_106 = arith.addi %multiple_of3A, %add3A_105 : i32
      "tpu.region"() ({
        %run_scoped3A = tpu.sem_alloc : memref<!tpu.dma_semaphore, #tpu.memory_space<semaphore_mem>>
        %dma_start3A = arith.constant 0 : i32
        %dma_start3A_115 = tpu.memref_slice %arg15[%add3A_106, %dma_start3A] : memref<10000x128xf32, #tpu.memory_space<hbm>> -> memref<80x128xf32, #tpu.memory_space<hbm>>
        %dma_start3A_116 = arith.constant 0 : i32
        %dma_start3A_117 = tpu.memref_slice %arg15[%add3A_106, %dma_start3A_116] : memref<10000x128xf32, #tpu.memory_space<hbm>> -> memref<80x128xf32, #tpu.memory_space<hbm>>
        tpu.enqueue_dma source(%arg19 : memref<80x128xf32, #tpu.memory_space<vmem>>) target(%dma_start3A_117 : memref<80x128xf32, #tpu.memory_space<hbm>>) target_semaphore(%run_scoped3A : memref<!tpu.dma_semaphore, #tpu.memory_space<semaphore_mem>>)
        %dma_wait3A = arith.constant 0 : i32
        %dma_wait3A_118 = tpu.memref_slice %arg15[%add3A_106, %dma_wait3A] : memref<10000x128xf32, #tpu.memory_space<hbm>> -> memref<80x128xf32, #tpu.memory_space<hbm>>
        %dma_wait3A_119 = arith.constant 0 : i32
        %dma_wait3A_120 = tpu.memref_slice %arg15[%add3A_106, %dma_wait3A_119] : memref<10000x128xf32, #tpu.memory_space<hbm>> -> memref<80x128xf32, #tpu.memory_space<hbm>>
        tpu.wait_dma2 semaphore(%run_scoped3A : memref<!tpu.dma_semaphore, #tpu.memory_space<semaphore_mem>>) src(%arg19 : memref<80x128xf32, #tpu.memory_space<vmem>>) dst(%dma_wait3A_120 : memref<80x128xf32, #tpu.memory_space<hbm>>)
        tpu.yield
      }) : () -> ()
      %add3A_107 = arith.constant 480 : i32
      %add3A_108 = arith.addi %multiple_of3A, %add3A_107 : i32
      "tpu.region"() ({
        %run_scoped3A = tpu.sem_alloc : memref<!tpu.dma_semaphore, #tpu.memory_space<semaphore_mem>>
        %dma_start3A = tpu.memref_slice %arg10[%add3A_108] : memref<10000xi32, #tpu.memory_space<hbm>> -> memref<80xi32, #tpu.memory_space<hbm>>
        %dma_start3A_115 = tpu.memref_slice %arg10[%add3A_108] : memref<10000xi32, #tpu.memory_space<hbm>> -> memref<80xi32, #tpu.memory_space<hbm>>
        tpu.enqueue_dma source(%dma_start3A_115 : memref<80xi32, #tpu.memory_space<hbm>>) target(%arg17 : memref<80xi32, #tpu.memory_space<vmem>>) target_semaphore(%run_scoped3A : memref<!tpu.dma_semaphore, #tpu.memory_space<semaphore_mem>>)
        %dma_wait3A = tpu.memref_slice %arg10[%add3A_108] : memref<10000xi32, #tpu.memory_space<hbm>> -> memref<80xi32, #tpu.memory_space<hbm>>
        %dma_wait3A_116 = tpu.memref_slice %arg10[%add3A_108] : memref<10000xi32, #tpu.memory_space<hbm>> -> memref<80xi32, #tpu.memory_space<hbm>>
        tpu.wait_dma2 semaphore(%run_scoped3A : memref<!tpu.dma_semaphore, #tpu.memory_space<semaphore_mem>>) src(%dma_wait3A_116 : memref<80xi32, #tpu.memory_space<hbm>>) dst(%arg17 : memref<80xi32, #tpu.memory_space<vmem>>)
        tpu.yield
      }) : () -> ()
      "tpu.region"() ({
        %run_scoped3A = tpu.sem_alloc : memref<!tpu.dma_semaphore, #tpu.memory_space<semaphore_mem>>
        %dma_start3A = arith.constant 0 : i32
        %dma_start3A_115 = arith.constant 0 : i32
        %dma_start3A_116 = tpu.memref_slice %arg16[%dma_start3A, %dma_start3A_115] : memref<10000x128xf32, #tpu.memory_space<vmem_shared>> -> memref<10000x128xf32, #tpu.memory_space<vmem_shared>>
        tpu.enqueue_indirect_dma source(%dma_start3A_116 : memref<10000x128xf32, #tpu.memory_space<vmem_shared>>) target(%arg19 : memref<80x128xf32, #tpu.memory_space<vmem>>) offsets(%arg17 : memref<80xi32, #tpu.memory_space<vmem>>) semaphore(%run_scoped3A : memref<!tpu.dma_semaphore, #tpu.memory_space<semaphore_mem>>)
        %dma_wait3A = arith.constant 0 : i32
        %dma_wait3A_117 = arith.constant 0 : i32
        %dma_wait3A_118 = tpu.memref_slice %arg16[%dma_wait3A, %dma_wait3A_117] : memref<10000x128xf32, #tpu.memory_space<vmem_shared>> -> memref<10000x128xf32, #tpu.memory_space<vmem_shared>>
        tpu.wait_indirect_dma semaphore(%run_scoped3A : memref<!tpu.dma_semaphore, #tpu.memory_space<semaphore_mem>>) src(%dma_wait3A_118 : memref<10000x128xf32, #tpu.memory_space<vmem_shared>>) dst(%arg19 : memref<80x128xf32, #tpu.memory_space<vmem>>)
        tpu.yield
      }) : () -> ()
      %add3A_109 = arith.constant 480 : i32
      %add3A_110 = arith.addi %multiple_of3A, %add3A_109 : i32
      "tpu.region"() ({
        %run_scoped3A = tpu.sem_alloc : memref<!tpu.dma_semaphore, #tpu.memory_space<semaphore_mem>>
        %dma_start3A = arith.constant 0 : i32
        %dma_start3A_115 = tpu.memref_slice %arg15[%add3A_110, %dma_start3A] : memref<10000x128xf32, #tpu.memory_space<hbm>> -> memref<80x128xf32, #tpu.memory_space<hbm>>
        %dma_start3A_116 = arith.constant 0 : i32
        %dma_start3A_117 = tpu.memref_slice %arg15[%add3A_110, %dma_start3A_116] : memref<10000x128xf32, #tpu.memory_space<hbm>> -> memref<80x128xf32, #tpu.memory_space<hbm>>
        tpu.enqueue_dma source(%arg19 : memref<80x128xf32, #tpu.memory_space<vmem>>) target(%dma_start3A_117 : memref<80x128xf32, #tpu.memory_space<hbm>>) target_semaphore(%run_scoped3A : memref<!tpu.dma_semaphore, #tpu.memory_space<semaphore_mem>>)
        %dma_wait3A = arith.constant 0 : i32
        %dma_wait3A_118 = tpu.memref_slice %arg15[%add3A_110, %dma_wait3A] : memref<10000x128xf32, #tpu.memory_space<hbm>> -> memref<80x128xf32, #tpu.memory_space<hbm>>
        %dma_wait3A_119 = arith.constant 0 : i32
        %dma_wait3A_120 = tpu.memref_slice %arg15[%add3A_110, %dma_wait3A_119] : memref<10000x128xf32, #tpu.memory_space<hbm>> -> memref<80x128xf32, #tpu.memory_space<hbm>>
        tpu.wait_dma2 semaphore(%run_scoped3A : memref<!tpu.dma_semaphore, #tpu.memory_space<semaphore_mem>>) src(%arg19 : memref<80x128xf32, #tpu.memory_space<vmem>>) dst(%dma_wait3A_120 : memref<80x128xf32, #tpu.memory_space<hbm>>)
        tpu.yield
      }) : () -> ()
      %add3A_111 = arith.constant 560 : i32
      %add3A_112 = arith.addi %multiple_of3A, %add3A_111 : i32
      "tpu.region"() ({
        %run_scoped3A = tpu.sem_alloc : memref<!tpu.dma_semaphore, #tpu.memory_space<semaphore_mem>>
        %dma_start3A = tpu.memref_slice %arg10[%add3A_112] : memref<10000xi32, #tpu.memory_space<hbm>> -> memref<80xi32, #tpu.memory_space<hbm>>
        %dma_start3A_115 = tpu.memref_slice %arg10[%add3A_112] : memref<10000xi32, #tpu.memory_space<hbm>> -> memref<80xi32, #tpu.memory_space<hbm>>
        tpu.enqueue_dma source(%dma_start3A_115 : memref<80xi32, #tpu.memory_space<hbm>>) target(%arg17 : memref<80xi32, #tpu.memory_space<vmem>>) target_semaphore(%run_scoped3A : memref<!tpu.dma_semaphore, #tpu.memory_space<semaphore_mem>>)
        %dma_wait3A = tpu.memref_slice %arg10[%add3A_112] : memref<10000xi32, #tpu.memory_space<hbm>> -> memref<80xi32, #tpu.memory_space<hbm>>
        %dma_wait3A_116 = tpu.memref_slice %arg10[%add3A_112] : memref<10000xi32, #tpu.memory_space<hbm>> -> memref<80xi32, #tpu.memory_space<hbm>>
        tpu.wait_dma2 semaphore(%run_scoped3A : memref<!tpu.dma_semaphore, #tpu.memory_space<semaphore_mem>>) src(%dma_wait3A_116 : memref<80xi32, #tpu.memory_space<hbm>>) dst(%arg17 : memref<80xi32, #tpu.memory_space<vmem>>)
        tpu.yield
      }) : () -> ()
      "tpu.region"() ({
        %run_scoped3A = tpu.sem_alloc : memref<!tpu.dma_semaphore, #tpu.memory_space<semaphore_mem>>
        %dma_start3A = arith.constant 0 : i32
        %dma_start3A_115 = arith.constant 0 : i32
        %dma_start3A_116 = tpu.memref_slice %arg16[%dma_start3A, %dma_start3A_115] : memref<10000x128xf32, #tpu.memory_space<vmem_shared>> -> memref<10000x128xf32, #tpu.memory_space<vmem_shared>>
        tpu.enqueue_indirect_dma source(%dma_start3A_116 : memref<10000x128xf32, #tpu.memory_space<vmem_shared>>) target(%arg19 : memref<80x128xf32, #tpu.memory_space<vmem>>) offsets(%arg17 : memref<80xi32, #tpu.memory_space<vmem>>) semaphore(%run_scoped3A : memref<!tpu.dma_semaphore, #tpu.memory_space<semaphore_mem>>)
        %dma_wait3A = arith.constant 0 : i32
        %dma_wait3A_117 = arith.constant 0 : i32
        %dma_wait3A_118 = tpu.memref_slice %arg16[%dma_wait3A, %dma_wait3A_117] : memref<10000x128xf32, #tpu.memory_space<vmem_shared>> -> memref<10000x128xf32, #tpu.memory_space<vmem_shared>>
        tpu.wait_indirect_dma semaphore(%run_scoped3A : memref<!tpu.dma_semaphore, #tpu.memory_space<semaphore_mem>>) src(%dma_wait3A_118 : memref<10000x128xf32, #tpu.memory_space<vmem_shared>>) dst(%arg19 : memref<80x128xf32, #tpu.memory_space<vmem>>)
        tpu.yield
      }) : () -> ()
      %add3A_113 = arith.constant 560 : i32
      %add3A_114 = arith.addi %multiple_of3A, %add3A_113 : i32
      "tpu.region"() ({
        %run_scoped3A = tpu.sem_alloc : memref<!tpu.dma_semaphore, #tpu.memory_space<semaphore_mem>>
        %dma_start3A = arith.constant 0 : i32
        %dma_start3A_115 = tpu.memref_slice %arg15[%add3A_114, %dma_start3A] : memref<10000x128xf32, #tpu.memory_space<hbm>> -> memref<80x128xf32, #tpu.memory_space<hbm>>
        %dma_start3A_116 = arith.constant 0 : i32
        %dma_start3A_117 = tpu.memref_slice %arg15[%add3A_114, %dma_start3A_116] : memref<10000x128xf32, #tpu.memory_space<hbm>> -> memref<80x128xf32, #tpu.memory_space<hbm>>
        tpu.enqueue_dma source(%arg19 : memref<80x128xf32, #tpu.memory_space<vmem>>) target(%dma_start3A_117 : memref<80x128xf32, #tpu.memory_space<hbm>>) target_semaphore(%run_scoped3A : memref<!tpu.dma_semaphore, #tpu.memory_space<semaphore_mem>>)
        %dma_wait3A = arith.constant 0 : i32
        %dma_wait3A_118 = tpu.memref_slice %arg15[%add3A_114, %dma_wait3A] : memref<10000x128xf32, #tpu.memory_space<hbm>> -> memref<80x128xf32, #tpu.memory_space<hbm>>
        %dma_wait3A_119 = arith.constant 0 : i32
        %dma_wait3A_120 = tpu.memref_slice %arg15[%add3A_114, %dma_wait3A_119] : memref<10000x128xf32, #tpu.memory_space<hbm>> -> memref<80x128xf32, #tpu.memory_space<hbm>>
        tpu.wait_dma2 semaphore(%run_scoped3A : memref<!tpu.dma_semaphore, #tpu.memory_space<semaphore_mem>>) src(%arg19 : memref<80x128xf32, #tpu.memory_space<vmem>>) dst(%dma_wait3A_120 : memref<80x128xf32, #tpu.memory_space<hbm>>)
        tpu.yield
      }) : () -> ()
    } else {
    }
    return
  }
}

module attributes {stable_mosaic.version = 14 : i64} {
  func.func @_prep_body(%arg0: i32, %arg1: memref<400x128xf32, #tpu.memory_space<vmem>>, %arg2: memref<400x128xf32, #tpu.memory_space<vmem>>, %arg3: memref<6400x16xf32, #tpu.memory_space<vmem>>, %arg4: memref<6400x16xf32, #tpu.memory_space<vmem>>, %arg5: memref<128x128xf32, #tpu.memory_space<vmem>>, %arg6: memref<128x128xf32, #tpu.memory_space<vmem>>, %arg7: memref<16x128xf32, #tpu.memory_space<vmem>>, %arg8: memref<16x128xf32, #tpu.memory_space<vmem>>, %arg9: memref<1x128xf32, #tpu.memory_space<vmem>>, %arg10: memref<1x128xf32, #tpu.memory_space<vmem>>, %arg11: memref<400x128xf32, #tpu.memory_space<vmem>>, %arg12: memref<400x128xf32, #tpu.memory_space<vmem>>, %arg13: memref<6400x128xf32, #tpu.memory_space<vmem>>, %arg14: memref<6400x128xf32, #tpu.memory_space<vmem>>) attributes {dimension_semantics = [#tpu.dimension_semantics<arbitrary>], iteration_bounds = array<i64: 25>, scalar_prefetch = 0 : i64, scratch_operands = 0 : i64, tpu.core_type = #tpu.core_type<tc>, window_params = [{transform_indices = @transform_0, window_bounds = array<i64: 400, 128>}, {transform_indices = @transform_1, window_bounds = array<i64: 400, 128>}, {transform_indices = @transform_2, window_bounds = array<i64: 6400, 16>}, {transform_indices = @transform_3, window_bounds = array<i64: 6400, 16>}, {pipeline_mode = #tpu.pipeline_mode<synchronous>, transform_indices = @transform_4, window_bounds = array<i64: 128, 128>}, {pipeline_mode = #tpu.pipeline_mode<synchronous>, transform_indices = @transform_5, window_bounds = array<i64: 128, 128>}, {pipeline_mode = #tpu.pipeline_mode<synchronous>, transform_indices = @transform_6, window_bounds = array<i64: 16, 128>}, {pipeline_mode = #tpu.pipeline_mode<synchronous>, transform_indices = @transform_7, window_bounds = array<i64: 16, 128>}, {pipeline_mode = #tpu.pipeline_mode<synchronous>, transform_indices = @transform_8, window_bounds = array<i64: 1, 128>}, {pipeline_mode = #tpu.pipeline_mode<synchronous>, transform_indices = @transform_9, window_bounds = array<i64: 1, 128>}, {transform_indices = @transform_10, window_bounds = array<i64: 400, 128>}, {transform_indices = @transform_11, window_bounds = array<i64: 400, 128>}, {transform_indices = @transform_12, window_bounds = array<i64: 6400, 128>}, {transform_indices = @transform_13, window_bounds = array<i64: 6400, 128>}]} {
    %get3A = arith.constant 0 : index
    %get3A_0 = arith.constant 0 : index
    %get3A_1 = vector.load %arg1[%get3A, %get3A_0] : memref<400x128xf32, #tpu.memory_space<vmem>>, vector<400x128xf32>
    %get3A_2 = arith.constant 0 : index
    %get3A_3 = arith.constant 0 : index
    %get3A_4 = vector.load %arg5[%get3A_2, %get3A_3] : memref<128x128xf32, #tpu.memory_space<vmem>>, vector<128x128xf32>
    %dot_general3A = arith.constant dense<0.000000e+00> : vector<400x128xf32>
    %dot_general3A_5 = tpu.matmul %get3A_1, %get3A_4, %dot_general3A {dimension_numbers = #tpu.dot_dimension_numbers<[1], [0], [0], [1], [0, 0, 1, 1], [], []>, transpose_lhs_hint = false} : vector<400x128xf32>, vector<128x128xf32>, vector<400x128xf32> -> vector<400x128xf32>
    %swap3A = arith.constant 0 : index
    %swap3A_6 = arith.constant 0 : index
    %swap3A_7 = vector.load %arg11[%swap3A, %swap3A_6] : memref<400x128xf32, #tpu.memory_space<vmem>>, vector<400x128xf32>
    tpu.vector_store %arg11[%swap3A, %swap3A_6], %dot_general3A_5 {strides = array<i32>} : memref<400x128xf32, #tpu.memory_space<vmem>>, vector<400x128xf32>,
    %get3A_8 = arith.constant 0 : index
    %get3A_9 = arith.constant 0 : index
    %get3A_10 = vector.load %arg2[%get3A_8, %get3A_9] : memref<400x128xf32, #tpu.memory_space<vmem>>, vector<400x128xf32>
    %get3A_11 = arith.constant 0 : index
    %get3A_12 = arith.constant 0 : index
    %get3A_13 = vector.load %arg6[%get3A_11, %get3A_12] : memref<128x128xf32, #tpu.memory_space<vmem>>, vector<128x128xf32>
    %dot_general3A_14 = arith.constant dense<0.000000e+00> : vector<400x128xf32>
    %dot_general3A_15 = tpu.matmul %get3A_10, %get3A_13, %dot_general3A_14 {dimension_numbers = #tpu.dot_dimension_numbers<[1], [0], [0], [1], [0, 0, 1, 1], [], []>, transpose_lhs_hint = false} : vector<400x128xf32>, vector<128x128xf32>, vector<400x128xf32> -> vector<400x128xf32>
    %swap3A_16 = arith.constant 0 : index
    %swap3A_17 = arith.constant 0 : index
    %swap3A_18 = vector.load %arg12[%swap3A_16, %swap3A_17] : memref<400x128xf32, #tpu.memory_space<vmem>>, vector<400x128xf32>
    tpu.vector_store %arg12[%swap3A_16, %swap3A_17], %dot_general3A_15 {strides = array<i32>} : memref<400x128xf32, #tpu.memory_space<vmem>>, vector<400x128xf32>,
    %get3A_19 = arith.constant 0 : index
    %get3A_20 = arith.constant 0 : index
    %get3A_21 = vector.load %arg3[%get3A_19, %get3A_20] : memref<6400x16xf32, #tpu.memory_space<vmem>>, vector<6400x16xf32>
    %get3A_22 = arith.constant 0 : index
    %get3A_23 = arith.constant 0 : index
    %get3A_24 = vector.load %arg7[%get3A_22, %get3A_23] : memref<16x128xf32, #tpu.memory_space<vmem>>, vector<16x128xf32>
    %dot_general3A_25 = arith.constant dense<0.000000e+00> : vector<6400x128xf32>
    %dot_general3A_26 = tpu.matmul %get3A_21, %get3A_24, %dot_general3A_25 {dimension_numbers = #tpu.dot_dimension_numbers<[1], [0], [0], [1], [0, 0, 1, 1], [], []>, transpose_lhs_hint = false} : vector<6400x16xf32>, vector<16x128xf32>, vector<6400x128xf32> -> vector<6400x128xf32>
    %get3A_27 = arith.constant 0 : index
    %get3A_28 = arith.constant 0 : index
    %get3A_29 = vector.load %arg9[%get3A_27, %get3A_28] : memref<1x128xf32, #tpu.memory_space<vmem>>, vector<1x128xf32>
    %add3A = vector.broadcast %get3A_29 : vector<1x128xf32> to vector<6400x128xf32>
    %add3A_30 = arith.addf %dot_general3A_26, %add3A : vector<6400x128xf32>
    %swap3A_31 = arith.constant 0 : index
    %swap3A_32 = arith.constant 0 : index
    %swap3A_33 = vector.load %arg13[%swap3A_31, %swap3A_32] : memref<6400x128xf32, #tpu.memory_space<vmem>>, vector<6400x128xf32>
    tpu.vector_store %arg13[%swap3A_31, %swap3A_32], %add3A_30 {strides = array<i32>} : memref<6400x128xf32, #tpu.memory_space<vmem>>, vector<6400x128xf32>,
    %get3A_34 = arith.constant 0 : index
    %get3A_35 = arith.constant 0 : index
    %get3A_36 = vector.load %arg4[%get3A_34, %get3A_35] : memref<6400x16xf32, #tpu.memory_space<vmem>>, vector<6400x16xf32>
    %get3A_37 = arith.constant 0 : index
    %get3A_38 = arith.constant 0 : index
    %get3A_39 = vector.load %arg8[%get3A_37, %get3A_38] : memref<16x128xf32, #tpu.memory_space<vmem>>, vector<16x128xf32>
    %dot_general3A_40 = arith.constant dense<0.000000e+00> : vector<6400x128xf32>
    %dot_general3A_41 = tpu.matmul %get3A_36, %get3A_39, %dot_general3A_40 {dimension_numbers = #tpu.dot_dimension_numbers<[1], [0], [0], [1], [0, 0, 1, 1], [], []>, transpose_lhs_hint = false} : vector<6400x16xf32>, vector<16x128xf32>, vector<6400x128xf32> -> vector<6400x128xf32>
    %get3A_42 = arith.constant 0 : index
    %get3A_43 = arith.constant 0 : index
    %get3A_44 = vector.load %arg10[%get3A_42, %get3A_43] : memref<1x128xf32, #tpu.memory_space<vmem>>, vector<1x128xf32>
    %add3A_45 = vector.broadcast %get3A_44 : vector<1x128xf32> to vector<6400x128xf32>
    %add3A_46 = arith.addf %dot_general3A_41, %add3A_45 : vector<6400x128xf32>
    %swap3A_47 = arith.constant 0 : index
    %swap3A_48 = arith.constant 0 : index
    %swap3A_49 = vector.load %arg14[%swap3A_47, %swap3A_48] : memref<6400x128xf32, #tpu.memory_space<vmem>>, vector<6400x128xf32>
    tpu.vector_store %arg14[%swap3A_47, %swap3A_48], %add3A_46 {strides = array<i32>} : memref<6400x128xf32, #tpu.memory_space<vmem>>, vector<6400x128xf32>,
    return
  }
  func.func @transform_0(%arg0: i32) -> (i32, i32) {
    %c0_i32 = arith.constant 0 : i32
    %c0_i32_0 = arith.constant 0 : i32
    return %arg0, %c0_i32 : i32, i32
  }
  func.func @transform_1(%arg0: i32) -> (i32, i32) {
    %c0_i32 = arith.constant 0 : i32
    %c0_i32_0 = arith.constant 0 : i32
    return %arg0, %c0_i32 : i32, i32
  }
  func.func @transform_2(%arg0: i32) -> (i32, i32) {
    %c0_i32 = arith.constant 0 : i32
    %c0_i32_0 = arith.constant 0 : i32
    return %arg0, %c0_i32 : i32, i32
  }
  func.func @transform_3(%arg0: i32) -> (i32, i32) {
    %c0_i32 = arith.constant 0 : i32
    %c0_i32_0 = arith.constant 0 : i32
    return %arg0, %c0_i32 : i32, i32
  }
  func.func @transform_4(%arg0: i32) -> (i32, i32) {
    %c0_i32 = arith.constant 0 : i32
    %c0_i32_0 = arith.constant 0 : i32
    %c0_i32_1 = arith.constant 0 : i32
    return %c0_i32, %c0_i32_0 : i32, i32
  }
  func.func @transform_5(%arg0: i32) -> (i32, i32) {
    %c0_i32 = arith.constant 0 : i32
    %c0_i32_0 = arith.constant 0 : i32
    %c0_i32_1 = arith.constant 0 : i32
    return %c0_i32, %c0_i32_0 : i32, i32
  }
  func.func @transform_6(%arg0: i32) -> (i32, i32) {
    %c0_i32 = arith.constant 0 : i32
    %c0_i32_0 = arith.constant 0 : i32
    %c0_i32_1 = arith.constant 0 : i32
    return %c0_i32, %c0_i32_0 : i32, i32
  }
  func.func @transform_7(%arg0: i32) -> (i32, i32) {
    %c0_i32 = arith.constant 0 : i32
    %c0_i32_0 = arith.constant 0 : i32
    %c0_i32_1 = arith.constant 0 : i32
    return %c0_i32, %c0_i32_0 : i32, i32
  }
  func.func @transform_8(%arg0: i32) -> (i32, i32) {
    %c0_i32 = arith.constant 0 : i32
    %c0_i32_0 = arith.constant 0 : i32
    %c0_i32_1 = arith.constant 0 : i32
    return %c0_i32, %c0_i32_0 : i32, i32
  }
  func.func @transform_9(%arg0: i32) -> (i32, i32) {
    %c0_i32 = arith.constant 0 : i32
    %c0_i32_0 = arith.constant 0 : i32
    %c0_i32_1 = arith.constant 0 : i32
    return %c0_i32, %c0_i32_0 : i32, i32
  }
  func.func @transform_10(%arg0: i32) -> (i32, i32) {
    %c0_i32 = arith.constant 0 : i32
    %c0_i32_0 = arith.constant 0 : i32
    return %arg0, %c0_i32 : i32, i32
  }
  func.func @transform_11(%arg0: i32) -> (i32, i32) {
    %c0_i32 = arith.constant 0 : i32
    %c0_i32_0 = arith.constant 0 : i32
    return %arg0, %c0_i32 : i32, i32
  }
  func.func @transform_12(%arg0: i32) -> (i32, i32) {
    %c0_i32 = arith.constant 0 : i32
    %c0_i32_0 = arith.constant 0 : i32
    return %arg0, %c0_i32 : i32, i32
  }
  func.func @transform_13(%arg0: i32) -> (i32, i32) {
    %c0_i32 = arith.constant 0 : i32
    %c0_i32_0 = arith.constant 0 : i32
    return %arg0, %c0_i32 : i32, i32
  }
}

module attributes {stable_mosaic.version = 14 : i64} {
  func.func @_final_body(%arg0: i32, %arg1: memref<1000x128xf32, #tpu.memory_space<vmem>>, %arg2: memref<1000x128xf32, #tpu.memory_space<vmem>>, %arg3: memref<1000x128xf32, #tpu.memory_space<vmem>>, %arg4: memref<128x128xf32, #tpu.memory_space<vmem>>, %arg5: memref<128x128xf32, #tpu.memory_space<vmem>>, %arg6: memref<1000x128xf32, #tpu.memory_space<vmem>>, %arg7: memref<1000x128xf32, #tpu.memory_space<vmem>>, %arg8: memref<1000x128xf32, #tpu.memory_space<vmem>>, %arg9: memref<128x128xf32, #tpu.memory_space<vmem>>, %arg10: memref<128x128xf32, #tpu.memory_space<vmem>>, %arg11: memref<1000x128xf32, #tpu.memory_space<vmem>>, %arg12: memref<1000x128xf32, #tpu.memory_space<vmem>>) attributes {dimension_semantics = [#tpu.dimension_semantics<arbitrary>], iteration_bounds = array<i64: 10>, scalar_prefetch = 0 : i64, scratch_operands = 0 : i64, tpu.core_type = #tpu.core_type<tc>, window_params = [{transform_indices = @transform_0, window_bounds = array<i64: 1000, 128>}, {transform_indices = @transform_1, window_bounds = array<i64: 1000, 128>}, {transform_indices = @transform_2, window_bounds = array<i64: 1000, 128>}, {pipeline_mode = #tpu.pipeline_mode<synchronous>, transform_indices = @transform_3, window_bounds = array<i64: 128, 128>}, {pipeline_mode = #tpu.pipeline_mode<synchronous>, transform_indices = @transform_4, window_bounds = array<i64: 128, 128>}, {transform_indices = @transform_5, window_bounds = array<i64: 1000, 128>}, {transform_indices = @transform_6, window_bounds = array<i64: 1000, 128>}, {transform_indices = @transform_7, window_bounds = array<i64: 1000, 128>}, {pipeline_mode = #tpu.pipeline_mode<synchronous>, transform_indices = @transform_8, window_bounds = array<i64: 128, 128>}, {pipeline_mode = #tpu.pipeline_mode<synchronous>, transform_indices = @transform_9, window_bounds = array<i64: 128, 128>}, {transform_indices = @transform_10, window_bounds = array<i64: 1000, 128>}, {transform_indices = @transform_11, window_bounds = array<i64: 1000, 128>}]} {
    %get3A = arith.constant 0 : index
    %get3A_0 = arith.constant 0 : index
    %get3A_1 = vector.load %arg2[%get3A, %get3A_0] : memref<1000x128xf32, #tpu.memory_space<vmem>>, vector<1000x128xf32>
    %get3A_2 = arith.constant 0 : index
    %get3A_3 = arith.constant 0 : index
    %get3A_4 = vector.load %arg3[%get3A_2, %get3A_3] : memref<1000x128xf32, #tpu.memory_space<vmem>>, vector<1000x128xf32>
    %max3A = arith.constant 1.000000e+00 : f32
    %max3A_5 = vector.broadcast %max3A : f32 to vector<1000x128xf32>
    %max3A_6 = arith.maximumf %get3A_4, %max3A_5 : vector<1000x128xf32>
    %div3A = arith.divf %get3A_1, %max3A_6 : vector<1000x128xf32>
    %get3A_7 = arith.constant 0 : index
    %get3A_8 = arith.constant 0 : index
    %get3A_9 = vector.load %arg1[%get3A_7, %get3A_8] : memref<1000x128xf32, #tpu.memory_space<vmem>>, vector<1000x128xf32>
    %get3A_10 = arith.constant 0 : index
    %get3A_11 = arith.constant 0 : index
    %get3A_12 = vector.load %arg4[%get3A_10, %get3A_11] : memref<128x128xf32, #tpu.memory_space<vmem>>, vector<128x128xf32>
    %dot_general3A = arith.constant dense<0.000000e+00> : vector<1000x128xf32>
    %dot_general3A_13 = tpu.matmul %get3A_9, %get3A_12, %dot_general3A {dimension_numbers = #tpu.dot_dimension_numbers<[1], [0], [0], [1], [0, 0, 1, 1], [], []>, transpose_lhs_hint = false} : vector<1000x128xf32>, vector<128x128xf32>, vector<1000x128xf32> -> vector<1000x128xf32>
    %add3A = arith.addf %dot_general3A_13, %div3A : vector<1000x128xf32>
    %max3A_14 = arith.constant 0.000000e+00 : f32
    %max3A_15 = vector.broadcast %max3A_14 : f32 to vector<1000x128xf32>
    %max3A_16 = arith.maximumf %add3A, %max3A_15 : vector<1000x128xf32>
    %get3A_17 = arith.constant 0 : index
    %get3A_18 = arith.constant 0 : index
    %get3A_19 = vector.load %arg5[%get3A_17, %get3A_18] : memref<128x128xf32, #tpu.memory_space<vmem>>, vector<128x128xf32>
    %dot_general3A_20 = arith.constant dense<0.000000e+00> : vector<1000x128xf32>
    %dot_general3A_21 = tpu.matmul %max3A_16, %get3A_19, %dot_general3A_20 {dimension_numbers = #tpu.dot_dimension_numbers<[1], [0], [0], [1], [0, 0, 1, 1], [], []>, transpose_lhs_hint = false} : vector<1000x128xf32>, vector<128x128xf32>, vector<1000x128xf32> -> vector<1000x128xf32>
    %swap3A = arith.constant 0 : index
    %swap3A_22 = arith.constant 0 : index
    %swap3A_23 = vector.load %arg11[%swap3A, %swap3A_22] : memref<1000x128xf32, #tpu.memory_space<vmem>>, vector<1000x128xf32>
    tpu.vector_store %arg11[%swap3A, %swap3A_22], %dot_general3A_21 {strides = array<i32>} : memref<1000x128xf32, #tpu.memory_space<vmem>>, vector<1000x128xf32>,
    %get3A_24 = arith.constant 0 : index
    %get3A_25 = arith.constant 0 : index
    %get3A_26 = vector.load %arg7[%get3A_24, %get3A_25] : memref<1000x128xf32, #tpu.memory_space<vmem>>, vector<1000x128xf32>
    %get3A_27 = arith.constant 0 : index
    %get3A_28 = arith.constant 0 : index
    %get3A_29 = vector.load %arg8[%get3A_27, %get3A_28] : memref<1000x128xf32, #tpu.memory_space<vmem>>, vector<1000x128xf32>
    %max3A_30 = arith.constant 1.000000e+00 : f32
    %max3A_31 = vector.broadcast %max3A_30 : f32 to vector<1000x128xf32>
    %max3A_32 = arith.maximumf %get3A_29, %max3A_31 : vector<1000x128xf32>
    %div3A_33 = arith.divf %get3A_26, %max3A_32 : vector<1000x128xf32>
    %get3A_34 = arith.constant 0 : index
    %get3A_35 = arith.constant 0 : index
    %get3A_36 = vector.load %arg6[%get3A_34, %get3A_35] : memref<1000x128xf32, #tpu.memory_space<vmem>>, vector<1000x128xf32>
    %get3A_37 = arith.constant 0 : index
    %get3A_38 = arith.constant 0 : index
    %get3A_39 = vector.load %arg9[%get3A_37, %get3A_38] : memref<128x128xf32, #tpu.memory_space<vmem>>, vector<128x128xf32>
    %dot_general3A_40 = arith.constant dense<0.000000e+00> : vector<1000x128xf32>
    %dot_general3A_41 = tpu.matmul %get3A_36, %get3A_39, %dot_general3A_40 {dimension_numbers = #tpu.dot_dimension_numbers<[1], [0], [0], [1], [0, 0, 1, 1], [], []>, transpose_lhs_hint = false} : vector<1000x128xf32>, vector<128x128xf32>, vector<1000x128xf32> -> vector<1000x128xf32>
    %add3A_42 = arith.addf %dot_general3A_41, %div3A_33 : vector<1000x128xf32>
    %max3A_43 = arith.constant 0.000000e+00 : f32
    %max3A_44 = vector.broadcast %max3A_43 : f32 to vector<1000x128xf32>
    %max3A_45 = arith.maximumf %add3A_42, %max3A_44 : vector<1000x128xf32>
    %get3A_46 = arith.constant 0 : index
    %get3A_47 = arith.constant 0 : index
    %get3A_48 = vector.load %arg10[%get3A_46, %get3A_47] : memref<128x128xf32, #tpu.memory_space<vmem>>, vector<128x128xf32>
    %dot_general3A_49 = arith.constant dense<0.000000e+00> : vector<1000x128xf32>
    %dot_general3A_50 = tpu.matmul %max3A_45, %get3A_48, %dot_general3A_49 {dimension_numbers = #tpu.dot_dimension_numbers<[1], [0], [0], [1], [0, 0, 1, 1], [], []>, transpose_lhs_hint = false} : vector<1000x128xf32>, vector<128x128xf32>, vector<1000x128xf32> -> vector<1000x128xf32>
    %swap3A_51 = arith.constant 0 : index
    %swap3A_52 = arith.constant 0 : index
    %swap3A_53 = vector.load %arg12[%swap3A_51, %swap3A_52] : memref<1000x128xf32, #tpu.memory_space<vmem>>, vector<1000x128xf32>
    tpu.vector_store %arg12[%swap3A_51, %swap3A_52], %dot_general3A_50 {strides = array<i32>} : memref<1000x128xf32, #tpu.memory_space<vmem>>, vector<1000x128xf32>,
    return
  }
  func.func @transform_0(%arg0: i32) -> (i32, i32) {
    %c0_i32 = arith.constant 0 : i32
    %c0_i32_0 = arith.constant 0 : i32
    return %arg0, %c0_i32 : i32, i32
  }
  func.func @transform_1(%arg0: i32) -> (i32, i32) {
    %c0_i32 = arith.constant 0 : i32
    %c0_i32_0 = arith.constant 0 : i32
    return %arg0, %c0_i32 : i32, i32
  }
  func.func @transform_2(%arg0: i32) -> (i32, i32) {
    %c0_i32 = arith.constant 0 : i32
    %c0_i32_0 = arith.constant 0 : i32
    return %arg0, %c0_i32 : i32, i32
  }
  func.func @transform_3(%arg0: i32) -> (i32, i32) {
    %c0_i32 = arith.constant 0 : i32
    %c0_i32_0 = arith.constant 0 : i32
    %c0_i32_1 = arith.constant 0 : i32
    return %c0_i32, %c0_i32_0 : i32, i32
  }
  func.func @transform_4(%arg0: i32) -> (i32, i32) {
    %c0_i32 = arith.constant 0 : i32
    %c0_i32_0 = arith.constant 0 : i32
    %c0_i32_1 = arith.constant 0 : i32
    return %c0_i32, %c0_i32_0 : i32, i32
  }
  func.func @transform_5(%arg0: i32) -> (i32, i32) {
    %c0_i32 = arith.constant 0 : i32
    %c0_i32_0 = arith.constant 0 : i32
    return %arg0, %c0_i32 : i32, i32
  }
  func.func @transform_6(%arg0: i32) -> (i32, i32) {
    %c0_i32 = arith.constant 0 : i32
    %c0_i32_0 = arith.constant 0 : i32
    return %arg0, %c0_i32 : i32, i32
  }
  func.func @transform_7(%arg0: i32) -> (i32, i32) {
    %c0_i32 = arith.constant 0 : i32
    %c0_i32_0 = arith.constant 0 : i32
    return %arg0, %c0_i32 : i32, i32
  }
  func.func @transform_8(%arg0: i32) -> (i32, i32) {
    %c0_i32 = arith.constant 0 : i32
    %c0_i32_0 = arith.constant 0 : i32
    %c0_i32_1 = arith.constant 0 : i32
    return %c0_i32, %c0_i32_0 : i32, i32
  }
  func.func @transform_9(%arg0: i32) -> (i32, i32) {
    %c0_i32 = arith.constant 0 : i32
    %c0_i32_0 = arith.constant 0 : i32
    %c0_i32_1 = arith.constant 0 : i32
    return %c0_i32, %c0_i32_0 : i32, i32
  }
  func.func @transform_10(%arg0: i32) -> (i32, i32) {
    %c0_i32 = arith.constant 0 : i32
    %c0_i32_0 = arith.constant 0 : i32
    return %arg0, %c0_i32 : i32, i32
  }
  func.func @transform_11(%arg0: i32) -> (i32, i32) {
    %c0_i32 = arith.constant 0 : i32
    %c0_i32_0 = arith.constant 0 : i32
    return %arg0, %c0_i32 : i32, i32
  }
}

</mosaic_0001>

<sc_bundles>
// kernel: kernel.5.cloned.1.call-start
scs
__scs_entry_jumppad:
0x0: {  	(pc) =	sbr.rel $0x88, $3  }
0x1: {  	(tag) =	ssettag $0x0;
	lr =	simm.s32 $0x1  }
0x2: {  	[smem:$0x3F93] =	sst lr;
	_ =	strace $0xD0000000  }
0x3: {  	_ = 	snop  }
0x4: {  	_ = 	snop  }
0x5: {  	_ = 	snop  }
0x6: {  	_ = 	snop  }
0x7: {  	_ = 	snop  }
__scs_overlays_trampoline_lowered:
0x8: {  	[smem:$0x3FA2] =	sst s0  }
0x9: {  	[smem:$0x3FA3] =	sst s1  }
0xa: {  	[smem:$0x3FA4] =	sst s2  }
0xb: {  	[smem:$0x3FA5] =	sst s3  }
0xc: {  	[smem:$0x3FA6] =	sst s4  }
0xd: {  	[smem:$0x3FA7] =	sst s5  }
0xe: {  	[smem:$0x3FA8] =	sst s6  }
0xf: {  	[smem:$0x3FA9] =	sst s7  }
0x10: {  	[smem:$0x3FAA] =	sst s8  }
0x11: {  	[smem:$0x3FAB] =	sst s9;
	s0 =	simm.s32 @!p0 $0x0  }
0x12: {  	s1 =	sld [smem:$0x3F91];
	s0 =	simm.s32 @p0 $0x1  }
0x13: {  	[smem:$0x3FAC] =	sst s0;
	s0 =	simm.s32 @!p1 $0x0  }
0x14: {  	s2 =	sld [smem:$0x3F90];
	s0 =	simm.s32 @p1 $0x1  }
0x15: {  	[smem:$0x3FAD] =	sst s0;
	s0 =	simm.s32 @!p2 $0x0  }
0x16: {  	s3 =	sld [smem:$0x3FDB];
	s0 =	simm.s32 @p2 $0x1  }
0x17: {  	s4 =	simm.s32 $0x1BF5;
	[smem:$0x3FAF] =	sst s0  }
0x18: {  	s0 =	sld [smem:$0x3F92];
	_ =	swait.ge [sflag:s4], $0x0  }
0x19: {  	s7 =	sld [smem:$0x3F93]  }
0x1a: {  	s8 =	sadd.s32 $0xFFFFE003, lr  }
0x1b: {  	s9 =	sadd.s32 $0xFFFFFEF7, lr;
	s5 =	simm.s32 $0xFFFFFFFF;
	p2 =	slt.u32 s8, $0xFFFFF086  }
0x1c: {  	p1 =	slt.u32 s9, $0xF7A;
	s5 =	simm.s32 @!p2 $0x0  }
0x1d: {  	s5 =	simm.s32 @p1 $0x1;
	p0 =	seq.s32 s7, s2  }
0x1e: {  	s7 =	smul.u32 @!p0 $0xF7A, s2;
	p2 =	seq.s32 @!p0 s5, $0x0  }
0x1f: {  	s9 =	smul.u32 $0xF7A, s1;
	s8 =	simm.s32 @!p0 $0x1BF5;
	p2 =	por !p2, p0  }
0x20: {  	[sflag:s8] =	ssyncset.s32 @!p0 $0xFFFFF086;
	s6 =	sadd.s32 @!p0 s3, s7;
	s7 =	simm.s32 @!p0 $0x108  }
0x21: {  	s3 =	sadd.s32 s3, s9;
	s6 =	sadd.s32 @!p0 $0x88, s6;
	s7 =	simm.s32 @p2 $0x1082  }
0x22: {  	[simem:s7], [sflag:s8] =	dma.local @!p0 [hbm:s6], $0xF7A  }
0x23: {  	s9 =	sor.u32 $0xD0000000, s2;
	s6 =	simm.s32 $0x108;
	_ =	swait.ge @!p0 [sflag:s8], $0x0  }
0x24: {  	s3 =	sadd.s32 $0x88, s3;
	s6 =	simm.s32 @!p1 $0x1082;
	[sflag:s4] =	ssyncset.s32 $0xFFFFF086  }
0x25: {  	[simem:s6], [sflag:s4] =	dma.local [hbm:s3], $0xF7A  }
0x26: {  	[smem:$0x3F93] =	sst s1;
	(tag) =	ssettag s2;
	_ =	strace s9  }
0x27: {  	s1 =	sld [smem:$0x3FA3]  }
0x28: {  	s2 =	sld [smem:$0x3FA4]  }
0x29: {  	s4 =	sld [smem:$0x3FA6]  }
0x2a: {  	p0 =	seq.s32 s5, $0x0;
	s5 =	sld [smem:$0x3FA7]  }
0x2b: {  	s6 =	sld [smem:$0x3FA8]  }
0x2c: {  	s7 =	sld [smem:$0x3FA9]  }
0x2d: {  	s3 =	simm.s32 $0x108;
	s8 =	sld [smem:$0x3FAA]  }
0x2e: {  	s3 =	simm.s32 @!p0 $0x1082;
	s9 =	sld [smem:$0x3FAB]  }
0x2f: {  	lr =	sadd.s32 s0, s3;
	s0 =	sld [smem:$0x3FA2]  }
0x30: {  	s3 =	sld [smem:$0x3FA5]  }
0x31: {  	[smem:$0x3FAE] =	sst s10  }
0x32: {  	s10 =	sld [smem:$0x3FAC];
	_ =	sdelay $0x3  }
0x33: {  	p0 =	seq.s32 s10, $0x1;
	s10 =	sld [smem:$0x3FAE];
	_ =	sdelay $0x3  }
0x34: {  	[smem:$0x3FAE] =	sst s10  }
0x35: {  	s10 =	sld [smem:$0x3FAD];
	_ =	sdelay $0x3  }
0x36: {  	p1 =	seq.s32 s10, $0x1;
	s10 =	sld [smem:$0x3FAE];
	_ =	sdelay $0x3  }
0x37: {  	[smem:$0x3FAE] =	sst s10  }
0x38: {  	s10 =	sld [smem:$0x3FAF]  }
0x39: {  	_ = 	snop;
	(pc) =	sbr.ind lr, $3  }
0x3a: {  	_ = 	snop  }
0x3b: {  	_ = 	snop  }
0x3c: {  	p2 =	seq.s32 s10, $0x1;
	s10 =	sld [smem:$0x3FAE]  }
0x3d: {  	_ =	shalt  }
0x3e: {  	_ =	shalt  }
0x3f: {  	_ =	shalt  }
0x40: {  	_ =	shalt  }
0x41: {  	_ =	shalt  }
0x42: {  	_ =	shalt  }
0x43: {  	_ =	shalt  }
0x44: {  	_ =	shalt  }
0x45: {  	_ =	shalt  }
0x46: {  	_ =	shalt  }
0x47: {  	_ =	shalt  }
0x48: {  	_ =	shalt  }
0x49: {  	_ =	shalt  }
0x4a: {  	_ =	shalt  }
0x4b: {  	_ =	shalt  }
0x4c: {  	_ =	shalt  }
0x4d: {  	_ =	shalt  }
0x4e: {  	_ =	shalt  }
0x4f: {  	_ =	shalt  }
0x50: {  	_ =	shalt  }
0x51: {  	_ =	shalt  }
0x52: {  	_ =	shalt  }
0x53: {  	_ =	shalt  }
0x54: {  	_ =	shalt  }
0x55: {  	_ =	shalt  }
0x56: {  	_ =	shalt  }
0x57: {  	_ =	shalt  }
0x58: {  	_ =	shalt  }
0x59: {  	_ =	shalt  }
0x5a: {  	_ =	shalt  }
0x5b: {  	_ =	shalt  }
0x5c: {  	_ =	shalt  }
0x5d: {  	_ =	shalt  }
0x5e: {  	_ =	shalt  }
0x5f: {  	_ =	shalt  }
0x60: {  	_ =	shalt  }
0x61: {  	_ =	shalt  }
0x62: {  	_ =	shalt  }
0x63: {  	_ =	shalt  }
0x64: {  	_ =	shalt  }
0x65: {  	_ =	shalt  }
0x66: {  	_ =	shalt  }
0x67: {  	_ =	shalt  }
0x68: {  	_ =	shalt  }
0x69: {  	_ =	shalt  }
0x6a: {  	_ =	shalt  }
0x6b: {  	_ =	shalt  }
0x6c: {  	_ =	shalt  }
0x6d: {  	_ =	shalt  }
0x6e: {  	_ =	shalt  }
0x6f: {  	_ =	shalt  }
0x70: {  	_ =	shalt  }
0x71: {  	_ =	shalt  }
0x72: {  	_ =	shalt  }
0x73: {  	_ =	shalt  }
0x74: {  	_ =	shalt  }
0x75: {  	_ =	shalt  }
0x76: {  	_ =	shalt  }
0x77: {  	_ =	shalt  }
0x78: {  	_ =	shalt  }
0x79: {  	_ =	shalt  }
0x7a: {  	_ =	shalt  }
0x7b: {  	_ =	shalt  }
0x7c: {  	_ =	shalt  }
0x7d: {  	_ =	shalt  }
0x7e: {  	_ =	shalt  }
0x7f: {  	_ =	shalt  }
0x80: {  	_ =	shalt  }
0x81: {  	_ =	shalt  }
0x82: {  	_ =	shalt  }
0x83: {  	_ =	shalt  }
0x84: {  	_ =	shalt  }
0x85: {  	_ =	shalt  }
0x86: {  	_ =	shalt  }
0x87: {  	_ =	shalt  }
.Lfunc_end0:
.L_simem_size_0:
called_computation_lowered:
.L_overlay_start_0:
0x88: {  	s2 =	sld [smem:$0x3FD9]  }
0x89: {  	s3 =	sld [smem:$0x3FFE];
	_ =	sdelay $0x1  }
0x8a: {  	s1 =	srdreg.scid  }
0x8b: {  	s0 =	sand.u32 $0x1, s1  }
0x8c: {  	s17 =	sshll.u32 s0, $0xA;
	s2 =	sadd.s32 s3, s2  }
0x8d: {  	s2 =	sadd.s32 s2, s17  }
0x8e: {  	[smem:$0x3FBA] =	sst s2  }
0x8f: {  	_ = 	snop  }
0x90: {  	s2 =	sld [smem:$0x3FD0];
	(tm) =	ssettm $0x1  }
0x91: {  	s18 =	sld [smem:$0x3FFB];
	_ =	sdelay $0x3  }
0x92: {  	_ =	strace s18  }
0x93: {  	s3 =	sld [smem:$0x3FFC];
	_ =	sdelay $0x3  }
0x94: {  	_ =	strace s3  }
0x95: {  	s3 =	sld [smem:$0x3FFD];
	_ =	sdelay $0x3  }
0x96: {  	_ =	strace s3  }
0x97: {  	_ =	strace $0x8FFFFFFF  }
0x98: {  	s19 =	sld [smem:$0x3FDB];
	_ =	sdelay $0x1  }
0x99: {  	s4 =	simm.s32 $_scs_section_size  }
0x9a: {  	s5 =	simm.s32 $_size__tile_overlayer_lowered;
	s6 =	simm.s32 $_tile_overlayer_lowered  }
0x9b: {  	s22 =	simm.s32 $0x1BFF;
	s21 =	sshll.u32 s6, $0x1;
	s3 =	sadd.s32 s4, s19  }
0x9c: {  	s7 =	simm.s32 $0x0;
	s20 =	sshll.u32 s5, $0x1;
	s5 =	sadd.s32 s21, s3  }
0x9d: {  	[timem:s7], [sflag:s22] =	dma.local [hbm:s5], s20  }
0x9e: {  	_ =	swait.ge [sflag:s22], s20  }
0x9f: {  	s4 =	ssub.s32 $0x0, s20;
	[sflag:s22] =	ssyncset.done $0x0  }
0xa0: {  	[sflag:s22] =	ssyncadd.s32 s4;
	_ =	sdelay $0x1  }
0xa1: {  	s23 =	simm.s32 $0x1B8B  }
0xa2: {  	_ =	swait.ge [sflag:s23], $0x1  }
0xa3: {  	[sflag:s23] =	ssyncset.done $0x0  }
0xa4: {  	s25 =	simm.s32 $0x1B8E;
	s24 =	sld [smem:$0x3FFE];
	[sflag:s23] =	ssyncadd.s32 $0xFFFFFFFF  }
0xa5: {  	s26 =	simm.s32 $execute0_lowered;
	[smem:$0x3FD2] =	sst s25  }
0xa6: {  	s5 =	sshll.u32 s26, $0x1;
	_ =	strace $0x80000046;
	[dreg:$0x1] =	wrdreg $0xFFFFFFFF  }
0xa7: {  	s28 =	simm.s32 $_size_execute0_lowered;
	s3 =	sadd.s32 s3, s5;
	[dreg:$0x0] =	wrdreg $0x0  }
0xa8: {  	s5 =	sshll.u32 s28, $0x1;
	[dreg:$0x2] =	wrdreg s3  }
0xa9: {  	[dreg:$0x3] =	wrdreg s5  }
0xaa: {  	[dreg:$0x4] =	wrdreg $0xC0  }
0xab: {  	_ =	task [dreg:s7], $0x5FFFF  }
0xac: {  	[dreg:$0x1] =	wrdreg $0xFFFFFFFF  }
0xad: {  	[dreg:$0x0] =	wrdreg $0x60  }
0xae: {  	[dreg:$0x2] =	wrdreg s24  }
0xaf: {  	[dreg:$0x3] =	wrdreg s2  }
0xb0: {  	[dreg:$0x4] =	wrdreg $0x0  }
0xb1: {  	[dreg:$0x5] =	wrdreg $0x9  }
0xb2: {  	_ =	task.clear_ibuf [dreg:s7], $0x6FFFF;
	_ =	strace $0x90000046  }
0xb3: {  	s29 =	simm.s32 $0x9;
	_ =	strace $0x80000048  }
0xb4: {  	_ =	swait.ge [sflag:s29], $0x1  }
0xb5: {  	[sflag:s29] =	ssyncadd.s32 $0xFFFFFFFF  }
0xb6: {  	_ =	strace $0x90000048  }
0xb7: {  	_ =	sfence  }
0xb8: {  	s30 =	sld [smem:$0x0];
	_ =	sdelay $0x2  }
0xb9: {  	s31 =	sshll.u32 s1, $0xD;
	s1 =	sshrl.u32 s1, $0x2  }
0xba: {  	s3 =	sand.u32 $0x4000, s31;
	s1 =	sadd.s32 s1, s30  }
0xbb: {  	s0 =	sor.u32 s3, s0;
	s1 =	sshll.u32 s1, $0x11  }
0xbc: {  	s0 =	sor.u32 s1, s0  }
0xbd: {  	s0 =	sadd.s32 $0x8F2B, s0  }
0xbe: {  	[sflag:s0] =	ssyncadd.remote.s32 $0x1  }
0xbf: {  	_ =	sfence.sel $0xFFFF  }
0xc0: {  	[dreg:$0x0] =	wrdreg $0xFFFFFFFF;
	(pc) =	sbr.abs _section_cstart, $3  }
0xc1: {  	[dreg:$0x1] =	wrdreg $0xFFFFFFFF  }
0xc2: {  	_ =	task.clear_ibuf [dreg:s7], $0x2FFFF;
	_ =	strace $0x9FFFFFFF  }
0xc3: {  	(tm) =	ssettm $0x7FFFFFFF  }
tec
execute0_lowered:
.L_overlay_start_1:
0x0: {  	(tag) =	ssettag $0x1  }
0x1: {  	s0 =	rddreg [dreg:$0x0]  }
0x2: {  	s2 =	rddreg [dreg:$0x1]  }
0x3: {  	s1 =	rddreg [dreg:$0x2];
	s3 =	simm.s32 $0x0;
	s4 =	srdreg.scid  }
0x4: {  	s5 =	stileid.u32;
	[smem:$0x7FF] =	sst s3;
	s23 =	sadd.s32 $0x2000, s0  }
0x5: {  	s18 =	sadd.s32 $0x50400, s0;
	_ =	strace $0x80000047;
	[dreg:$0xc] =	wrdreg s23  }
0x6: {  	s7 =	sand.u32 $0x1, s4;
	s19 =	sadd.s32 $0x77C00, s0;
	[dreg:$0xd] =	wrdreg s18  }
0x7: {  	s8 =	smul.u32 $0x270, s5;
	s21 =	sadd.s32 $0x9EE00, s0;
	[dreg:$0xe] =	wrdreg s19  }
0x8: {  	s29 =	simm.s32 $0x50;
	s9 =	ssub.s32 $0x2, s7;
	[dreg:$0xf] =	wrdreg s21  }
0x9: {  	s10 =	sshrl.u32 s9, $0x1;
	s11 =	sadd.s32 $0x50, s8;
	s24 =	sshrl.u32 s8, $0x3  }
0xa: {  	s13 =	sadd.s32 $0xF0, s8;
	s14 =	sadd.s32 $0x140, s8;
	s20 =	sadd.s32 $0x1E0, s8  }
0xb: {  	s9 =	ssub.s32 s9, s10;
	s4 =	sshrl.u32 s13, $0x3;
	s13 =	sshll.u32 s13, $0x4  }
0xc: {  	s15 =	sshrl.u32 s14, $0x3;
	s14 =	sshll.u32 s14, $0x4;
	[dreg:$0x15] =	wrdreg s13  }
0xd: {  	s12 =	sshrl.u32 s11, $0x3;
	s19 =	sshll.u32 s20, $0x4;
	[dreg:$0x16] =	wrdreg s14  }
0xe: {  	s23 =	sadd.s32 s2, s24;
	s25 =	sadd.s32 s2, s12;
	[dreg:$0x18] =	wrdreg s19  }
0xf: {  	s10 =	sadd.s32 $0xA0, s8;
	s15 =	sadd.s32 s2, s15;
	[dreg:$0x5] =	wrdreg s25  }
0x10: {  	s26 =	sshrl.u32 s10, $0x3;
	s14 =	smov.u32 s23;
	[dreg:$0x8] =	wrdreg s15  }
0x11: {  	s30 =	simm.s32 $0x13980;
	s12 =	sadd.s32 s2, s26;
	[dreg:$0x4] =	wrdreg s14  }
0x12: {  	s6 =	sadd.s32 $0x4F8000, s0;
	s25 =	sadd.s32 $0x50A00, s0;
	[dreg:$0x6] =	wrdreg s12  }
0x13: {  	s22 =	sadd.s32 $0x4EE000, s0;
	s12 =	sadd.s32 s2, s4;
	[dreg:$0x10] =	wrdreg s25  }
0x14: {  	s28 =	sadd.s32 $0x4E4000, s0;
	s4 =	sshll.u32 s11, $0x4;
	[dreg:$0x7] =	wrdreg s12  }
0x15: {  	s11 =	sshll.u32 s10, $0x4;
	s12 =	sadd.s32 $0x190, s8;
	[dreg:$0x13] =	wrdreg s4  }
0x16: {  	s8 =	sadd.s32 $0x230, s8;
	[dreg:$0x14] =	wrdreg s11;
	s18 =	sshll.u32 s12, $0x4  }
0x17: {  	s16 =	sshrl.u32 s12, $0x3;
	s23 =	sshll.u32 s8, $0x4;
	[dreg:$0x17] =	wrdreg s18  }
0x18: {  	s17 =	sshrl.u32 s20, $0x3;
	s15 =	sadd.s32 s2, s16;
	[dreg:$0x19] =	wrdreg s23  }
0x19: {  	s24 =	sadd.s32 $0x4F3000, s0;
	s23 =	smax.u32 s9, $0x1;
	[dreg:$0x9] =	wrdreg s15  }
0x1a: {  	s16 =	sshrl.u32 s8, $0x3;
	s15 =	sadd.s32 s2, s17;
	[smem:$0x7FC] =	sst s23  }
0x1b: {  	s20 =	smul.u32 $0x27100, s5;
	s2 =	sadd.s32 s2, s16;
	[dreg:$0xa] =	wrdreg s15  }
0x1c: {  	s16 =	sadd.s32 $0x29200, s0;
	s17 =	sadd.s32 $0x769000, s0;
	[dreg:$0xb] =	wrdreg s2  }
0x1d: {  	s15 =	sadd.s32 $0x4E9000, s0;
	s2 =	smul.u32 $0x2710, s5;
	s0 =	sadd.s32 $0xC6000, s0  }
0x1e: {  	p0 =	sne.s32 s7, $0x0;
	s12 =	sadd.s32 s17, s20;
	[dreg:$0x11] =	wrdreg s0  }
0x1f: {  	[dreg:$0x1e] =	wrdreg s12;
	s26 =	sadd.s32 $0x50, s2;
	s21 =	sshrl.u32 s2, $0x3  }
0x20: {  	s25 =	sadd.s32 $0xA0, s2;
	s2 =	sadd.s32 $0xF0, s2;
	s7 =	sshrl.u32 s26, $0x3  }
0x21: {  	s0 =	sshll.u32 s26, $0x4;
	[dreg:$0x12] =	wrdreg s2;
	s26 =	sadd.s32 s15, s21  }
0x22: {  	s31 =	simm.s32 $0x13900;
	s8 =	sadd.s32 s28, s21;
	[dreg:$0x1a] =	wrdreg s26  }
0x23: {  	s4 =	smov.u32 s28;
	s10 =	sadd.s32 s22, s21;
	[dreg:$0x1b] =	wrdreg s8  }
0x24: {  	s9 =	simm.s32 $0x18A80;
	s11 =	sadd.s32 s24, s21;
	[dreg:$0x1c] =	wrdreg s10  }
0x25: {  	s19 =	smov.u32 s15;
	s2 =	sadd.s32 s6, s20;
	[dreg:$0x1d] =	wrdreg s11  }
0x26: {  	s21 =	smul.u32 $0x4E2, s5;
	[dreg:$0x1f] =	wrdreg s2;
	s13 =	sadd.s32 s15, s7  }
0x27: {  	s15 =	sadd.s32 s28, s7;
	s18 =	sadd.s32 s22, s7;
	s20 =	sadd.s32 s24, s7  }
0x28: {  	s26 =	smov.u32 s6;
	s2 =	simm.s32 $0x1;
	[smem:$0x7F6] =	sst s13  }
0x29: {  	s8 =	simm.s32 $0x2;
	s10 =	simm.s32 $0x3;
	[smem:$0x7F7] =	sst s15  }
0x2a: {  	s11 =	simm.s32 $0x4;
	s15 =	smov.u32 s22;
	[smem:$0x7F8] =	sst s18  }
0x2b: {  	[smem:$0x7F9] =	sst s20;
	s18 =	smov.u32 s17;
	s22 =	sadd.s32 s17, s0  }
.Ltmp0:
0x2c: {  	s0 =	sadd.s32 s6, s0;
	s20 =	sadd.s32 s21, s28;
	(pc) =	sbr.rel .LBB2_1-.Ltmp0, $4  }
0x2d: {  	s17 =	smov.u32 s24;
	s23 =	sadd.s32 s21, s24;
	s24 =	smul.u32 $0x2700, s5  }
0x2e: {  	s28 =	simm.s32 $0x5;
	s21 =	simm.s32 $0x18980;
	[smem:$0x7FA] =	sst s22  }
0x2f: {  	s6 =	simm.s32 $0x0;
	[smem:$0x7FB] =	sst s0;
	s0 =	simm.s32 $0x16180  }
0x30: {  	v0 =	vimm.f32 $0.0e+00;
	s22 =	simm.s32 $0x18A00;
	[smem:$0x7FD] =	sst s24;
	s24 =	simm.s32 $0x13880  }
.LBB2_33:
0x31: {  	_ =	swait.ge [sflag:s2], $0x50  }
0x32: {  	[sflag:s2] =	ssyncset.done $0x0  }
0x33: {  	[sflag:s2] =	ssyncadd.s32 $0xFFFFFFB0  }
0x34: {  	[spmem:s1] =	stream.indirect.scatter.add.f32 [tilespmem:s0], [sflag:$0x5], $0x80, s31, s29, $0xb8;
	[tilespmem:$0x1DA80] =	vst v63  }
0x35: {  	_ =	swait.ge [sflag:s28], $0x2800  }
0x36: {  	[sflag:s28] =	ssyncset.done $0x0  }
0x37: {  	[sflag:s28] =	ssyncadd.s32 $0xFFFFD800  }
0x38: {  	[bflag:$0x0] =	sbarrier.arrive $0xFFFF  }
0x39: {  	[tilespmem:s24], [sflag:$0x5] =	stream.linear.gather [hbm4b:s14+s3], $0x50, $0x38;
	[tilespmem:$0x1DA80] =	vst v63  }
0x3a: {  	_ =	swait.ge [sflag:s28], $0x50  }
0x3b: {  	[sflag:s28] =	ssyncset.done $0x0  }
0x3c: {  	[sflag:s28] =	ssyncadd.s32 $0xFFFFFFB0  }
0x3d: {  	[tilespmem:s30], [sflag:$0x5] =	stream.indirect.gather [spmem:s1], $0x80, s24, s29, $0xb8;
	[tilespmem:$0x1DA80] =	vst v63  }
0x3e: {  	_ =	swait.ge [sflag:s28], $0x2800  }
0x3f: {  	s5 =	sld [smem:$0x7FD];
	_ =	sdelay $0x1  }
0x40: {  	[sflag:s28] =	ssyncset.done $0x0  }
0x41: {  	[sflag:s28] =	ssyncadd.s32 $0xFFFFD800;
	s5 =	sadd.s32 s13, s5  }
0x42: {  	[hbm4b:s5+s3] =	stream.linear.scatter [tilespmem:s30], [sflag:$0x5], $0x2800, $0x38;
	[tilespmem:$0x1DA80] =	vst v63  }
0x43: {  	_ =	swait.ge [sflag:s28], $0x2800  }
0x44: {  	[sflag:s28] =	ssyncset.done $0x0  }
0x45: {  	s7 =	rddreg [dreg:$0x5];
	[sflag:s28] =	ssyncadd.s32 $0xFFFFD800  }
0x46: {  	[tilespmem:s24], [sflag:$0x5] =	stream.linear.gather [hbm4b:s7+s3], $0x50, $0x38;
	[tilespmem:$0x1DA80] =	vst v63  }
0x47: {  	_ =	swait.ge [sflag:s28], $0x50  }
0x48: {  	[sflag:s28] =	ssyncset.done $0x0  }
0x49: {  	[sflag:s28] =	ssyncadd.s32 $0xFFFFFFB0  }
0x4a: {  	[tilespmem:s30], [sflag:$0x5] =	stream.indirect.gather [spmem:s1], $0x80, s24, s29, $0xb8;
	[tilespmem:$0x1DA80] =	vst v63  }
0x4b: {  	_ =	swait.ge [sflag:s28], $0x2800  }
0x4c: {  	[sflag:s28] =	ssyncset.done $0x0;
	s12 =	rddreg [dreg:$0x13]  }
0x4d: {  	s5 =	sadd.s32 s13, s12;
	[sflag:s28] =	ssyncadd.s32 $0xFFFFD800  }
0x4e: {  	[hbm4b:s5+s3] =	stream.linear.scatter [tilespmem:s30], [sflag:$0x5], $0x2800, $0x38;
	[tilespmem:$0x1DA80] =	vst v63  }
0x4f: {  	_ =	swait.ge [sflag:s28], $0x2800  }
0x50: {  	[sflag:s28] =	ssyncset.done $0x0  }
0x51: {  	s7 =	rddreg [dreg:$0x6];
	[sflag:s28] =	ssyncadd.s32 $0xFFFFD800  }
0x52: {  	[tilespmem:s24], [sflag:$0x5] =	stream.linear.gather [hbm4b:s7+s3], $0x50, $0x38;
	[tilespmem:$0x1DA80] =	vst v63  }
0x53: {  	_ =	swait.ge [sflag:s28], $0x50  }
0x54: {  	[sflag:s28] =	ssyncset.done $0x0  }
0x55: {  	[sflag:s28] =	ssyncadd.s32 $0xFFFFFFB0  }
0x56: {  	[tilespmem:s30], [sflag:$0x5] =	stream.indirect.gather [spmem:s1], $0x80, s24, s29, $0xb8;
	[tilespmem:$0x1DA80] =	vst v63  }
0x57: {  	_ =	swait.ge [sflag:s28], $0x2800  }
0x58: {  	[sflag:s28] =	ssyncset.done $0x0;
	s12 =	rddreg [dreg:$0x14]  }
0x59: {  	s5 =	sadd.s32 s13, s12;
	[sflag:s28] =	ssyncadd.s32 $0xFFFFD800  }
0x5a: {  	[hbm4b:s5+s3] =	stream.linear.scatter [tilespmem:s30], [sflag:$0x5], $0x2800, $0x38;
	[tilespmem:$0x1DA80] =	vst v63  }
0x5b: {  	_ =	swait.ge [sflag:s28], $0x2800  }
0x5c: {  	[sflag:s28] =	ssyncset.done $0x0  }
0x5d: {  	s7 =	rddreg [dreg:$0x7];
	[sflag:s28] =	ssyncadd.s32 $0xFFFFD800  }
0x5e: {  	[tilespmem:s24], [sflag:$0x5] =	stream.linear.gather [hbm4b:s7+s3], $0x50, $0x38;
	[tilespmem:$0x1DA80] =	vst v63  }
0x5f: {  	_ =	swait.ge [sflag:s28], $0x50  }
0x60: {  	[sflag:s28] =	ssyncset.done $0x0  }
0x61: {  	[sflag:s28] =	ssyncadd.s32 $0xFFFFFFB0  }
0x62: {  	[tilespmem:s30], [sflag:$0x5] =	stream.indirect.gather [spmem:s1], $0x80, s24, s29, $0xb8;
	[tilespmem:$0x1DA80] =	vst v63  }
0x63: {  	_ =	swait.ge [sflag:s28], $0x2800  }
0x64: {  	[sflag:s28] =	ssyncset.done $0x0;
	s12 =	rddreg [dreg:$0x15]  }
0x65: {  	s5 =	sadd.s32 s13, s12;
	[sflag:s28] =	ssyncadd.s32 $0xFFFFD800  }
0x66: {  	[hbm4b:s5+s3] =	stream.linear.scatter [tilespmem:s30], [sflag:$0x5], $0x2800, $0x38;
	[tilespmem:$0x1DA80] =	vst v63  }
0x67: {  	_ =	swait.ge [sflag:s28], $0x2800  }
0x68: {  	[sflag:s28] =	ssyncset.done $0x0  }
0x69: {  	s7 =	rddreg [dreg:$0x8];
	[sflag:s28] =	ssyncadd.s32 $0xFFFFD800  }
0x6a: {  	[tilespmem:s24], [sflag:$0x5] =	stream.linear.gather [hbm4b:s7+s3], $0x50, $0x38;
	[tilespmem:$0x1DA80] =	vst v63  }
0x6b: {  	_ =	swait.ge [sflag:s28], $0x50  }
0x6c: {  	[sflag:s28] =	ssyncset.done $0x0  }
0x6d: {  	[sflag:s28] =	ssyncadd.s32 $0xFFFFFFB0  }
0x6e: {  	[tilespmem:s30], [sflag:$0x5] =	stream.indirect.gather [spmem:s1], $0x80, s24, s29, $0xb8;
	[tilespmem:$0x1DA80] =	vst v63  }
0x6f: {  	_ =	swait.ge [sflag:s28], $0x2800  }
0x70: {  	[sflag:s28] =	ssyncset.done $0x0;
	s12 =	rddreg [dreg:$0x16]  }
0x71: {  	s5 =	sadd.s32 s13, s12;
	[sflag:s28] =	ssyncadd.s32 $0xFFFFD800  }
0x72: {  	[hbm4b:s5+s3] =	stream.linear.scatter [tilespmem:s30], [sflag:$0x5], $0x2800, $0x38;
	[tilespmem:$0x1DA80] =	vst v63  }
0x73: {  	_ =	swait.ge [sflag:s28], $0x2800  }
0x74: {  	[sflag:s28] =	ssyncset.done $0x0  }
0x75: {  	s7 =	rddreg [dreg:$0x9];
	[sflag:s28] =	ssyncadd.s32 $0xFFFFD800  }
0x76: {  	[tilespmem:s24], [sflag:$0x5] =	stream.linear.gather [hbm4b:s7+s3], $0x50, $0x38;
	[tilespmem:$0x1DA80] =	vst v63  }
0x77: {  	_ =	swait.ge [sflag:s28], $0x50  }
0x78: {  	[sflag:s28] =	ssyncset.done $0x0  }
0x79: {  	[sflag:s28] =	ssyncadd.s32 $0xFFFFFFB0  }
0x7a: {  	[tilespmem:s30], [sflag:$0x5] =	stream.indirect.gather [spmem:s1], $0x80, s24, s29, $0xb8;
	[tilespmem:$0x1DA80] =	vst v63  }
0x7b: {  	_ =	swait.ge [sflag:s28], $0x2800  }
0x7c: {  	[sflag:s28] =	ssyncset.done $0x0;
	s12 =	rddreg [dreg:$0x17]  }
0x7d: {  	s5 =	sadd.s32 s13, s12;
	[sflag:s28] =	ssyncadd.s32 $0xFFFFD800  }
0x7e: {  	[hbm4b:s5+s3] =	stream.linear.scatter [tilespmem:s30], [sflag:$0x5], $0x2800, $0x38;
	[tilespmem:$0x1DA80] =	vst v63  }
0x7f: {  	_ =	swait.ge [sflag:s28], $0x2800  }
0x80: {  	[sflag:s28] =	ssyncset.done $0x0  }
0x81: {  	s7 =	rddreg [dreg:$0xa];
	[sflag:s28] =	ssyncadd.s32 $0xFFFFD800  }
0x82: {  	[tilespmem:s24], [sflag:$0x5] =	stream.linear.gather [hbm4b:s7+s3], $0x50, $0x38;
	[tilespmem:$0x1DA80] =	vst v63  }
0x83: {  	_ =	swait.ge [sflag:s28], $0x50  }
0x84: {  	[sflag:s28] =	ssyncset.done $0x0  }
0x85: {  	[sflag:s28] =	ssyncadd.s32 $0xFFFFFFB0  }
0x86: {  	[tilespmem:s30], [sflag:$0x5] =	stream.indirect.gather [spmem:s1], $0x80, s24, s29, $0xb8;
	[tilespmem:$0x1DA80] =	vst v63  }
0x87: {  	_ =	swait.ge [sflag:s28], $0x2800  }
0x88: {  	[sflag:s28] =	ssyncset.done $0x0;
	s12 =	rddreg [dreg:$0x18]  }
0x89: {  	s5 =	sadd.s32 s13, s12;
	[sflag:s28] =	ssyncadd.s32 $0xFFFFD800  }
0x8a: {  	[hbm4b:s5+s3] =	stream.linear.scatter [tilespmem:s30], [sflag:$0x5], $0x2800, $0x38;
	[tilespmem:$0x1DA80] =	vst v63  }
0x8b: {  	_ =	swait.ge [sflag:s28], $0x2800  }
0x8c: {  	[sflag:s28] =	ssyncset.done $0x0  }
0x8d: {  	s7 =	rddreg [dreg:$0xb];
	[sflag:s28] =	ssyncadd.s32 $0xFFFFD800  }
0x8e: {  	[tilespmem:s24], [sflag:$0x5] =	stream.linear.gather [hbm4b:s7+s3], $0x50, $0x38;
	[tilespmem:$0x1DA80] =	vst v63  }
0x8f: {  	_ =	swait.ge [sflag:s28], $0x50  }
0x90: {  	[sflag:s28] =	ssyncset.done $0x0  }
0x91: {  	[sflag:s28] =	ssyncadd.s32 $0xFFFFFFB0  }
0x92: {  	[tilespmem:s30], [sflag:$0x5] =	stream.indirect.gather [spmem:s1], $0x80, s24, s29, $0xb8;
	[tilespmem:$0x1DA80] =	vst v63  }
0x93: {  	_ =	swait.ge [sflag:s28], $0x2800  }
0x94: {  	[sflag:s28] =	ssyncset.done $0x0;
	s12 =	rddreg [dreg:$0x19]  }
0x95: {  	s5 =	sadd.s32 s13, s12;
	[sflag:s28] =	ssyncadd.s32 $0xFFFFD800  }
0x96: {  	[hbm4b:s5+s3] =	stream.linear.scatter [tilespmem:s30], [sflag:$0x5], $0x2800, $0x38;
	[tilespmem:$0x1DA80] =	vst v63  }
0x97: {  	_ =	swait.ge [sflag:s28], $0x2800  }
0x98: {  	s13 =	sld [smem:$0x7FC];
	_ =	sdelay $0x1  }
0x99: {  	s6 =	sadd.s32 $0x1, s6  }
0x9a: {  	p1 =	sne.s32 s6, s13  }
.Ltmp1:
0x9b: {  	_ = 	snop;
	(pc) =	sbr.rel @!p1 .LBB2_34-.Ltmp1, $3  }
0x9c: {  	_ =	sdelay $0x1  }
0x9d: {  	[sflag:s28] =	ssyncset.done $0x0  }
0x9e: {  	[sflag:s28] =	ssyncadd.s32 $0xFFFFD800  }
.LBB2_1:
0x9f: {  	s7 =	simm.s32 $0x0;
	s12 =	simm.s32 $0x200  }
.LBB2_2:
0xa0: {  	p1 =	sne.s32 s12, $0x9E00;
	[tilespmem:s7+$0x139F0] =	vst v0  }
0xa1: {  	[tilespmem:s7+$0x13980] =	vst v0  }
0xa2: {  	[tilespmem:s7+$0x13990] =	vst v0  }
.Ltmp2:
0xa3: {  	[tilespmem:s7+$0x139A0] =	vst v0;
	(pc) =	sbr.rel @p1 .LBB2_2-.Ltmp2, $4  }
0xa4: {  	[tilespmem:s7+$0x139B0] =	vst v0  }
0xa5: {  	[tilespmem:s7+$0x139C0] =	vst v0  }
0xa6: {  	[tilespmem:s7+$0x139D0] =	vst v0  }
0xa7: {  	[tilespmem:s7+$0x139E0] =	vst v0;
	s7 =	sshra.s32 s12, $0x2;
	s12 =	sadd.s32 $0x200, s12  }
0xa8: {  	[tilespmem:s7+$0x139F0] =	vst v0  }
0xa9: {  	[tilespmem:s7+$0x13980] =	vst v0  }
0xaa: {  	[tilespmem:s7+$0x13990] =	vst v0  }
0xab: {  	[tilespmem:s7+$0x139A0] =	vst v0  }
0xac: {  	[tilespmem:s7+$0x139B0] =	vst v0  }
0xad: {  	[tilespmem:s7+$0x139C0] =	vst v0  }
0xae: {  	[tilespmem:s7+$0x139D0] =	vst v0  }
0xaf: {  	[smem:$0x7F5] =	sst s6;
	[tilespmem:s7+$0x139E0] =	vst v0  }
0xb0: {  	[tilespmem:s24], [sflag:$0x5] =	stream.linear.gather [hbm4b:s14+s3], $0x50, $0x38;
	[tilespmem:$0x1DA80] =	vst v63  }
0xb1: {  	_ =	swait.ge [sflag:s28], $0x50  }
0xb2: {  	[sflag:s28] =	ssyncset.done $0x0  }
0xb3: {  	[sflag:s28] =	ssyncadd.s32 $0xFFFFFFB0  }
0xb4: {  	[spmem:s1] =	stream.indirect.scatter [tilespmem:s30], [sflag:$0x5], $0x80, s24, s29, $0xb8;
	[tilespmem:$0x1DA80] =	vst v63  }
0xb5: {  	_ =	swait.ge [sflag:s28], $0x2800  }
0xb6: {  	[sflag:s28] =	ssyncset.done $0x0  }
0xb7: {  	s5 =	rddreg [dreg:$0x5];
	[sflag:s28] =	ssyncadd.s32 $0xFFFFD800  }
0xb8: {  	[tilespmem:s24], [sflag:$0x5] =	stream.linear.gather [hbm4b:s5+s3], $0x50, $0x38;
	[tilespmem:$0x1DA80] =	vst v63  }
0xb9: {  	_ =	swait.ge [sflag:s28], $0x50  }
0xba: {  	[sflag:s28] =	ssyncset.done $0x0  }
0xbb: {  	[sflag:s28] =	ssyncadd.s32 $0xFFFFFFB0  }
0xbc: {  	[spmem:s1] =	stream.indirect.scatter [tilespmem:s30], [sflag:$0x5], $0x80, s24, s29, $0xb8;
	[tilespmem:$0x1DA80] =	vst v63  }
0xbd: {  	_ =	swait.ge [sflag:s28], $0x2800  }
0xbe: {  	[sflag:s28] =	ssyncset.done $0x0  }
0xbf: {  	s14 =	rddreg [dreg:$0x6];
	[sflag:s28] =	ssyncadd.s32 $0xFFFFD800  }
0xc0: {  	[tilespmem:s24], [sflag:$0x5] =	stream.linear.gather [hbm4b:s14+s3], $0x50, $0x38;
	[tilespmem:$0x1DA80] =	vst v63  }
0xc1: {  	_ =	swait.ge [sflag:s28], $0x50  }
0xc2: {  	[sflag:s28] =	ssyncset.done $0x0  }
0xc3: {  	[sflag:s28] =	ssyncadd.s32 $0xFFFFFFB0  }
0xc4: {  	[spmem:s1] =	stream.indirect.scatter [tilespmem:s30], [sflag:$0x5], $0x80, s24, s29, $0xb8;
	[tilespmem:$0x1DA80] =	vst v63  }
0xc5: {  	_ =	swait.ge [sflag:s28], $0x2800  }
0xc6: {  	[sflag:s28] =	ssyncset.done $0x0  }
0xc7: {  	s6 =	rddreg [dreg:$0x7];
	[sflag:s28] =	ssyncadd.s32 $0xFFFFD800  }
0xc8: {  	[tilespmem:s24], [sflag:$0x5] =	stream.linear.gather [hbm4b:s6+s3], $0x50, $0x38;
	[tilespmem:$0x1DA80] =	vst v63  }
0xc9: {  	_ =	swait.ge [sflag:s28], $0x50  }
0xca: {  	[sflag:s28] =	ssyncset.done $0x0  }
0xcb: {  	[sflag:s28] =	ssyncadd.s32 $0xFFFFFFB0  }
0xcc: {  	[spmem:s1] =	stream.indirect.scatter [tilespmem:s30], [sflag:$0x5], $0x80, s24, s29, $0xb8;
	[tilespmem:$0x1DA80] =	vst v63  }
0xcd: {  	_ =	swait.ge [sflag:s28], $0x2800  }
0xce: {  	[sflag:s28] =	ssyncset.done $0x0  }
0xcf: {  	s7 =	rddreg [dreg:$0x8];
	[sflag:s28] =	ssyncadd.s32 $0xFFFFD800  }
0xd0: {  	[tilespmem:s24], [sflag:$0x5] =	stream.linear.gather [hbm4b:s7+s3], $0x50, $0x38;
	[tilespmem:$0x1DA80] =	vst v63  }
0xd1: {  	_ =	swait.ge [sflag:s28], $0x50  }
0xd2: {  	[sflag:s28] =	ssyncset.done $0x0  }
0xd3: {  	[sflag:s28] =	ssyncadd.s32 $0xFFFFFFB0  }
0xd4: {  	[spmem:s1] =	stream.indirect.scatter [tilespmem:s30], [sflag:$0x5], $0x80, s24, s29, $0xb8;
	[tilespmem:$0x1DA80] =	vst v63  }
0xd5: {  	_ =	swait.ge [sflag:s28], $0x2800  }
0xd6: {  	[sflag:s28] =	ssyncset.done $0x0  }
0xd7: {  	s12 =	rddreg [dreg:$0x9];
	[sflag:s28] =	ssyncadd.s32 $0xFFFFD800  }
0xd8: {  	[tilespmem:s24], [sflag:$0x5] =	stream.linear.gather [hbm4b:s12+s3], $0x50, $0x38;
	[tilespmem:$0x1DA80] =	vst v63  }
0xd9: {  	_ =	swait.ge [sflag:s28], $0x50  }
0xda: {  	[sflag:s28] =	ssyncset.done $0x0  }
0xdb: {  	[sflag:s28] =	ssyncadd.s32 $0xFFFFFFB0  }
0xdc: {  	[spmem:s1] =	stream.indirect.scatter [tilespmem:s30], [sflag:$0x5], $0x80, s24, s29, $0xb8;
	[tilespmem:$0x1DA80] =	vst v63  }
0xdd: {  	_ =	swait.ge [sflag:s28], $0x2800  }
0xde: {  	[sflag:s28] =	ssyncset.done $0x0  }
0xdf: {  	s13 =	rddreg [dreg:$0xa];
	[sflag:s28] =	ssyncadd.s32 $0xFFFFD800  }
0xe0: {  	[tilespmem:s24], [sflag:$0x5] =	stream.linear.gather [hbm4b:s13+s3], $0x50, $0x38;
	[tilespmem:$0x1DA80] =	vst v63  }
0xe1: {  	_ =	swait.ge [sflag:s28], $0x50  }
0xe2: {  	[sflag:s28] =	ssyncset.done $0x0  }
0xe3: {  	[sflag:s28] =	ssyncadd.s32 $0xFFFFFFB0  }
0xe4: {  	[spmem:s1] =	stream.indirect.scatter [tilespmem:s30], [sflag:$0x5], $0x80, s24, s29, $0xb8;
	[tilespmem:$0x1DA80] =	vst v63  }
0xe5: {  	_ =	swait.ge [sflag:s28], $0x2800  }
0xe6: {  	[sflag:s28] =	ssyncset.done $0x0  }
0xe7: {  	s14 =	rddreg [dreg:$0xb];
	[sflag:s28] =	ssyncadd.s32 $0xFFFFD800  }
0xe8: {  	[tilespmem:s24], [sflag:$0x5] =	stream.linear.gather [hbm4b:s14+s3], $0x50, $0x38;
	[tilespmem:$0x1DA80] =	vst v63  }
0xe9: {  	_ =	swait.ge [sflag:s28], $0x50  }
0xea: {  	[sflag:s28] =	ssyncset.done $0x0  }
0xeb: {  	[sflag:s28] =	ssyncadd.s32 $0xFFFFFFB0  }
0xec: {  	[spmem:s1] =	stream.indirect.scatter [tilespmem:s30], [sflag:$0x5], $0x80, s24, s29, $0xb8;
	[tilespmem:$0x1DA80] =	vst v63  }
.Ltmp3:
0xed: {  	_ =	swait.ge [sflag:s28], $0x2800;
	(pc) =	sbr.rel @p0 .LBB2_14-.Ltmp3, $4  }
0xee: {  	[sflag:s28] =	ssyncset.done $0x0  }
0xef: {  	[sflag:s28] =	ssyncadd.s32 $0xFFFFD800  }
0xf0: {  	[bflag:$0x0] =	sbarrier.arrive $0xFFFF  }
0xf1: {  	s13 =	simm.s32 $0x0  }
0xf2: {  	s5 =	rddreg [dreg:$0x1c]  }
0xf3: {  	[tilespmem:s24], [sflag:$0x1] =	stream.linear.gather [hbm4b:s5+s13], $0x50, $0x38;
	[tilespmem:$0x1DA80] =	vst v63  }
0xf4: {  	s12 =	rddreg [dreg:$0x1d]  }
0xf5: {  	[tilespmem:s31], [sflag:$0x1] =	stream.linear.gather [hbm4b:s12+s13], $0x50, $0x38;
	[tilespmem:$0x1DA80] =	vst v63  }
0xf6: {  	s14 =	rddreg [dreg:$0x1f]  }
0xf7: {  	[tilespmem:s0], [sflag:$0x1] =	stream.linear.gather [hbm4b:s14+s13], $0x2800, $0x38;
	[tilespmem:$0x1DA80] =	vst v63  }
0xf8: {  	_ =	swait.ge [sflag:s2], $0x50  }
0xf9: {  	[sflag:s2] =	ssyncset.done $0x0  }
0xfa: {  	[sflag:s2] =	ssyncadd.s32 $0xFFFFFFB0  }
0xfb: {  	_ =	swait.ge [sflag:s2], $0x50  }
0xfc: {  	[sflag:s2] =	ssyncset.done $0x0  }
0xfd: {  	[sflag:s2] =	ssyncadd.s32 $0xFFFFFFB0  }
0xfe: {  	_ =	swait.ge [sflag:s2], $0x2800  }
0xff: {  	[sflag:s2] =	ssyncset.done $0x0;
	s6 =	rddreg [dreg:$0xc]  }
0x100: {  	s7 =	sld [smem:$0x7F8];
	[sflag:s2] =	ssyncadd.s32 $0xFFFFD800  }
0x101: {  	[tilespmem:s30], [sflag:$0x3] =	stream.indirect.gather [hbm4b:s6+s29], $0x80, s24, s29, $0xb8;
	[tilespmem:$0x1DA80] =	vst v63  }
0x102: {  	s12 =	sld [smem:$0x7F9]  }
0x103: {  	[tilespmem:s21], [sflag:$0x2] =	stream.linear.gather [hbm4b:s7+s13], $0x50, $0x38;
	[tilespmem:$0x1DA80] =	vst v63  }
0x104: {  	s14 =	sld [smem:$0x7FB]  }
0x105: {  	[tilespmem:s22], [sflag:$0x2] =	stream.linear.gather [hbm4b:s12+s13], $0x50, $0x38;
	[tilespmem:$0x1DA80] =	vst v63  }
0x106: {  	s6 =	simm.s32 $0x1B280  }
0x107: {  	[tilespmem:s6], [sflag:$0x2] =	stream.linear.gather [hbm4b:s14+s13], $0x2800, $0x38;
	[tilespmem:$0x1DA80] =	vst v63  }
.LBB2_5:
0x108: {  	_ =	swait.ge [sflag:s8], $0x50  }
0x109: {  	[sflag:s8] =	ssyncset.done $0x0  }
0x10a: {  	[sflag:s8] =	ssyncadd.s32 $0xFFFFFFB0  }
0x10b: {  	_ =	swait.ge [sflag:s8], $0x50  }
0x10c: {  	[sflag:s8] =	ssyncset.done $0x0  }
0x10d: {  	[sflag:s8] =	ssyncadd.s32 $0xFFFFFFB0  }
0x10e: {  	_ =	swait.ge [sflag:s8], $0x2800  }
0x10f: {  	[sflag:s8] =	ssyncset.done $0x0  }
0x110: {  	s5 =	rddreg [dreg:$0xc];
	[sflag:s8] =	ssyncadd.s32 $0xFFFFD800  }
0x111: {  	[tilespmem:s9], [sflag:$0x4] =	stream.indirect.gather [hbm4b:s5+s29], $0x80, s21, s29, $0xb8;
	[tilespmem:$0x1DA80] =	vst v63  }
0x112: {  	_ =	swait.ge [sflag:s10], $0x2800  }
0x113: {  	[sflag:s10] =	ssyncset.done $0x0  }
0x114: {  	s14 =	simm.s32 $0x0;
	[sflag:s10] =	ssyncadd.s32 $0xFFFFD800  }
0x115: {  	v7 =	vld [tilespmem:s14+$0x16180]  }
0x116: {  	v12 =	vld [tilespmem:s14+$0x16190]  }
0x117: {  	v6 =	vld [tilespmem:s14+$0x161A0]  }
0x118: {  	v5 =	vld [tilespmem:s14+$0x161B0]  }
0x119: {  	v4 =	vld [tilespmem:s14+$0x161C0]  }
0x11a: {  	v3 =	vld [tilespmem:s14+$0x161D0]  }
0x11b: {  	v2 =	vld [tilespmem:s14+$0x161E0]  }
0x11c: {  	v1 =	vld [tilespmem:s14+$0x161F0]  }
0x11d: {  	v13 =	vld [tilespmem:s14+$0x13980]  }
0x11e: {  	v14 =	vld [tilespmem:s14+$0x13990]  }
0x11f: {  	v11 =	vld [tilespmem:s14+$0x139A0]  }
0x120: {  	v10 =	vld [tilespmem:s14+$0x139B0]  }
0x121: {  	v9 =	vld [tilespmem:s14+$0x139C0]  }
0x122: {  	v8 =	vld [tilespmem:s14+$0x139D0];
	v13 =	vadd.f32 v7, v13  }
0x123: {  	s12 =	simm.s32 $0x200;
	v12 =	vadd.f32 v12, v14;
	v7 =	vld [tilespmem:s14+$0x139E0]  }
.LBB2_6:
0x124: {  	s7 =	sshra.s32 s12, $0x2;
	p1 =	sne.s32 s12, $0x9E00;
	v13 =	vmax.f32 v13, $0.0e+00;
	v6 =	vadd.f32 v6, v11;
	v11 =	vld [tilespmem:s14+$0x139F0]  }
0x125: {  	v14 =	vld [tilespmem:s7+$0x16180];
	[tilespmem:s14+$0x13980] =	vst v13;
	v12 =	vmax.f32 v12, $0.0e+00;
	v5 =	vadd.f32 v5, v10  }
0x126: {  	v15 =	vld [tilespmem:s7+$0x16190];
	[tilespmem:s14+$0x13990] =	vst v12;
	v10 =	vmax.f32 v6, $0.0e+00;
	v4 =	vadd.f32 v4, v9  }
0x127: {  	v6 =	vld [tilespmem:s7+$0x161A0];
	[tilespmem:s14+$0x139A0] =	vst v10;
	v9 =	vmax.f32 v5, $0.0e+00;
	v3 =	vadd.f32 v3, v8  }
0x128: {  	v5 =	vld [tilespmem:s7+$0x161B0];
	[tilespmem:s14+$0x139B0] =	vst v9;
	v8 =	vmax.f32 v4, $0.0e+00;
	v2 =	vadd.f32 v2, v7  }
0x129: {  	v4 =	vld [tilespmem:s7+$0x161C0];
	[tilespmem:s14+$0x139C0] =	vst v8;
	v7 =	vmax.f32 v3, $0.0e+00;
	v1 =	vadd.f32 v1, v11  }
0x12a: {  	v3 =	vld [tilespmem:s7+$0x161D0];
	[tilespmem:s14+$0x139D0] =	vst v7;
	v7 =	vmax.f32 v2, $0.0e+00  }
0x12b: {  	v2 =	vld [tilespmem:s7+$0x161E0];
	[tilespmem:s14+$0x139E0] =	vst v7;
	v7 =	vmax.f32 v1, $0.0e+00  }
0x12c: {  	v1 =	vld [tilespmem:s7+$0x161F0];
	[tilespmem:s14+$0x139F0] =	vst v7;
	s14 =	smov.u32 s7  }
0x12d: {  	v7 =	vld [tilespmem:s14+$0x13980]  }
0x12e: {  	v12 =	vld [tilespmem:s14+$0x13990]  }
.Ltmp4:
0x12f: {  	v11 =	vld [tilespmem:s14+$0x139A0];
	(pc) =	sbr.rel @p1 .LBB2_6-.Ltmp4, $4  }
0x130: {  	v10 =	vld [tilespmem:s14+$0x139B0]  }
0x131: {  	v9 =	vld [tilespmem:s14+$0x139C0]  }
0x132: {  	v13 =	vadd.f32 v14, v7;
	v8 =	vld [tilespmem:s14+$0x139D0]  }
0x133: {  	s12 =	sadd.s32 $0x200, s12;
	v12 =	vadd.f32 v15, v12;
	v7 =	vld [tilespmem:s14+$0x139E0]  }
0x134: {  	v13 =	vmax.f32 v13, $0.0e+00;
	v6 =	vadd.f32 v6, v11;
	v11 =	vld [tilespmem:s14+$0x139F0]  }
0x135: {  	[tilespmem:s14+$0x13980] =	vst v13;
	v12 =	vmax.f32 v12, $0.0e+00;
	v5 =	vadd.f32 v5, v10  }
0x136: {  	[tilespmem:s14+$0x13990] =	vst v12;
	v6 =	vmax.f32 v6, $0.0e+00;
	v4 =	vadd.f32 v4, v9  }
0x137: {  	[tilespmem:s14+$0x139A0] =	vst v6;
	v5 =	vmax.f32 v5, $0.0e+00;
	v3 =	vadd.f32 v3, v8  }
0x138: {  	[tilespmem:s14+$0x139B0] =	vst v5;
	v4 =	vmax.f32 v4, $0.0e+00;
	v2 =	vadd.f32 v2, v7  }
0x139: {  	[tilespmem:s14+$0x139C0] =	vst v4;
	v3 =	vmax.f32 v3, $0.0e+00;
	v1 =	vadd.f32 v1, v11  }
0x13a: {  	[tilespmem:s14+$0x139D0] =	vst v3;
	v2 =	vmax.f32 v2, $0.0e+00  }
0x13b: {  	[tilespmem:s14+$0x139E0] =	vst v2;
	v1 =	vmax.f32 v1, $0.0e+00  }
0x13c: {  	[tilespmem:s14+$0x139F0] =	vst v1;
	s14 =	smul.u32 $0xA0, s13  }
0x13d: {  	[spmem:s1] =	stream.indirect.scatter.add.f32 [tilespmem:s30], [sflag:$0x5], $0x80, s31, s29, $0xb8;
	[tilespmem:$0x1DA80] =	vst v63  }
0x13e: {  	_ =	swait.ge [sflag:s28], $0x2800;
	s7 =	sadd.s32 s14, s25  }
0x13f: {  	[sflag:s28] =	ssyncset.done $0x0;
	s12 =	sshrl.u32 s7, $0x3  }
0x140: {  	s6 =	simm.s32 $0x0;
	[sflag:s28] =	ssyncadd.s32 $0xFFFFD800;
	s5 =	sadd.s32 s15, s12  }
0x141: {  	[tilespmem:s24], [sflag:$0x1] =	stream.linear.gather [hbm4b:s5+s6], $0x50, $0x38;
	[tilespmem:$0x1DA80] =	vst v63  }
0x142: {  	s7 =	sshll.u32 s7, $0x4;
	s12 =	sadd.s32 s17, s12  }
0x143: {  	[tilespmem:s31], [sflag:$0x1] =	stream.linear.gather [hbm4b:s12+s6], $0x50, $0x38;
	[tilespmem:$0x1DA80] =	vst v63  }
0x144: {  	s5 =	sadd.s32 s26, s7  }
0x145: {  	[tilespmem:s0], [sflag:$0x1] =	stream.linear.gather [hbm4b:s5+s6], $0x2800, $0x38;
	[tilespmem:$0x1DA80] =	vst v63  }
0x146: {  	_ =	swait.ge [sflag:s2], $0x50  }
0x147: {  	[sflag:s2] =	ssyncset.done $0x0  }
0x148: {  	[sflag:s2] =	ssyncadd.s32 $0xFFFFFFB0  }
0x149: {  	_ =	swait.ge [sflag:s2], $0x50  }
0x14a: {  	[sflag:s2] =	ssyncset.done $0x0  }
0x14b: {  	[sflag:s2] =	ssyncadd.s32 $0xFFFFFFB0  }
0x14c: {  	_ =	swait.ge [sflag:s2], $0x2800  }
0x14d: {  	[sflag:s2] =	ssyncset.done $0x0  }
0x14e: {  	s12 =	rddreg [dreg:$0xc];
	[sflag:s2] =	ssyncadd.s32 $0xFFFFD800  }
0x14f: {  	[tilespmem:s30], [sflag:$0x3] =	stream.indirect.gather [hbm4b:s12+s29], $0x80, s24, s29, $0xb8;
	[tilespmem:$0x1DA80] =	vst v63  }
0x150: {  	_ =	swait.ge [sflag:s11], $0x2800  }
0x151: {  	[sflag:s11] =	ssyncset.done $0x0  }
0x152: {  	s12 =	simm.s32 $0x0;
	[sflag:s11] =	ssyncadd.s32 $0xFFFFD800  }
0x153: {  	v7 =	vld [tilespmem:s12+$0x1B280]  }
0x154: {  	v12 =	vld [tilespmem:s12+$0x1B290]  }
0x155: {  	v6 =	vld [tilespmem:s12+$0x1B2A0]  }
0x156: {  	v5 =	vld [tilespmem:s12+$0x1B2B0]  }
0x157: {  	v4 =	vld [tilespmem:s12+$0x1B2C0]  }
0x158: {  	v3 =	vld [tilespmem:s12+$0x1B2D0]  }
0x159: {  	v2 =	vld [tilespmem:s12+$0x1B2E0]  }
0x15a: {  	v1 =	vld [tilespmem:s12+$0x1B2F0]  }
0x15b: {  	v13 =	vld [tilespmem:s12+$0x18A80]  }
0x15c: {  	v14 =	vld [tilespmem:s12+$0x18A90]  }
0x15d: {  	v11 =	vld [tilespmem:s12+$0x18AA0]  }
0x15e: {  	v10 =	vld [tilespmem:s12+$0x18AB0]  }
0x15f: {  	v9 =	vld [tilespmem:s12+$0x18AC0]  }
0x160: {  	v8 =	vld [tilespmem:s12+$0x18AD0];
	v13 =	vadd.f32 v7, v13  }
0x161: {  	s7 =	simm.s32 $0x200;
	v12 =	vadd.f32 v12, v14;
	v7 =	vld [tilespmem:s12+$0x18AE0]  }
.LBB2_8:
0x162: {  	s5 =	sshra.s32 s7, $0x2;
	p1 =	sne.s32 s7, $0x9E00;
	v13 =	vmax.f32 v13, $0.0e+00;
	v6 =	vadd.f32 v6, v11;
	v11 =	vld [tilespmem:s12+$0x18AF0]  }
0x163: {  	v14 =	vld [tilespmem:s5+$0x1B280];
	[tilespmem:s12+$0x18A80] =	vst v13;
	v12 =	vmax.f32 v12, $0.0e+00;
	v5 =	vadd.f32 v5, v10  }
0x164: {  	v15 =	vld [tilespmem:s5+$0x1B290];
	[tilespmem:s12+$0x18A90] =	vst v12;
	v10 =	vmax.f32 v6, $0.0e+00;
	v4 =	vadd.f32 v4, v9  }
0x165: {  	v6 =	vld [tilespmem:s5+$0x1B2A0];
	[tilespmem:s12+$0x18AA0] =	vst v10;
	v9 =	vmax.f32 v5, $0.0e+00;
	v3 =	vadd.f32 v3, v8  }
0x166: {  	v5 =	vld [tilespmem:s5+$0x1B2B0];
	[tilespmem:s12+$0x18AB0] =	vst v9;
	v8 =	vmax.f32 v4, $0.0e+00;
	v2 =	vadd.f32 v2, v7  }
0x167: {  	v4 =	vld [tilespmem:s5+$0x1B2C0];
	[tilespmem:s12+$0x18AC0] =	vst v8;
	v7 =	vmax.f32 v3, $0.0e+00;
	v1 =	vadd.f32 v1, v11  }
0x168: {  	v3 =	vld [tilespmem:s5+$0x1B2D0];
	[tilespmem:s12+$0x18AD0] =	vst v7;
	v7 =	vmax.f32 v2, $0.0e+00  }
0x169: {  	v2 =	vld [tilespmem:s5+$0x1B2E0];
	[tilespmem:s12+$0x18AE0] =	vst v7;
	v7 =	vmax.f32 v1, $0.0e+00  }
0x16a: {  	v1 =	vld [tilespmem:s5+$0x1B2F0];
	[tilespmem:s12+$0x18AF0] =	vst v7;
	s12 =	smov.u32 s5  }
0x16b: {  	v7 =	vld [tilespmem:s12+$0x18A80]  }
0x16c: {  	v12 =	vld [tilespmem:s12+$0x18A90]  }
.Ltmp5:
0x16d: {  	v11 =	vld [tilespmem:s12+$0x18AA0];
	(pc) =	sbr.rel @p1 .LBB2_8-.Ltmp5, $4  }
0x16e: {  	v10 =	vld [tilespmem:s12+$0x18AB0]  }
0x16f: {  	v9 =	vld [tilespmem:s12+$0x18AC0]  }
0x170: {  	v13 =	vadd.f32 v14, v7;
	v8 =	vld [tilespmem:s12+$0x18AD0]  }
0x171: {  	s7 =	sadd.s32 $0x200, s7;
	v12 =	vadd.f32 v15, v12;
	v7 =	vld [tilespmem:s12+$0x18AE0]  }
0x172: {  	v13 =	vmax.f32 v13, $0.0e+00;
	v6 =	vadd.f32 v6, v11;
	v63 =	vld [tilespmem:s12+$0x18AF0]  }
0x173: {  	[tilespmem:s12+$0x18A80] =	vst v13;
	v12 =	vmax.f32 v12, $0.0e+00;
	v5 =	vadd.f32 v5, v10  }
0x174: {  	[tilespmem:s12+$0x18A90] =	vst v12;
	v6 =	vmax.f32 v6, $0.0e+00;
	v4 =	vadd.f32 v4, v9  }
0x175: {  	[tilespmem:s12+$0x18AA0] =	vst v6;
	v5 =	vmax.f32 v5, $0.0e+00;
	v3 =	vadd.f32 v3, v8  }
0x176: {  	[tilespmem:s12+$0x18AB0] =	vst v5;
	v4 =	vmax.f32 v4, $0.0e+00;
	v2 =	vadd.f32 v2, v7  }
0x177: {  	[tilespmem:s12+$0x18AC0] =	vst v4;
	v3 =	vmax.f32 v3, $0.0e+00;
	v1 =	vadd.f32 v1, v63  }
0x178: {  	[tilespmem:s12+$0x18AD0] =	vst v3;
	v2 =	vmax.f32 v2, $0.0e+00  }
0x179: {  	p1 =	seq.s32 s13, $0x3D;
	[tilespmem:s12+$0x18AE0] =	vst v2;
	v1 =	vmax.f32 v1, $0.0e+00  }
.Ltmp6:
0x17a: {  	[tilespmem:s12+$0x18AF0] =	vst v1;
	(pc) =	sbr.rel @p1 .LBB2_11-.Ltmp6, $4  }
0x17b: {  	[spmem:s1] =	stream.indirect.scatter.add.f32 [tilespmem:s9], [sflag:$0x5], $0x80, s22, s29, $0xb8;
	[tilespmem:$0x1DA80] =	vst v63  }
0x17c: {  	_ =	swait.ge [sflag:s28], $0x2800  }
0x17d: {  	[sflag:s28] =	ssyncset.done $0x0  }
0x17e: {  	[sflag:s28] =	ssyncadd.s32 $0xFFFFD800  }
0x17f: {  	s5 =	rddreg [dreg:$0x12]  }
0x180: {  	s5 =	sadd.s32 s14, s5  }
0x181: {  	s6 =	sshrl.u32 s5, $0x3  }
0x182: {  	s7 =	sadd.s32 s15, s6  }
0x183: {  	[tilespmem:s21], [sflag:$0x2] =	stream.linear.gather [hbm4b:s7+s3], $0x50, $0x38;
	[tilespmem:$0x1DA80] =	vst v63  }
.Ltmp7:
0x184: {  	_ = 	snop;
	(pc) =	sbr.rel .LBB2_5-.Ltmp7, $4  }
0x185: {  	s5 =	sshll.u32 s5, $0x4;
	s6 =	sadd.s32 s17, s6  }
0x186: {  	[tilespmem:s22], [sflag:$0x2] =	stream.linear.gather [hbm4b:s6+s3], $0x50, $0x38;
	[tilespmem:$0x1DA80] =	vst v63  }
0x187: {  	s13 =	sadd.s32 $0x1, s13;
	s14 =	simm.s32 $0x1B280;
	s5 =	sadd.s32 s26, s5  }
0x188: {  	[tilespmem:s14], [sflag:$0x2] =	stream.linear.gather [hbm4b:s5+s3], $0x2800, $0x38;
	[tilespmem:$0x1DA80] =	vst v63  }
.LBB2_14:
0x189: {  	s5 =	rddreg [dreg:$0x1a]  }
0x18a: {  	[tilespmem:s24], [sflag:$0x1] =	stream.linear.gather [hbm4b:s5+s13], $0x50, $0x38;
	[tilespmem:$0x1DA80] =	vst v63  }
0x18b: {  	s14 =	rddreg [dreg:$0x1b]  }
0x18c: {  	[tilespmem:s31], [sflag:$0x1] =	stream.linear.gather [hbm4b:s14+s13], $0x50, $0x38;
	[tilespmem:$0x1DA80] =	vst v63  }
0x18d: {  	s6 =	rddreg [dreg:$0x1e]  }
0x18e: {  	[tilespmem:s0], [sflag:$0x1] =	stream.linear.gather [hbm4b:s6+s13], $0x2800, $0x38;
	[tilespmem:$0x1DA80] =	vst v63  }
0x18f: {  	_ =	swait.ge [sflag:s2], $0x50  }
0x190: {  	[sflag:s2] =	ssyncset.done $0x0  }
0x191: {  	[sflag:s2] =	ssyncadd.s32 $0xFFFFFFB0  }
0x192: {  	_ =	swait.ge [sflag:s2], $0x50  }
0x193: {  	[sflag:s2] =	ssyncset.done $0x0  }
0x194: {  	[sflag:s2] =	ssyncadd.s32 $0xFFFFFFB0  }
0x195: {  	_ =	swait.ge [sflag:s2], $0x2800  }
0x196: {  	[sflag:s2] =	ssyncset.done $0x0  }
0x197: {  	s7 =	sld [smem:$0x7F6];
	[sflag:s2] =	ssyncadd.s32 $0xFFFFD800  }
0x198: {  	[tilespmem:s30], [sflag:$0x3] =	stream.indirect.gather [hbm4b:s16+s29], $0x80, s24, s29, $0xb8;
	[tilespmem:$0x1DA80] =	vst v63  }
0x199: {  	s12 =	sld [smem:$0x7F7]  }
0x19a: {  	[tilespmem:s21], [sflag:$0x2] =	stream.linear.gather [hbm4b:s7+s13], $0x50, $0x38;
	[tilespmem:$0x1DA80] =	vst v63  }
0x19b: {  	s14 =	sld [smem:$0x7FA]  }
0x19c: {  	[tilespmem:s22], [sflag:$0x2] =	stream.linear.gather [hbm4b:s12+s13], $0x50, $0x38;
	[tilespmem:$0x1DA80] =	vst v63  }
0x19d: {  	s6 =	simm.s32 $0x1B280  }
0x19e: {  	[tilespmem:s6], [sflag:$0x2] =	stream.linear.gather [hbm4b:s14+s13], $0x2800, $0x38;
	[tilespmem:$0x1DA80] =	vst v63  }
.LBB2_15:
0x19f: {  	_ =	swait.ge [sflag:s8], $0x50  }
0x1a0: {  	[sflag:s8] =	ssyncset.done $0x0  }
0x1a1: {  	[sflag:s8] =	ssyncadd.s32 $0xFFFFFFB0  }
0x1a2: {  	_ =	swait.ge [sflag:s8], $0x50  }
0x1a3: {  	[sflag:s8] =	ssyncset.done $0x0  }
0x1a4: {  	[sflag:s8] =	ssyncadd.s32 $0xFFFFFFB0  }
0x1a5: {  	_ =	swait.ge [sflag:s8], $0x2800  }
0x1a6: {  	[sflag:s8] =	ssyncset.done $0x0  }
0x1a7: {  	[sflag:s8] =	ssyncadd.s32 $0xFFFFD800  }
0x1a8: {  	[tilespmem:s9], [sflag:$0x4] =	stream.indirect.gather [hbm4b:s16+s29], $0x80, s21, s29, $0xb8;
	[tilespmem:$0x1DA80] =	vst v63  }
0x1a9: {  	_ =	swait.ge [sflag:s10], $0x2800  }
0x1aa: {  	[sflag:s10] =	ssyncset.done $0x0  }
0x1ab: {  	s12 =	simm.s32 $0x0;
	[sflag:s10] =	ssyncadd.s32 $0xFFFFD800  }
0x1ac: {  	v7 =	vld [tilespmem:s12+$0x16180]  }
0x1ad: {  	v12 =	vld [tilespmem:s12+$0x16190]  }
0x1ae: {  	v6 =	vld [tilespmem:s12+$0x161A0]  }
0x1af: {  	v5 =	vld [tilespmem:s12+$0x161B0]  }
0x1b0: {  	v4 =	vld [tilespmem:s12+$0x161C0]  }
0x1b1: {  	v3 =	vld [tilespmem:s12+$0x161D0]  }
0x1b2: {  	v2 =	vld [tilespmem:s12+$0x161E0]  }
0x1b3: {  	v1 =	vld [tilespmem:s12+$0x161F0]  }
0x1b4: {  	v13 =	vld [tilespmem:s12+$0x13980]  }
0x1b5: {  	v14 =	vld [tilespmem:s12+$0x13990]  }
0x1b6: {  	v11 =	vld [tilespmem:s12+$0x139A0]  }
0x1b7: {  	v10 =	vld [tilespmem:s12+$0x139B0]  }
0x1b8: {  	v9 =	vld [tilespmem:s12+$0x139C0]  }
0x1b9: {  	v8 =	vld [tilespmem:s12+$0x139D0];
	v13 =	vadd.f32 v7, v13  }
0x1ba: {  	s7 =	simm.s32 $0x200;
	v12 =	vadd.f32 v12, v14;
	v7 =	vld [tilespmem:s12+$0x139E0]  }
.LBB2_16:
0x1bb: {  	s5 =	sshra.s32 s7, $0x2;
	p1 =	sne.s32 s7, $0x9E00;
	v13 =	vmax.f32 v13, $0.0e+00;
	v6 =	vadd.f32 v6, v11;
	v11 =	vld [tilespmem:s12+$0x139F0]  }
0x1bc: {  	v14 =	vld [tilespmem:s5+$0x16180];
	[tilespmem:s12+$0x13980] =	vst v13;
	v12 =	vmax.f32 v12, $0.0e+00;
	v5 =	vadd.f32 v5, v10  }
0x1bd: {  	v15 =	vld [tilespmem:s5+$0x16190];
	[tilespmem:s12+$0x13990] =	vst v12;
	v10 =	vmax.f32 v6, $0.0e+00;
	v4 =	vadd.f32 v4, v9  }
0x1be: {  	v6 =	vld [tilespmem:s5+$0x161A0];
	[tilespmem:s12+$0x139A0] =	vst v10;
	v9 =	vmax.f32 v5, $0.0e+00;
	v3 =	vadd.f32 v3, v8  }
0x1bf: {  	v5 =	vld [tilespmem:s5+$0x161B0];
	[tilespmem:s12+$0x139B0] =	vst v9;
	v8 =	vmax.f32 v4, $0.0e+00;
	v2 =	vadd.f32 v2, v7  }
0x1c0: {  	v4 =	vld [tilespmem:s5+$0x161C0];
	[tilespmem:s12+$0x139C0] =	vst v8;
	v7 =	vmax.f32 v3, $0.0e+00;
	v1 =	vadd.f32 v1, v11  }
0x1c1: {  	v3 =	vld [tilespmem:s5+$0x161D0];
	[tilespmem:s12+$0x139D0] =	vst v7;
	v7 =	vmax.f32 v2, $0.0e+00  }
0x1c2: {  	v2 =	vld [tilespmem:s5+$0x161E0];
	[tilespmem:s12+$0x139E0] =	vst v7;
	v7 =	vmax.f32 v1, $0.0e+00  }
0x1c3: {  	v1 =	vld [tilespmem:s5+$0x161F0];
	[tilespmem:s12+$0x139F0] =	vst v7;
	s12 =	smov.u32 s5  }
0x1c4: {  	v7 =	vld [tilespmem:s12+$0x13980]  }
0x1c5: {  	v12 =	vld [tilespmem:s12+$0x13990]  }
.Ltmp8:
0x1c6: {  	v11 =	vld [tilespmem:s12+$0x139A0];
	(pc) =	sbr.rel @p1 .LBB2_16-.Ltmp8, $4  }
0x1c7: {  	v10 =	vld [tilespmem:s12+$0x139B0]  }
0x1c8: {  	v9 =	vld [tilespmem:s12+$0x139C0]  }
0x1c9: {  	v13 =	vadd.f32 v14, v7;
	v8 =	vld [tilespmem:s12+$0x139D0]  }
0x1ca: {  	s7 =	sadd.s32 $0x200, s7;
	v12 =	vadd.f32 v15, v12;
	v7 =	vld [tilespmem:s12+$0x139E0]  }
0x1cb: {  	v13 =	vmax.f32 v13, $0.0e+00;
	v6 =	vadd.f32 v6, v11;
	v11 =	vld [tilespmem:s12+$0x139F0]  }
0x1cc: {  	[tilespmem:s12+$0x13980] =	vst v13;
	v12 =	vmax.f32 v12, $0.0e+00;
	v5 =	vadd.f32 v5, v10  }
0x1cd: {  	[tilespmem:s12+$0x13990] =	vst v12;
	v6 =	vmax.f32 v6, $0.0e+00;
	v4 =	vadd.f32 v4, v9  }
0x1ce: {  	[tilespmem:s12+$0x139A0] =	vst v6;
	v5 =	vmax.f32 v5, $0.0e+00;
	v3 =	vadd.f32 v3, v8  }
0x1cf: {  	[tilespmem:s12+$0x139B0] =	vst v5;
	v4 =	vmax.f32 v4, $0.0e+00;
	v2 =	vadd.f32 v2, v7  }
0x1d0: {  	[tilespmem:s12+$0x139C0] =	vst v4;
	v3 =	vmax.f32 v3, $0.0e+00;
	v1 =	vadd.f32 v1, v11  }
0x1d1: {  	[tilespmem:s12+$0x139D0] =	vst v3;
	v2 =	vmax.f32 v2, $0.0e+00  }
0x1d2: {  	[tilespmem:s12+$0x139E0] =	vst v2;
	v1 =	vmax.f32 v1, $0.0e+00  }
0x1d3: {  	s14 =	smul.u32 $0xA0, s13;
	[tilespmem:s12+$0x139F0] =	vst v1  }
0x1d4: {  	[spmem:s1] =	stream.indirect.scatter.add.f32 [tilespmem:s30], [sflag:$0x5], $0x80, s31, s29, $0xb8;
	[tilespmem:$0x1DA80] =	vst v63  }
0x1d5: {  	s5 =	sadd.s32 s14, s25;
	_ =	swait.ge [sflag:s28], $0x2800  }
0x1d6: {  	s6 =	sshrl.u32 s5, $0x3;
	[sflag:s28] =	ssyncset.done $0x0  }
0x1d7: {  	s7 =	sadd.s32 s19, s6;
	s12 =	simm.s32 $0x0;
	[sflag:s28] =	ssyncadd.s32 $0xFFFFD800  }
0x1d8: {  	[tilespmem:s24], [sflag:$0x1] =	stream.linear.gather [hbm4b:s7+s12], $0x50, $0x38;
	[tilespmem:$0x1DA80] =	vst v63  }
0x1d9: {  	s5 =	sshll.u32 s5, $0x4;
	s6 =	sadd.s32 s4, s6  }
0x1da: {  	[tilespmem:s31], [sflag:$0x1] =	stream.linear.gather [hbm4b:s6+s12], $0x50, $0x38;
	[tilespmem:$0x1DA80] =	vst v63  }
0x1db: {  	s5 =	sadd.s32 s18, s5  }
0x1dc: {  	[tilespmem:s0], [sflag:$0x1] =	stream.linear.gather [hbm4b:s5+s12], $0x2800, $0x38;
	[tilespmem:$0x1DA80] =	vst v63  }
0x1dd: {  	_ =	swait.ge [sflag:s2], $0x50  }
0x1de: {  	[sflag:s2] =	ssyncset.done $0x0  }
0x1df: {  	[sflag:s2] =	ssyncadd.s32 $0xFFFFFFB0  }
0x1e0: {  	_ =	swait.ge [sflag:s2], $0x50  }
0x1e1: {  	[sflag:s2] =	ssyncset.done $0x0  }
0x1e2: {  	[sflag:s2] =	ssyncadd.s32 $0xFFFFFFB0  }
0x1e3: {  	_ =	swait.ge [sflag:s2], $0x2800  }
0x1e4: {  	[sflag:s2] =	ssyncset.done $0x0  }
0x1e5: {  	[sflag:s2] =	ssyncadd.s32 $0xFFFFD800  }
0x1e6: {  	[tilespmem:s30], [sflag:$0x3] =	stream.indirect.gather [hbm4b:s16+s29], $0x80, s24, s29, $0xb8;
	[tilespmem:$0x1DA80] =	vst v63  }
0x1e7: {  	_ =	swait.ge [sflag:s11], $0x2800  }
0x1e8: {  	[sflag:s11] =	ssyncset.done $0x0  }
0x1e9: {  	s12 =	simm.s32 $0x0;
	[sflag:s11] =	ssyncadd.s32 $0xFFFFD800  }
0x1ea: {  	v7 =	vld [tilespmem:s12+$0x1B280]  }
0x1eb: {  	v12 =	vld [tilespmem:s12+$0x1B290]  }
0x1ec: {  	v6 =	vld [tilespmem:s12+$0x1B2A0]  }
0x1ed: {  	v5 =	vld [tilespmem:s12+$0x1B2B0]  }
0x1ee: {  	v4 =	vld [tilespmem:s12+$0x1B2C0]  }
0x1ef: {  	v3 =	vld [tilespmem:s12+$0x1B2D0]  }
0x1f0: {  	v2 =	vld [tilespmem:s12+$0x1B2E0]  }
0x1f1: {  	v1 =	vld [tilespmem:s12+$0x1B2F0]  }
0x1f2: {  	v13 =	vld [tilespmem:s12+$0x18A80]  }
0x1f3: {  	v14 =	vld [tilespmem:s12+$0x18A90]  }
0x1f4: {  	v11 =	vld [tilespmem:s12+$0x18AA0]  }
0x1f5: {  	v10 =	vld [tilespmem:s12+$0x18AB0]  }
0x1f6: {  	v9 =	vld [tilespmem:s12+$0x18AC0]  }
0x1f7: {  	v8 =	vld [tilespmem:s12+$0x18AD0];
	v13 =	vadd.f32 v7, v13  }
0x1f8: {  	s7 =	simm.s32 $0x200;
	v12 =	vadd.f32 v12, v14;
	v7 =	vld [tilespmem:s12+$0x18AE0]  }
.LBB2_18:
0x1f9: {  	s5 =	sshra.s32 s7, $0x2;
	p1 =	sne.s32 s7, $0x9E00;
	v13 =	vmax.f32 v13, $0.0e+00;
	v6 =	vadd.f32 v6, v11;
	v11 =	vld [tilespmem:s12+$0x18AF0]  }
0x1fa: {  	v14 =	vld [tilespmem:s5+$0x1B280];
	[tilespmem:s12+$0x18A80] =	vst v13;
	v12 =	vmax.f32 v12, $0.0e+00;
	v5 =	vadd.f32 v5, v10  }
0x1fb: {  	v15 =	vld [tilespmem:s5+$0x1B290];
	[tilespmem:s12+$0x18A90] =	vst v12;
	v10 =	vmax.f32 v6, $0.0e+00;
	v4 =	vadd.f32 v4, v9  }
0x1fc: {  	v6 =	vld [tilespmem:s5+$0x1B2A0];
	[tilespmem:s12+$0x18AA0] =	vst v10;
	v9 =	vmax.f32 v5, $0.0e+00;
	v3 =	vadd.f32 v3, v8  }
0x1fd: {  	v5 =	vld [tilespmem:s5+$0x1B2B0];
	[tilespmem:s12+$0x18AB0] =	vst v9;
	v8 =	vmax.f32 v4, $0.0e+00;
	v2 =	vadd.f32 v2, v7  }
0x1fe: {  	v4 =	vld [tilespmem:s5+$0x1B2C0];
	[tilespmem:s12+$0x18AC0] =	vst v8;
	v7 =	vmax.f32 v3, $0.0e+00;
	v1 =	vadd.f32 v1, v11  }
0x1ff: {  	v3 =	vld [tilespmem:s5+$0x1B2D0];
	[tilespmem:s12+$0x18AD0] =	vst v7;
	v7 =	vmax.f32 v2, $0.0e+00  }
0x200: {  	v2 =	vld [tilespmem:s5+$0x1B2E0];
	[tilespmem:s12+$0x18AE0] =	vst v7;
	v7 =	vmax.f32 v1, $0.0e+00  }
0x201: {  	v1 =	vld [tilespmem:s5+$0x1B2F0];
	[tilespmem:s12+$0x18AF0] =	vst v7;
	s12 =	smov.u32 s5  }
0x202: {  	v7 =	vld [tilespmem:s12+$0x18A80]  }
0x203: {  	v12 =	vld [tilespmem:s12+$0x18A90]  }
.Ltmp9:
0x204: {  	v11 =	vld [tilespmem:s12+$0x18AA0];
	(pc) =	sbr.rel @p1 .LBB2_18-.Ltmp9, $4  }
0x205: {  	v10 =	vld [tilespmem:s12+$0x18AB0]  }
0x206: {  	v9 =	vld [tilespmem:s12+$0x18AC0]  }
0x207: {  	v13 =	vadd.f32 v14, v7;
	v8 =	vld [tilespmem:s12+$0x18AD0]  }
0x208: {  	s7 =	sadd.s32 $0x200, s7;
	v12 =	vadd.f32 v15, v12;
	v7 =	vld [tilespmem:s12+$0x18AE0]  }
0x209: {  	v13 =	vmax.f32 v13, $0.0e+00;
	v6 =	vadd.f32 v6, v11;
	v63 =	vld [tilespmem:s12+$0x18AF0]  }
0x20a: {  	[tilespmem:s12+$0x18A80] =	vst v13;
	v12 =	vmax.f32 v12, $0.0e+00;
	v5 =	vadd.f32 v5, v10  }
0x20b: {  	[tilespmem:s12+$0x18A90] =	vst v12;
	v6 =	vmax.f32 v6, $0.0e+00;
	v4 =	vadd.f32 v4, v9  }
0x20c: {  	[tilespmem:s12+$0x18AA0] =	vst v6;
	v5 =	vmax.f32 v5, $0.0e+00;
	v3 =	vadd.f32 v3, v8  }
0x20d: {  	[tilespmem:s12+$0x18AB0] =	vst v5;
	v4 =	vmax.f32 v4, $0.0e+00;
	v2 =	vadd.f32 v2, v7  }
0x20e: {  	[tilespmem:s12+$0x18AC0] =	vst v4;
	v3 =	vmax.f32 v3, $0.0e+00;
	v1 =	vadd.f32 v1, v63  }
0x20f: {  	[tilespmem:s12+$0x18AD0] =	vst v3;
	v2 =	vmax.f32 v2, $0.0e+00  }
0x210: {  	p1 =	seq.s32 s13, $0x3D;
	[tilespmem:s12+$0x18AE0] =	vst v2;
	v1 =	vmax.f32 v1, $0.0e+00  }
.Ltmp10:
0x211: {  	[tilespmem:s12+$0x18AF0] =	vst v1;
	(pc) =	sbr.rel @p1 .LBB2_21-.Ltmp10, $4  }
0x212: {  	[spmem:s1] =	stream.indirect.scatter.add.f32 [tilespmem:s9], [sflag:$0x5], $0x80, s22, s29, $0xb8;
	[tilespmem:$0x1DA80] =	vst v63  }
0x213: {  	_ =	swait.ge [sflag:s28], $0x2800  }
0x214: {  	[sflag:s28] =	ssyncset.done $0x0  }
0x215: {  	[sflag:s28] =	ssyncadd.s32 $0xFFFFD800  }
0x216: {  	s5 =	rddreg [dreg:$0x12]  }
0x217: {  	s5 =	sadd.s32 s14, s5  }
0x218: {  	s6 =	sshrl.u32 s5, $0x3  }
0x219: {  	s7 =	sadd.s32 s19, s6  }
0x21a: {  	[tilespmem:s21], [sflag:$0x2] =	stream.linear.gather [hbm4b:s7+s3], $0x50, $0x38;
	[tilespmem:$0x1DA80] =	vst v63  }
.Ltmp11:
0x21b: {  	_ = 	snop;
	(pc) =	sbr.rel .LBB2_15-.Ltmp11, $4  }
0x21c: {  	s5 =	sshll.u32 s5, $0x4;
	s6 =	sadd.s32 s4, s6  }
0x21d: {  	[tilespmem:s22], [sflag:$0x2] =	stream.linear.gather [hbm4b:s6+s3], $0x50, $0x38;
	[tilespmem:$0x1DA80] =	vst v63  }
0x21e: {  	s13 =	sadd.s32 $0x1, s13;
	s14 =	simm.s32 $0x1B280;
	s5 =	sadd.s32 s18, s5  }
0x21f: {  	[tilespmem:s14], [sflag:$0x2] =	stream.linear.gather [hbm4b:s5+s3], $0x2800, $0x38;
	[tilespmem:$0x1DA80] =	vst v63  }
.LBB2_11:
0x220: {  	_ =	swait.ge [sflag:s10], $0x2800  }
0x221: {  	[sflag:s10] =	ssyncset.done $0x0  }
0x222: {  	s12 =	simm.s32 $0x0;
	[sflag:s10] =	ssyncadd.s32 $0xFFFFD800  }
0x223: {  	v7 =	vld [tilespmem:s12+$0x16180]  }
0x224: {  	v12 =	vld [tilespmem:s12+$0x16190]  }
0x225: {  	v6 =	vld [tilespmem:s12+$0x161A0]  }
0x226: {  	v5 =	vld [tilespmem:s12+$0x161B0]  }
0x227: {  	v4 =	vld [tilespmem:s12+$0x161C0]  }
0x228: {  	v3 =	vld [tilespmem:s12+$0x161D0]  }
0x229: {  	v2 =	vld [tilespmem:s12+$0x161E0]  }
0x22a: {  	v1 =	vld [tilespmem:s12+$0x161F0]  }
0x22b: {  	v13 =	vld [tilespmem:s12+$0x13980]  }
0x22c: {  	v14 =	vld [tilespmem:s12+$0x13990]  }
0x22d: {  	v11 =	vld [tilespmem:s12+$0x139A0]  }
0x22e: {  	v10 =	vld [tilespmem:s12+$0x139B0]  }
0x22f: {  	v9 =	vld [tilespmem:s12+$0x139C0]  }
0x230: {  	v8 =	vld [tilespmem:s12+$0x139D0];
	v13 =	vadd.f32 v7, v13  }
0x231: {  	s7 =	simm.s32 $0x200;
	s14 =	rddreg [dreg:$0x4];
	v12 =	vadd.f32 v12, v14;
	v7 =	vld [tilespmem:s12+$0x139E0]  }
.LBB2_12:
0x232: {  	s5 =	sshra.s32 s7, $0x2;
	p1 =	seq.s32 s7, $0x9E00;
	v13 =	vmax.f32 v13, $0.0e+00;
	v6 =	vadd.f32 v6, v11;
	v11 =	vld [tilespmem:s12+$0x139F0]  }
0x233: {  	v14 =	vld [tilespmem:s5+$0x16180];
	[tilespmem:s12+$0x13980] =	vst v13;
	v12 =	vmax.f32 v12, $0.0e+00;
	v5 =	vadd.f32 v5, v10  }
0x234: {  	v15 =	vld [tilespmem:s5+$0x16190];
	[tilespmem:s12+$0x13990] =	vst v12;
	v10 =	vmax.f32 v6, $0.0e+00;
	v4 =	vadd.f32 v4, v9  }
0x235: {  	v6 =	vld [tilespmem:s5+$0x161A0];
	[tilespmem:s12+$0x139A0] =	vst v10;
	v9 =	vmax.f32 v5, $0.0e+00;
	v3 =	vadd.f32 v3, v8  }
0x236: {  	v5 =	vld [tilespmem:s5+$0x161B0];
	[tilespmem:s12+$0x139B0] =	vst v9;
	v8 =	vmax.f32 v4, $0.0e+00;
	v2 =	vadd.f32 v2, v7  }
0x237: {  	v4 =	vld [tilespmem:s5+$0x161C0];
	[tilespmem:s12+$0x139C0] =	vst v8;
	v7 =	vmax.f32 v3, $0.0e+00;
	v1 =	vadd.f32 v1, v11  }
0x238: {  	v3 =	vld [tilespmem:s5+$0x161D0];
	[tilespmem:s12+$0x139D0] =	vst v7;
	v7 =	vmax.f32 v2, $0.0e+00  }
0x239: {  	v2 =	vld [tilespmem:s5+$0x161E0];
	[tilespmem:s12+$0x139E0] =	vst v7;
	v7 =	vmax.f32 v1, $0.0e+00  }
0x23a: {  	v1 =	vld [tilespmem:s5+$0x161F0];
	[tilespmem:s12+$0x139F0] =	vst v7;
	s12 =	smov.u32 s5  }
0x23b: {  	v7 =	vld [tilespmem:s12+$0x13980]  }
0x23c: {  	v12 =	vld [tilespmem:s12+$0x13990]  }
.Ltmp12:
0x23d: {  	v11 =	vld [tilespmem:s12+$0x139A0];
	(pc) =	sbr.rel @!p1 .LBB2_12-.Ltmp12, $4  }
0x23e: {  	v10 =	vld [tilespmem:s12+$0x139B0]  }
0x23f: {  	v9 =	vld [tilespmem:s12+$0x139C0]  }
0x240: {  	v13 =	vadd.f32 v14, v7;
	v8 =	vld [tilespmem:s12+$0x139D0]  }
0x241: {  	s7 =	sadd.s32 $0x200, s7;
	v12 =	vadd.f32 v15, v12;
	v7 =	vld [tilespmem:s12+$0x139E0]  }
0x242: {  	v13 =	vmax.f32 v13, $0.0e+00;
	v6 =	vadd.f32 v6, v11;
	v63 =	vld [tilespmem:s12+$0x139F0]  }
0x243: {  	[tilespmem:s12+$0x13980] =	vst v13;
	v12 =	vmax.f32 v12, $0.0e+00;
	v5 =	vadd.f32 v5, v10  }
0x244: {  	[tilespmem:s12+$0x13990] =	vst v12;
	v6 =	vmax.f32 v6, $0.0e+00;
	v4 =	vadd.f32 v4, v9  }
0x245: {  	[tilespmem:s12+$0x139A0] =	vst v6;
	v5 =	vmax.f32 v5, $0.0e+00;
	v3 =	vadd.f32 v3, v8  }
.Ltmp13:
0x246: {  	[tilespmem:s12+$0x139B0] =	vst v5;
	v4 =	vmax.f32 v4, $0.0e+00;
	v2 =	vadd.f32 v2, v7;
	(pc) =	sbr.rel .LBB2_24-.Ltmp13, $4  }
0x247: {  	[tilespmem:s12+$0x139C0] =	vst v4;
	v3 =	vmax.f32 v3, $0.0e+00;
	v1 =	vadd.f32 v1, v63  }
0x248: {  	[tilespmem:s12+$0x139D0] =	vst v3;
	v2 =	vmax.f32 v2, $0.0e+00  }
0x249: {  	[tilespmem:s12+$0x139E0] =	vst v2;
	v1 =	vmax.f32 v1, $0.0e+00  }
0x24a: {  	s13 =	rddreg [dreg:$0xe];
	[tilespmem:s12+$0x139F0] =	vst v1  }
.LBB2_21:
0x24b: {  	_ =	swait.ge [sflag:s10], $0x2800  }
0x24c: {  	[sflag:s10] =	ssyncset.done $0x0  }
0x24d: {  	s12 =	simm.s32 $0x0;
	[sflag:s10] =	ssyncadd.s32 $0xFFFFD800  }
0x24e: {  	v7 =	vld [tilespmem:s12+$0x16180]  }
0x24f: {  	v12 =	vld [tilespmem:s12+$0x16190]  }
0x250: {  	v6 =	vld [tilespmem:s12+$0x161A0]  }
0x251: {  	v5 =	vld [tilespmem:s12+$0x161B0]  }
0x252: {  	v4 =	vld [tilespmem:s12+$0x161C0]  }
0x253: {  	v3 =	vld [tilespmem:s12+$0x161D0]  }
0x254: {  	v2 =	vld [tilespmem:s12+$0x161E0]  }
0x255: {  	v1 =	vld [tilespmem:s12+$0x161F0]  }
0x256: {  	v13 =	vld [tilespmem:s12+$0x13980]  }
0x257: {  	v14 =	vld [tilespmem:s12+$0x13990]  }
0x258: {  	v11 =	vld [tilespmem:s12+$0x139A0]  }
0x259: {  	v10 =	vld [tilespmem:s12+$0x139B0]  }
0x25a: {  	v9 =	vld [tilespmem:s12+$0x139C0]  }
0x25b: {  	v8 =	vld [tilespmem:s12+$0x139D0];
	v13 =	vadd.f32 v7, v13  }
0x25c: {  	s7 =	simm.s32 $0x200;
	s14 =	rddreg [dreg:$0x4];
	v12 =	vadd.f32 v12, v14;
	v7 =	vld [tilespmem:s12+$0x139E0]  }
.LBB2_22:
0x25d: {  	s5 =	sshra.s32 s7, $0x2;
	p1 =	sne.s32 s7, $0x9E00;
	v13 =	vmax.f32 v13, $0.0e+00;
	v6 =	vadd.f32 v6, v11;
	v11 =	vld [tilespmem:s12+$0x139F0]  }
0x25e: {  	v14 =	vld [tilespmem:s5+$0x16180];
	[tilespmem:s12+$0x13980] =	vst v13;
	v12 =	vmax.f32 v12, $0.0e+00;
	v5 =	vadd.f32 v5, v10  }
0x25f: {  	v15 =	vld [tilespmem:s5+$0x16190];
	[tilespmem:s12+$0x13990] =	vst v12;
	v10 =	vmax.f32 v6, $0.0e+00;
	v4 =	vadd.f32 v4, v9  }
0x260: {  	v6 =	vld [tilespmem:s5+$0x161A0];
	[tilespmem:s12+$0x139A0] =	vst v10;
	v9 =	vmax.f32 v5, $0.0e+00;
	v3 =	vadd.f32 v3, v8  }
0x261: {  	v5 =	vld [tilespmem:s5+$0x161B0];
	[tilespmem:s12+$0x139B0] =	vst v9;
	v8 =	vmax.f32 v4, $0.0e+00;
	v2 =	vadd.f32 v2, v7  }
0x262: {  	v4 =	vld [tilespmem:s5+$0x161C0];
	[tilespmem:s12+$0x139C0] =	vst v8;
	v7 =	vmax.f32 v3, $0.0e+00;
	v1 =	vadd.f32 v1, v11  }
0x263: {  	v3 =	vld [tilespmem:s5+$0x161D0];
	[tilespmem:s12+$0x139D0] =	vst v7;
	v7 =	vmax.f32 v2, $0.0e+00  }
0x264: {  	v2 =	vld [tilespmem:s5+$0x161E0];
	[tilespmem:s12+$0x139E0] =	vst v7;
	v7 =	vmax.f32 v1, $0.0e+00  }
0x265: {  	v1 =	vld [tilespmem:s5+$0x161F0];
	[tilespmem:s12+$0x139F0] =	vst v7;
	s12 =	smov.u32 s5  }
0x266: {  	v7 =	vld [tilespmem:s12+$0x13980]  }
0x267: {  	v12 =	vld [tilespmem:s12+$0x13990]  }
.Ltmp14:
0x268: {  	v11 =	vld [tilespmem:s12+$0x139A0];
	(pc) =	sbr.rel @p1 .LBB2_22-.Ltmp14, $4  }
0x269: {  	v10 =	vld [tilespmem:s12+$0x139B0]  }
0x26a: {  	v9 =	vld [tilespmem:s12+$0x139C0]  }
0x26b: {  	v13 =	vadd.f32 v14, v7;
	v8 =	vld [tilespmem:s12+$0x139D0]  }
0x26c: {  	s7 =	sadd.s32 $0x200, s7;
	v12 =	vadd.f32 v15, v12;
	v7 =	vld [tilespmem:s12+$0x139E0]  }
0x26d: {  	v13 =	vmax.f32 v13, $0.0e+00;
	v6 =	vadd.f32 v6, v11;
	v63 =	vld [tilespmem:s12+$0x139F0]  }
0x26e: {  	[tilespmem:s12+$0x13980] =	vst v13;
	v12 =	vmax.f32 v12, $0.0e+00;
	v5 =	vadd.f32 v5, v10  }
0x26f: {  	[tilespmem:s12+$0x13990] =	vst v12;
	v6 =	vmax.f32 v6, $0.0e+00;
	v4 =	vadd.f32 v4, v9  }
0x270: {  	[tilespmem:s12+$0x139A0] =	vst v6;
	v5 =	vmax.f32 v5, $0.0e+00;
	v3 =	vadd.f32 v3, v8  }
0x271: {  	[tilespmem:s12+$0x139B0] =	vst v5;
	v4 =	vmax.f32 v4, $0.0e+00;
	v2 =	vadd.f32 v2, v7  }
0x272: {  	[tilespmem:s12+$0x139C0] =	vst v4;
	v3 =	vmax.f32 v3, $0.0e+00;
	v1 =	vadd.f32 v1, v63  }
0x273: {  	[tilespmem:s12+$0x139D0] =	vst v3;
	v2 =	vmax.f32 v2, $0.0e+00  }
0x274: {  	[tilespmem:s12+$0x139E0] =	vst v2;
	v1 =	vmax.f32 v1, $0.0e+00  }
0x275: {  	s13 =	rddreg [dreg:$0x10];
	[tilespmem:s12+$0x139F0] =	vst v1  }
.LBB2_24:
0x276: {  	[spmem:s1] =	stream.indirect.scatter.add.f32 [tilespmem:s30], [sflag:$0x5], $0x80, s31, s29, $0xb8;
	[tilespmem:$0x1DA80] =	vst v63  }
0x277: {  	_ =	swait.ge [sflag:s28], $0x2800  }
0x278: {  	[sflag:s28] =	ssyncset.done $0x0  }
0x279: {  	[sflag:s28] =	ssyncadd.s32 $0xFFFFD800  }
0x27a: {  	s12 =	simm.s32 $0x0;
	[bflag:$0x0] =	sbarrier.arrive $0xFFFF  }
0x27b: {  	[tilespmem:s24], [sflag:$0x5] =	stream.linear.gather [hbm4b:s14+s12], $0x50, $0x38;
	[tilespmem:$0x1DA80] =	vst v63  }
0x27c: {  	_ =	swait.ge [sflag:s28], $0x50  }
0x27d: {  	[sflag:s28] =	ssyncset.done $0x0  }
0x27e: {  	[sflag:s28] =	ssyncadd.s32 $0xFFFFFFB0  }
0x27f: {  	[tilespmem:s30], [sflag:$0x5] =	stream.indirect.gather [spmem:s1], $0x80, s24, s29, $0xb8;
	[tilespmem:$0x1DA80] =	vst v63  }
0x280: {  	_ =	swait.ge [sflag:s28], $0x2800  }
0x281: {  	s5 =	sld [smem:$0x7FD];
	_ =	sdelay $0x1  }
0x282: {  	[sflag:s28] =	ssyncset.done $0x0  }
0x283: {  	[sflag:s28] =	ssyncadd.s32 $0xFFFFD800;
	s5 =	sadd.s32 s13, s5  }
0x284: {  	[hbm4b:s5+s12] =	stream.linear.scatter [tilespmem:s30], [sflag:$0x5], $0x2800, $0x38;
	[tilespmem:$0x1DA80] =	vst v63  }
0x285: {  	_ =	swait.ge [sflag:s28], $0x2800  }
0x286: {  	[sflag:s28] =	ssyncset.done $0x0  }
0x287: {  	s6 =	rddreg [dreg:$0x5];
	[sflag:s28] =	ssyncadd.s32 $0xFFFFD800  }
0x288: {  	[tilespmem:s24], [sflag:$0x5] =	stream.linear.gather [hbm4b:s6+s12], $0x50, $0x38;
	[tilespmem:$0x1DA80] =	vst v63  }
0x289: {  	_ =	swait.ge [sflag:s28], $0x50  }
0x28a: {  	[sflag:s28] =	ssyncset.done $0x0  }
0x28b: {  	[sflag:s28] =	ssyncadd.s32 $0xFFFFFFB0  }
0x28c: {  	[tilespmem:s30], [sflag:$0x5] =	stream.indirect.gather [spmem:s1], $0x80, s24, s29, $0xb8;
	[tilespmem:$0x1DA80] =	vst v63  }
0x28d: {  	_ =	swait.ge [sflag:s28], $0x2800  }
0x28e: {  	[sflag:s28] =	ssyncset.done $0x0;
	s7 =	rddreg [dreg:$0x13]  }
0x28f: {  	s5 =	sadd.s32 s13, s7;
	[sflag:s28] =	ssyncadd.s32 $0xFFFFD800  }
0x290: {  	[hbm4b:s5+s12] =	stream.linear.scatter [tilespmem:s30], [sflag:$0x5], $0x2800, $0x38;
	[tilespmem:$0x1DA80] =	vst v63  }
0x291: {  	_ =	swait.ge [sflag:s28], $0x2800  }
0x292: {  	[sflag:s28] =	ssyncset.done $0x0  }
0x293: {  	s6 =	rddreg [dreg:$0x6];
	[sflag:s28] =	ssyncadd.s32 $0xFFFFD800  }
0x294: {  	[tilespmem:s24], [sflag:$0x5] =	stream.linear.gather [hbm4b:s6+s12], $0x50, $0x38;
	[tilespmem:$0x1DA80] =	vst v63  }
0x295: {  	_ =	swait.ge [sflag:s28], $0x50  }
0x296: {  	[sflag:s28] =	ssyncset.done $0x0  }
0x297: {  	[sflag:s28] =	ssyncadd.s32 $0xFFFFFFB0  }
0x298: {  	[tilespmem:s30], [sflag:$0x5] =	stream.indirect.gather [spmem:s1], $0x80, s24, s29, $0xb8;
	[tilespmem:$0x1DA80] =	vst v63  }
0x299: {  	_ =	swait.ge [sflag:s28], $0x2800  }
0x29a: {  	[sflag:s28] =	ssyncset.done $0x0;
	s7 =	rddreg [dreg:$0x14]  }
0x29b: {  	s5 =	sadd.s32 s13, s7;
	[sflag:s28] =	ssyncadd.s32 $0xFFFFD800  }
0x29c: {  	[hbm4b:s5+s12] =	stream.linear.scatter [tilespmem:s30], [sflag:$0x5], $0x2800, $0x38;
	[tilespmem:$0x1DA80] =	vst v63  }
0x29d: {  	_ =	swait.ge [sflag:s28], $0x2800  }
0x29e: {  	[sflag:s28] =	ssyncset.done $0x0  }
0x29f: {  	s6 =	rddreg [dreg:$0x7];
	[sflag:s28] =	ssyncadd.s32 $0xFFFFD800  }
0x2a0: {  	[tilespmem:s24], [sflag:$0x5] =	stream.linear.gather [hbm4b:s6+s12], $0x50, $0x38;
	[tilespmem:$0x1DA80] =	vst v63  }
0x2a1: {  	_ =	swait.ge [sflag:s28], $0x50  }
0x2a2: {  	[sflag:s28] =	ssyncset.done $0x0  }
0x2a3: {  	[sflag:s28] =	ssyncadd.s32 $0xFFFFFFB0  }
0x2a4: {  	[tilespmem:s30], [sflag:$0x5] =	stream.indirect.gather [spmem:s1], $0x80, s24, s29, $0xb8;
	[tilespmem:$0x1DA80] =	vst v63  }
0x2a5: {  	_ =	swait.ge [sflag:s28], $0x2800  }
0x2a6: {  	[sflag:s28] =	ssyncset.done $0x0;
	s7 =	rddreg [dreg:$0x15]  }
0x2a7: {  	s5 =	sadd.s32 s13, s7;
	[sflag:s28] =	ssyncadd.s32 $0xFFFFD800  }
0x2a8: {  	[hbm4b:s5+s12] =	stream.linear.scatter [tilespmem:s30], [sflag:$0x5], $0x2800, $0x38;
	[tilespmem:$0x1DA80] =	vst v63  }
0x2a9: {  	_ =	swait.ge [sflag:s28], $0x2800  }
0x2aa: {  	[sflag:s28] =	ssyncset.done $0x0  }
0x2ab: {  	s6 =	rddreg [dreg:$0x8];
	[sflag:s28] =	ssyncadd.s32 $0xFFFFD800  }
0x2ac: {  	[tilespmem:s24], [sflag:$0x5] =	stream.linear.gather [hbm4b:s6+s12], $0x50, $0x38;
	[tilespmem:$0x1DA80] =	vst v63  }
0x2ad: {  	_ =	swait.ge [sflag:s28], $0x50  }
0x2ae: {  	[sflag:s28] =	ssyncset.done $0x0  }
0x2af: {  	[sflag:s28] =	ssyncadd.s32 $0xFFFFFFB0  }
0x2b0: {  	[tilespmem:s30], [sflag:$0x5] =	stream.indirect.gather [spmem:s1], $0x80, s24, s29, $0xb8;
	[tilespmem:$0x1DA80] =	vst v63  }
0x2b1: {  	_ =	swait.ge [sflag:s28], $0x2800  }
0x2b2: {  	[sflag:s28] =	ssyncset.done $0x0;
	s7 =	rddreg [dreg:$0x16]  }
0x2b3: {  	s5 =	sadd.s32 s13, s7;
	[sflag:s28] =	ssyncadd.s32 $0xFFFFD800  }
0x2b4: {  	[hbm4b:s5+s12] =	stream.linear.scatter [tilespmem:s30], [sflag:$0x5], $0x2800, $0x38;
	[tilespmem:$0x1DA80] =	vst v63  }
0x2b5: {  	_ =	swait.ge [sflag:s28], $0x2800  }
0x2b6: {  	[sflag:s28] =	ssyncset.done $0x0  }
0x2b7: {  	s6 =	rddreg [dreg:$0x9];
	[sflag:s28] =	ssyncadd.s32 $0xFFFFD800  }
0x2b8: {  	[tilespmem:s24], [sflag:$0x5] =	stream.linear.gather [hbm4b:s6+s12], $0x50, $0x38;
	[tilespmem:$0x1DA80] =	vst v63  }
0x2b9: {  	_ =	swait.ge [sflag:s28], $0x50  }
0x2ba: {  	[sflag:s28] =	ssyncset.done $0x0  }
0x2bb: {  	[sflag:s28] =	ssyncadd.s32 $0xFFFFFFB0  }
0x2bc: {  	[tilespmem:s30], [sflag:$0x5] =	stream.indirect.gather [spmem:s1], $0x80, s24, s29, $0xb8;
	[tilespmem:$0x1DA80] =	vst v63  }
0x2bd: {  	_ =	swait.ge [sflag:s28], $0x2800  }
0x2be: {  	[sflag:s28] =	ssyncset.done $0x0;
	s7 =	rddreg [dreg:$0x17]  }
0x2bf: {  	s5 =	sadd.s32 s13, s7;
	[sflag:s28] =	ssyncadd.s32 $0xFFFFD800  }
0x2c0: {  	[hbm4b:s5+s12] =	stream.linear.scatter [tilespmem:s30], [sflag:$0x5], $0x2800, $0x38;
	[tilespmem:$0x1DA80] =	vst v63  }
0x2c1: {  	_ =	swait.ge [sflag:s28], $0x2800  }
0x2c2: {  	[sflag:s28] =	ssyncset.done $0x0  }
0x2c3: {  	s6 =	rddreg [dreg:$0xa];
	[sflag:s28] =	ssyncadd.s32 $0xFFFFD800  }
0x2c4: {  	[tilespmem:s24], [sflag:$0x5] =	stream.linear.gather [hbm4b:s6+s12], $0x50, $0x38;
	[tilespmem:$0x1DA80] =	vst v63  }
0x2c5: {  	_ =	swait.ge [sflag:s28], $0x50  }
0x2c6: {  	[sflag:s28] =	ssyncset.done $0x0  }
0x2c7: {  	[sflag:s28] =	ssyncadd.s32 $0xFFFFFFB0  }
0x2c8: {  	[tilespmem:s30], [sflag:$0x5] =	stream.indirect.gather [spmem:s1], $0x80, s24, s29, $0xb8;
	[tilespmem:$0x1DA80] =	vst v63  }
0x2c9: {  	_ =	swait.ge [sflag:s28], $0x2800  }
0x2ca: {  	[sflag:s28] =	ssyncset.done $0x0;
	s7 =	rddreg [dreg:$0x18]  }
0x2cb: {  	s5 =	sadd.s32 s13, s7;
	[sflag:s28] =	ssyncadd.s32 $0xFFFFD800  }
0x2cc: {  	[hbm4b:s5+s12] =	stream.linear.scatter [tilespmem:s30], [sflag:$0x5], $0x2800, $0x38;
	[tilespmem:$0x1DA80] =	vst v63  }
0x2cd: {  	_ =	swait.ge [sflag:s28], $0x2800  }
0x2ce: {  	[sflag:s28] =	ssyncset.done $0x0  }
0x2cf: {  	s6 =	rddreg [dreg:$0xb];
	[sflag:s28] =	ssyncadd.s32 $0xFFFFD800  }
0x2d0: {  	[tilespmem:s24], [sflag:$0x5] =	stream.linear.gather [hbm4b:s6+s12], $0x50, $0x38;
	[tilespmem:$0x1DA80] =	vst v63  }
0x2d1: {  	_ =	swait.ge [sflag:s28], $0x50  }
0x2d2: {  	[sflag:s28] =	ssyncset.done $0x0  }
0x2d3: {  	[sflag:s28] =	ssyncadd.s32 $0xFFFFFFB0  }
0x2d4: {  	[tilespmem:s30], [sflag:$0x5] =	stream.indirect.gather [spmem:s1], $0x80, s24, s29, $0xb8;
	[tilespmem:$0x1DA80] =	vst v63  }
0x2d5: {  	_ =	swait.ge [sflag:s28], $0x2800  }
0x2d6: {  	[sflag:s28] =	ssyncset.done $0x0;
	s7 =	rddreg [dreg:$0x19]  }
0x2d7: {  	s5 =	sadd.s32 s13, s7;
	[sflag:s28] =	ssyncadd.s32 $0xFFFFD800  }
0x2d8: {  	[hbm4b:s5+s12] =	stream.linear.scatter [tilespmem:s30], [sflag:$0x5], $0x2800, $0x38;
	[tilespmem:$0x1DA80] =	vst v63  }
0x2d9: {  	_ =	swait.ge [sflag:s28], $0x2800  }
0x2da: {  	[sflag:s28] =	ssyncset.done $0x0  }
0x2db: {  	[sflag:s28] =	ssyncadd.s32 $0xFFFFD800  }
0x2dc: {  	s7 =	simm.s32 $0x0;
	s12 =	simm.s32 $0x200;
	[bflag:$0x0] =	sbarrier.arrive $0xFFFF  }
.LBB2_25:
0x2dd: {  	p1 =	sne.s32 s12, $0x9E00;
	[tilespmem:s7+$0x139F0] =	vst v0  }
0x2de: {  	[tilespmem:s7+$0x13980] =	vst v0  }
0x2df: {  	[tilespmem:s7+$0x13990] =	vst v0  }
.Ltmp15:
0x2e0: {  	[tilespmem:s7+$0x139A0] =	vst v0;
	(pc) =	sbr.rel @p1 .LBB2_25-.Ltmp15, $4  }
0x2e1: {  	[tilespmem:s7+$0x139B0] =	vst v0  }
0x2e2: {  	[tilespmem:s7+$0x139C0] =	vst v0  }
0x2e3: {  	[tilespmem:s7+$0x139D0] =	vst v0  }
0x2e4: {  	[tilespmem:s7+$0x139E0] =	vst v0;
	s7 =	sshra.s32 s12, $0x2;
	s12 =	sadd.s32 $0x200, s12  }
0x2e5: {  	[tilespmem:s7+$0x139F0] =	vst v0  }
0x2e6: {  	[tilespmem:s7+$0x13980] =	vst v0  }
0x2e7: {  	[tilespmem:s7+$0x13990] =	vst v0  }
0x2e8: {  	[tilespmem:s7+$0x139A0] =	vst v0  }
0x2e9: {  	[tilespmem:s7+$0x139B0] =	vst v0  }
0x2ea: {  	[tilespmem:s7+$0x139C0] =	vst v0  }
0x2eb: {  	[tilespmem:s7+$0x139D0] =	vst v0  }
0x2ec: {  	[tilespmem:s7+$0x139E0] =	vst v0  }
0x2ed: {  	[tilespmem:s24], [sflag:$0x5] =	stream.linear.gather [hbm4b:s14+s3], $0x50, $0x38;
	[tilespmem:$0x1DA80] =	vst v63  }
0x2ee: {  	_ =	swait.ge [sflag:s28], $0x50  }
0x2ef: {  	[sflag:s28] =	ssyncset.done $0x0  }
0x2f0: {  	[sflag:s28] =	ssyncadd.s32 $0xFFFFFFB0  }
0x2f1: {  	[spmem:s1] =	stream.indirect.scatter [tilespmem:s30], [sflag:$0x5], $0x80, s24, s29, $0xb8;
	[tilespmem:$0x1DA80] =	vst v63  }
0x2f2: {  	_ =	swait.ge [sflag:s28], $0x2800  }
0x2f3: {  	[sflag:s28] =	ssyncset.done $0x0  }
0x2f4: {  	s5 =	rddreg [dreg:$0x5];
	[sflag:s28] =	ssyncadd.s32 $0xFFFFD800  }
0x2f5: {  	[tilespmem:s24], [sflag:$0x5] =	stream.linear.gather [hbm4b:s5+s3], $0x50, $0x38;
	[tilespmem:$0x1DA80] =	vst v63  }
0x2f6: {  	_ =	swait.ge [sflag:s28], $0x50  }
0x2f7: {  	[sflag:s28] =	ssyncset.done $0x0  }
0x2f8: {  	[sflag:s28] =	ssyncadd.s32 $0xFFFFFFB0  }
0x2f9: {  	[spmem:s1] =	stream.indirect.scatter [tilespmem:s30], [sflag:$0x5], $0x80, s24, s29, $0xb8;
	[tilespmem:$0x1DA80] =	vst v63  }
0x2fa: {  	_ =	swait.ge [sflag:s28], $0x2800  }
0x2fb: {  	[sflag:s28] =	ssyncset.done $0x0  }
0x2fc: {  	s7 =	rddreg [dreg:$0x6];
	[sflag:s28] =	ssyncadd.s32 $0xFFFFD800  }
0x2fd: {  	[tilespmem:s24], [sflag:$0x5] =	stream.linear.gather [hbm4b:s7+s3], $0x50, $0x38;
	[tilespmem:$0x1DA80] =	vst v63  }
0x2fe: {  	_ =	swait.ge [sflag:s28], $0x50  }
0x2ff: {  	[sflag:s28] =	ssyncset.done $0x0  }
0x300: {  	[sflag:s28] =	ssyncadd.s32 $0xFFFFFFB0  }
0x301: {  	[spmem:s1] =	stream.indirect.scatter [tilespmem:s30], [sflag:$0x5], $0x80, s24, s29, $0xb8;
	[tilespmem:$0x1DA80] =	vst v63  }
0x302: {  	_ =	swait.ge [sflag:s28], $0x2800  }
0x303: {  	[sflag:s28] =	ssyncset.done $0x0  }
0x304: {  	s12 =	rddreg [dreg:$0x7];
	[sflag:s28] =	ssyncadd.s32 $0xFFFFD800  }
0x305: {  	[tilespmem:s24], [sflag:$0x5] =	stream.linear.gather [hbm4b:s12+s3], $0x50, $0x38;
	[tilespmem:$0x1DA80] =	vst v63  }
0x306: {  	_ =	swait.ge [sflag:s28], $0x50  }
0x307: {  	[sflag:s28] =	ssyncset.done $0x0  }
0x308: {  	[sflag:s28] =	ssyncadd.s32 $0xFFFFFFB0  }
0x309: {  	[spmem:s1] =	stream.indirect.scatter [tilespmem:s30], [sflag:$0x5], $0x80, s24, s29, $0xb8;
	[tilespmem:$0x1DA80] =	vst v63  }
0x30a: {  	_ =	swait.ge [sflag:s28], $0x2800  }
0x30b: {  	[sflag:s28] =	ssyncset.done $0x0  }
0x30c: {  	s13 =	rddreg [dreg:$0x8];
	[sflag:s28] =	ssyncadd.s32 $0xFFFFD800  }
0x30d: {  	[tilespmem:s24], [sflag:$0x5] =	stream.linear.gather [hbm4b:s13+s3], $0x50, $0x38;
	[tilespmem:$0x1DA80] =	vst v63  }
0x30e: {  	_ =	swait.ge [sflag:s28], $0x50  }
0x30f: {  	[sflag:s28] =	ssyncset.done $0x0  }
0x310: {  	[sflag:s28] =	ssyncadd.s32 $0xFFFFFFB0  }
0x311: {  	[spmem:s1] =	stream.indirect.scatter [tilespmem:s30], [sflag:$0x5], $0x80, s24, s29, $0xb8;
	[tilespmem:$0x1DA80] =	vst v63  }
0x312: {  	_ =	swait.ge [sflag:s28], $0x2800  }
0x313: {  	[sflag:s28] =	ssyncset.done $0x0  }
0x314: {  	s6 =	rddreg [dreg:$0x9];
	[sflag:s28] =	ssyncadd.s32 $0xFFFFD800  }
0x315: {  	[tilespmem:s24], [sflag:$0x5] =	stream.linear.gather [hbm4b:s6+s3], $0x50, $0x38;
	[tilespmem:$0x1DA80] =	vst v63  }
0x316: {  	_ =	swait.ge [sflag:s28], $0x50  }
0x317: {  	[sflag:s28] =	ssyncset.done $0x0  }
0x318: {  	[sflag:s28] =	ssyncadd.s32 $0xFFFFFFB0  }
0x319: {  	[spmem:s1] =	stream.indirect.scatter [tilespmem:s30], [sflag:$0x5], $0x80, s24, s29, $0xb8;
	[tilespmem:$0x1DA80] =	vst v63  }
0x31a: {  	_ =	swait.ge [sflag:s28], $0x2800  }
0x31b: {  	[sflag:s28] =	ssyncset.done $0x0  }
0x31c: {  	s7 =	rddreg [dreg:$0xa];
	[sflag:s28] =	ssyncadd.s32 $0xFFFFD800  }
0x31d: {  	[tilespmem:s24], [sflag:$0x5] =	stream.linear.gather [hbm4b:s7+s3], $0x50, $0x38;
	[tilespmem:$0x1DA80] =	vst v63  }
0x31e: {  	_ =	swait.ge [sflag:s28], $0x50  }
0x31f: {  	[sflag:s28] =	ssyncset.done $0x0  }
0x320: {  	[sflag:s28] =	ssyncadd.s32 $0xFFFFFFB0  }
0x321: {  	[spmem:s1] =	stream.indirect.scatter [tilespmem:s30], [sflag:$0x5], $0x80, s24, s29, $0xb8;
	[tilespmem:$0x1DA80] =	vst v63  }
0x322: {  	_ =	swait.ge [sflag:s28], $0x2800  }
0x323: {  	[sflag:s28] =	ssyncset.done $0x0  }
0x324: {  	s12 =	rddreg [dreg:$0xb];
	[sflag:s28] =	ssyncadd.s32 $0xFFFFD800  }
0x325: {  	[tilespmem:s24], [sflag:$0x5] =	stream.linear.gather [hbm4b:s12+s3], $0x50, $0x38;
	[tilespmem:$0x1DA80] =	vst v63  }
0x326: {  	_ =	swait.ge [sflag:s28], $0x50  }
0x327: {  	[sflag:s28] =	ssyncset.done $0x0  }
0x328: {  	[sflag:s28] =	ssyncadd.s32 $0xFFFFFFB0  }
0x329: {  	[spmem:s1] =	stream.indirect.scatter [tilespmem:s30], [sflag:$0x5], $0x80, s24, s29, $0xb8;
	[tilespmem:$0x1DA80] =	vst v63  }
0x32a: {  	_ =	swait.ge [sflag:s28], $0x2800  }
0x32b: {  	[sflag:s28] =	ssyncset.done $0x0  }
0x32c: {  	[sflag:s28] =	ssyncadd.s32 $0xFFFFD800  }
0x32d: {  	[bflag:$0x0] =	sbarrier.arrive $0xFFFF  }
.Ltmp16:
0x32e: {  	s13 =	rddreg [dreg:$0xd];
	(pc) =	sbr.rel @p0 .LBB2_30-.Ltmp16, $4  }
0x32f: {  	[tilespmem:s0], [sflag:$0x5] =	stream.linear.gather [hbm4b:s13+s3], $0x2800, $0x38;
	[tilespmem:$0x1DA80] =	vst v63  }
0x330: {  	_ =	swait.ge [sflag:s28], $0x2800  }
0x331: {  	[sflag:s28] =	ssyncset.done $0x0  }
0x332: {  	[sflag:s28] =	ssyncadd.s32 $0xFFFFD800  }
0x333: {  	s5 =	rddreg [dreg:$0x1d];
	s13 =	sadd.s32 $0xFFFFFB28, s23  }
0x334: {  	[tilespmem:s31], [sflag:$0x1] =	stream.linear.gather [hbm4b:s5+s3], $0x50, $0x38;
	[tilespmem:$0x1DA80] =	vst v63  }
0x335: {  	s6 =	sadd.s32 $0x4E2, s13  }
0x336: {  	[tilespmem:s22], [sflag:$0x2] =	stream.linear.gather [hbm4b:s6+s3], $0x50, $0x38;
	[tilespmem:$0x1DA80] =	vst v63  }
0x337: {  	_ =	swait.ge [sflag:s2], $0x50  }
0x338: {  	[sflag:s2] =	ssyncset.done $0x0  }
0x339: {  	[sflag:s2] =	ssyncadd.s32 $0xFFFFFFB0  }
0x33a: {  	[spmem:s1] =	stream.indirect.scatter.add.f32 [tilespmem:s0], [sflag:$0x5], $0x80, s31, s29, $0xb8;
	[tilespmem:$0x1DA80] =	vst v63  }
0x33b: {  	_ =	swait.ge [sflag:s28], $0x2800  }
0x33c: {  	[sflag:s28] =	ssyncset.done $0x0  }
0x33d: {  	s5 =	sadd.s32 $0x4EC, s13;
	[sflag:s28] =	ssyncadd.s32 $0xFFFFD800  }
0x33e: {  	[tilespmem:s31], [sflag:$0x1] =	stream.linear.gather [hbm4b:s5+s3], $0x50, $0x38;
	[tilespmem:$0x1DA80] =	vst v63  }
0x33f: {  	_ =	swait.ge [sflag:s8], $0x50  }
0x340: {  	[sflag:s8] =	ssyncset.done $0x0  }
0x341: {  	[sflag:s8] =	ssyncadd.s32 $0xFFFFFFB0  }
0x342: {  	[spmem:s1] =	stream.indirect.scatter.add.f32 [tilespmem:s0], [sflag:$0x5], $0x80, s22, s29, $0xb8;
	[tilespmem:$0x1DA80] =	vst v63  }
0x343: {  	_ =	swait.ge [sflag:s28], $0x2800  }
0x344: {  	s12 =	simm.s32 $0xFFFFFB50;
	s7 =	sadd.s32 $0xFFFFFB3C, s23;
	[sflag:s28] =	ssyncset.done $0x0  }
.LBB2_28:
0x345: {  	s5 =	sadd.s32 $0x4E2, s7  }
0x346: {  	[sflag:s28] =	ssyncadd.s32 $0xFFFFD800;
	s6 =	smov.u32 s12;
	s13 =	sadd.s32 $0x14, s12  }
0x347: {  	[tilespmem:s22], [sflag:$0x2] =	stream.linear.gather [hbm4b:s5+s3], $0x50, $0x38;
	[tilespmem:$0x1DA80] =	vst v63  }
0x348: {  	p1 =	seq.s32 s12, $0xFFFFFFEC;
	_ =	swait.ge [sflag:s2], $0x50  }
0x349: {  	[sflag:s2] =	ssyncset.done $0x0  }
0x34a: {  	[sflag:s2] =	ssyncadd.s32 $0xFFFFFFB0  }
0x34b: {  	[spmem:s1] =	stream.indirect.scatter.add.f32 [tilespmem:s0], [sflag:$0x5], $0x80, s31, s29, $0xb8;
	[tilespmem:$0x1DA80] =	vst v63  }
0x34c: {  	_ =	swait.ge [sflag:s28], $0x2800  }
0x34d: {  	[sflag:s28] =	ssyncset.done $0x0  }
0x34e: {  	s5 =	sadd.s32 $0x4EC, s7;
	[sflag:s28] =	ssyncadd.s32 $0xFFFFD800  }
0x34f: {  	[tilespmem:s31], [sflag:$0x1] =	stream.linear.gather [hbm4b:s5+s3], $0x50, $0x38;
	[tilespmem:$0x1DA80] =	vst v63  }
0x350: {  	_ =	swait.ge [sflag:s8], $0x50  }
.Ltmp17:
0x351: {  	[sflag:s8] =	ssyncset.done $0x0;
	(pc) =	sbr.rel @!p1 .LBB2_28-.Ltmp17, $4  }
0x352: {  	[sflag:s8] =	ssyncadd.s32 $0xFFFFFFB0  }
0x353: {  	[spmem:s1] =	stream.indirect.scatter.add.f32 [tilespmem:s0], [sflag:$0x5], $0x80, s22, s29, $0xb8;
	[tilespmem:$0x1DA80] =	vst v63  }
0x354: {  	_ =	swait.ge [sflag:s28], $0x2800  }
0x355: {  	s7 =	sadd.s32 s6, s23;
	s12 =	smov.u32 s13;
	[sflag:s28] =	ssyncset.done $0x0  }
0x356: {  	s5 =	sadd.s32 $0x4E2, s7;
	[sflag:s28] =	ssyncadd.s32 $0xFFFFD800  }
0x357: {  	[tilespmem:s22], [sflag:$0x2] =	stream.linear.gather [hbm4b:s5+s3], $0x50, $0x38;
	[tilespmem:$0x1DA80] =	vst v63  }
0x358: {  	_ =	swait.ge [sflag:s2], $0x50  }
0x359: {  	[sflag:s2] =	ssyncset.done $0x0  }
0x35a: {  	[sflag:s2] =	ssyncadd.s32 $0xFFFFFFB0  }
0x35b: {  	[spmem:s1] =	stream.indirect.scatter.add.f32 [tilespmem:s0], [sflag:$0x5], $0x80, s31, s29, $0xb8;
	[tilespmem:$0x1DA80] =	vst v63  }
0x35c: {  	_ =	swait.ge [sflag:s28], $0x2800  }
0x35d: {  	[sflag:s28] =	ssyncset.done $0x0  }
0x35e: {  	s13 =	sadd.s32 $0x4EC, s7;
	[sflag:s28] =	ssyncadd.s32 $0xFFFFD800  }
0x35f: {  	[tilespmem:s31], [sflag:$0x1] =	stream.linear.gather [hbm4b:s13+s3], $0x50, $0x38;
	[tilespmem:$0x1DA80] =	vst v63  }
0x360: {  	_ =	swait.ge [sflag:s8], $0x50  }
0x361: {  	[sflag:s8] =	ssyncset.done $0x0  }
.Ltmp18:
0x362: {  	[sflag:s8] =	ssyncadd.s32 $0xFFFFFFB0;
	(pc) =	sbr.rel .LBB2_33-.Ltmp18, $4  }
0x363: {  	[spmem:s1] =	stream.indirect.scatter.add.f32 [tilespmem:s0], [sflag:$0x5], $0x80, s22, s29, $0xb8;
	[tilespmem:$0x1DA80] =	vst v63  }
0x364: {  	_ =	swait.ge [sflag:s28], $0x2800  }
0x365: {  	[sflag:s28] =	ssyncset.done $0x0;
	s13 =	rddreg [dreg:$0xf]  }
0x366: {  	s6 =	sld [smem:$0x7F5];
	[sflag:s28] =	ssyncadd.s32 $0xFFFFD800  }
.LBB2_30:
0x367: {  	s5 =	rddreg [dreg:$0x1b];
	s13 =	sadd.s32 $0xFFFFFB28, s20  }
0x368: {  	[tilespmem:s31], [sflag:$0x1] =	stream.linear.gather [hbm4b:s5+s3], $0x50, $0x38;
	[tilespmem:$0x1DA80] =	vst v63  }
0x369: {  	s6 =	sadd.s32 $0x4E2, s13  }
0x36a: {  	[tilespmem:s22], [sflag:$0x2] =	stream.linear.gather [hbm4b:s6+s3], $0x50, $0x38;
	[tilespmem:$0x1DA80] =	vst v63  }
0x36b: {  	_ =	swait.ge [sflag:s2], $0x50  }
0x36c: {  	[sflag:s2] =	ssyncset.done $0x0  }
0x36d: {  	[sflag:s2] =	ssyncadd.s32 $0xFFFFFFB0  }
0x36e: {  	[spmem:s1] =	stream.indirect.scatter.add.f32 [tilespmem:s0], [sflag:$0x5], $0x80, s31, s29, $0xb8;
	[tilespmem:$0x1DA80] =	vst v63  }
0x36f: {  	_ =	swait.ge [sflag:s28], $0x2800  }
0x370: {  	[sflag:s28] =	ssyncset.done $0x0  }
0x371: {  	s5 =	sadd.s32 $0x4EC, s13;
	[sflag:s28] =	ssyncadd.s32 $0xFFFFD800  }
0x372: {  	[tilespmem:s31], [sflag:$0x1] =	stream.linear.gather [hbm4b:s5+s3], $0x50, $0x38;
	[tilespmem:$0x1DA80] =	vst v63  }
0x373: {  	_ =	swait.ge [sflag:s8], $0x50  }
0x374: {  	[sflag:s8] =	ssyncset.done $0x0  }
0x375: {  	[sflag:s8] =	ssyncadd.s32 $0xFFFFFFB0  }
0x376: {  	[spmem:s1] =	stream.indirect.scatter.add.f32 [tilespmem:s0], [sflag:$0x5], $0x80, s22, s29, $0xb8;
	[tilespmem:$0x1DA80] =	vst v63  }
0x377: {  	_ =	swait.ge [sflag:s28], $0x2800  }
0x378: {  	s12 =	simm.s32 $0xFFFFFB50;
	s7 =	sadd.s32 $0xFFFFFB3C, s20;
	[sflag:s28] =	ssyncset.done $0x0  }
.LBB2_31:
0x379: {  	s5 =	sadd.s32 $0x4E2, s7  }
0x37a: {  	[sflag:s28] =	ssyncadd.s32 $0xFFFFD800;
	s6 =	smov.u32 s12;
	s13 =	sadd.s32 $0x14, s12  }
0x37b: {  	[tilespmem:s22], [sflag:$0x2] =	stream.linear.gather [hbm4b:s5+s3], $0x50, $0x38;
	[tilespmem:$0x1DA80] =	vst v63  }
0x37c: {  	p1 =	sne.s32 s12, $0xFFFFFFEC;
	_ =	swait.ge [sflag:s2], $0x50  }
0x37d: {  	[sflag:s2] =	ssyncset.done $0x0  }
0x37e: {  	[sflag:s2] =	ssyncadd.s32 $0xFFFFFFB0  }
0x37f: {  	[spmem:s1] =	stream.indirect.scatter.add.f32 [tilespmem:s0], [sflag:$0x5], $0x80, s31, s29, $0xb8;
	[tilespmem:$0x1DA80] =	vst v63  }
0x380: {  	_ =	swait.ge [sflag:s28], $0x2800  }
0x381: {  	[sflag:s28] =	ssyncset.done $0x0  }
0x382: {  	s5 =	sadd.s32 $0x4EC, s7;
	[sflag:s28] =	ssyncadd.s32 $0xFFFFD800  }
0x383: {  	[tilespmem:s31], [sflag:$0x1] =	stream.linear.gather [hbm4b:s5+s3], $0x50, $0x38;
	[tilespmem:$0x1DA80] =	vst v63  }
0x384: {  	_ =	swait.ge [sflag:s8], $0x50  }
.Ltmp19:
0x385: {  	[sflag:s8] =	ssyncset.done $0x0;
	(pc) =	sbr.rel @p1 .LBB2_31-.Ltmp19, $4  }
0x386: {  	[sflag:s8] =	ssyncadd.s32 $0xFFFFFFB0  }
0x387: {  	[spmem:s1] =	stream.indirect.scatter.add.f32 [tilespmem:s0], [sflag:$0x5], $0x80, s22, s29, $0xb8;
	[tilespmem:$0x1DA80] =	vst v63  }
0x388: {  	_ =	swait.ge [sflag:s28], $0x2800  }
0x389: {  	s7 =	sadd.s32 s6, s20;
	s12 =	smov.u32 s13;
	[sflag:s28] =	ssyncset.done $0x0  }
0x38a: {  	s5 =	sadd.s32 $0x4E2, s7;
	[sflag:s28] =	ssyncadd.s32 $0xFFFFD800  }
0x38b: {  	[tilespmem:s22], [sflag:$0x2] =	stream.linear.gather [hbm4b:s5+s3], $0x50, $0x38;
	[tilespmem:$0x1DA80] =	vst v63  }
0x38c: {  	_ =	swait.ge [sflag:s2], $0x50  }
0x38d: {  	[sflag:s2] =	ssyncset.done $0x0  }
0x38e: {  	[sflag:s2] =	ssyncadd.s32 $0xFFFFFFB0  }
0x38f: {  	[spmem:s1] =	stream.indirect.scatter.add.f32 [tilespmem:s0], [sflag:$0x5], $0x80, s31, s29, $0xb8;
	[tilespmem:$0x1DA80] =	vst v63  }
0x390: {  	_ =	swait.ge [sflag:s28], $0x2800  }
0x391: {  	[sflag:s28] =	ssyncset.done $0x0  }
0x392: {  	s13 =	sadd.s32 $0x4EC, s7;
	[sflag:s28] =	ssyncadd.s32 $0xFFFFD800  }
0x393: {  	[tilespmem:s31], [sflag:$0x1] =	stream.linear.gather [hbm4b:s13+s3], $0x50, $0x38;
	[tilespmem:$0x1DA80] =	vst v63  }
0x394: {  	_ =	swait.ge [sflag:s8], $0x50  }
0x395: {  	[sflag:s8] =	ssyncset.done $0x0  }
.Ltmp20:
0x396: {  	[sflag:s8] =	ssyncadd.s32 $0xFFFFFFB0;
	(pc) =	sbr.rel .LBB2_33-.Ltmp20, $4  }
0x397: {  	[spmem:s1] =	stream.indirect.scatter.add.f32 [tilespmem:s0], [sflag:$0x5], $0x80, s22, s29, $0xb8;
	[tilespmem:$0x1DA80] =	vst v63  }
0x398: {  	_ =	swait.ge [sflag:s28], $0x2800  }
0x399: {  	[sflag:s28] =	ssyncset.done $0x0;
	s13 =	rddreg [dreg:$0x11]  }
0x39a: {  	s6 =	sld [smem:$0x7F5];
	[sflag:s28] =	ssyncadd.s32 $0xFFFFD800  }
.LBB2_34:
0x39b: {  	_ =	sfence.sel $0x180000  }
0x39c: {  	[bflag:$0x0] =	sbarrier.arrive $0xFFFF  }
0x39d: {  	_ =	strace $0x90000047  }
0x39e: {  	s0 =	stileid.u32;
	[bflag:$0x2] =	sbarrier.arrive $0xFFFF  }
0x39f: {  	p0 =	sne.s32 s0, $0x0;
	s0 =	rddreg [dreg:$0x3]  }
0x3a0: {  	s0 =	sadd.s32 @!p0 $0x100000, s0  }
0x3a1: {  	[sflag:s0] =	ssyncadd.tile.s32 @!p0 $0x1;
	_ =	shalt  }
.Lfunc_end2:
_tile_overlayer_lowered:
.L_overlay_start_2:
0x3a2: {  	(tag) =	ssettag $0x2  }
0x3a3: {  	s0 =	rddreg [dreg:$0x0];
	s2 =	stileid.u32  }
0x3a4: {  	s1 =	rddreg [dreg:$0x1];
	p0 =	sne.s32 s2, $0x0  }
0x3a5: {  	s3 =	rddreg [dreg:$0x2];
	[bflag:$0x3] =	sbarrier.arrive $0xFFFF;
	s2 =	simm.s32 @!p0 $0x1C05  }
0x3a6: {  	[timem:s3], [sflag:s2] =	dma.local @!p0 [hbm:s0], s1  }
0x3a7: {  	s0 =	simm.s32 @!p0 $0x5  }
0x3a8: {  	_ =	swait.ge @!p0 [sflag:s0], s1  }
0x3a9: {  	s1 =	ssub.s32 @!p0 $0x0, s1;
	[sflag:s0] =	ssyncset.done @!p0 $0x0  }
0x3aa: {  	[sflag:s0] =	ssyncadd.s32 @!p0 s1  }
0x3ab: {  	[bflag:$0x3] =	sbarrier.arrive $0xFFFF  }
0x3ac: {  	_ =	shalt  }

</sc_bundles>
